<compile_context>
chip_gen: v7x
topology: tpu7x:2x2x1
jax: 0.10.2.dev20260603
libtpu: 0.0.44.dev20260713+nightly
codegen_flags: <defaults>
</compile_context>

<pallas_src>
import functools

import jax
import jax.numpy as jnp
from jax import lax
from jax.experimental import pallas as pl
from jax.experimental.pallas import tpu as pltpu
from jax.experimental.pallas import tpu_sc as plsc

N = 10000
E = 320000
D = 128
A = 16
LDA = 0.05

NC = 2
NS = 16
NW = NC * NS
CK = 112
NCHUNK = -(-E // (NW * CK))
EPW = NCHUNK * CK
EPAD = NW * EPW
NCC = -(-(N + 1) // CK)
NPAD = NCC * CK
MAXC = -(-NCC // NS)

assert NCHUNK % 2 == 0 and NCHUNK >= 6 and (NCHUNK - 3) % 3 == 0

_sc_mesh = plsc.VectorSubcoreMesh(
    core_axis_name="c", subcore_axis_name="s", num_cores=NC, num_subcores=NS
)


def _make_deg_kernel(dw):
    @functools.partial(
        pl.kernel,
        out_type=jax.ShapeDtypeStruct((NC, NPAD, dw), jnp.float32),
        mesh=_sc_mesh,
        scratch_types=[
            pltpu.VMEM_SHARED((NPAD, dw), jnp.float32),
            pltpu.VMEM((2, 2, CK), jnp.int32),
            pltpu.VMEM((CK, dw), jnp.float32),
            pltpu.VMEM((CK, dw), jnp.float32),
            pltpu.SemaphoreType.DMA,
            pltpu.SemaphoreType.DMA,
        ],
    )
    def deg_kernel(idx3, cst, out, deg_sh, crb, ones, zb, si0, si1):
        cid = lax.axis_index("c")
        sid = lax.axis_index("s")
        w = cid * NS + sid

        pltpu.sync_copy(cst.at[0], zb)
        pltpu.sync_copy(cst.at[1], ones)
        for i in range(MAXC):
            ci = sid + NS * i

            @pl.when(ci < NCC)
            def _():
                off = pl.multiple_of(ci * CK, 8)
                pltpu.sync_copy(zb, deg_sh.at[pl.ds(off, CK)])

        plsc.subcore_barrier()

        pltpu.sync_copy(idx3.at[w, 0], crb.at[0])
        pltpu.async_copy(idx3.at[w, 1], crb.at[1], si1)

        def body(g, carry):
            j0 = 2 * g
            pltpu.sync_copy(ones, deg_sh.at[crb.at[0, 1]], add=True)
            jn0 = jnp.minimum(j0 + 2, NCHUNK - 1)
            pltpu.async_copy(idx3.at[w, jn0], crb.at[0], si0)
            pltpu.make_async_copy(idx3.at[w, j0 + 1], crb.at[1], si1).wait()
            pltpu.sync_copy(ones, deg_sh.at[crb.at[1, 1]], add=True)
            jn1 = jnp.minimum(j0 + 3, NCHUNK - 1)
            pltpu.async_copy(idx3.at[w, jn1], crb.at[1], si1)
            pltpu.make_async_copy(idx3.at[w, jn0], crb.at[0], si0).wait()
            return carry

        lax.fori_loop(0, NCHUNK // 2, body, 0)
        pltpu.make_async_copy(idx3.at[w, NCHUNK - 1], crb.at[1], si1).wait()

        plsc.subcore_barrier()
        for i in range(MAXC):
            ci = sid + NS * i

            @pl.when(ci < NCC)
            def _():
                off = pl.multiple_of(ci * CK, 8)
                pltpu.sync_copy(
                    deg_sh.at[pl.ds(off, CK)], out.at[cid, pl.ds(off, CK)]
                )

    return deg_kernel


_deg_kernel = _make_deg_kernel(D)


@functools.partial(
    pl.kernel,
    out_type=jax.ShapeDtypeStruct((NC, NPAD, D), jnp.float32),
    mesh=_sc_mesh,
    scratch_types=[
        pltpu.VMEM_SHARED((NPAD, D), jnp.float32),
        pltpu.VMEM((3, 2, CK), jnp.int32),
        pltpu.VMEM((CK, D), jnp.float32),
        pltpu.VMEM((CK, D), jnp.float32),
        pltpu.VMEM((CK, D), jnp.float32),
        pltpu.SemaphoreType.DMA,
        pltpu.SemaphoreType.DMA,
        pltpu.SemaphoreType.DMA,
        pltpu.SemaphoreType.DMA,
        pltpu.SemaphoreType.DMA,
        pltpu.SemaphoreType.DMA,
        pltpu.SemaphoreType.DMA,
        pltpu.SemaphoreType.DMA,
        pltpu.SemaphoreType.DMA,
    ],
)
def _spmm_kernel(zs, idx3, out, agg_sh, crb, b0, b1, b2,
                 i0, i1, i2, g0, g1, g2, s0, s1, s2):
    cid = lax.axis_index("c")
    sid = lax.axis_index("s")
    w = cid * NS + sid
    bufs = (b0, b1, b2)
    isem = (i0, i1, i2)
    gsem = (g0, g1, g2)
    ssem = (s0, s1, s2)

    def fill(i, carry):
        for k in range(D // 16):
            b0[i, pl.ds(k * 16, 16)] = jnp.zeros((16,), jnp.float32)
        return carry

    lax.fori_loop(0, CK, fill, 0)
    for i in range(MAXC):
        ci = sid + NS * i

        @pl.when(ci < NCC)
        def _():
            off = pl.multiple_of(ci * CK, 8)
            pltpu.sync_copy(b0, agg_sh.at[pl.ds(off, CK)])

    plsc.subcore_barrier()

    def idx_load(j, p, sem):
        pltpu.async_copy(idx3.at[w, j], crb.at[p], sem)

    def idx_wait(j, p, sem):
        pltpu.make_async_copy(idx3.at[w, j], crb.at[p], sem).wait()

    def gather(p):
        pltpu.async_copy(zs.at[crb.at[p, 0]], bufs[p], gsem[p])

    def gather_wait(p):
        pltpu.make_async_copy(zs.at[crb.at[p, 0]], bufs[p], gsem[p]).wait()

    def scatter(p):
        pltpu.async_copy(bufs[p], agg_sh.at[crb.at[p, 1]], ssem[p], add=True)

    def scatter_wait(p):
        pltpu.make_async_copy(bufs[p], agg_sh.at[crb.at[p, 1]], ssem[p]).wait()

    pltpu.sync_copy(idx3.at[w, 0], crb.at[0])
    gather(0)
    idx_load(1, 1, isem[1])
    idx_wait(1, 1, isem[1])
    gather(1)
    idx_load(2, 2, isem[2])
    gather_wait(0)
    scatter(0)
    idx_wait(2, 2, isem[2])
    gather(2)
    scatter_wait(0)
    idx_load(3, 0, isem[0])
    gather_wait(1)
    scatter(1)

    def body(g, carry):
        jb = 3 * g + 3
        for c in range(3):
            j = jb + c
            p = c
            pm = (c + 2) % 3
            pn = (c + 1) % 3
            idx_wait(j, p, isem[p])
            gather(p)

            @pl.when(j + 1 < NCHUNK)
            def _():
                scatter_wait(pn)
                idx_load(j + 1, pn, isem[pn])

            gather_wait(pm)
            scatter(pm)
        return carry

    lax.fori_loop(0, (NCHUNK - 3) // 3, body, 0)

    lastp = (NCHUNK - 1) % 3
    gather_wait(lastp)
    scatter(lastp)
    scatter_wait((NCHUNK - 3) % 3)
    scatter_wait((NCHUNK - 2) % 3)
    scatter_wait(lastp)

    plsc.subcore_barrier()
    for i in range(MAXC):
        ci = sid + NS * i

        @pl.when(ci < NCC)
        def _():
            off = pl.multiple_of(ci * CK, 8)
            pltpu.sync_copy(agg_sh.at[pl.ds(off, CK)], out.at[cid, pl.ds(off, CK)])


BN = 1680
GRID = NPAD // BN
F32 = jnp.float32


def _prep_body(dp, x, at, w0a, w0b, z, zsc, dinv, selfw):
    deg = dp[0, :, 0:1] + dp[1, :, 0:1]
    rs = deg * (1.0 + LDA)
    pos = rs > 0.0
    dis = jnp.where(pos, lax.rsqrt(rs), 0.0)
    sw = jnp.where(pos, (deg * LDA) / rs, 0.0)
    zv = jnp.dot(x[...], w0a[...], preferred_element_type=F32)
    zv = zv + jnp.dot(at[...], w0b[...], preferred_element_type=F32)
    z[...] = zv
    zsc[...] = zv * dis
    dinv[...] = dis
    selfw[...] = sw


_prep = pl.pallas_call(
    _prep_body,
    grid=(GRID,),
    in_specs=[
        pl.BlockSpec((2, BN, D), lambda i: (0, i, 0)),
        pl.BlockSpec((BN, D), lambda i: (i, 0)),
        pl.BlockSpec((BN, A), lambda i: (i, 0)),
        pl.BlockSpec((D, D), lambda i: (0, 0)),
        pl.BlockSpec((A, D), lambda i: (0, 0)),
    ],
    out_specs=[
        pl.BlockSpec((BN, D), lambda i: (i, 0)),
        pl.BlockSpec((BN, D), lambda i: (i, 0)),
        pl.BlockSpec((BN, 1), lambda i: (i, 0)),
        pl.BlockSpec((BN, 1), lambda i: (i, 0)),
    ],
    out_shape=[
        jax.ShapeDtypeStruct((NPAD, D), F32),
        jax.ShapeDtypeStruct((NPAD, D), F32),
        jax.ShapeDtypeStruct((NPAD, 1), F32),
        jax.ShapeDtypeStruct((NPAD, 1), F32),
    ],
)


def _mid_body(p, z1, dinv, selfw, at, w1a, w1b, z2, zs2):
    h = jnp.tanh(dinv[...] * (p[0] + p[1]) + selfw[...] * z1[...])
    zv = jnp.dot(h, w1a[...], preferred_element_type=F32)
    zv = zv + jnp.dot(at[...], w1b[...], preferred_element_type=F32)
    z2[...] = zv
    zs2[...] = zv * dinv[...]


_mid = pl.pallas_call(
    _mid_body,
    grid=(GRID,),
    in_specs=[
        pl.BlockSpec((2, BN, D), lambda i: (0, i, 0)),
        pl.BlockSpec((BN, D), lambda i: (i, 0)),
        pl.BlockSpec((BN, 1), lambda i: (i, 0)),
        pl.BlockSpec((BN, 1), lambda i: (i, 0)),
        pl.BlockSpec((BN, A), lambda i: (i, 0)),
        pl.BlockSpec((D, D), lambda i: (0, 0)),
        pl.BlockSpec((A, D), lambda i: (0, 0)),
    ],
    out_specs=[
        pl.BlockSpec((BN, D), lambda i: (i, 0)),
        pl.BlockSpec((BN, D), lambda i: (i, 0)),
    ],
    out_shape=[
        jax.ShapeDtypeStruct((NPAD, D), F32),
        jax.ShapeDtypeStruct((NPAD, D), F32),
    ],
)


def _fin_body(p, z2, dinv, selfw, out):
    h = jnp.tanh(dinv[...] * (p[0] + p[1]) + selfw[...] * z2[...])
    ss = jnp.sum(h * h, axis=1, keepdims=True)
    out[...] = h * lax.rsqrt(jnp.maximum(ss, 1e-12))


_fin = pl.pallas_call(
    _fin_body,
    grid=(GRID,),
    in_specs=[
        pl.BlockSpec((2, BN, D), lambda i: (0, i, 0)),
        pl.BlockSpec((BN, D), lambda i: (i, 0)),
        pl.BlockSpec((BN, 1), lambda i: (i, 0)),
        pl.BlockSpec((BN, 1), lambda i: (i, 0)),
    ],
    out_specs=pl.BlockSpec((BN, D), lambda i: (i, 0)),
    out_shape=jax.ShapeDtypeStruct((NPAD, D), F32),
)


def kernel(edge_index, attr_mtx, input_embed, W0, W1):
    pad = EPAD - E
    colp = jnp.concatenate([edge_index[1], jnp.full((pad,), N, jnp.int32)])
    rowp = jnp.concatenate([edge_index[0], jnp.full((pad,), N, jnp.int32)])
    idx3 = jnp.stack(
        [colp.reshape(NW, NCHUNK, CK), rowp.reshape(NW, NCHUNK, CK)], axis=2
    )
    xp = jnp.pad(input_embed, ((0, NPAD - N), (0, 0)))
    atp = jnp.pad(attr_mtx, ((0, NPAD - N), (0, 0)))
    w0a, w0b = W0[:D], W0[D:]
    w1a, w1b = W1[:D], W1[D:]

    cst = jnp.stack([jnp.zeros((CK, D), jnp.float32), jnp.ones((CK, D), jnp.float32)])
    degp = _deg_kernel(idx3, cst)
    z1, zs1, dinv, selfw = _prep(degp, xp, atp, w0a, w0b)
    p1 = _spmm_kernel(zs1, idx3)
    z2, zs2 = _mid(p1, z1, dinv, selfw, atp, w1a, w1b)
    p2 = _spmm_kernel(zs2, idx3)
    out = _fin(p2, z2, dinv, selfw)
    return out[:N]

# --- scband reference (transcript-rebuilt; emitter-appended) ---
"""Pipeline reference for scband-gcnnew-78984448573632 (READ-ONLY COPY).

The authoritative reference and input builder live on the scoring server;
editing this copy changes nothing except your own understanding.
"""

import jax, jax.numpy as jnp
import numpy as np

N = 10000
E = 320000
EMBED_DIM = 128
ATTR_DIM = 16
LDA = 0.05


def setup_inputs(seed: int = 0) -> dict:
    key = jax.random.key(seed)
    k1, k2, k3, k4, k5 = jax.random.split(key, 5)
    input_embed = jax.random.normal(k1, (N, EMBED_DIM), dtype=jnp.float32)
    attr_mtx = jax.random.uniform(k2, (N, ATTR_DIM), dtype=jnp.float32)
    edge_index = jax.random.randint(k3, (2, E), 0, N, dtype=jnp.int32)
    # GCNConv kernels: input is concat([curr, attr_mtx], axis=1) -> (EMBED_DIM+ATTR_DIM, EMBED_DIM)
    W0 = jax.random.normal(k4, (EMBED_DIM + ATTR_DIM, EMBED_DIM), dtype=jnp.float32) * 0.05
    W1 = jax.random.normal(k5, (EMBED_DIM + ATTR_DIM, EMBED_DIM), dtype=jnp.float32) * 0.05
    return {"edge_index": edge_index, "attr_mtx": attr_mtx, "input_embed": input_embed, "W0": W0, "W1": W1}


def reference(edge_index, attr_mtx, input_embed, W0, W1):
    n = input_embed.shape[0]
    row = edge_index[0]
    col = edge_index[1]
    w = jnp.ones(row.shape[0], dtype=input_embed.dtype)
    # preprocess_to_gcn_adj: self-loop weight = row_sum * lda, then symmetric normalization
    deg = jax.ops.segment_sum(w, row, num_segments=n)
    self_loop_wgt = deg * LDA
    row_sum = deg + self_loop_wgt
    d_inv_sqrt = jnp.where(row_sum > 0, 1.0 / jnp.sqrt(row_sum), 0.0)
    edge_wgt = d_inv_sqrt[row] * d_inv_sqrt[col] * w
    self_wgt = d_inv_sqrt * d_inv_sqrt * self_loop_wgt

    def gcn_conv(h, W):
        z = jnp.concatenate([h, attr_mtx], axis=1) @ W  # X W
        msg = z[col] * edge_wgt[:, None]               # gather + weight
        agg = jax.ops.segment_sum(msg, row, num_segments=n)  # scatter-add (A X W)
        agg = agg + self_wgt[:, None] * z              # self-loop contribution
        return jnp.tanh(agg)

    curr = gcn_conv(input_embed, W0)
    curr = gcn_conv(curr, W1)
    # tf.nn.l2_normalize(curr, axis=1)
    sq = jnp.sum(curr * curr, axis=1, keepdims=True)
    out = curr * jax.lax.rsqrt(jnp.maximum(sq, 1e-12))
    return out

if __name__ == "__main__":
    import jax
    _d = setup_inputs()
    print(jax.jit(kernel)(*tuple(_d.values())))

</pallas_src>

<mosaic_0001>
#map = affine_map<(d0, d1) -> (0, 0, 0, 0)>
#map1 = affine_map<(d0, d1) -> (0, 0, 0)>
module attributes {stable_mosaic.version = 14 : i64} {
  func.func @deg_kernel(%arg0: i32, %arg1: i32, %arg2: memref<32x90x2x112xi32, #tpu.memory_space<hbm>>, %arg3: memref<2x112x128xf32, #tpu.memory_space<hbm>>, %arg4: memref<2x10080x128xf32, #tpu.memory_space<hbm>>, %arg5: memref<10080x128xf32, #tpu.memory_space<vmem_shared>>, %arg6: memref<2x2x112xi32, #tpu.memory_space<vmem>>, %arg7: memref<112x128xf32, #tpu.memory_space<vmem>>, %arg8: memref<112x128xf32, #tpu.memory_space<vmem>>, %arg9: memref<!tpu.dma_semaphore, #tpu.memory_space<semaphore_mem>>, %arg10: memref<!tpu.dma_semaphore, #tpu.memory_space<semaphore_mem>>) attributes {dimension_semantics = [#tpu.dimension_semantics<core_parallel>, #tpu.dimension_semantics<subcore_parallel>], iteration_bounds = array<i64: 2, 16>, scalar_prefetch = 0 : i64, scratch_operands = 6 : i64, tpu.core_type = #tpu.core_type<sc_vector_subcore>, window_params = [{transform_indices = #map}, {transform_indices = #map1}, {transform_indices = #map1}]} {
    %mul3A = arith.constant 16 : i32
    %mul3A_0 = arith.muli %arg0, %mul3A : i32
    %add3A = arith.addi %mul3A_0, %arg1 : i32
    %run_scoped3A = arith.constant 0 : i32
    "tpu.region"() ({
      %run_scoped3A_125 = tpu.sem_alloc : memref<!tpu.dma_semaphore, #tpu.memory_space<semaphore_mem>>
      %dma_start3A_126 = arith.constant 0 : i32
      %dma_start3A_127 = arith.constant 0 : i32
      %dma_start3A_128 = tpu.memref_slice %arg3[%run_scoped3A, %dma_start3A_126, %dma_start3A_127] : memref<2x112x128xf32, #tpu.memory_space<hbm>> -> memref<1x112x128xf32, #tpu.memory_space<hbm>>
      %dma_start3A_129 = tpu.memref_squeeze %dma_start3A_128 : memref<1x112x128xf32, #tpu.memory_space<hbm>> -> memref<112x128xf32, #tpu.memory_space<hbm>>
      %dma_start3A_130 = arith.constant 0 : i32
      %dma_start3A_131 = arith.constant 0 : i32
      %dma_start3A_132 = tpu.memref_slice %arg3[%run_scoped3A, %dma_start3A_130, %dma_start3A_131] : memref<2x112x128xf32, #tpu.memory_space<hbm>> -> memref<1x112x128xf32, #tpu.memory_space<hbm>>
      %dma_start3A_133 = tpu.memref_squeeze %dma_start3A_132 : memref<1x112x128xf32, #tpu.memory_space<hbm>> -> memref<112x128xf32, #tpu.memory_space<hbm>>
      tpu.enqueue_dma source(%dma_start3A_133 : memref<112x128xf32, #tpu.memory_space<hbm>>) target(%arg8 : memref<112x128xf32, #tpu.memory_space<vmem>>) target_semaphore(%run_scoped3A_125 : memref<!tpu.dma_semaphore, #tpu.memory_space<semaphore_mem>>)
      %dma_wait3A_134 = arith.constant 0 : i32
      %dma_wait3A_135 = arith.constant 0 : i32
      %dma_wait3A_136 = tpu.memref_slice %arg3[%run_scoped3A, %dma_wait3A_134, %dma_wait3A_135] : memref<2x112x128xf32, #tpu.memory_space<hbm>> -> memref<1x112x128xf32, #tpu.memory_space<hbm>>
      %dma_wait3A_137 = tpu.memref_squeeze %dma_wait3A_136 : memref<1x112x128xf32, #tpu.memory_space<hbm>> -> memref<112x128xf32, #tpu.memory_space<hbm>>
      %dma_wait3A_138 = arith.constant 0 : i32
      %dma_wait3A_139 = arith.constant 0 : i32
      %dma_wait3A_140 = tpu.memref_slice %arg3[%run_scoped3A, %dma_wait3A_138, %dma_wait3A_139] : memref<2x112x128xf32, #tpu.memory_space<hbm>> -> memref<1x112x128xf32, #tpu.memory_space<hbm>>
      %dma_wait3A_141 = tpu.memref_squeeze %dma_wait3A_140 : memref<1x112x128xf32, #tpu.memory_space<hbm>> -> memref<112x128xf32, #tpu.memory_space<hbm>>
      tpu.wait_dma2 semaphore(%run_scoped3A_125 : memref<!tpu.dma_semaphore, #tpu.memory_space<semaphore_mem>>) src(%dma_wait3A_141 : memref<112x128xf32, #tpu.memory_space<hbm>>) dst(%arg8 : memref<112x128xf32, #tpu.memory_space<vmem>>)
      tpu.yield
    }) : () -> ()
    %run_scoped3A_1 = arith.constant 1 : i32
    "tpu.region"() ({
      %run_scoped3A_125 = tpu.sem_alloc : memref<!tpu.dma_semaphore, #tpu.memory_space<semaphore_mem>>
      %dma_start3A_126 = arith.constant 0 : i32
      %dma_start3A_127 = arith.constant 0 : i32
      %dma_start3A_128 = tpu.memref_slice %arg3[%run_scoped3A_1, %dma_start3A_126, %dma_start3A_127] : memref<2x112x128xf32, #tpu.memory_space<hbm>> -> memref<1x112x128xf32, #tpu.memory_space<hbm>>
      %dma_start3A_129 = tpu.memref_squeeze %dma_start3A_128 : memref<1x112x128xf32, #tpu.memory_space<hbm>> -> memref<112x128xf32, #tpu.memory_space<hbm>>
      %dma_start3A_130 = arith.constant 0 : i32
      %dma_start3A_131 = arith.constant 0 : i32
      %dma_start3A_132 = tpu.memref_slice %arg3[%run_scoped3A_1, %dma_start3A_130, %dma_start3A_131] : memref<2x112x128xf32, #tpu.memory_space<hbm>> -> memref<1x112x128xf32, #tpu.memory_space<hbm>>
      %dma_start3A_133 = tpu.memref_squeeze %dma_start3A_132 : memref<1x112x128xf32, #tpu.memory_space<hbm>> -> memref<112x128xf32, #tpu.memory_space<hbm>>
      tpu.enqueue_dma source(%dma_start3A_133 : memref<112x128xf32, #tpu.memory_space<hbm>>) target(%arg7 : memref<112x128xf32, #tpu.memory_space<vmem>>) target_semaphore(%run_scoped3A_125 : memref<!tpu.dma_semaphore, #tpu.memory_space<semaphore_mem>>)
      %dma_wait3A_134 = arith.constant 0 : i32
      %dma_wait3A_135 = arith.constant 0 : i32
      %dma_wait3A_136 = tpu.memref_slice %arg3[%run_scoped3A_1, %dma_wait3A_134, %dma_wait3A_135] : memref<2x112x128xf32, #tpu.memory_space<hbm>> -> memref<1x112x128xf32, #tpu.memory_space<hbm>>
      %dma_wait3A_137 = tpu.memref_squeeze %dma_wait3A_136 : memref<1x112x128xf32, #tpu.memory_space<hbm>> -> memref<112x128xf32, #tpu.memory_space<hbm>>
      %dma_wait3A_138 = arith.constant 0 : i32
      %dma_wait3A_139 = arith.constant 0 : i32
      %dma_wait3A_140 = tpu.memref_slice %arg3[%run_scoped3A_1, %dma_wait3A_138, %dma_wait3A_139] : memref<2x112x128xf32, #tpu.memory_space<hbm>> -> memref<1x112x128xf32, #tpu.memory_space<hbm>>
      %dma_wait3A_141 = tpu.memref_squeeze %dma_wait3A_140 : memref<1x112x128xf32, #tpu.memory_space<hbm>> -> memref<112x128xf32, #tpu.memory_space<hbm>>
      tpu.wait_dma2 semaphore(%run_scoped3A_125 : memref<!tpu.dma_semaphore, #tpu.memory_space<semaphore_mem>>) src(%dma_wait3A_141 : memref<112x128xf32, #tpu.memory_space<hbm>>) dst(%arg7 : memref<112x128xf32, #tpu.memory_space<vmem>>)
      tpu.yield
    }) : () -> ()
    %add3A_2 = arith.constant 0 : i32
    %add3A_3 = arith.addi %arg1, %add3A_2 : i32
    %lt3A = arith.constant 90 : i32
    %lt3A_4 = arith.cmpi slt, %add3A_3, %lt3A : i32
    %convert_element_type3A = arith.extui %lt3A_4 : i1 to i32
    %cond3A = arith.constant 0 : i32
    %cond3A_5 = arith.cmpi ne, %convert_element_type3A, %cond3A : i32
    scf.if %cond3A_5 {
      %mul3A_125 = arith.constant 112 : i32
      %mul3A_126 = arith.muli %add3A_3, %mul3A_125 : i32
      %multiple_of3A = tpu.assume_multiple %mul3A_126, 8 : i32
      "tpu.region"() ({
        %run_scoped3A_127 = tpu.sem_alloc : memref<!tpu.dma_semaphore, #tpu.memory_space<semaphore_mem>>
        %dma_start3A_128 = arith.constant 0 : i32
        %dma_start3A_129 = tpu.memref_slice %arg5[%multiple_of3A, %dma_start3A_128] : memref<10080x128xf32, #tpu.memory_space<vmem_shared>> -> memref<112x128xf32, #tpu.memory_space<vmem_shared>>
        %dma_start3A_130 = arith.constant 0 : i32
        %dma_start3A_131 = tpu.memref_slice %arg5[%multiple_of3A, %dma_start3A_130] : memref<10080x128xf32, #tpu.memory_space<vmem_shared>> -> memref<112x128xf32, #tpu.memory_space<vmem_shared>>
        tpu.enqueue_dma source(%arg8 : memref<112x128xf32, #tpu.memory_space<vmem>>) target(%dma_start3A_131 : memref<112x128xf32, #tpu.memory_space<vmem_shared>>) target_semaphore(%run_scoped3A_127 : memref<!tpu.dma_semaphore, #tpu.memory_space<semaphore_mem>>)
        %dma_wait3A_132 = arith.constant 0 : i32
        %dma_wait3A_133 = tpu.memref_slice %arg5[%multiple_of3A, %dma_wait3A_132] : memref<10080x128xf32, #tpu.memory_space<vmem_shared>> -> memref<112x128xf32, #tpu.memory_space<vmem_shared>>
        %dma_wait3A_134 = arith.constant 0 : i32
        %dma_wait3A_135 = tpu.memref_slice %arg5[%multiple_of3A, %dma_wait3A_134] : memref<10080x128xf32, #tpu.memory_space<vmem_shared>> -> memref<112x128xf32, #tpu.memory_space<vmem_shared>>
        tpu.wait_dma2 semaphore(%run_scoped3A_127 : memref<!tpu.dma_semaphore, #tpu.memory_space<semaphore_mem>>) src(%arg8 : memref<112x128xf32, #tpu.memory_space<vmem>>) dst(%dma_wait3A_135 : memref<112x128xf32, #tpu.memory_space<vmem_shared>>)
        tpu.yield
      }) : () -> ()
    } else {
    }
    %add3A_6 = arith.constant 16 : i32
    %add3A_7 = arith.addi %arg1, %add3A_6 : i32
    %lt3A_8 = arith.constant 90 : i32
    %lt3A_9 = arith.cmpi slt, %add3A_7, %lt3A_8 : i32
    %convert_element_type3A_10 = arith.extui %lt3A_9 : i1 to i32
    %cond3A_11 = arith.constant 0 : i32
    %cond3A_12 = arith.cmpi ne, %convert_element_type3A_10, %cond3A_11 : i32
    scf.if %cond3A_12 {
      %mul3A_125 = arith.constant 112 : i32
      %mul3A_126 = arith.muli %add3A_7, %mul3A_125 : i32
      %multiple_of3A = tpu.assume_multiple %mul3A_126, 8 : i32
      "tpu.region"() ({
        %run_scoped3A_127 = tpu.sem_alloc : memref<!tpu.dma_semaphore, #tpu.memory_space<semaphore_mem>>
        %dma_start3A_128 = arith.constant 0 : i32
        %dma_start3A_129 = tpu.memref_slice %arg5[%multiple_of3A, %dma_start3A_128] : memref<10080x128xf32, #tpu.memory_space<vmem_shared>> -> memref<112x128xf32, #tpu.memory_space<vmem_shared>>
        %dma_start3A_130 = arith.constant 0 : i32
        %dma_start3A_131 = tpu.memref_slice %arg5[%multiple_of3A, %dma_start3A_130] : memref<10080x128xf32, #tpu.memory_space<vmem_shared>> -> memref<112x128xf32, #tpu.memory_space<vmem_shared>>
        tpu.enqueue_dma source(%arg8 : memref<112x128xf32, #tpu.memory_space<vmem>>) target(%dma_start3A_131 : memref<112x128xf32, #tpu.memory_space<vmem_shared>>) target_semaphore(%run_scoped3A_127 : memref<!tpu.dma_semaphore, #tpu.memory_space<semaphore_mem>>)
        %dma_wait3A_132 = arith.constant 0 : i32
        %dma_wait3A_133 = tpu.memref_slice %arg5[%multiple_of3A, %dma_wait3A_132] : memref<10080x128xf32, #tpu.memory_space<vmem_shared>> -> memref<112x128xf32, #tpu.memory_space<vmem_shared>>
        %dma_wait3A_134 = arith.constant 0 : i32
        %dma_wait3A_135 = tpu.memref_slice %arg5[%multiple_of3A, %dma_wait3A_134] : memref<10080x128xf32, #tpu.memory_space<vmem_shared>> -> memref<112x128xf32, #tpu.memory_space<vmem_shared>>
        tpu.wait_dma2 semaphore(%run_scoped3A_127 : memref<!tpu.dma_semaphore, #tpu.memory_space<semaphore_mem>>) src(%arg8 : memref<112x128xf32, #tpu.memory_space<vmem>>) dst(%dma_wait3A_135 : memref<112x128xf32, #tpu.memory_space<vmem_shared>>)
        tpu.yield
      }) : () -> ()
    } else {
    }
    %add3A_13 = arith.constant 32 : i32
    %add3A_14 = arith.addi %arg1, %add3A_13 : i32
    %lt3A_15 = arith.constant 90 : i32
    %lt3A_16 = arith.cmpi slt, %add3A_14, %lt3A_15 : i32
    %convert_element_type3A_17 = arith.extui %lt3A_16 : i1 to i32
    %cond3A_18 = arith.constant 0 : i32
    %cond3A_19 = arith.cmpi ne, %convert_element_type3A_17, %cond3A_18 : i32
    scf.if %cond3A_19 {
      %mul3A_125 = arith.constant 112 : i32
      %mul3A_126 = arith.muli %add3A_14, %mul3A_125 : i32
      %multiple_of3A = tpu.assume_multiple %mul3A_126, 8 : i32
      "tpu.region"() ({
        %run_scoped3A_127 = tpu.sem_alloc : memref<!tpu.dma_semaphore, #tpu.memory_space<semaphore_mem>>
        %dma_start3A_128 = arith.constant 0 : i32
        %dma_start3A_129 = tpu.memref_slice %arg5[%multiple_of3A, %dma_start3A_128] : memref<10080x128xf32, #tpu.memory_space<vmem_shared>> -> memref<112x128xf32, #tpu.memory_space<vmem_shared>>
        %dma_start3A_130 = arith.constant 0 : i32
        %dma_start3A_131 = tpu.memref_slice %arg5[%multiple_of3A, %dma_start3A_130] : memref<10080x128xf32, #tpu.memory_space<vmem_shared>> -> memref<112x128xf32, #tpu.memory_space<vmem_shared>>
        tpu.enqueue_dma source(%arg8 : memref<112x128xf32, #tpu.memory_space<vmem>>) target(%dma_start3A_131 : memref<112x128xf32, #tpu.memory_space<vmem_shared>>) target_semaphore(%run_scoped3A_127 : memref<!tpu.dma_semaphore, #tpu.memory_space<semaphore_mem>>)
        %dma_wait3A_132 = arith.constant 0 : i32
        %dma_wait3A_133 = tpu.memref_slice %arg5[%multiple_of3A, %dma_wait3A_132] : memref<10080x128xf32, #tpu.memory_space<vmem_shared>> -> memref<112x128xf32, #tpu.memory_space<vmem_shared>>
        %dma_wait3A_134 = arith.constant 0 : i32
        %dma_wait3A_135 = tpu.memref_slice %arg5[%multiple_of3A, %dma_wait3A_134] : memref<10080x128xf32, #tpu.memory_space<vmem_shared>> -> memref<112x128xf32, #tpu.memory_space<vmem_shared>>
        tpu.wait_dma2 semaphore(%run_scoped3A_127 : memref<!tpu.dma_semaphore, #tpu.memory_space<semaphore_mem>>) src(%arg8 : memref<112x128xf32, #tpu.memory_space<vmem>>) dst(%dma_wait3A_135 : memref<112x128xf32, #tpu.memory_space<vmem_shared>>)
        tpu.yield
      }) : () -> ()
    } else {
    }
    %add3A_20 = arith.constant 48 : i32
    %add3A_21 = arith.addi %arg1, %add3A_20 : i32
    %lt3A_22 = arith.constant 90 : i32
    %lt3A_23 = arith.cmpi slt, %add3A_21, %lt3A_22 : i32
    %convert_element_type3A_24 = arith.extui %lt3A_23 : i1 to i32
    %cond3A_25 = arith.constant 0 : i32
    %cond3A_26 = arith.cmpi ne, %convert_element_type3A_24, %cond3A_25 : i32
    scf.if %cond3A_26 {
      %mul3A_125 = arith.constant 112 : i32
      %mul3A_126 = arith.muli %add3A_21, %mul3A_125 : i32
      %multiple_of3A = tpu.assume_multiple %mul3A_126, 8 : i32
      "tpu.region"() ({
        %run_scoped3A_127 = tpu.sem_alloc : memref<!tpu.dma_semaphore, #tpu.memory_space<semaphore_mem>>
        %dma_start3A_128 = arith.constant 0 : i32
        %dma_start3A_129 = tpu.memref_slice %arg5[%multiple_of3A, %dma_start3A_128] : memref<10080x128xf32, #tpu.memory_space<vmem_shared>> -> memref<112x128xf32, #tpu.memory_space<vmem_shared>>
        %dma_start3A_130 = arith.constant 0 : i32
        %dma_start3A_131 = tpu.memref_slice %arg5[%multiple_of3A, %dma_start3A_130] : memref<10080x128xf32, #tpu.memory_space<vmem_shared>> -> memref<112x128xf32, #tpu.memory_space<vmem_shared>>
        tpu.enqueue_dma source(%arg8 : memref<112x128xf32, #tpu.memory_space<vmem>>) target(%dma_start3A_131 : memref<112x128xf32, #tpu.memory_space<vmem_shared>>) target_semaphore(%run_scoped3A_127 : memref<!tpu.dma_semaphore, #tpu.memory_space<semaphore_mem>>)
        %dma_wait3A_132 = arith.constant 0 : i32
        %dma_wait3A_133 = tpu.memref_slice %arg5[%multiple_of3A, %dma_wait3A_132] : memref<10080x128xf32, #tpu.memory_space<vmem_shared>> -> memref<112x128xf32, #tpu.memory_space<vmem_shared>>
        %dma_wait3A_134 = arith.constant 0 : i32
        %dma_wait3A_135 = tpu.memref_slice %arg5[%multiple_of3A, %dma_wait3A_134] : memref<10080x128xf32, #tpu.memory_space<vmem_shared>> -> memref<112x128xf32, #tpu.memory_space<vmem_shared>>
        tpu.wait_dma2 semaphore(%run_scoped3A_127 : memref<!tpu.dma_semaphore, #tpu.memory_space<semaphore_mem>>) src(%arg8 : memref<112x128xf32, #tpu.memory_space<vmem>>) dst(%dma_wait3A_135 : memref<112x128xf32, #tpu.memory_space<vmem_shared>>)
        tpu.yield
      }) : () -> ()
    } else {
    }
    %add3A_27 = arith.constant 64 : i32
    %add3A_28 = arith.addi %arg1, %add3A_27 : i32
    %lt3A_29 = arith.constant 90 : i32
    %lt3A_30 = arith.cmpi slt, %add3A_28, %lt3A_29 : i32
    %convert_element_type3A_31 = arith.extui %lt3A_30 : i1 to i32
    %cond3A_32 = arith.constant 0 : i32
    %cond3A_33 = arith.cmpi ne, %convert_element_type3A_31, %cond3A_32 : i32
    scf.if %cond3A_33 {
      %mul3A_125 = arith.constant 112 : i32
      %mul3A_126 = arith.muli %add3A_28, %mul3A_125 : i32
      %multiple_of3A = tpu.assume_multiple %mul3A_126, 8 : i32
      "tpu.region"() ({
        %run_scoped3A_127 = tpu.sem_alloc : memref<!tpu.dma_semaphore, #tpu.memory_space<semaphore_mem>>
        %dma_start3A_128 = arith.constant 0 : i32
        %dma_start3A_129 = tpu.memref_slice %arg5[%multiple_of3A, %dma_start3A_128] : memref<10080x128xf32, #tpu.memory_space<vmem_shared>> -> memref<112x128xf32, #tpu.memory_space<vmem_shared>>
        %dma_start3A_130 = arith.constant 0 : i32
        %dma_start3A_131 = tpu.memref_slice %arg5[%multiple_of3A, %dma_start3A_130] : memref<10080x128xf32, #tpu.memory_space<vmem_shared>> -> memref<112x128xf32, #tpu.memory_space<vmem_shared>>
        tpu.enqueue_dma source(%arg8 : memref<112x128xf32, #tpu.memory_space<vmem>>) target(%dma_start3A_131 : memref<112x128xf32, #tpu.memory_space<vmem_shared>>) target_semaphore(%run_scoped3A_127 : memref<!tpu.dma_semaphore, #tpu.memory_space<semaphore_mem>>)
        %dma_wait3A_132 = arith.constant 0 : i32
        %dma_wait3A_133 = tpu.memref_slice %arg5[%multiple_of3A, %dma_wait3A_132] : memref<10080x128xf32, #tpu.memory_space<vmem_shared>> -> memref<112x128xf32, #tpu.memory_space<vmem_shared>>
        %dma_wait3A_134 = arith.constant 0 : i32
        %dma_wait3A_135 = tpu.memref_slice %arg5[%multiple_of3A, %dma_wait3A_134] : memref<10080x128xf32, #tpu.memory_space<vmem_shared>> -> memref<112x128xf32, #tpu.memory_space<vmem_shared>>
        tpu.wait_dma2 semaphore(%run_scoped3A_127 : memref<!tpu.dma_semaphore, #tpu.memory_space<semaphore_mem>>) src(%arg8 : memref<112x128xf32, #tpu.memory_space<vmem>>) dst(%dma_wait3A_135 : memref<112x128xf32, #tpu.memory_space<vmem_shared>>)
        tpu.yield
      }) : () -> ()
    } else {
    }
    %add3A_34 = arith.constant 80 : i32
    %add3A_35 = arith.addi %arg1, %add3A_34 : i32
    %lt3A_36 = arith.constant 90 : i32
    %lt3A_37 = arith.cmpi slt, %add3A_35, %lt3A_36 : i32
    %convert_element_type3A_38 = arith.extui %lt3A_37 : i1 to i32
    %cond3A_39 = arith.constant 0 : i32
    %cond3A_40 = arith.cmpi ne, %convert_element_type3A_38, %cond3A_39 : i32
    scf.if %cond3A_40 {
      %mul3A_125 = arith.constant 112 : i32
      %mul3A_126 = arith.muli %add3A_35, %mul3A_125 : i32
      %multiple_of3A = tpu.assume_multiple %mul3A_126, 8 : i32
      "tpu.region"() ({
        %run_scoped3A_127 = tpu.sem_alloc : memref<!tpu.dma_semaphore, #tpu.memory_space<semaphore_mem>>
        %dma_start3A_128 = arith.constant 0 : i32
        %dma_start3A_129 = tpu.memref_slice %arg5[%multiple_of3A, %dma_start3A_128] : memref<10080x128xf32, #tpu.memory_space<vmem_shared>> -> memref<112x128xf32, #tpu.memory_space<vmem_shared>>
        %dma_start3A_130 = arith.constant 0 : i32
        %dma_start3A_131 = tpu.memref_slice %arg5[%multiple_of3A, %dma_start3A_130] : memref<10080x128xf32, #tpu.memory_space<vmem_shared>> -> memref<112x128xf32, #tpu.memory_space<vmem_shared>>
        tpu.enqueue_dma source(%arg8 : memref<112x128xf32, #tpu.memory_space<vmem>>) target(%dma_start3A_131 : memref<112x128xf32, #tpu.memory_space<vmem_shared>>) target_semaphore(%run_scoped3A_127 : memref<!tpu.dma_semaphore, #tpu.memory_space<semaphore_mem>>)
        %dma_wait3A_132 = arith.constant 0 : i32
        %dma_wait3A_133 = tpu.memref_slice %arg5[%multiple_of3A, %dma_wait3A_132] : memref<10080x128xf32, #tpu.memory_space<vmem_shared>> -> memref<112x128xf32, #tpu.memory_space<vmem_shared>>
        %dma_wait3A_134 = arith.constant 0 : i32
        %dma_wait3A_135 = tpu.memref_slice %arg5[%multiple_of3A, %dma_wait3A_134] : memref<10080x128xf32, #tpu.memory_space<vmem_shared>> -> memref<112x128xf32, #tpu.memory_space<vmem_shared>>
        tpu.wait_dma2 semaphore(%run_scoped3A_127 : memref<!tpu.dma_semaphore, #tpu.memory_space<semaphore_mem>>) src(%arg8 : memref<112x128xf32, #tpu.memory_space<vmem>>) dst(%dma_wait3A_135 : memref<112x128xf32, #tpu.memory_space<vmem_shared>>)
        tpu.yield
      }) : () -> ()
    } else {
    }
    %barrier3A = arith.constant 0 : index
    tpu.barrier barrier_id(%barrier3A)
    %run_scoped3A_41 = arith.constant 0 : i32
    %run_scoped3A_42 = arith.constant 0 : i32
    "tpu.region"() ({
      %run_scoped3A_125 = tpu.sem_alloc : memref<!tpu.dma_semaphore, #tpu.memory_space<semaphore_mem>>
      %dma_start3A_126 = arith.constant 0 : i32
      %dma_start3A_127 = arith.constant 0 : i32
      %dma_start3A_128 = tpu.memref_slice %arg6[%run_scoped3A_42, %dma_start3A_126, %dma_start3A_127] : memref<2x2x112xi32, #tpu.memory_space<vmem>> -> memref<1x2x112xi32, #tpu.memory_space<vmem>>
      %dma_start3A_129 = tpu.memref_squeeze %dma_start3A_128 : memref<1x2x112xi32, #tpu.memory_space<vmem>> -> memref<2x112xi32, #tpu.memory_space<vmem>>
      %dma_start3A_130 = arith.constant 0 : i32
      %dma_start3A_131 = arith.constant 0 : i32
      %dma_start3A_132 = tpu.memref_slice %arg2[%add3A, %run_scoped3A_41, %dma_start3A_130, %dma_start3A_131] : memref<32x90x2x112xi32, #tpu.memory_space<hbm>> -> memref<1x1x2x112xi32, #tpu.memory_space<hbm>>
      %dma_start3A_133 = tpu.memref_squeeze %dma_start3A_132 : memref<1x1x2x112xi32, #tpu.memory_space<hbm>> -> memref<2x112xi32, #tpu.memory_space<hbm>>
      %dma_start3A_134 = arith.constant 0 : i32
      %dma_start3A_135 = arith.constant 0 : i32
      %dma_start3A_136 = tpu.memref_slice %arg6[%run_scoped3A_42, %dma_start3A_134, %dma_start3A_135] : memref<2x2x112xi32, #tpu.memory_space<vmem>> -> memref<1x2x112xi32, #tpu.memory_space<vmem>>
      %dma_start3A_137 = tpu.memref_squeeze %dma_start3A_136 : memref<1x2x112xi32, #tpu.memory_space<vmem>> -> memref<2x112xi32, #tpu.memory_space<vmem>>
      %dma_start3A_138 = arith.constant 0 : i32
      %dma_start3A_139 = arith.constant 0 : i32
      %dma_start3A_140 = tpu.memref_slice %arg2[%add3A, %run_scoped3A_41, %dma_start3A_138, %dma_start3A_139] : memref<32x90x2x112xi32, #tpu.memory_space<hbm>> -> memref<1x1x2x112xi32, #tpu.memory_space<hbm>>
      %dma_start3A_141 = tpu.memref_squeeze %dma_start3A_140 : memref<1x1x2x112xi32, #tpu.memory_space<hbm>> -> memref<2x112xi32, #tpu.memory_space<hbm>>
      tpu.enqueue_dma source(%dma_start3A_141 : memref<2x112xi32, #tpu.memory_space<hbm>>) target(%dma_start3A_137 : memref<2x112xi32, #tpu.memory_space<vmem>>) target_semaphore(%run_scoped3A_125 : memref<!tpu.dma_semaphore, #tpu.memory_space<semaphore_mem>>)
      %dma_wait3A_142 = arith.constant 0 : i32
      %dma_wait3A_143 = arith.constant 0 : i32
      %dma_wait3A_144 = tpu.memref_slice %arg6[%run_scoped3A_42, %dma_wait3A_142, %dma_wait3A_143] : memref<2x2x112xi32, #tpu.memory_space<vmem>> -> memref<1x2x112xi32, #tpu.memory_space<vmem>>
      %dma_wait3A_145 = tpu.memref_squeeze %dma_wait3A_144 : memref<1x2x112xi32, #tpu.memory_space<vmem>> -> memref<2x112xi32, #tpu.memory_space<vmem>>
      %dma_wait3A_146 = arith.constant 0 : i32
      %dma_wait3A_147 = arith.constant 0 : i32
      %dma_wait3A_148 = tpu.memref_slice %arg2[%add3A, %run_scoped3A_41, %dma_wait3A_146, %dma_wait3A_147] : memref<32x90x2x112xi32, #tpu.memory_space<hbm>> -> memref<1x1x2x112xi32, #tpu.memory_space<hbm>>
      %dma_wait3A_149 = tpu.memref_squeeze %dma_wait3A_148 : memref<1x1x2x112xi32, #tpu.memory_space<hbm>> -> memref<2x112xi32, #tpu.memory_space<hbm>>
      %dma_wait3A_150 = arith.constant 0 : i32
      %dma_wait3A_151 = arith.constant 0 : i32
      %dma_wait3A_152 = tpu.memref_slice %arg6[%run_scoped3A_42, %dma_wait3A_150, %dma_wait3A_151] : memref<2x2x112xi32, #tpu.memory_space<vmem>> -> memref<1x2x112xi32, #tpu.memory_space<vmem>>
      %dma_wait3A_153 = tpu.memref_squeeze %dma_wait3A_152 : memref<1x2x112xi32, #tpu.memory_space<vmem>> -> memref<2x112xi32, #tpu.memory_space<vmem>>
      %dma_wait3A_154 = arith.constant 0 : i32
      %dma_wait3A_155 = arith.constant 0 : i32
      %dma_wait3A_156 = tpu.memref_slice %arg2[%add3A, %run_scoped3A_41, %dma_wait3A_154, %dma_wait3A_155] : memref<32x90x2x112xi32, #tpu.memory_space<hbm>> -> memref<1x1x2x112xi32, #tpu.memory_space<hbm>>
      %dma_wait3A_157 = tpu.memref_squeeze %dma_wait3A_156 : memref<1x1x2x112xi32, #tpu.memory_space<hbm>> -> memref<2x112xi32, #tpu.memory_space<hbm>>
      tpu.wait_dma2 semaphore(%run_scoped3A_125 : memref<!tpu.dma_semaphore, #tpu.memory_space<semaphore_mem>>) src(%dma_wait3A_157 : memref<2x112xi32, #tpu.memory_space<hbm>>) dst(%dma_wait3A_153 : memref<2x112xi32, #tpu.memory_space<vmem>>)
      tpu.yield
    }) : () -> ()
    %dma_start3A = arith.constant 1 : i32
    %dma_start3A_43 = arith.constant 1 : i32
    %dma_start3A_44 = arith.constant 0 : i32
    %dma_start3A_45 = arith.constant 0 : i32
    %dma_start3A_46 = tpu.memref_slice %arg6[%dma_start3A_43, %dma_start3A_44, %dma_start3A_45] : memref<2x2x112xi32, #tpu.memory_space<vmem>> -> memref<1x2x112xi32, #tpu.memory_space<vmem>>
    %dma_start3A_47 = tpu.memref_squeeze %dma_start3A_46 : memref<1x2x112xi32, #tpu.memory_space<vmem>> -> memref<2x112xi32, #tpu.memory_space<vmem>>
    %dma_start3A_48 = arith.constant 0 : i32
    %dma_start3A_49 = arith.constant 0 : i32
    %dma_start3A_50 = tpu.memref_slice %arg2[%add3A, %dma_start3A, %dma_start3A_48, %dma_start3A_49] : memref<32x90x2x112xi32, #tpu.memory_space<hbm>> -> memref<1x1x2x112xi32, #tpu.memory_space<hbm>>
    %dma_start3A_51 = tpu.memref_squeeze %dma_start3A_50 : memref<1x1x2x112xi32, #tpu.memory_space<hbm>> -> memref<2x112xi32, #tpu.memory_space<hbm>>
    %dma_start3A_52 = arith.constant 0 : i32
    %dma_start3A_53 = arith.constant 0 : i32
    %dma_start3A_54 = tpu.memref_slice %arg6[%dma_start3A_43, %dma_start3A_52, %dma_start3A_53] : memref<2x2x112xi32, #tpu.memory_space<vmem>> -> memref<1x2x112xi32, #tpu.memory_space<vmem>>
    %dma_start3A_55 = tpu.memref_squeeze %dma_start3A_54 : memref<1x2x112xi32, #tpu.memory_space<vmem>> -> memref<2x112xi32, #tpu.memory_space<vmem>>
    %dma_start3A_56 = arith.constant 0 : i32
    %dma_start3A_57 = arith.constant 0 : i32
    %dma_start3A_58 = tpu.memref_slice %arg2[%add3A, %dma_start3A, %dma_start3A_56, %dma_start3A_57] : memref<32x90x2x112xi32, #tpu.memory_space<hbm>> -> memref<1x1x2x112xi32, #tpu.memory_space<hbm>>
    %dma_start3A_59 = tpu.memref_squeeze %dma_start3A_58 : memref<1x1x2x112xi32, #tpu.memory_space<hbm>> -> memref<2x112xi32, #tpu.memory_space<hbm>>
    tpu.enqueue_dma source(%dma_start3A_59 : memref<2x112xi32, #tpu.memory_space<hbm>>) target(%dma_start3A_55 : memref<2x112xi32, #tpu.memory_space<vmem>>) target_semaphore(%arg10 : memref<!tpu.dma_semaphore, #tpu.memory_space<semaphore_mem>>)
    %scan3A = arith.constant 0 : i32
    %scan3A_60 = arith.constant 0 : i32
    %scan3A_61 = arith.constant 45 : i32
    %scan3A_62 = arith.addi %scan3A_60, %scan3A_61 : i32
    %scan3A_63 = arith.constant 1 : i32
    scf.for %scan3A_125 = %scan3A_60 to %scan3A_62 step %scan3A_63  : i32 {
      %mul3A_126 = arith.constant 2 : i32
      %mul3A_127 = arith.muli %mul3A_126, %scan3A_125 : i32
      %run_scoped3A_128 = arith.constant 0 : i32
      %run_scoped3A_129 = arith.constant 1 : i32
      "tpu.region"() ({
        %run_scoped3A_209 = tpu.sem_alloc : memref<!tpu.dma_semaphore, #tpu.memory_space<semaphore_mem>>
        %dma_start3A_210 = arith.constant 0 : i32
        %dma_start3A_211 = tpu.memref_slice %arg6[%run_scoped3A_128, %run_scoped3A_129, %dma_start3A_210] : memref<2x2x112xi32, #tpu.memory_space<vmem>> -> memref<1x1x112xi32, #tpu.memory_space<vmem>>
        %dma_start3A_212 = tpu.memref_squeeze %dma_start3A_211 : memref<1x1x112xi32, #tpu.memory_space<vmem>> -> memref<112xi32, #tpu.memory_space<vmem>>
        %dma_start3A_213 = arith.constant 0 : i32
        %dma_start3A_214 = arith.constant 0 : i32
        %dma_start3A_215 = tpu.memref_slice %arg5[%dma_start3A_213, %dma_start3A_214] : memref<10080x128xf32, #tpu.memory_space<vmem_shared>> -> memref<10080x128xf32, #tpu.memory_space<vmem_shared>>
        tpu.enqueue_indirect_dma source(%arg7 : memref<112x128xf32, #tpu.memory_space<vmem>>) target(%dma_start3A_215 : memref<10080x128xf32, #tpu.memory_space<vmem_shared>>) offsets(%dma_start3A_212 : memref<112xi32, #tpu.memory_space<vmem>>) semaphore(%run_scoped3A_209 : memref<!tpu.dma_semaphore, #tpu.memory_space<semaphore_mem>>) {add = true}
        %dma_wait3A_216 = arith.constant 0 : i32
        %dma_wait3A_217 = tpu.memref_slice %arg6[%run_scoped3A_128, %run_scoped3A_129, %dma_wait3A_216] : memref<2x2x112xi32, #tpu.memory_space<vmem>> -> memref<1x1x112xi32, #tpu.memory_space<vmem>>
        %dma_wait3A_218 = tpu.memref_squeeze %dma_wait3A_217 : memref<1x1x112xi32, #tpu.memory_space<vmem>> -> memref<112xi32, #tpu.memory_space<vmem>>
        %dma_wait3A_219 = arith.constant 0 : i32
        %dma_wait3A_220 = arith.constant 0 : i32
        %dma_wait3A_221 = tpu.memref_slice %arg5[%dma_wait3A_219, %dma_wait3A_220] : memref<10080x128xf32, #tpu.memory_space<vmem_shared>> -> memref<10080x128xf32, #tpu.memory_space<vmem_shared>>
        tpu.wait_indirect_dma semaphore(%run_scoped3A_209 : memref<!tpu.dma_semaphore, #tpu.memory_space<semaphore_mem>>) src(%arg7 : memref<112x128xf32, #tpu.memory_space<vmem>>) dst(%dma_wait3A_221 : memref<10080x128xf32, #tpu.memory_space<vmem_shared>>)
        tpu.yield
      }) : () -> ()
      %add3A_130 = arith.constant 2 : i32
      %add3A_131 = arith.addi %mul3A_127, %add3A_130 : i32
      %min3A = arith.constant 89 : i32
      %min3A_132 = arith.minsi %add3A_131, %min3A : i32
      %dma_start3A_133 = arith.constant 0 : i32
      %dma_start3A_134 = arith.constant 0 : i32
      %dma_start3A_135 = arith.constant 0 : i32
      %dma_start3A_136 = tpu.memref_slice %arg6[%dma_start3A_133, %dma_start3A_134, %dma_start3A_135] : memref<2x2x112xi32, #tpu.memory_space<vmem>> -> memref<1x2x112xi32, #tpu.memory_space<vmem>>
      %dma_start3A_137 = tpu.memref_squeeze %dma_start3A_136 : memref<1x2x112xi32, #tpu.memory_space<vmem>> -> memref<2x112xi32, #tpu.memory_space<vmem>>
      %dma_start3A_138 = arith.constant 0 : i32
      %dma_start3A_139 = arith.constant 0 : i32
      %dma_start3A_140 = tpu.memref_slice %arg2[%add3A, %min3A_132, %dma_start3A_138, %dma_start3A_139] : memref<32x90x2x112xi32, #tpu.memory_space<hbm>> -> memref<1x1x2x112xi32, #tpu.memory_space<hbm>>
      %dma_start3A_141 = tpu.memref_squeeze %dma_start3A_140 : memref<1x1x2x112xi32, #tpu.memory_space<hbm>> -> memref<2x112xi32, #tpu.memory_space<hbm>>
      %dma_start3A_142 = arith.constant 0 : i32
      %dma_start3A_143 = arith.constant 0 : i32
      %dma_start3A_144 = tpu.memref_slice %arg6[%dma_start3A_133, %dma_start3A_142, %dma_start3A_143] : memref<2x2x112xi32, #tpu.memory_space<vmem>> -> memref<1x2x112xi32, #tpu.memory_space<vmem>>
      %dma_start3A_145 = tpu.memref_squeeze %dma_start3A_144 : memref<1x2x112xi32, #tpu.memory_space<vmem>> -> memref<2x112xi32, #tpu.memory_space<vmem>>
      %dma_start3A_146 = arith.constant 0 : i32
      %dma_start3A_147 = arith.constant 0 : i32
      %dma_start3A_148 = tpu.memref_slice %arg2[%add3A, %min3A_132, %dma_start3A_146, %dma_start3A_147] : memref<32x90x2x112xi32, #tpu.memory_space<hbm>> -> memref<1x1x2x112xi32, #tpu.memory_space<hbm>>
      %dma_start3A_149 = tpu.memref_squeeze %dma_start3A_148 : memref<1x1x2x112xi32, #tpu.memory_space<hbm>> -> memref<2x112xi32, #tpu.memory_space<hbm>>
      tpu.enqueue_dma source(%dma_start3A_149 : memref<2x112xi32, #tpu.memory_space<hbm>>) target(%dma_start3A_145 : memref<2x112xi32, #tpu.memory_space<vmem>>) target_semaphore(%arg9 : memref<!tpu.dma_semaphore, #tpu.memory_space<semaphore_mem>>)
      %add3A_150 = arith.constant 1 : i32
      %add3A_151 = arith.addi %mul3A_127, %add3A_150 : i32
      %dma_wait3A_152 = arith.constant 1 : i32
      %dma_wait3A_153 = arith.constant 0 : i32
      %dma_wait3A_154 = arith.constant 0 : i32
      %dma_wait3A_155 = tpu.memref_slice %arg6[%dma_wait3A_152, %dma_wait3A_153, %dma_wait3A_154] : memref<2x2x112xi32, #tpu.memory_space<vmem>> -> memref<1x2x112xi32, #tpu.memory_space<vmem>>
      %dma_wait3A_156 = tpu.memref_squeeze %dma_wait3A_155 : memref<1x2x112xi32, #tpu.memory_space<vmem>> -> memref<2x112xi32, #tpu.memory_space<vmem>>
      %dma_wait3A_157 = arith.constant 0 : i32
      %dma_wait3A_158 = arith.constant 0 : i32
      %dma_wait3A_159 = tpu.memref_slice %arg2[%add3A, %add3A_151, %dma_wait3A_157, %dma_wait3A_158] : memref<32x90x2x112xi32, #tpu.memory_space<hbm>> -> memref<1x1x2x112xi32, #tpu.memory_space<hbm>>
      %dma_wait3A_160 = tpu.memref_squeeze %dma_wait3A_159 : memref<1x1x2x112xi32, #tpu.memory_space<hbm>> -> memref<2x112xi32, #tpu.memory_space<hbm>>
      %dma_wait3A_161 = arith.constant 0 : i32
      %dma_wait3A_162 = arith.constant 0 : i32
      %dma_wait3A_163 = tpu.memref_slice %arg6[%dma_wait3A_152, %dma_wait3A_161, %dma_wait3A_162] : memref<2x2x112xi32, #tpu.memory_space<vmem>> -> memref<1x2x112xi32, #tpu.memory_space<vmem>>
      %dma_wait3A_164 = tpu.memref_squeeze %dma_wait3A_163 : memref<1x2x112xi32, #tpu.memory_space<vmem>> -> memref<2x112xi32, #tpu.memory_space<vmem>>
      %dma_wait3A_165 = arith.constant 0 : i32
      %dma_wait3A_166 = arith.constant 0 : i32
      %dma_wait3A_167 = tpu.memref_slice %arg2[%add3A, %add3A_151, %dma_wait3A_165, %dma_wait3A_166] : memref<32x90x2x112xi32, #tpu.memory_space<hbm>> -> memref<1x1x2x112xi32, #tpu.memory_space<hbm>>
      %dma_wait3A_168 = tpu.memref_squeeze %dma_wait3A_167 : memref<1x1x2x112xi32, #tpu.memory_space<hbm>> -> memref<2x112xi32, #tpu.memory_space<hbm>>
      tpu.wait_dma2 semaphore(%arg10 : memref<!tpu.dma_semaphore, #tpu.memory_space<semaphore_mem>>) src(%dma_wait3A_168 : memref<2x112xi32, #tpu.memory_space<hbm>>) dst(%dma_wait3A_164 : memref<2x112xi32, #tpu.memory_space<vmem>>)
      %run_scoped3A_169 = arith.constant 1 : i32
      %run_scoped3A_170 = arith.constant 1 : i32
      "tpu.region"() ({
        %run_scoped3A_209 = tpu.sem_alloc : memref<!tpu.dma_semaphore, #tpu.memory_space<semaphore_mem>>
        %dma_start3A_210 = arith.constant 0 : i32
        %dma_start3A_211 = tpu.memref_slice %arg6[%run_scoped3A_169, %run_scoped3A_170, %dma_start3A_210] : memref<2x2x112xi32, #tpu.memory_space<vmem>> -> memref<1x1x112xi32, #tpu.memory_space<vmem>>
        %dma_start3A_212 = tpu.memref_squeeze %dma_start3A_211 : memref<1x1x112xi32, #tpu.memory_space<vmem>> -> memref<112xi32, #tpu.memory_space<vmem>>
        %dma_start3A_213 = arith.constant 0 : i32
        %dma_start3A_214 = arith.constant 0 : i32
        %dma_start3A_215 = tpu.memref_slice %arg5[%dma_start3A_213, %dma_start3A_214] : memref<10080x128xf32, #tpu.memory_space<vmem_shared>> -> memref<10080x128xf32, #tpu.memory_space<vmem_shared>>
        tpu.enqueue_indirect_dma source(%arg7 : memref<112x128xf32, #tpu.memory_space<vmem>>) target(%dma_start3A_215 : memref<10080x128xf32, #tpu.memory_space<vmem_shared>>) offsets(%dma_start3A_212 : memref<112xi32, #tpu.memory_space<vmem>>) semaphore(%run_scoped3A_209 : memref<!tpu.dma_semaphore, #tpu.memory_space<semaphore_mem>>) {add = true}
        %dma_wait3A_216 = arith.constant 0 : i32
        %dma_wait3A_217 = tpu.memref_slice %arg6[%run_scoped3A_169, %run_scoped3A_170, %dma_wait3A_216] : memref<2x2x112xi32, #tpu.memory_space<vmem>> -> memref<1x1x112xi32, #tpu.memory_space<vmem>>
        %dma_wait3A_218 = tpu.memref_squeeze %dma_wait3A_217 : memref<1x1x112xi32, #tpu.memory_space<vmem>> -> memref<112xi32, #tpu.memory_space<vmem>>
        %dma_wait3A_219 = arith.constant 0 : i32
        %dma_wait3A_220 = arith.constant 0 : i32
        %dma_wait3A_221 = tpu.memref_slice %arg5[%dma_wait3A_219, %dma_wait3A_220] : memref<10080x128xf32, #tpu.memory_space<vmem_shared>> -> memref<10080x128xf32, #tpu.memory_space<vmem_shared>>
        tpu.wait_indirect_dma semaphore(%run_scoped3A_209 : memref<!tpu.dma_semaphore, #tpu.memory_space<semaphore_mem>>) src(%arg7 : memref<112x128xf32, #tpu.memory_space<vmem>>) dst(%dma_wait3A_221 : memref<10080x128xf32, #tpu.memory_space<vmem_shared>>)
        tpu.yield
      }) : () -> ()
      %add3A_171 = arith.constant 3 : i32
      %add3A_172 = arith.addi %mul3A_127, %add3A_171 : i32
      %min3A_173 = arith.constant 89 : i32
      %min3A_174 = arith.minsi %add3A_172, %min3A_173 : i32
      %dma_start3A_175 = arith.constant 1 : i32
      %dma_start3A_176 = arith.constant 0 : i32
      %dma_start3A_177 = arith.constant 0 : i32
      %dma_start3A_178 = tpu.memref_slice %arg6[%dma_start3A_175, %dma_start3A_176, %dma_start3A_177] : memref<2x2x112xi32, #tpu.memory_space<vmem>> -> memref<1x2x112xi32, #tpu.memory_space<vmem>>
      %dma_start3A_179 = tpu.memref_squeeze %dma_start3A_178 : memref<1x2x112xi32, #tpu.memory_space<vmem>> -> memref<2x112xi32, #tpu.memory_space<vmem>>
      %dma_start3A_180 = arith.constant 0 : i32
      %dma_start3A_181 = arith.constant 0 : i32
      %dma_start3A_182 = tpu.memref_slice %arg2[%add3A, %min3A_174, %dma_start3A_180, %dma_start3A_181] : memref<32x90x2x112xi32, #tpu.memory_space<hbm>> -> memref<1x1x2x112xi32, #tpu.memory_space<hbm>>
      %dma_start3A_183 = tpu.memref_squeeze %dma_start3A_182 : memref<1x1x2x112xi32, #tpu.memory_space<hbm>> -> memref<2x112xi32, #tpu.memory_space<hbm>>
      %dma_start3A_184 = arith.constant 0 : i32
      %dma_start3A_185 = arith.constant 0 : i32
      %dma_start3A_186 = tpu.memref_slice %arg6[%dma_start3A_175, %dma_start3A_184, %dma_start3A_185] : memref<2x2x112xi32, #tpu.memory_space<vmem>> -> memref<1x2x112xi32, #tpu.memory_space<vmem>>
      %dma_start3A_187 = tpu.memref_squeeze %dma_start3A_186 : memref<1x2x112xi32, #tpu.memory_space<vmem>> -> memref<2x112xi32, #tpu.memory_space<vmem>>
      %dma_start3A_188 = arith.constant 0 : i32
      %dma_start3A_189 = arith.constant 0 : i32
      %dma_start3A_190 = tpu.memref_slice %arg2[%add3A, %min3A_174, %dma_start3A_188, %dma_start3A_189] : memref<32x90x2x112xi32, #tpu.memory_space<hbm>> -> memref<1x1x2x112xi32, #tpu.memory_space<hbm>>
      %dma_start3A_191 = tpu.memref_squeeze %dma_start3A_190 : memref<1x1x2x112xi32, #tpu.memory_space<hbm>> -> memref<2x112xi32, #tpu.memory_space<hbm>>
      tpu.enqueue_dma source(%dma_start3A_191 : memref<2x112xi32, #tpu.memory_space<hbm>>) target(%dma_start3A_187 : memref<2x112xi32, #tpu.memory_space<vmem>>) target_semaphore(%arg10 : memref<!tpu.dma_semaphore, #tpu.memory_space<semaphore_mem>>)
      %dma_wait3A_192 = arith.constant 0 : i32
      %dma_wait3A_193 = arith.constant 0 : i32
      %dma_wait3A_194 = arith.constant 0 : i32
      %dma_wait3A_195 = tpu.memref_slice %arg6[%dma_wait3A_192, %dma_wait3A_193, %dma_wait3A_194] : memref<2x2x112xi32, #tpu.memory_space<vmem>> -> memref<1x2x112xi32, #tpu.memory_space<vmem>>
      %dma_wait3A_196 = tpu.memref_squeeze %dma_wait3A_195 : memref<1x2x112xi32, #tpu.memory_space<vmem>> -> memref<2x112xi32, #tpu.memory_space<vmem>>
      %dma_wait3A_197 = arith.constant 0 : i32
      %dma_wait3A_198 = arith.constant 0 : i32
      %dma_wait3A_199 = tpu.memref_slice %arg2[%add3A, %min3A_132, %dma_wait3A_197, %dma_wait3A_198] : memref<32x90x2x112xi32, #tpu.memory_space<hbm>> -> memref<1x1x2x112xi32, #tpu.memory_space<hbm>>
      %dma_wait3A_200 = tpu.memref_squeeze %dma_wait3A_199 : memref<1x1x2x112xi32, #tpu.memory_space<hbm>> -> memref<2x112xi32, #tpu.memory_space<hbm>>
      %dma_wait3A_201 = arith.constant 0 : i32
      %dma_wait3A_202 = arith.constant 0 : i32
      %dma_wait3A_203 = tpu.memref_slice %arg6[%dma_wait3A_192, %dma_wait3A_201, %dma_wait3A_202] : memref<2x2x112xi32, #tpu.memory_space<vmem>> -> memref<1x2x112xi32, #tpu.memory_space<vmem>>
      %dma_wait3A_204 = tpu.memref_squeeze %dma_wait3A_203 : memref<1x2x112xi32, #tpu.memory_space<vmem>> -> memref<2x112xi32, #tpu.memory_space<vmem>>
      %dma_wait3A_205 = arith.constant 0 : i32
      %dma_wait3A_206 = arith.constant 0 : i32
      %dma_wait3A_207 = tpu.memref_slice %arg2[%add3A, %min3A_132, %dma_wait3A_205, %dma_wait3A_206] : memref<32x90x2x112xi32, #tpu.memory_space<hbm>> -> memref<1x1x2x112xi32, #tpu.memory_space<hbm>>
      %dma_wait3A_208 = tpu.memref_squeeze %dma_wait3A_207 : memref<1x1x2x112xi32, #tpu.memory_space<hbm>> -> memref<2x112xi32, #tpu.memory_space<hbm>>
      tpu.wait_dma2 semaphore(%arg9 : memref<!tpu.dma_semaphore, #tpu.memory_space<semaphore_mem>>) src(%dma_wait3A_208 : memref<2x112xi32, #tpu.memory_space<hbm>>) dst(%dma_wait3A_204 : memref<2x112xi32, #tpu.memory_space<vmem>>)
    }
    %scan3A_64 = arith.constant 45 : i32
    %dma_wait3A = arith.constant 89 : i32
    %dma_wait3A_65 = arith.constant 1 : i32
    %dma_wait3A_66 = arith.constant 0 : i32
    %dma_wait3A_67 = arith.constant 0 : i32
    %dma_wait3A_68 = tpu.memref_slice %arg6[%dma_wait3A_65, %dma_wait3A_66, %dma_wait3A_67] : memref<2x2x112xi32, #tpu.memory_space<vmem>> -> memref<1x2x112xi32, #tpu.memory_space<vmem>>
    %dma_wait3A_69 = tpu.memref_squeeze %dma_wait3A_68 : memref<1x2x112xi32, #tpu.memory_space<vmem>> -> memref<2x112xi32, #tpu.memory_space<vmem>>
    %dma_wait3A_70 = arith.constant 0 : i32
    %dma_wait3A_71 = arith.constant 0 : i32
    %dma_wait3A_72 = tpu.memref_slice %arg2[%add3A, %dma_wait3A, %dma_wait3A_70, %dma_wait3A_71] : memref<32x90x2x112xi32, #tpu.memory_space<hbm>> -> memref<1x1x2x112xi32, #tpu.memory_space<hbm>>
    %dma_wait3A_73 = tpu.memref_squeeze %dma_wait3A_72 : memref<1x1x2x112xi32, #tpu.memory_space<hbm>> -> memref<2x112xi32, #tpu.memory_space<hbm>>
    %dma_wait3A_74 = arith.constant 0 : i32
    %dma_wait3A_75 = arith.constant 0 : i32
    %dma_wait3A_76 = tpu.memref_slice %arg6[%dma_wait3A_65, %dma_wait3A_74, %dma_wait3A_75] : memref<2x2x112xi32, #tpu.memory_space<vmem>> -> memref<1x2x112xi32, #tpu.memory_space<vmem>>
    %dma_wait3A_77 = tpu.memref_squeeze %dma_wait3A_76 : memref<1x2x112xi32, #tpu.memory_space<vmem>> -> memref<2x112xi32, #tpu.memory_space<vmem>>
    %dma_wait3A_78 = arith.constant 0 : i32
    %dma_wait3A_79 = arith.constant 0 : i32
    %dma_wait3A_80 = tpu.memref_slice %arg2[%add3A, %dma_wait3A, %dma_wait3A_78, %dma_wait3A_79] : memref<32x90x2x112xi32, #tpu.memory_space<hbm>> -> memref<1x1x2x112xi32, #tpu.memory_space<hbm>>
    %dma_wait3A_81 = tpu.memref_squeeze %dma_wait3A_80 : memref<1x1x2x112xi32, #tpu.memory_space<hbm>> -> memref<2x112xi32, #tpu.memory_space<hbm>>
    tpu.wait_dma2 semaphore(%arg10 : memref<!tpu.dma_semaphore, #tpu.memory_space<semaphore_mem>>) src(%dma_wait3A_81 : memref<2x112xi32, #tpu.memory_space<hbm>>) dst(%dma_wait3A_77 : memref<2x112xi32, #tpu.memory_space<vmem>>)
    %barrier3A_82 = arith.constant 0 : index
    tpu.barrier barrier_id(%barrier3A_82)
    %add3A_83 = arith.constant 0 : i32
    %add3A_84 = arith.addi %arg1, %add3A_83 : i32
    %lt3A_85 = arith.constant 90 : i32
    %lt3A_86 = arith.cmpi slt, %add3A_84, %lt3A_85 : i32
    %convert_element_type3A_87 = arith.extui %lt3A_86 : i1 to i32
    %cond3A_88 = arith.constant 0 : i32
    %cond3A_89 = arith.cmpi ne, %convert_element_type3A_87, %cond3A_88 : i32
    scf.if %cond3A_89 {
      %mul3A_125 = arith.constant 112 : i32
      %mul3A_126 = arith.muli %add3A_84, %mul3A_125 : i32
      %multiple_of3A = tpu.assume_multiple %mul3A_126, 8 : i32
      "tpu.region"() ({
        %run_scoped3A_127 = tpu.sem_alloc : memref<!tpu.dma_semaphore, #tpu.memory_space<semaphore_mem>>
        %dma_start3A_128 = arith.constant 0 : i32
        %dma_start3A_129 = tpu.memref_slice %arg4[%arg0, %multiple_of3A, %dma_start3A_128] : memref<2x10080x128xf32, #tpu.memory_space<hbm>> -> memref<1x112x128xf32, #tpu.memory_space<hbm>>
        %dma_start3A_130 = tpu.memref_squeeze %dma_start3A_129 : memref<1x112x128xf32, #tpu.memory_space<hbm>> -> memref<112x128xf32, #tpu.memory_space<hbm>>
        %dma_start3A_131 = arith.constant 0 : i32
        %dma_start3A_132 = tpu.memref_slice %arg5[%multiple_of3A, %dma_start3A_131] : memref<10080x128xf32, #tpu.memory_space<vmem_shared>> -> memref<112x128xf32, #tpu.memory_space<vmem_shared>>
        tpu.enqueue_dma source(%dma_start3A_132 : memref<112x128xf32, #tpu.memory_space<vmem_shared>>) target(%dma_start3A_130 : memref<112x128xf32, #tpu.memory_space<hbm>>) target_semaphore(%run_scoped3A_127 : memref<!tpu.dma_semaphore, #tpu.memory_space<semaphore_mem>>)
        %dma_wait3A_133 = arith.constant 0 : i32
        %dma_wait3A_134 = tpu.memref_slice %arg4[%arg0, %multiple_of3A, %dma_wait3A_133] : memref<2x10080x128xf32, #tpu.memory_space<hbm>> -> memref<1x112x128xf32, #tpu.memory_space<hbm>>
        %dma_wait3A_135 = tpu.memref_squeeze %dma_wait3A_134 : memref<1x112x128xf32, #tpu.memory_space<hbm>> -> memref<112x128xf32, #tpu.memory_space<hbm>>
        %dma_wait3A_136 = arith.constant 0 : i32
        %dma_wait3A_137 = tpu.memref_slice %arg5[%multiple_of3A, %dma_wait3A_136] : memref<10080x128xf32, #tpu.memory_space<vmem_shared>> -> memref<112x128xf32, #tpu.memory_space<vmem_shared>>
        tpu.wait_dma2 semaphore(%run_scoped3A_127 : memref<!tpu.dma_semaphore, #tpu.memory_space<semaphore_mem>>) src(%dma_wait3A_137 : memref<112x128xf32, #tpu.memory_space<vmem_shared>>) dst(%dma_wait3A_135 : memref<112x128xf32, #tpu.memory_space<hbm>>)
        tpu.yield
      }) : () -> ()
    } else {
    }
    %add3A_90 = arith.constant 16 : i32
    %add3A_91 = arith.addi %arg1, %add3A_90 : i32
    %lt3A_92 = arith.constant 90 : i32
    %lt3A_93 = arith.cmpi slt, %add3A_91, %lt3A_92 : i32
    %convert_element_type3A_94 = arith.extui %lt3A_93 : i1 to i32
    %cond3A_95 = arith.constant 0 : i32
    %cond3A_96 = arith.cmpi ne, %convert_element_type3A_94, %cond3A_95 : i32
    scf.if %cond3A_96 {
      %mul3A_125 = arith.constant 112 : i32
      %mul3A_126 = arith.muli %add3A_91, %mul3A_125 : i32
      %multiple_of3A = tpu.assume_multiple %mul3A_126, 8 : i32
      "tpu.region"() ({
        %run_scoped3A_127 = tpu.sem_alloc : memref<!tpu.dma_semaphore, #tpu.memory_space<semaphore_mem>>
        %dma_start3A_128 = arith.constant 0 : i32
        %dma_start3A_129 = tpu.memref_slice %arg4[%arg0, %multiple_of3A, %dma_start3A_128] : memref<2x10080x128xf32, #tpu.memory_space<hbm>> -> memref<1x112x128xf32, #tpu.memory_space<hbm>>
        %dma_start3A_130 = tpu.memref_squeeze %dma_start3A_129 : memref<1x112x128xf32, #tpu.memory_space<hbm>> -> memref<112x128xf32, #tpu.memory_space<hbm>>
        %dma_start3A_131 = arith.constant 0 : i32
        %dma_start3A_132 = tpu.memref_slice %arg5[%multiple_of3A, %dma_start3A_131] : memref<10080x128xf32, #tpu.memory_space<vmem_shared>> -> memref<112x128xf32, #tpu.memory_space<vmem_shared>>
        tpu.enqueue_dma source(%dma_start3A_132 : memref<112x128xf32, #tpu.memory_space<vmem_shared>>) target(%dma_start3A_130 : memref<112x128xf32, #tpu.memory_space<hbm>>) target_semaphore(%run_scoped3A_127 : memref<!tpu.dma_semaphore, #tpu.memory_space<semaphore_mem>>)
        %dma_wait3A_133 = arith.constant 0 : i32
        %dma_wait3A_134 = tpu.memref_slice %arg4[%arg0, %multiple_of3A, %dma_wait3A_133] : memref<2x10080x128xf32, #tpu.memory_space<hbm>> -> memref<1x112x128xf32, #tpu.memory_space<hbm>>
        %dma_wait3A_135 = tpu.memref_squeeze %dma_wait3A_134 : memref<1x112x128xf32, #tpu.memory_space<hbm>> -> memref<112x128xf32, #tpu.memory_space<hbm>>
        %dma_wait3A_136 = arith.constant 0 : i32
        %dma_wait3A_137 = tpu.memref_slice %arg5[%multiple_of3A, %dma_wait3A_136] : memref<10080x128xf32, #tpu.memory_space<vmem_shared>> -> memref<112x128xf32, #tpu.memory_space<vmem_shared>>
        tpu.wait_dma2 semaphore(%run_scoped3A_127 : memref<!tpu.dma_semaphore, #tpu.memory_space<semaphore_mem>>) src(%dma_wait3A_137 : memref<112x128xf32, #tpu.memory_space<vmem_shared>>) dst(%dma_wait3A_135 : memref<112x128xf32, #tpu.memory_space<hbm>>)
        tpu.yield
      }) : () -> ()
    } else {
    }
    %add3A_97 = arith.constant 32 : i32
    %add3A_98 = arith.addi %arg1, %add3A_97 : i32
    %lt3A_99 = arith.constant 90 : i32
    %lt3A_100 = arith.cmpi slt, %add3A_98, %lt3A_99 : i32
    %convert_element_type3A_101 = arith.extui %lt3A_100 : i1 to i32
    %cond3A_102 = arith.constant 0 : i32
    %cond3A_103 = arith.cmpi ne, %convert_element_type3A_101, %cond3A_102 : i32
    scf.if %cond3A_103 {
      %mul3A_125 = arith.constant 112 : i32
      %mul3A_126 = arith.muli %add3A_98, %mul3A_125 : i32
      %multiple_of3A = tpu.assume_multiple %mul3A_126, 8 : i32
      "tpu.region"() ({
        %run_scoped3A_127 = tpu.sem_alloc : memref<!tpu.dma_semaphore, #tpu.memory_space<semaphore_mem>>
        %dma_start3A_128 = arith.constant 0 : i32
        %dma_start3A_129 = tpu.memref_slice %arg4[%arg0, %multiple_of3A, %dma_start3A_128] : memref<2x10080x128xf32, #tpu.memory_space<hbm>> -> memref<1x112x128xf32, #tpu.memory_space<hbm>>
        %dma_start3A_130 = tpu.memref_squeeze %dma_start3A_129 : memref<1x112x128xf32, #tpu.memory_space<hbm>> -> memref<112x128xf32, #tpu.memory_space<hbm>>
        %dma_start3A_131 = arith.constant 0 : i32
        %dma_start3A_132 = tpu.memref_slice %arg5[%multiple_of3A, %dma_start3A_131] : memref<10080x128xf32, #tpu.memory_space<vmem_shared>> -> memref<112x128xf32, #tpu.memory_space<vmem_shared>>
        tpu.enqueue_dma source(%dma_start3A_132 : memref<112x128xf32, #tpu.memory_space<vmem_shared>>) target(%dma_start3A_130 : memref<112x128xf32, #tpu.memory_space<hbm>>) target_semaphore(%run_scoped3A_127 : memref<!tpu.dma_semaphore, #tpu.memory_space<semaphore_mem>>)
        %dma_wait3A_133 = arith.constant 0 : i32
        %dma_wait3A_134 = tpu.memref_slice %arg4[%arg0, %multiple_of3A, %dma_wait3A_133] : memref<2x10080x128xf32, #tpu.memory_space<hbm>> -> memref<1x112x128xf32, #tpu.memory_space<hbm>>
        %dma_wait3A_135 = tpu.memref_squeeze %dma_wait3A_134 : memref<1x112x128xf32, #tpu.memory_space<hbm>> -> memref<112x128xf32, #tpu.memory_space<hbm>>
        %dma_wait3A_136 = arith.constant 0 : i32
        %dma_wait3A_137 = tpu.memref_slice %arg5[%multiple_of3A, %dma_wait3A_136] : memref<10080x128xf32, #tpu.memory_space<vmem_shared>> -> memref<112x128xf32, #tpu.memory_space<vmem_shared>>
        tpu.wait_dma2 semaphore(%run_scoped3A_127 : memref<!tpu.dma_semaphore, #tpu.memory_space<semaphore_mem>>) src(%dma_wait3A_137 : memref<112x128xf32, #tpu.memory_space<vmem_shared>>) dst(%dma_wait3A_135 : memref<112x128xf32, #tpu.memory_space<hbm>>)
        tpu.yield
      }) : () -> ()
    } else {
    }
    %add3A_104 = arith.constant 48 : i32
    %add3A_105 = arith.addi %arg1, %add3A_104 : i32
    %lt3A_106 = arith.constant 90 : i32
    %lt3A_107 = arith.cmpi slt, %add3A_105, %lt3A_106 : i32
    %convert_element_type3A_108 = arith.extui %lt3A_107 : i1 to i32
    %cond3A_109 = arith.constant 0 : i32
    %cond3A_110 = arith.cmpi ne, %convert_element_type3A_108, %cond3A_109 : i32
    scf.if %cond3A_110 {
      %mul3A_125 = arith.constant 112 : i32
      %mul3A_126 = arith.muli %add3A_105, %mul3A_125 : i32
      %multiple_of3A = tpu.assume_multiple %mul3A_126, 8 : i32
      "tpu.region"() ({
        %run_scoped3A_127 = tpu.sem_alloc : memref<!tpu.dma_semaphore, #tpu.memory_space<semaphore_mem>>
        %dma_start3A_128 = arith.constant 0 : i32
        %dma_start3A_129 = tpu.memref_slice %arg4[%arg0, %multiple_of3A, %dma_start3A_128] : memref<2x10080x128xf32, #tpu.memory_space<hbm>> -> memref<1x112x128xf32, #tpu.memory_space<hbm>>
        %dma_start3A_130 = tpu.memref_squeeze %dma_start3A_129 : memref<1x112x128xf32, #tpu.memory_space<hbm>> -> memref<112x128xf32, #tpu.memory_space<hbm>>
        %dma_start3A_131 = arith.constant 0 : i32
        %dma_start3A_132 = tpu.memref_slice %arg5[%multiple_of3A, %dma_start3A_131] : memref<10080x128xf32, #tpu.memory_space<vmem_shared>> -> memref<112x128xf32, #tpu.memory_space<vmem_shared>>
        tpu.enqueue_dma source(%dma_start3A_132 : memref<112x128xf32, #tpu.memory_space<vmem_shared>>) target(%dma_start3A_130 : memref<112x128xf32, #tpu.memory_space<hbm>>) target_semaphore(%run_scoped3A_127 : memref<!tpu.dma_semaphore, #tpu.memory_space<semaphore_mem>>)
        %dma_wait3A_133 = arith.constant 0 : i32
        %dma_wait3A_134 = tpu.memref_slice %arg4[%arg0, %multiple_of3A, %dma_wait3A_133] : memref<2x10080x128xf32, #tpu.memory_space<hbm>> -> memref<1x112x128xf32, #tpu.memory_space<hbm>>
        %dma_wait3A_135 = tpu.memref_squeeze %dma_wait3A_134 : memref<1x112x128xf32, #tpu.memory_space<hbm>> -> memref<112x128xf32, #tpu.memory_space<hbm>>
        %dma_wait3A_136 = arith.constant 0 : i32
        %dma_wait3A_137 = tpu.memref_slice %arg5[%multiple_of3A, %dma_wait3A_136] : memref<10080x128xf32, #tpu.memory_space<vmem_shared>> -> memref<112x128xf32, #tpu.memory_space<vmem_shared>>
        tpu.wait_dma2 semaphore(%run_scoped3A_127 : memref<!tpu.dma_semaphore, #tpu.memory_space<semaphore_mem>>) src(%dma_wait3A_137 : memref<112x128xf32, #tpu.memory_space<vmem_shared>>) dst(%dma_wait3A_135 : memref<112x128xf32, #tpu.memory_space<hbm>>)
        tpu.yield
      }) : () -> ()
    } else {
    }
    %add3A_111 = arith.constant 64 : i32
    %add3A_112 = arith.addi %arg1, %add3A_111 : i32
    %lt3A_113 = arith.constant 90 : i32
    %lt3A_114 = arith.cmpi slt, %add3A_112, %lt3A_113 : i32
    %convert_element_type3A_115 = arith.extui %lt3A_114 : i1 to i32
    %cond3A_116 = arith.constant 0 : i32
    %cond3A_117 = arith.cmpi ne, %convert_element_type3A_115, %cond3A_116 : i32
    scf.if %cond3A_117 {
      %mul3A_125 = arith.constant 112 : i32
      %mul3A_126 = arith.muli %add3A_112, %mul3A_125 : i32
      %multiple_of3A = tpu.assume_multiple %mul3A_126, 8 : i32
      "tpu.region"() ({
        %run_scoped3A_127 = tpu.sem_alloc : memref<!tpu.dma_semaphore, #tpu.memory_space<semaphore_mem>>
        %dma_start3A_128 = arith.constant 0 : i32
        %dma_start3A_129 = tpu.memref_slice %arg4[%arg0, %multiple_of3A, %dma_start3A_128] : memref<2x10080x128xf32, #tpu.memory_space<hbm>> -> memref<1x112x128xf32, #tpu.memory_space<hbm>>
        %dma_start3A_130 = tpu.memref_squeeze %dma_start3A_129 : memref<1x112x128xf32, #tpu.memory_space<hbm>> -> memref<112x128xf32, #tpu.memory_space<hbm>>
        %dma_start3A_131 = arith.constant 0 : i32
        %dma_start3A_132 = tpu.memref_slice %arg5[%multiple_of3A, %dma_start3A_131] : memref<10080x128xf32, #tpu.memory_space<vmem_shared>> -> memref<112x128xf32, #tpu.memory_space<vmem_shared>>
        tpu.enqueue_dma source(%dma_start3A_132 : memref<112x128xf32, #tpu.memory_space<vmem_shared>>) target(%dma_start3A_130 : memref<112x128xf32, #tpu.memory_space<hbm>>) target_semaphore(%run_scoped3A_127 : memref<!tpu.dma_semaphore, #tpu.memory_space<semaphore_mem>>)
        %dma_wait3A_133 = arith.constant 0 : i32
        %dma_wait3A_134 = tpu.memref_slice %arg4[%arg0, %multiple_of3A, %dma_wait3A_133] : memref<2x10080x128xf32, #tpu.memory_space<hbm>> -> memref<1x112x128xf32, #tpu.memory_space<hbm>>
        %dma_wait3A_135 = tpu.memref_squeeze %dma_wait3A_134 : memref<1x112x128xf32, #tpu.memory_space<hbm>> -> memref<112x128xf32, #tpu.memory_space<hbm>>
        %dma_wait3A_136 = arith.constant 0 : i32
        %dma_wait3A_137 = tpu.memref_slice %arg5[%multiple_of3A, %dma_wait3A_136] : memref<10080x128xf32, #tpu.memory_space<vmem_shared>> -> memref<112x128xf32, #tpu.memory_space<vmem_shared>>
        tpu.wait_dma2 semaphore(%run_scoped3A_127 : memref<!tpu.dma_semaphore, #tpu.memory_space<semaphore_mem>>) src(%dma_wait3A_137 : memref<112x128xf32, #tpu.memory_space<vmem_shared>>) dst(%dma_wait3A_135 : memref<112x128xf32, #tpu.memory_space<hbm>>)
        tpu.yield
      }) : () -> ()
    } else {
    }
    %add3A_118 = arith.constant 80 : i32
    %add3A_119 = arith.addi %arg1, %add3A_118 : i32
    %lt3A_120 = arith.constant 90 : i32
    %lt3A_121 = arith.cmpi slt, %add3A_119, %lt3A_120 : i32
    %convert_element_type3A_122 = arith.extui %lt3A_121 : i1 to i32
    %cond3A_123 = arith.constant 0 : i32
    %cond3A_124 = arith.cmpi ne, %convert_element_type3A_122, %cond3A_123 : i32
    scf.if %cond3A_124 {
      %mul3A_125 = arith.constant 112 : i32
      %mul3A_126 = arith.muli %add3A_119, %mul3A_125 : i32
      %multiple_of3A = tpu.assume_multiple %mul3A_126, 8 : i32
      "tpu.region"() ({
        %run_scoped3A_127 = tpu.sem_alloc : memref<!tpu.dma_semaphore, #tpu.memory_space<semaphore_mem>>
        %dma_start3A_128 = arith.constant 0 : i32
        %dma_start3A_129 = tpu.memref_slice %arg4[%arg0, %multiple_of3A, %dma_start3A_128] : memref<2x10080x128xf32, #tpu.memory_space<hbm>> -> memref<1x112x128xf32, #tpu.memory_space<hbm>>
        %dma_start3A_130 = tpu.memref_squeeze %dma_start3A_129 : memref<1x112x128xf32, #tpu.memory_space<hbm>> -> memref<112x128xf32, #tpu.memory_space<hbm>>
        %dma_start3A_131 = arith.constant 0 : i32
        %dma_start3A_132 = tpu.memref_slice %arg5[%multiple_of3A, %dma_start3A_131] : memref<10080x128xf32, #tpu.memory_space<vmem_shared>> -> memref<112x128xf32, #tpu.memory_space<vmem_shared>>
        tpu.enqueue_dma source(%dma_start3A_132 : memref<112x128xf32, #tpu.memory_space<vmem_shared>>) target(%dma_start3A_130 : memref<112x128xf32, #tpu.memory_space<hbm>>) target_semaphore(%run_scoped3A_127 : memref<!tpu.dma_semaphore, #tpu.memory_space<semaphore_mem>>)
        %dma_wait3A_133 = arith.constant 0 : i32
        %dma_wait3A_134 = tpu.memref_slice %arg4[%arg0, %multiple_of3A, %dma_wait3A_133] : memref<2x10080x128xf32, #tpu.memory_space<hbm>> -> memref<1x112x128xf32, #tpu.memory_space<hbm>>
        %dma_wait3A_135 = tpu.memref_squeeze %dma_wait3A_134 : memref<1x112x128xf32, #tpu.memory_space<hbm>> -> memref<112x128xf32, #tpu.memory_space<hbm>>
        %dma_wait3A_136 = arith.constant 0 : i32
        %dma_wait3A_137 = tpu.memref_slice %arg5[%multiple_of3A, %dma_wait3A_136] : memref<10080x128xf32, #tpu.memory_space<vmem_shared>> -> memref<112x128xf32, #tpu.memory_space<vmem_shared>>
        tpu.wait_dma2 semaphore(%run_scoped3A_127 : memref<!tpu.dma_semaphore, #tpu.memory_space<semaphore_mem>>) src(%dma_wait3A_137 : memref<112x128xf32, #tpu.memory_space<vmem_shared>>) dst(%dma_wait3A_135 : memref<112x128xf32, #tpu.memory_space<hbm>>)
        tpu.yield
      }) : () -> ()
    } else {
    }
    return
  }
}

#map = affine_map<(d0, d1) -> (0, 0)>
#map1 = affine_map<(d0, d1) -> (0, 0, 0, 0)>
#map2 = affine_map<(d0, d1) -> (0, 0, 0)>
module attributes {stable_mosaic.version = 14 : i64} {
  func.func @_spmm_kernel(%arg0: i32, %arg1: i32, %arg2: memref<10080x128xf32, #tpu.memory_space<hbm>>, %arg3: memref<32x90x2x112xi32, #tpu.memory_space<hbm>>, %arg4: memref<2x10080x128xf32, #tpu.memory_space<hbm>>, %arg5: memref<10080x128xf32, #tpu.memory_space<vmem_shared>>, %arg6: memref<3x2x112xi32, #tpu.memory_space<vmem>>, %arg7: memref<112x128xf32, #tpu.memory_space<vmem>>, %arg8: memref<112x128xf32, #tpu.memory_space<vmem>>, %arg9: memref<112x128xf32, #tpu.memory_space<vmem>>, %arg10: memref<!tpu.dma_semaphore, #tpu.memory_space<semaphore_mem>>, %arg11: memref<!tpu.dma_semaphore, #tpu.memory_space<semaphore_mem>>, %arg12: memref<!tpu.dma_semaphore, #tpu.memory_space<semaphore_mem>>, %arg13: memref<!tpu.dma_semaphore, #tpu.memory_space<semaphore_mem>>, %arg14: memref<!tpu.dma_semaphore, #tpu.memory_space<semaphore_mem>>, %arg15: memref<!tpu.dma_semaphore, #tpu.memory_space<semaphore_mem>>, %arg16: memref<!tpu.dma_semaphore, #tpu.memory_space<semaphore_mem>>, %arg17: memref<!tpu.dma_semaphore, #tpu.memory_space<semaphore_mem>>, %arg18: memref<!tpu.dma_semaphore, #tpu.memory_space<semaphore_mem>>) attributes {dimension_semantics = [#tpu.dimension_semantics<core_parallel>, #tpu.dimension_semantics<subcore_parallel>], iteration_bounds = array<i64: 2, 16>, scalar_prefetch = 0 : i64, scratch_operands = 14 : i64, tpu.core_type = #tpu.core_type<sc_vector_subcore>, window_params = [{transform_indices = #map}, {transform_indices = #map1}, {transform_indices = #map2}]} {
    %mul3A = arith.constant 16 : i32
    %mul3A_0 = arith.muli %arg0, %mul3A : i32
    %add3A = arith.addi %mul3A_0, %arg1 : i32
    %scan3A = arith.constant 0 : i32
    %scan3A_1 = arith.constant 0 : i32
    %scan3A_2 = arith.constant 112 : i32
    %scan3A_3 = arith.addi %scan3A_1, %scan3A_2 : i32
    %scan3A_4 = arith.constant 1 : i32
    scf.for %scan3A_287 = %scan3A_1 to %scan3A_3 step %scan3A_4  : i32 {
      %broadcast_in_dim3A = arith.constant 0.000000e+00 : f32
      %broadcast_in_dim3A_288 = vector.broadcast %broadcast_in_dim3A : f32 to vector<16xf32>
      %swap3A = arith.index_cast %scan3A_287 : i32 to index
      %swap3A_289 = arith.constant 0 : index
      %swap3A_290 = tpu.vector_load %arg7[%swap3A, %swap3A_289] {strides = array<i32>} : memref<112x128xf32, #tpu.memory_space<vmem>>, vector<1x16xf32>,
      %swap3A_291 = vector.shape_cast %swap3A_290 : vector<1x16xf32> to vector<16xf32>
      %swap3A_292 = vector.shape_cast %broadcast_in_dim3A_288 : vector<16xf32> to vector<1x16xf32>
      tpu.vector_store %arg7[%swap3A, %swap3A_289], %swap3A_292 {strides = array<i32>} : memref<112x128xf32, #tpu.memory_space<vmem>>, vector<1x16xf32>,
      %broadcast_in_dim3A_293 = arith.constant 0.000000e+00 : f32
      %broadcast_in_dim3A_294 = vector.broadcast %broadcast_in_dim3A_293 : f32 to vector<16xf32>
      %swap3A_295 = arith.index_cast %scan3A_287 : i32 to index
      %swap3A_296 = arith.constant 16 : index
      %swap3A_297 = tpu.vector_load %arg7[%swap3A_295, %swap3A_296] {strides = array<i32>} : memref<112x128xf32, #tpu.memory_space<vmem>>, vector<1x16xf32>,
      %swap3A_298 = vector.shape_cast %swap3A_297 : vector<1x16xf32> to vector<16xf32>
      %swap3A_299 = vector.shape_cast %broadcast_in_dim3A_294 : vector<16xf32> to vector<1x16xf32>
      tpu.vector_store %arg7[%swap3A_295, %swap3A_296], %swap3A_299 {strides = array<i32>} : memref<112x128xf32, #tpu.memory_space<vmem>>, vector<1x16xf32>,
      %broadcast_in_dim3A_300 = arith.constant 0.000000e+00 : f32
      %broadcast_in_dim3A_301 = vector.broadcast %broadcast_in_dim3A_300 : f32 to vector<16xf32>
      %swap3A_302 = arith.index_cast %scan3A_287 : i32 to index
      %swap3A_303 = arith.constant 32 : index
      %swap3A_304 = tpu.vector_load %arg7[%swap3A_302, %swap3A_303] {strides = array<i32>} : memref<112x128xf32, #tpu.memory_space<vmem>>, vector<1x16xf32>,
      %swap3A_305 = vector.shape_cast %swap3A_304 : vector<1x16xf32> to vector<16xf32>
      %swap3A_306 = vector.shape_cast %broadcast_in_dim3A_301 : vector<16xf32> to vector<1x16xf32>
      tpu.vector_store %arg7[%swap3A_302, %swap3A_303], %swap3A_306 {strides = array<i32>} : memref<112x128xf32, #tpu.memory_space<vmem>>, vector<1x16xf32>,
      %broadcast_in_dim3A_307 = arith.constant 0.000000e+00 : f32
      %broadcast_in_dim3A_308 = vector.broadcast %broadcast_in_dim3A_307 : f32 to vector<16xf32>
      %swap3A_309 = arith.index_cast %scan3A_287 : i32 to index
      %swap3A_310 = arith.constant 48 : index
      %swap3A_311 = tpu.vector_load %arg7[%swap3A_309, %swap3A_310] {strides = array<i32>} : memref<112x128xf32, #tpu.memory_space<vmem>>, vector<1x16xf32>,
      %swap3A_312 = vector.shape_cast %swap3A_311 : vector<1x16xf32> to vector<16xf32>
      %swap3A_313 = vector.shape_cast %broadcast_in_dim3A_308 : vector<16xf32> to vector<1x16xf32>
      tpu.vector_store %arg7[%swap3A_309, %swap3A_310], %swap3A_313 {strides = array<i32>} : memref<112x128xf32, #tpu.memory_space<vmem>>, vector<1x16xf32>,
      %broadcast_in_dim3A_314 = arith.constant 0.000000e+00 : f32
      %broadcast_in_dim3A_315 = vector.broadcast %broadcast_in_dim3A_314 : f32 to vector<16xf32>
      %swap3A_316 = arith.index_cast %scan3A_287 : i32 to index
      %swap3A_317 = arith.constant 64 : index
      %swap3A_318 = tpu.vector_load %arg7[%swap3A_316, %swap3A_317] {strides = array<i32>} : memref<112x128xf32, #tpu.memory_space<vmem>>, vector<1x16xf32>,
      %swap3A_319 = vector.shape_cast %swap3A_318 : vector<1x16xf32> to vector<16xf32>
      %swap3A_320 = vector.shape_cast %broadcast_in_dim3A_315 : vector<16xf32> to vector<1x16xf32>
      tpu.vector_store %arg7[%swap3A_316, %swap3A_317], %swap3A_320 {strides = array<i32>} : memref<112x128xf32, #tpu.memory_space<vmem>>, vector<1x16xf32>,
      %broadcast_in_dim3A_321 = arith.constant 0.000000e+00 : f32
      %broadcast_in_dim3A_322 = vector.broadcast %broadcast_in_dim3A_321 : f32 to vector<16xf32>
      %swap3A_323 = arith.index_cast %scan3A_287 : i32 to index
      %swap3A_324 = arith.constant 80 : index
      %swap3A_325 = tpu.vector_load %arg7[%swap3A_323, %swap3A_324] {strides = array<i32>} : memref<112x128xf32, #tpu.memory_space<vmem>>, vector<1x16xf32>,
      %swap3A_326 = vector.shape_cast %swap3A_325 : vector<1x16xf32> to vector<16xf32>
      %swap3A_327 = vector.shape_cast %broadcast_in_dim3A_322 : vector<16xf32> to vector<1x16xf32>
      tpu.vector_store %arg7[%swap3A_323, %swap3A_324], %swap3A_327 {strides = array<i32>} : memref<112x128xf32, #tpu.memory_space<vmem>>, vector<1x16xf32>,
      %broadcast_in_dim3A_328 = arith.constant 0.000000e+00 : f32
      %broadcast_in_dim3A_329 = vector.broadcast %broadcast_in_dim3A_328 : f32 to vector<16xf32>
      %swap3A_330 = arith.index_cast %scan3A_287 : i32 to index
      %swap3A_331 = arith.constant 96 : index
      %swap3A_332 = tpu.vector_load %arg7[%swap3A_330, %swap3A_331] {strides = array<i32>} : memref<112x128xf32, #tpu.memory_space<vmem>>, vector<1x16xf32>,
      %swap3A_333 = vector.shape_cast %swap3A_332 : vector<1x16xf32> to vector<16xf32>
      %swap3A_334 = vector.shape_cast %broadcast_in_dim3A_329 : vector<16xf32> to vector<1x16xf32>
      tpu.vector_store %arg7[%swap3A_330, %swap3A_331], %swap3A_334 {strides = array<i32>} : memref<112x128xf32, #tpu.memory_space<vmem>>, vector<1x16xf32>,
      %broadcast_in_dim3A_335 = arith.constant 0.000000e+00 : f32
      %broadcast_in_dim3A_336 = vector.broadcast %broadcast_in_dim3A_335 : f32 to vector<16xf32>
      %swap3A_337 = arith.index_cast %scan3A_287 : i32 to index
      %swap3A_338 = arith.constant 112 : index
      %swap3A_339 = tpu.vector_load %arg7[%swap3A_337, %swap3A_338] {strides = array<i32>} : memref<112x128xf32, #tpu.memory_space<vmem>>, vector<1x16xf32>,
      %swap3A_340 = vector.shape_cast %swap3A_339 : vector<1x16xf32> to vector<16xf32>
      %swap3A_341 = vector.shape_cast %broadcast_in_dim3A_336 : vector<16xf32> to vector<1x16xf32>
      tpu.vector_store %arg7[%swap3A_337, %swap3A_338], %swap3A_341 {strides = array<i32>} : memref<112x128xf32, #tpu.memory_space<vmem>>, vector<1x16xf32>,
    }
    %scan3A_5 = arith.constant 112 : i32
    %add3A_6 = arith.constant 0 : i32
    %add3A_7 = arith.addi %arg1, %add3A_6 : i32
    %lt3A = arith.constant 90 : i32
    %lt3A_8 = arith.cmpi slt, %add3A_7, %lt3A : i32
    %convert_element_type3A = arith.extui %lt3A_8 : i1 to i32
    %cond3A = arith.constant 0 : i32
    %cond3A_9 = arith.cmpi ne, %convert_element_type3A, %cond3A : i32
    scf.if %cond3A_9 {
      %mul3A_287 = arith.constant 112 : i32
      %mul3A_288 = arith.muli %add3A_7, %mul3A_287 : i32
      %multiple_of3A = tpu.assume_multiple %mul3A_288, 8 : i32
      "tpu.region"() ({
        %run_scoped3A_289 = tpu.sem_alloc : memref<!tpu.dma_semaphore, #tpu.memory_space<semaphore_mem>>
        %dma_start3A_290 = arith.constant 0 : i32
        %dma_start3A_291 = tpu.memref_slice %arg5[%multiple_of3A, %dma_start3A_290] : memref<10080x128xf32, #tpu.memory_space<vmem_shared>> -> memref<112x128xf32, #tpu.memory_space<vmem_shared>>
        %dma_start3A_292 = arith.constant 0 : i32
        %dma_start3A_293 = tpu.memref_slice %arg5[%multiple_of3A, %dma_start3A_292] : memref<10080x128xf32, #tpu.memory_space<vmem_shared>> -> memref<112x128xf32, #tpu.memory_space<vmem_shared>>
        tpu.enqueue_dma source(%arg7 : memref<112x128xf32, #tpu.memory_space<vmem>>) target(%dma_start3A_293 : memref<112x128xf32, #tpu.memory_space<vmem_shared>>) target_semaphore(%run_scoped3A_289 : memref<!tpu.dma_semaphore, #tpu.memory_space<semaphore_mem>>)
        %dma_wait3A_294 = arith.constant 0 : i32
        %dma_wait3A_295 = tpu.memref_slice %arg5[%multiple_of3A, %dma_wait3A_294] : memref<10080x128xf32, #tpu.memory_space<vmem_shared>> -> memref<112x128xf32, #tpu.memory_space<vmem_shared>>
        %dma_wait3A_296 = arith.constant 0 : i32
        %dma_wait3A_297 = tpu.memref_slice %arg5[%multiple_of3A, %dma_wait3A_296] : memref<10080x128xf32, #tpu.memory_space<vmem_shared>> -> memref<112x128xf32, #tpu.memory_space<vmem_shared>>
        tpu.wait_dma2 semaphore(%run_scoped3A_289 : memref<!tpu.dma_semaphore, #tpu.memory_space<semaphore_mem>>) src(%arg7 : memref<112x128xf32, #tpu.memory_space<vmem>>) dst(%dma_wait3A_297 : memref<112x128xf32, #tpu.memory_space<vmem_shared>>)
        tpu.yield
      }) : () -> ()
    } else {
    }
    %add3A_10 = arith.constant 16 : i32
    %add3A_11 = arith.addi %arg1, %add3A_10 : i32
    %lt3A_12 = arith.constant 90 : i32
    %lt3A_13 = arith.cmpi slt, %add3A_11, %lt3A_12 : i32
    %convert_element_type3A_14 = arith.extui %lt3A_13 : i1 to i32
    %cond3A_15 = arith.constant 0 : i32
    %cond3A_16 = arith.cmpi ne, %convert_element_type3A_14, %cond3A_15 : i32
    scf.if %cond3A_16 {
      %mul3A_287 = arith.constant 112 : i32
      %mul3A_288 = arith.muli %add3A_11, %mul3A_287 : i32
      %multiple_of3A = tpu.assume_multiple %mul3A_288, 8 : i32
      "tpu.region"() ({
        %run_scoped3A_289 = tpu.sem_alloc : memref<!tpu.dma_semaphore, #tpu.memory_space<semaphore_mem>>
        %dma_start3A_290 = arith.constant 0 : i32
        %dma_start3A_291 = tpu.memref_slice %arg5[%multiple_of3A, %dma_start3A_290] : memref<10080x128xf32, #tpu.memory_space<vmem_shared>> -> memref<112x128xf32, #tpu.memory_space<vmem_shared>>
        %dma_start3A_292 = arith.constant 0 : i32
        %dma_start3A_293 = tpu.memref_slice %arg5[%multiple_of3A, %dma_start3A_292] : memref<10080x128xf32, #tpu.memory_space<vmem_shared>> -> memref<112x128xf32, #tpu.memory_space<vmem_shared>>
        tpu.enqueue_dma source(%arg7 : memref<112x128xf32, #tpu.memory_space<vmem>>) target(%dma_start3A_293 : memref<112x128xf32, #tpu.memory_space<vmem_shared>>) target_semaphore(%run_scoped3A_289 : memref<!tpu.dma_semaphore, #tpu.memory_space<semaphore_mem>>)
        %dma_wait3A_294 = arith.constant 0 : i32
        %dma_wait3A_295 = tpu.memref_slice %arg5[%multiple_of3A, %dma_wait3A_294] : memref<10080x128xf32, #tpu.memory_space<vmem_shared>> -> memref<112x128xf32, #tpu.memory_space<vmem_shared>>
        %dma_wait3A_296 = arith.constant 0 : i32
        %dma_wait3A_297 = tpu.memref_slice %arg5[%multiple_of3A, %dma_wait3A_296] : memref<10080x128xf32, #tpu.memory_space<vmem_shared>> -> memref<112x128xf32, #tpu.memory_space<vmem_shared>>
        tpu.wait_dma2 semaphore(%run_scoped3A_289 : memref<!tpu.dma_semaphore, #tpu.memory_space<semaphore_mem>>) src(%arg7 : memref<112x128xf32, #tpu.memory_space<vmem>>) dst(%dma_wait3A_297 : memref<112x128xf32, #tpu.memory_space<vmem_shared>>)
        tpu.yield
      }) : () -> ()
    } else {
    }
    %add3A_17 = arith.constant 32 : i32
    %add3A_18 = arith.addi %arg1, %add3A_17 : i32
    %lt3A_19 = arith.constant 90 : i32
    %lt3A_20 = arith.cmpi slt, %add3A_18, %lt3A_19 : i32
    %convert_element_type3A_21 = arith.extui %lt3A_20 : i1 to i32
    %cond3A_22 = arith.constant 0 : i32
    %cond3A_23 = arith.cmpi ne, %convert_element_type3A_21, %cond3A_22 : i32
    scf.if %cond3A_23 {
      %mul3A_287 = arith.constant 112 : i32
      %mul3A_288 = arith.muli %add3A_18, %mul3A_287 : i32
      %multiple_of3A = tpu.assume_multiple %mul3A_288, 8 : i32
      "tpu.region"() ({
        %run_scoped3A_289 = tpu.sem_alloc : memref<!tpu.dma_semaphore, #tpu.memory_space<semaphore_mem>>
        %dma_start3A_290 = arith.constant 0 : i32
        %dma_start3A_291 = tpu.memref_slice %arg5[%multiple_of3A, %dma_start3A_290] : memref<10080x128xf32, #tpu.memory_space<vmem_shared>> -> memref<112x128xf32, #tpu.memory_space<vmem_shared>>
        %dma_start3A_292 = arith.constant 0 : i32
        %dma_start3A_293 = tpu.memref_slice %arg5[%multiple_of3A, %dma_start3A_292] : memref<10080x128xf32, #tpu.memory_space<vmem_shared>> -> memref<112x128xf32, #tpu.memory_space<vmem_shared>>
        tpu.enqueue_dma source(%arg7 : memref<112x128xf32, #tpu.memory_space<vmem>>) target(%dma_start3A_293 : memref<112x128xf32, #tpu.memory_space<vmem_shared>>) target_semaphore(%run_scoped3A_289 : memref<!tpu.dma_semaphore, #tpu.memory_space<semaphore_mem>>)
        %dma_wait3A_294 = arith.constant 0 : i32
        %dma_wait3A_295 = tpu.memref_slice %arg5[%multiple_of3A, %dma_wait3A_294] : memref<10080x128xf32, #tpu.memory_space<vmem_shared>> -> memref<112x128xf32, #tpu.memory_space<vmem_shared>>
        %dma_wait3A_296 = arith.constant 0 : i32
        %dma_wait3A_297 = tpu.memref_slice %arg5[%multiple_of3A, %dma_wait3A_296] : memref<10080x128xf32, #tpu.memory_space<vmem_shared>> -> memref<112x128xf32, #tpu.memory_space<vmem_shared>>
        tpu.wait_dma2 semaphore(%run_scoped3A_289 : memref<!tpu.dma_semaphore, #tpu.memory_space<semaphore_mem>>) src(%arg7 : memref<112x128xf32, #tpu.memory_space<vmem>>) dst(%dma_wait3A_297 : memref<112x128xf32, #tpu.memory_space<vmem_shared>>)
        tpu.yield
      }) : () -> ()
    } else {
    }
    %add3A_24 = arith.constant 48 : i32
    %add3A_25 = arith.addi %arg1, %add3A_24 : i32
    %lt3A_26 = arith.constant 90 : i32
    %lt3A_27 = arith.cmpi slt, %add3A_25, %lt3A_26 : i32
    %convert_element_type3A_28 = arith.extui %lt3A_27 : i1 to i32
    %cond3A_29 = arith.constant 0 : i32
    %cond3A_30 = arith.cmpi ne, %convert_element_type3A_28, %cond3A_29 : i32
    scf.if %cond3A_30 {
      %mul3A_287 = arith.constant 112 : i32
      %mul3A_288 = arith.muli %add3A_25, %mul3A_287 : i32
      %multiple_of3A = tpu.assume_multiple %mul3A_288, 8 : i32
      "tpu.region"() ({
        %run_scoped3A_289 = tpu.sem_alloc : memref<!tpu.dma_semaphore, #tpu.memory_space<semaphore_mem>>
        %dma_start3A_290 = arith.constant 0 : i32
        %dma_start3A_291 = tpu.memref_slice %arg5[%multiple_of3A, %dma_start3A_290] : memref<10080x128xf32, #tpu.memory_space<vmem_shared>> -> memref<112x128xf32, #tpu.memory_space<vmem_shared>>
        %dma_start3A_292 = arith.constant 0 : i32
        %dma_start3A_293 = tpu.memref_slice %arg5[%multiple_of3A, %dma_start3A_292] : memref<10080x128xf32, #tpu.memory_space<vmem_shared>> -> memref<112x128xf32, #tpu.memory_space<vmem_shared>>
        tpu.enqueue_dma source(%arg7 : memref<112x128xf32, #tpu.memory_space<vmem>>) target(%dma_start3A_293 : memref<112x128xf32, #tpu.memory_space<vmem_shared>>) target_semaphore(%run_scoped3A_289 : memref<!tpu.dma_semaphore, #tpu.memory_space<semaphore_mem>>)
        %dma_wait3A_294 = arith.constant 0 : i32
        %dma_wait3A_295 = tpu.memref_slice %arg5[%multiple_of3A, %dma_wait3A_294] : memref<10080x128xf32, #tpu.memory_space<vmem_shared>> -> memref<112x128xf32, #tpu.memory_space<vmem_shared>>
        %dma_wait3A_296 = arith.constant 0 : i32
        %dma_wait3A_297 = tpu.memref_slice %arg5[%multiple_of3A, %dma_wait3A_296] : memref<10080x128xf32, #tpu.memory_space<vmem_shared>> -> memref<112x128xf32, #tpu.memory_space<vmem_shared>>
        tpu.wait_dma2 semaphore(%run_scoped3A_289 : memref<!tpu.dma_semaphore, #tpu.memory_space<semaphore_mem>>) src(%arg7 : memref<112x128xf32, #tpu.memory_space<vmem>>) dst(%dma_wait3A_297 : memref<112x128xf32, #tpu.memory_space<vmem_shared>>)
        tpu.yield
      }) : () -> ()
    } else {
    }
    %add3A_31 = arith.constant 64 : i32
    %add3A_32 = arith.addi %arg1, %add3A_31 : i32
    %lt3A_33 = arith.constant 90 : i32
    %lt3A_34 = arith.cmpi slt, %add3A_32, %lt3A_33 : i32
    %convert_element_type3A_35 = arith.extui %lt3A_34 : i1 to i32
    %cond3A_36 = arith.constant 0 : i32
    %cond3A_37 = arith.cmpi ne, %convert_element_type3A_35, %cond3A_36 : i32
    scf.if %cond3A_37 {
      %mul3A_287 = arith.constant 112 : i32
      %mul3A_288 = arith.muli %add3A_32, %mul3A_287 : i32
      %multiple_of3A = tpu.assume_multiple %mul3A_288, 8 : i32
      "tpu.region"() ({
        %run_scoped3A_289 = tpu.sem_alloc : memref<!tpu.dma_semaphore, #tpu.memory_space<semaphore_mem>>
        %dma_start3A_290 = arith.constant 0 : i32
        %dma_start3A_291 = tpu.memref_slice %arg5[%multiple_of3A, %dma_start3A_290] : memref<10080x128xf32, #tpu.memory_space<vmem_shared>> -> memref<112x128xf32, #tpu.memory_space<vmem_shared>>
        %dma_start3A_292 = arith.constant 0 : i32
        %dma_start3A_293 = tpu.memref_slice %arg5[%multiple_of3A, %dma_start3A_292] : memref<10080x128xf32, #tpu.memory_space<vmem_shared>> -> memref<112x128xf32, #tpu.memory_space<vmem_shared>>
        tpu.enqueue_dma source(%arg7 : memref<112x128xf32, #tpu.memory_space<vmem>>) target(%dma_start3A_293 : memref<112x128xf32, #tpu.memory_space<vmem_shared>>) target_semaphore(%run_scoped3A_289 : memref<!tpu.dma_semaphore, #tpu.memory_space<semaphore_mem>>)
        %dma_wait3A_294 = arith.constant 0 : i32
        %dma_wait3A_295 = tpu.memref_slice %arg5[%multiple_of3A, %dma_wait3A_294] : memref<10080x128xf32, #tpu.memory_space<vmem_shared>> -> memref<112x128xf32, #tpu.memory_space<vmem_shared>>
        %dma_wait3A_296 = arith.constant 0 : i32
        %dma_wait3A_297 = tpu.memref_slice %arg5[%multiple_of3A, %dma_wait3A_296] : memref<10080x128xf32, #tpu.memory_space<vmem_shared>> -> memref<112x128xf32, #tpu.memory_space<vmem_shared>>
        tpu.wait_dma2 semaphore(%run_scoped3A_289 : memref<!tpu.dma_semaphore, #tpu.memory_space<semaphore_mem>>) src(%arg7 : memref<112x128xf32, #tpu.memory_space<vmem>>) dst(%dma_wait3A_297 : memref<112x128xf32, #tpu.memory_space<vmem_shared>>)
        tpu.yield
      }) : () -> ()
    } else {
    }
    %add3A_38 = arith.constant 80 : i32
    %add3A_39 = arith.addi %arg1, %add3A_38 : i32
    %lt3A_40 = arith.constant 90 : i32
    %lt3A_41 = arith.cmpi slt, %add3A_39, %lt3A_40 : i32
    %convert_element_type3A_42 = arith.extui %lt3A_41 : i1 to i32
    %cond3A_43 = arith.constant 0 : i32
    %cond3A_44 = arith.cmpi ne, %convert_element_type3A_42, %cond3A_43 : i32
    scf.if %cond3A_44 {
      %mul3A_287 = arith.constant 112 : i32
      %mul3A_288 = arith.muli %add3A_39, %mul3A_287 : i32
      %multiple_of3A = tpu.assume_multiple %mul3A_288, 8 : i32
      "tpu.region"() ({
        %run_scoped3A_289 = tpu.sem_alloc : memref<!tpu.dma_semaphore, #tpu.memory_space<semaphore_mem>>
        %dma_start3A_290 = arith.constant 0 : i32
        %dma_start3A_291 = tpu.memref_slice %arg5[%multiple_of3A, %dma_start3A_290] : memref<10080x128xf32, #tpu.memory_space<vmem_shared>> -> memref<112x128xf32, #tpu.memory_space<vmem_shared>>
        %dma_start3A_292 = arith.constant 0 : i32
        %dma_start3A_293 = tpu.memref_slice %arg5[%multiple_of3A, %dma_start3A_292] : memref<10080x128xf32, #tpu.memory_space<vmem_shared>> -> memref<112x128xf32, #tpu.memory_space<vmem_shared>>
        tpu.enqueue_dma source(%arg7 : memref<112x128xf32, #tpu.memory_space<vmem>>) target(%dma_start3A_293 : memref<112x128xf32, #tpu.memory_space<vmem_shared>>) target_semaphore(%run_scoped3A_289 : memref<!tpu.dma_semaphore, #tpu.memory_space<semaphore_mem>>)
        %dma_wait3A_294 = arith.constant 0 : i32
        %dma_wait3A_295 = tpu.memref_slice %arg5[%multiple_of3A, %dma_wait3A_294] : memref<10080x128xf32, #tpu.memory_space<vmem_shared>> -> memref<112x128xf32, #tpu.memory_space<vmem_shared>>
        %dma_wait3A_296 = arith.constant 0 : i32
        %dma_wait3A_297 = tpu.memref_slice %arg5[%multiple_of3A, %dma_wait3A_296] : memref<10080x128xf32, #tpu.memory_space<vmem_shared>> -> memref<112x128xf32, #tpu.memory_space<vmem_shared>>
        tpu.wait_dma2 semaphore(%run_scoped3A_289 : memref<!tpu.dma_semaphore, #tpu.memory_space<semaphore_mem>>) src(%arg7 : memref<112x128xf32, #tpu.memory_space<vmem>>) dst(%dma_wait3A_297 : memref<112x128xf32, #tpu.memory_space<vmem_shared>>)
        tpu.yield
      }) : () -> ()
    } else {
    }
    %barrier3A = arith.constant 0 : index
    tpu.barrier barrier_id(%barrier3A)
    %run_scoped3A = arith.constant 0 : i32
    %run_scoped3A_45 = arith.constant 0 : i32
    "tpu.region"() ({
      %run_scoped3A_287 = tpu.sem_alloc : memref<!tpu.dma_semaphore, #tpu.memory_space<semaphore_mem>>
      %dma_start3A_288 = arith.constant 0 : i32
      %dma_start3A_289 = arith.constant 0 : i32
      %dma_start3A_290 = tpu.memref_slice %arg6[%run_scoped3A_45, %dma_start3A_288, %dma_start3A_289] : memref<3x2x112xi32, #tpu.memory_space<vmem>> -> memref<1x2x112xi32, #tpu.memory_space<vmem>>
      %dma_start3A_291 = tpu.memref_squeeze %dma_start3A_290 : memref<1x2x112xi32, #tpu.memory_space<vmem>> -> memref<2x112xi32, #tpu.memory_space<vmem>>
      %dma_start3A_292 = arith.constant 0 : i32
      %dma_start3A_293 = arith.constant 0 : i32
      %dma_start3A_294 = tpu.memref_slice %arg3[%add3A, %run_scoped3A, %dma_start3A_292, %dma_start3A_293] : memref<32x90x2x112xi32, #tpu.memory_space<hbm>> -> memref<1x1x2x112xi32, #tpu.memory_space<hbm>>
      %dma_start3A_295 = tpu.memref_squeeze %dma_start3A_294 : memref<1x1x2x112xi32, #tpu.memory_space<hbm>> -> memref<2x112xi32, #tpu.memory_space<hbm>>
      %dma_start3A_296 = arith.constant 0 : i32
      %dma_start3A_297 = arith.constant 0 : i32
      %dma_start3A_298 = tpu.memref_slice %arg6[%run_scoped3A_45, %dma_start3A_296, %dma_start3A_297] : memref<3x2x112xi32, #tpu.memory_space<vmem>> -> memref<1x2x112xi32, #tpu.memory_space<vmem>>
      %dma_start3A_299 = tpu.memref_squeeze %dma_start3A_298 : memref<1x2x112xi32, #tpu.memory_space<vmem>> -> memref<2x112xi32, #tpu.memory_space<vmem>>
      %dma_start3A_300 = arith.constant 0 : i32
      %dma_start3A_301 = arith.constant 0 : i32
      %dma_start3A_302 = tpu.memref_slice %arg3[%add3A, %run_scoped3A, %dma_start3A_300, %dma_start3A_301] : memref<32x90x2x112xi32, #tpu.memory_space<hbm>> -> memref<1x1x2x112xi32, #tpu.memory_space<hbm>>
      %dma_start3A_303 = tpu.memref_squeeze %dma_start3A_302 : memref<1x1x2x112xi32, #tpu.memory_space<hbm>> -> memref<2x112xi32, #tpu.memory_space<hbm>>
      tpu.enqueue_dma source(%dma_start3A_303 : memref<2x112xi32, #tpu.memory_space<hbm>>) target(%dma_start3A_299 : memref<2x112xi32, #tpu.memory_space<vmem>>) target_semaphore(%run_scoped3A_287 : memref<!tpu.dma_semaphore, #tpu.memory_space<semaphore_mem>>)
      %dma_wait3A_304 = arith.constant 0 : i32
      %dma_wait3A_305 = arith.constant 0 : i32
      %dma_wait3A_306 = tpu.memref_slice %arg6[%run_scoped3A_45, %dma_wait3A_304, %dma_wait3A_305] : memref<3x2x112xi32, #tpu.memory_space<vmem>> -> memref<1x2x112xi32, #tpu.memory_space<vmem>>
      %dma_wait3A_307 = tpu.memref_squeeze %dma_wait3A_306 : memref<1x2x112xi32, #tpu.memory_space<vmem>> -> memref<2x112xi32, #tpu.memory_space<vmem>>
      %dma_wait3A_308 = arith.constant 0 : i32
      %dma_wait3A_309 = arith.constant 0 : i32
      %dma_wait3A_310 = tpu.memref_slice %arg3[%add3A, %run_scoped3A, %dma_wait3A_308, %dma_wait3A_309] : memref<32x90x2x112xi32, #tpu.memory_space<hbm>> -> memref<1x1x2x112xi32, #tpu.memory_space<hbm>>
      %dma_wait3A_311 = tpu.memref_squeeze %dma_wait3A_310 : memref<1x1x2x112xi32, #tpu.memory_space<hbm>> -> memref<2x112xi32, #tpu.memory_space<hbm>>
      %dma_wait3A_312 = arith.constant 0 : i32
      %dma_wait3A_313 = arith.constant 0 : i32
      %dma_wait3A_314 = tpu.memref_slice %arg6[%run_scoped3A_45, %dma_wait3A_312, %dma_wait3A_313] : memref<3x2x112xi32, #tpu.memory_space<vmem>> -> memref<1x2x112xi32, #tpu.memory_space<vmem>>
      %dma_wait3A_315 = tpu.memref_squeeze %dma_wait3A_314 : memref<1x2x112xi32, #tpu.memory_space<vmem>> -> memref<2x112xi32, #tpu.memory_space<vmem>>
      %dma_wait3A_316 = arith.constant 0 : i32
      %dma_wait3A_317 = arith.constant 0 : i32
      %dma_wait3A_318 = tpu.memref_slice %arg3[%add3A, %run_scoped3A, %dma_wait3A_316, %dma_wait3A_317] : memref<32x90x2x112xi32, #tpu.memory_space<hbm>> -> memref<1x1x2x112xi32, #tpu.memory_space<hbm>>
      %dma_wait3A_319 = tpu.memref_squeeze %dma_wait3A_318 : memref<1x1x2x112xi32, #tpu.memory_space<hbm>> -> memref<2x112xi32, #tpu.memory_space<hbm>>
      tpu.wait_dma2 semaphore(%run_scoped3A_287 : memref<!tpu.dma_semaphore, #tpu.memory_space<semaphore_mem>>) src(%dma_wait3A_319 : memref<2x112xi32, #tpu.memory_space<hbm>>) dst(%dma_wait3A_315 : memref<2x112xi32, #tpu.memory_space<vmem>>)
      tpu.yield
    }) : () -> ()
    %dma_start3A = arith.constant 0 : i32
    %dma_start3A_46 = arith.constant 0 : i32
    %dma_start3A_47 = arith.constant 0 : i32
    %dma_start3A_48 = tpu.memref_slice %arg6[%dma_start3A, %dma_start3A_46, %dma_start3A_47] : memref<3x2x112xi32, #tpu.memory_space<vmem>> -> memref<1x1x112xi32, #tpu.memory_space<vmem>>
    %dma_start3A_49 = tpu.memref_squeeze %dma_start3A_48 : memref<1x1x112xi32, #tpu.memory_space<vmem>> -> memref<112xi32, #tpu.memory_space<vmem>>
    %dma_start3A_50 = arith.constant 0 : i32
    %dma_start3A_51 = arith.constant 0 : i32
    %dma_start3A_52 = tpu.memref_slice %arg2[%dma_start3A_50, %dma_start3A_51] : memref<10080x128xf32, #tpu.memory_space<hbm>> -> memref<10080x128xf32, #tpu.memory_space<hbm>>
    tpu.enqueue_indirect_dma source(%dma_start3A_52 : memref<10080x128xf32, #tpu.memory_space<hbm>>) target(%arg7 : memref<112x128xf32, #tpu.memory_space<vmem>>) offsets(%dma_start3A_49 : memref<112xi32, #tpu.memory_space<vmem>>) semaphore(%arg13 : memref<!tpu.dma_semaphore, #tpu.memory_space<semaphore_mem>>)
    %dma_start3A_53 = arith.constant 1 : i32
    %dma_start3A_54 = arith.constant 1 : i32
    %dma_start3A_55 = arith.constant 0 : i32
    %dma_start3A_56 = arith.constant 0 : i32
    %dma_start3A_57 = tpu.memref_slice %arg6[%dma_start3A_54, %dma_start3A_55, %dma_start3A_56] : memref<3x2x112xi32, #tpu.memory_space<vmem>> -> memref<1x2x112xi32, #tpu.memory_space<vmem>>
    %dma_start3A_58 = tpu.memref_squeeze %dma_start3A_57 : memref<1x2x112xi32, #tpu.memory_space<vmem>> -> memref<2x112xi32, #tpu.memory_space<vmem>>
    %dma_start3A_59 = arith.constant 0 : i32
    %dma_start3A_60 = arith.constant 0 : i32
    %dma_start3A_61 = tpu.memref_slice %arg3[%add3A, %dma_start3A_53, %dma_start3A_59, %dma_start3A_60] : memref<32x90x2x112xi32, #tpu.memory_space<hbm>> -> memref<1x1x2x112xi32, #tpu.memory_space<hbm>>
    %dma_start3A_62 = tpu.memref_squeeze %dma_start3A_61 : memref<1x1x2x112xi32, #tpu.memory_space<hbm>> -> memref<2x112xi32, #tpu.memory_space<hbm>>
    %dma_start3A_63 = arith.constant 0 : i32
    %dma_start3A_64 = arith.constant 0 : i32
    %dma_start3A_65 = tpu.memref_slice %arg6[%dma_start3A_54, %dma_start3A_63, %dma_start3A_64] : memref<3x2x112xi32, #tpu.memory_space<vmem>> -> memref<1x2x112xi32, #tpu.memory_space<vmem>>
    %dma_start3A_66 = tpu.memref_squeeze %dma_start3A_65 : memref<1x2x112xi32, #tpu.memory_space<vmem>> -> memref<2x112xi32, #tpu.memory_space<vmem>>
    %dma_start3A_67 = arith.constant 0 : i32
    %dma_start3A_68 = arith.constant 0 : i32
    %dma_start3A_69 = tpu.memref_slice %arg3[%add3A, %dma_start3A_53, %dma_start3A_67, %dma_start3A_68] : memref<32x90x2x112xi32, #tpu.memory_space<hbm>> -> memref<1x1x2x112xi32, #tpu.memory_space<hbm>>
    %dma_start3A_70 = tpu.memref_squeeze %dma_start3A_69 : memref<1x1x2x112xi32, #tpu.memory_space<hbm>> -> memref<2x112xi32, #tpu.memory_space<hbm>>
    tpu.enqueue_dma source(%dma_start3A_70 : memref<2x112xi32, #tpu.memory_space<hbm>>) target(%dma_start3A_66 : memref<2x112xi32, #tpu.memory_space<vmem>>) target_semaphore(%arg11 : memref<!tpu.dma_semaphore, #tpu.memory_space<semaphore_mem>>)
    %dma_wait3A = arith.constant 1 : i32
    %dma_wait3A_71 = arith.constant 1 : i32
    %dma_wait3A_72 = arith.constant 0 : i32
    %dma_wait3A_73 = arith.constant 0 : i32
    %dma_wait3A_74 = tpu.memref_slice %arg6[%dma_wait3A_71, %dma_wait3A_72, %dma_wait3A_73] : memref<3x2x112xi32, #tpu.memory_space<vmem>> -> memref<1x2x112xi32, #tpu.memory_space<vmem>>
    %dma_wait3A_75 = tpu.memref_squeeze %dma_wait3A_74 : memref<1x2x112xi32, #tpu.memory_space<vmem>> -> memref<2x112xi32, #tpu.memory_space<vmem>>
    %dma_wait3A_76 = arith.constant 0 : i32
    %dma_wait3A_77 = arith.constant 0 : i32
    %dma_wait3A_78 = tpu.memref_slice %arg3[%add3A, %dma_wait3A, %dma_wait3A_76, %dma_wait3A_77] : memref<32x90x2x112xi32, #tpu.memory_space<hbm>> -> memref<1x1x2x112xi32, #tpu.memory_space<hbm>>
    %dma_wait3A_79 = tpu.memref_squeeze %dma_wait3A_78 : memref<1x1x2x112xi32, #tpu.memory_space<hbm>> -> memref<2x112xi32, #tpu.memory_space<hbm>>
    %dma_wait3A_80 = arith.constant 0 : i32
    %dma_wait3A_81 = arith.constant 0 : i32
    %dma_wait3A_82 = tpu.memref_slice %arg6[%dma_wait3A_71, %dma_wait3A_80, %dma_wait3A_81] : memref<3x2x112xi32, #tpu.memory_space<vmem>> -> memref<1x2x112xi32, #tpu.memory_space<vmem>>
    %dma_wait3A_83 = tpu.memref_squeeze %dma_wait3A_82 : memref<1x2x112xi32, #tpu.memory_space<vmem>> -> memref<2x112xi32, #tpu.memory_space<vmem>>
    %dma_wait3A_84 = arith.constant 0 : i32
    %dma_wait3A_85 = arith.constant 0 : i32
    %dma_wait3A_86 = tpu.memref_slice %arg3[%add3A, %dma_wait3A, %dma_wait3A_84, %dma_wait3A_85] : memref<32x90x2x112xi32, #tpu.memory_space<hbm>> -> memref<1x1x2x112xi32, #tpu.memory_space<hbm>>
    %dma_wait3A_87 = tpu.memref_squeeze %dma_wait3A_86 : memref<1x1x2x112xi32, #tpu.memory_space<hbm>> -> memref<2x112xi32, #tpu.memory_space<hbm>>
    tpu.wait_dma2 semaphore(%arg11 : memref<!tpu.dma_semaphore, #tpu.memory_space<semaphore_mem>>) src(%dma_wait3A_87 : memref<2x112xi32, #tpu.memory_space<hbm>>) dst(%dma_wait3A_83 : memref<2x112xi32, #tpu.memory_space<vmem>>)
    %dma_start3A_88 = arith.constant 1 : i32
    %dma_start3A_89 = arith.constant 0 : i32
    %dma_start3A_90 = arith.constant 0 : i32
    %dma_start3A_91 = tpu.memref_slice %arg6[%dma_start3A_88, %dma_start3A_89, %dma_start3A_90] : memref<3x2x112xi32, #tpu.memory_space<vmem>> -> memref<1x1x112xi32, #tpu.memory_space<vmem>>
    %dma_start3A_92 = tpu.memref_squeeze %dma_start3A_91 : memref<1x1x112xi32, #tpu.memory_space<vmem>> -> memref<112xi32, #tpu.memory_space<vmem>>
    %dma_start3A_93 = arith.constant 0 : i32
    %dma_start3A_94 = arith.constant 0 : i32
    %dma_start3A_95 = tpu.memref_slice %arg2[%dma_start3A_93, %dma_start3A_94] : memref<10080x128xf32, #tpu.memory_space<hbm>> -> memref<10080x128xf32, #tpu.memory_space<hbm>>
    tpu.enqueue_indirect_dma source(%dma_start3A_95 : memref<10080x128xf32, #tpu.memory_space<hbm>>) target(%arg8 : memref<112x128xf32, #tpu.memory_space<vmem>>) offsets(%dma_start3A_92 : memref<112xi32, #tpu.memory_space<vmem>>) semaphore(%arg14 : memref<!tpu.dma_semaphore, #tpu.memory_space<semaphore_mem>>)
    %dma_start3A_96 = arith.constant 2 : i32
    %dma_start3A_97 = arith.constant 2 : i32
    %dma_start3A_98 = arith.constant 0 : i32
    %dma_start3A_99 = arith.constant 0 : i32
    %dma_start3A_100 = tpu.memref_slice %arg6[%dma_start3A_97, %dma_start3A_98, %dma_start3A_99] : memref<3x2x112xi32, #tpu.memory_space<vmem>> -> memref<1x2x112xi32, #tpu.memory_space<vmem>>
    %dma_start3A_101 = tpu.memref_squeeze %dma_start3A_100 : memref<1x2x112xi32, #tpu.memory_space<vmem>> -> memref<2x112xi32, #tpu.memory_space<vmem>>
    %dma_start3A_102 = arith.constant 0 : i32
    %dma_start3A_103 = arith.constant 0 : i32
    %dma_start3A_104 = tpu.memref_slice %arg3[%add3A, %dma_start3A_96, %dma_start3A_102, %dma_start3A_103] : memref<32x90x2x112xi32, #tpu.memory_space<hbm>> -> memref<1x1x2x112xi32, #tpu.memory_space<hbm>>
    %dma_start3A_105 = tpu.memref_squeeze %dma_start3A_104 : memref<1x1x2x112xi32, #tpu.memory_space<hbm>> -> memref<2x112xi32, #tpu.memory_space<hbm>>
    %dma_start3A_106 = arith.constant 0 : i32
    %dma_start3A_107 = arith.constant 0 : i32
    %dma_start3A_108 = tpu.memref_slice %arg6[%dma_start3A_97, %dma_start3A_106, %dma_start3A_107] : memref<3x2x112xi32, #tpu.memory_space<vmem>> -> memref<1x2x112xi32, #tpu.memory_space<vmem>>
    %dma_start3A_109 = tpu.memref_squeeze %dma_start3A_108 : memref<1x2x112xi32, #tpu.memory_space<vmem>> -> memref<2x112xi32, #tpu.memory_space<vmem>>
    %dma_start3A_110 = arith.constant 0 : i32
    %dma_start3A_111 = arith.constant 0 : i32
    %dma_start3A_112 = tpu.memref_slice %arg3[%add3A, %dma_start3A_96, %dma_start3A_110, %dma_start3A_111] : memref<32x90x2x112xi32, #tpu.memory_space<hbm>> -> memref<1x1x2x112xi32, #tpu.memory_space<hbm>>
    %dma_start3A_113 = tpu.memref_squeeze %dma_start3A_112 : memref<1x1x2x112xi32, #tpu.memory_space<hbm>> -> memref<2x112xi32, #tpu.memory_space<hbm>>
    tpu.enqueue_dma source(%dma_start3A_113 : memref<2x112xi32, #tpu.memory_space<hbm>>) target(%dma_start3A_109 : memref<2x112xi32, #tpu.memory_space<vmem>>) target_semaphore(%arg12 : memref<!tpu.dma_semaphore, #tpu.memory_space<semaphore_mem>>)
    %dma_wait3A_114 = arith.constant 0 : i32
    %dma_wait3A_115 = arith.constant 0 : i32
    %dma_wait3A_116 = arith.constant 0 : i32
    %dma_wait3A_117 = tpu.memref_slice %arg6[%dma_wait3A_114, %dma_wait3A_115, %dma_wait3A_116] : memref<3x2x112xi32, #tpu.memory_space<vmem>> -> memref<1x1x112xi32, #tpu.memory_space<vmem>>
    %dma_wait3A_118 = tpu.memref_squeeze %dma_wait3A_117 : memref<1x1x112xi32, #tpu.memory_space<vmem>> -> memref<112xi32, #tpu.memory_space<vmem>>
    %dma_wait3A_119 = arith.constant 0 : i32
    %dma_wait3A_120 = arith.constant 0 : i32
    %dma_wait3A_121 = tpu.memref_slice %arg2[%dma_wait3A_119, %dma_wait3A_120] : memref<10080x128xf32, #tpu.memory_space<hbm>> -> memref<10080x128xf32, #tpu.memory_space<hbm>>
    tpu.wait_indirect_dma semaphore(%arg13 : memref<!tpu.dma_semaphore, #tpu.memory_space<semaphore_mem>>) src(%dma_wait3A_121 : memref<10080x128xf32, #tpu.memory_space<hbm>>) dst(%arg7 : memref<112x128xf32, #tpu.memory_space<vmem>>)
    %dma_start3A_122 = arith.constant 0 : i32
    %dma_start3A_123 = arith.constant 1 : i32
    %dma_start3A_124 = arith.constant 0 : i32
    %dma_start3A_125 = tpu.memref_slice %arg6[%dma_start3A_122, %dma_start3A_123, %dma_start3A_124] : memref<3x2x112xi32, #tpu.memory_space<vmem>> -> memref<1x1x112xi32, #tpu.memory_space<vmem>>
    %dma_start3A_126 = tpu.memref_squeeze %dma_start3A_125 : memref<1x1x112xi32, #tpu.memory_space<vmem>> -> memref<112xi32, #tpu.memory_space<vmem>>
    %dma_start3A_127 = arith.constant 0 : i32
    %dma_start3A_128 = arith.constant 0 : i32
    %dma_start3A_129 = tpu.memref_slice %arg5[%dma_start3A_127, %dma_start3A_128] : memref<10080x128xf32, #tpu.memory_space<vmem_shared>> -> memref<10080x128xf32, #tpu.memory_space<vmem_shared>>
    tpu.enqueue_indirect_dma source(%arg7 : memref<112x128xf32, #tpu.memory_space<vmem>>) target(%dma_start3A_129 : memref<10080x128xf32, #tpu.memory_space<vmem_shared>>) offsets(%dma_start3A_126 : memref<112xi32, #tpu.memory_space<vmem>>) semaphore(%arg16 : memref<!tpu.dma_semaphore, #tpu.memory_space<semaphore_mem>>) {add = true}
    %dma_wait3A_130 = arith.constant 2 : i32
    %dma_wait3A_131 = arith.constant 2 : i32
    %dma_wait3A_132 = arith.constant 0 : i32
    %dma_wait3A_133 = arith.constant 0 : i32
    %dma_wait3A_134 = tpu.memref_slice %arg6[%dma_wait3A_131, %dma_wait3A_132, %dma_wait3A_133] : memref<3x2x112xi32, #tpu.memory_space<vmem>> -> memref<1x2x112xi32, #tpu.memory_space<vmem>>
    %dma_wait3A_135 = tpu.memref_squeeze %dma_wait3A_134 : memref<1x2x112xi32, #tpu.memory_space<vmem>> -> memref<2x112xi32, #tpu.memory_space<vmem>>
    %dma_wait3A_136 = arith.constant 0 : i32
    %dma_wait3A_137 = arith.constant 0 : i32
    %dma_wait3A_138 = tpu.memref_slice %arg3[%add3A, %dma_wait3A_130, %dma_wait3A_136, %dma_wait3A_137] : memref<32x90x2x112xi32, #tpu.memory_space<hbm>> -> memref<1x1x2x112xi32, #tpu.memory_space<hbm>>
    %dma_wait3A_139 = tpu.memref_squeeze %dma_wait3A_138 : memref<1x1x2x112xi32, #tpu.memory_space<hbm>> -> memref<2x112xi32, #tpu.memory_space<hbm>>
    %dma_wait3A_140 = arith.constant 0 : i32
    %dma_wait3A_141 = arith.constant 0 : i32
    %dma_wait3A_142 = tpu.memref_slice %arg6[%dma_wait3A_131, %dma_wait3A_140, %dma_wait3A_141] : memref<3x2x112xi32, #tpu.memory_space<vmem>> -> memref<1x2x112xi32, #tpu.memory_space<vmem>>
    %dma_wait3A_143 = tpu.memref_squeeze %dma_wait3A_142 : memref<1x2x112xi32, #tpu.memory_space<vmem>> -> memref<2x112xi32, #tpu.memory_space<vmem>>
    %dma_wait3A_144 = arith.constant 0 : i32
    %dma_wait3A_145 = arith.constant 0 : i32
    %dma_wait3A_146 = tpu.memref_slice %arg3[%add3A, %dma_wait3A_130, %dma_wait3A_144, %dma_wait3A_145] : memref<32x90x2x112xi32, #tpu.memory_space<hbm>> -> memref<1x1x2x112xi32, #tpu.memory_space<hbm>>
    %dma_wait3A_147 = tpu.memref_squeeze %dma_wait3A_146 : memref<1x1x2x112xi32, #tpu.memory_space<hbm>> -> memref<2x112xi32, #tpu.memory_space<hbm>>
    tpu.wait_dma2 semaphore(%arg12 : memref<!tpu.dma_semaphore, #tpu.memory_space<semaphore_mem>>) src(%dma_wait3A_147 : memref<2x112xi32, #tpu.memory_space<hbm>>) dst(%dma_wait3A_143 : memref<2x112xi32, #tpu.memory_space<vmem>>)
    %dma_start3A_148 = arith.constant 2 : i32
    %dma_start3A_149 = arith.constant 0 : i32
    %dma_start3A_150 = arith.constant 0 : i32
    %dma_start3A_151 = tpu.memref_slice %arg6[%dma_start3A_148, %dma_start3A_149, %dma_start3A_150] : memref<3x2x112xi32, #tpu.memory_space<vmem>> -> memref<1x1x112xi32, #tpu.memory_space<vmem>>
    %dma_start3A_152 = tpu.memref_squeeze %dma_start3A_151 : memref<1x1x112xi32, #tpu.memory_space<vmem>> -> memref<112xi32, #tpu.memory_space<vmem>>
    %dma_start3A_153 = arith.constant 0 : i32
    %dma_start3A_154 = arith.constant 0 : i32
    %dma_start3A_155 = tpu.memref_slice %arg2[%dma_start3A_153, %dma_start3A_154] : memref<10080x128xf32, #tpu.memory_space<hbm>> -> memref<10080x128xf32, #tpu.memory_space<hbm>>
    tpu.enqueue_indirect_dma source(%dma_start3A_155 : memref<10080x128xf32, #tpu.memory_space<hbm>>) target(%arg9 : memref<112x128xf32, #tpu.memory_space<vmem>>) offsets(%dma_start3A_152 : memref<112xi32, #tpu.memory_space<vmem>>) semaphore(%arg15 : memref<!tpu.dma_semaphore, #tpu.memory_space<semaphore_mem>>)
    %dma_wait3A_156 = arith.constant 0 : i32
    %dma_wait3A_157 = arith.constant 1 : i32
    %dma_wait3A_158 = arith.constant 0 : i32
    %dma_wait3A_159 = tpu.memref_slice %arg6[%dma_wait3A_156, %dma_wait3A_157, %dma_wait3A_158] : memref<3x2x112xi32, #tpu.memory_space<vmem>> -> memref<1x1x112xi32, #tpu.memory_space<vmem>>
    %dma_wait3A_160 = tpu.memref_squeeze %dma_wait3A_159 : memref<1x1x112xi32, #tpu.memory_space<vmem>> -> memref<112xi32, #tpu.memory_space<vmem>>
    %dma_wait3A_161 = arith.constant 0 : i32
    %dma_wait3A_162 = arith.constant 0 : i32
    %dma_wait3A_163 = tpu.memref_slice %arg5[%dma_wait3A_161, %dma_wait3A_162] : memref<10080x128xf32, #tpu.memory_space<vmem_shared>> -> memref<10080x128xf32, #tpu.memory_space<vmem_shared>>
    tpu.wait_indirect_dma semaphore(%arg16 : memref<!tpu.dma_semaphore, #tpu.memory_space<semaphore_mem>>) src(%arg7 : memref<112x128xf32, #tpu.memory_space<vmem>>) dst(%dma_wait3A_163 : memref<10080x128xf32, #tpu.memory_space<vmem_shared>>)
    %dma_start3A_164 = arith.constant 3 : i32
    %dma_start3A_165 = arith.constant 0 : i32
    %dma_start3A_166 = arith.constant 0 : i32
    %dma_start3A_167 = arith.constant 0 : i32
    %dma_start3A_168 = tpu.memref_slice %arg6[%dma_start3A_165, %dma_start3A_166, %dma_start3A_167] : memref<3x2x112xi32, #tpu.memory_space<vmem>> -> memref<1x2x112xi32, #tpu.memory_space<vmem>>
    %dma_start3A_169 = tpu.memref_squeeze %dma_start3A_168 : memref<1x2x112xi32, #tpu.memory_space<vmem>> -> memref<2x112xi32, #tpu.memory_space<vmem>>
    %dma_start3A_170 = arith.constant 0 : i32
    %dma_start3A_171 = arith.constant 0 : i32
    %dma_start3A_172 = tpu.memref_slice %arg3[%add3A, %dma_start3A_164, %dma_start3A_170, %dma_start3A_171] : memref<32x90x2x112xi32, #tpu.memory_space<hbm>> -> memref<1x1x2x112xi32, #tpu.memory_space<hbm>>
    %dma_start3A_173 = tpu.memref_squeeze %dma_start3A_172 : memref<1x1x2x112xi32, #tpu.memory_space<hbm>> -> memref<2x112xi32, #tpu.memory_space<hbm>>
    %dma_start3A_174 = arith.constant 0 : i32
    %dma_start3A_175 = arith.constant 0 : i32
    %dma_start3A_176 = tpu.memref_slice %arg6[%dma_start3A_165, %dma_start3A_174, %dma_start3A_175] : memref<3x2x112xi32, #tpu.memory_space<vmem>> -> memref<1x2x112xi32, #tpu.memory_space<vmem>>
    %dma_start3A_177 = tpu.memref_squeeze %dma_start3A_176 : memref<1x2x112xi32, #tpu.memory_space<vmem>> -> memref<2x112xi32, #tpu.memory_space<vmem>>
    %dma_start3A_178 = arith.constant 0 : i32
    %dma_start3A_179 = arith.constant 0 : i32
    %dma_start3A_180 = tpu.memref_slice %arg3[%add3A, %dma_start3A_164, %dma_start3A_178, %dma_start3A_179] : memref<32x90x2x112xi32, #tpu.memory_space<hbm>> -> memref<1x1x2x112xi32, #tpu.memory_space<hbm>>
    %dma_start3A_181 = tpu.memref_squeeze %dma_start3A_180 : memref<1x1x2x112xi32, #tpu.memory_space<hbm>> -> memref<2x112xi32, #tpu.memory_space<hbm>>
    tpu.enqueue_dma source(%dma_start3A_181 : memref<2x112xi32, #tpu.memory_space<hbm>>) target(%dma_start3A_177 : memref<2x112xi32, #tpu.memory_space<vmem>>) target_semaphore(%arg10 : memref<!tpu.dma_semaphore, #tpu.memory_space<semaphore_mem>>)
    %dma_wait3A_182 = arith.constant 1 : i32
    %dma_wait3A_183 = arith.constant 0 : i32
    %dma_wait3A_184 = arith.constant 0 : i32
    %dma_wait3A_185 = tpu.memref_slice %arg6[%dma_wait3A_182, %dma_wait3A_183, %dma_wait3A_184] : memref<3x2x112xi32, #tpu.memory_space<vmem>> -> memref<1x1x112xi32, #tpu.memory_space<vmem>>
    %dma_wait3A_186 = tpu.memref_squeeze %dma_wait3A_185 : memref<1x1x112xi32, #tpu.memory_space<vmem>> -> memref<112xi32, #tpu.memory_space<vmem>>
    %dma_wait3A_187 = arith.constant 0 : i32
    %dma_wait3A_188 = arith.constant 0 : i32
    %dma_wait3A_189 = tpu.memref_slice %arg2[%dma_wait3A_187, %dma_wait3A_188] : memref<10080x128xf32, #tpu.memory_space<hbm>> -> memref<10080x128xf32, #tpu.memory_space<hbm>>
    tpu.wait_indirect_dma semaphore(%arg14 : memref<!tpu.dma_semaphore, #tpu.memory_space<semaphore_mem>>) src(%dma_wait3A_189 : memref<10080x128xf32, #tpu.memory_space<hbm>>) dst(%arg8 : memref<112x128xf32, #tpu.memory_space<vmem>>)
    %dma_start3A_190 = arith.constant 1 : i32
    %dma_start3A_191 = arith.constant 1 : i32
    %dma_start3A_192 = arith.constant 0 : i32
    %dma_start3A_193 = tpu.memref_slice %arg6[%dma_start3A_190, %dma_start3A_191, %dma_start3A_192] : memref<3x2x112xi32, #tpu.memory_space<vmem>> -> memref<1x1x112xi32, #tpu.memory_space<vmem>>
    %dma_start3A_194 = tpu.memref_squeeze %dma_start3A_193 : memref<1x1x112xi32, #tpu.memory_space<vmem>> -> memref<112xi32, #tpu.memory_space<vmem>>
    %dma_start3A_195 = arith.constant 0 : i32
    %dma_start3A_196 = arith.constant 0 : i32
    %dma_start3A_197 = tpu.memref_slice %arg5[%dma_start3A_195, %dma_start3A_196] : memref<10080x128xf32, #tpu.memory_space<vmem_shared>> -> memref<10080x128xf32, #tpu.memory_space<vmem_shared>>
    tpu.enqueue_indirect_dma source(%arg8 : memref<112x128xf32, #tpu.memory_space<vmem>>) target(%dma_start3A_197 : memref<10080x128xf32, #tpu.memory_space<vmem_shared>>) offsets(%dma_start3A_194 : memref<112xi32, #tpu.memory_space<vmem>>) semaphore(%arg17 : memref<!tpu.dma_semaphore, #tpu.memory_space<semaphore_mem>>) {add = true}
    %scan3A_198 = arith.constant 0 : i32
    %scan3A_199 = arith.constant 0 : i32
    %scan3A_200 = arith.constant 29 : i32
    %scan3A_201 = arith.addi %scan3A_199, %scan3A_200 : i32
    %scan3A_202 = arith.constant 1 : i32
    scf.for %scan3A_287 = %scan3A_199 to %scan3A_201 step %scan3A_202  : i32 {
      %mul3A_288 = arith.constant 3 : i32
      %mul3A_289 = arith.muli %mul3A_288, %scan3A_287 : i32
      %add3A_290 = arith.constant 3 : i32
      %add3A_291 = arith.addi %mul3A_289, %add3A_290 : i32
      %add3A_292 = arith.constant 0 : i32
      %add3A_293 = arith.addi %add3A_291, %add3A_292 : i32
      %dma_wait3A_294 = arith.constant 0 : i32
      %dma_wait3A_295 = arith.constant 0 : i32
      %dma_wait3A_296 = arith.constant 0 : i32
      %dma_wait3A_297 = tpu.memref_slice %arg6[%dma_wait3A_294, %dma_wait3A_295, %dma_wait3A_296] : memref<3x2x112xi32, #tpu.memory_space<vmem>> -> memref<1x2x112xi32, #tpu.memory_space<vmem>>
      %dma_wait3A_298 = tpu.memref_squeeze %dma_wait3A_297 : memref<1x2x112xi32, #tpu.memory_space<vmem>> -> memref<2x112xi32, #tpu.memory_space<vmem>>
      %dma_wait3A_299 = arith.constant 0 : i32
      %dma_wait3A_300 = arith.constant 0 : i32
      %dma_wait3A_301 = tpu.memref_slice %arg3[%add3A, %add3A_293, %dma_wait3A_299, %dma_wait3A_300] : memref<32x90x2x112xi32, #tpu.memory_space<hbm>> -> memref<1x1x2x112xi32, #tpu.memory_space<hbm>>
      %dma_wait3A_302 = tpu.memref_squeeze %dma_wait3A_301 : memref<1x1x2x112xi32, #tpu.memory_space<hbm>> -> memref<2x112xi32, #tpu.memory_space<hbm>>
      %dma_wait3A_303 = arith.constant 0 : i32
      %dma_wait3A_304 = arith.constant 0 : i32
      %dma_wait3A_305 = tpu.memref_slice %arg6[%dma_wait3A_294, %dma_wait3A_303, %dma_wait3A_304] : memref<3x2x112xi32, #tpu.memory_space<vmem>> -> memref<1x2x112xi32, #tpu.memory_space<vmem>>
      %dma_wait3A_306 = tpu.memref_squeeze %dma_wait3A_305 : memref<1x2x112xi32, #tpu.memory_space<vmem>> -> memref<2x112xi32, #tpu.memory_space<vmem>>
      %dma_wait3A_307 = arith.constant 0 : i32
      %dma_wait3A_308 = arith.constant 0 : i32
      %dma_wait3A_309 = tpu.memref_slice %arg3[%add3A, %add3A_293, %dma_wait3A_307, %dma_wait3A_308] : memref<32x90x2x112xi32, #tpu.memory_space<hbm>> -> memref<1x1x2x112xi32, #tpu.memory_space<hbm>>
      %dma_wait3A_310 = tpu.memref_squeeze %dma_wait3A_309 : memref<1x1x2x112xi32, #tpu.memory_space<hbm>> -> memref<2x112xi32, #tpu.memory_space<hbm>>
      tpu.wait_dma2 semaphore(%arg10 : memref<!tpu.dma_semaphore, #tpu.memory_space<semaphore_mem>>) src(%dma_wait3A_310 : memref<2x112xi32, #tpu.memory_space<hbm>>) dst(%dma_wait3A_306 : memref<2x112xi32, #tpu.memory_space<vmem>>)
      %dma_start3A_311 = arith.constant 0 : i32
      %dma_start3A_312 = arith.constant 0 : i32
      %dma_start3A_313 = arith.constant 0 : i32
      %dma_start3A_314 = tpu.memref_slice %arg6[%dma_start3A_311, %dma_start3A_312, %dma_start3A_313] : memref<3x2x112xi32, #tpu.memory_space<vmem>> -> memref<1x1x112xi32, #tpu.memory_space<vmem>>
      %dma_start3A_315 = tpu.memref_squeeze %dma_start3A_314 : memref<1x1x112xi32, #tpu.memory_space<vmem>> -> memref<112xi32, #tpu.memory_space<vmem>>
      %dma_start3A_316 = arith.constant 0 : i32
      %dma_start3A_317 = arith.constant 0 : i32
      %dma_start3A_318 = tpu.memref_slice %arg2[%dma_start3A_316, %dma_start3A_317] : memref<10080x128xf32, #tpu.memory_space<hbm>> -> memref<10080x128xf32, #tpu.memory_space<hbm>>
      tpu.enqueue_indirect_dma source(%dma_start3A_318 : memref<10080x128xf32, #tpu.memory_space<hbm>>) target(%arg7 : memref<112x128xf32, #tpu.memory_space<vmem>>) offsets(%dma_start3A_315 : memref<112xi32, #tpu.memory_space<vmem>>) semaphore(%arg13 : memref<!tpu.dma_semaphore, #tpu.memory_space<semaphore_mem>>)
      %add3A_319 = arith.constant 1 : i32
      %add3A_320 = arith.addi %add3A_293, %add3A_319 : i32
      %lt3A_321 = arith.constant 90 : i32
      %lt3A_322 = arith.cmpi slt, %add3A_320, %lt3A_321 : i32
      %convert_element_type3A_323 = arith.extui %lt3A_322 : i1 to i32
      %cond3A_324 = arith.constant 0 : i32
      %cond3A_325 = arith.cmpi ne, %convert_element_type3A_323, %cond3A_324 : i32
      scf.if %cond3A_325 {
        %dma_wait3A_442 = arith.constant 1 : i32
        %dma_wait3A_443 = arith.constant 1 : i32
        %dma_wait3A_444 = arith.constant 0 : i32
        %dma_wait3A_445 = tpu.memref_slice %arg6[%dma_wait3A_442, %dma_wait3A_443, %dma_wait3A_444] : memref<3x2x112xi32, #tpu.memory_space<vmem>> -> memref<1x1x112xi32, #tpu.memory_space<vmem>>
        %dma_wait3A_446 = tpu.memref_squeeze %dma_wait3A_445 : memref<1x1x112xi32, #tpu.memory_space<vmem>> -> memref<112xi32, #tpu.memory_space<vmem>>
        %dma_wait3A_447 = arith.constant 0 : i32
        %dma_wait3A_448 = arith.constant 0 : i32
        %dma_wait3A_449 = tpu.memref_slice %arg5[%dma_wait3A_447, %dma_wait3A_448] : memref<10080x128xf32, #tpu.memory_space<vmem_shared>> -> memref<10080x128xf32, #tpu.memory_space<vmem_shared>>
        tpu.wait_indirect_dma semaphore(%arg17 : memref<!tpu.dma_semaphore, #tpu.memory_space<semaphore_mem>>) src(%arg8 : memref<112x128xf32, #tpu.memory_space<vmem>>) dst(%dma_wait3A_449 : memref<10080x128xf32, #tpu.memory_space<vmem_shared>>)
        %add3A_450 = arith.constant 1 : i32
        %add3A_451 = arith.addi %add3A_293, %add3A_450 : i32
        %dma_start3A_452 = arith.constant 1 : i32
        %dma_start3A_453 = arith.constant 0 : i32
        %dma_start3A_454 = arith.constant 0 : i32
        %dma_start3A_455 = tpu.memref_slice %arg6[%dma_start3A_452, %dma_start3A_453, %dma_start3A_454] : memref<3x2x112xi32, #tpu.memory_space<vmem>> -> memref<1x2x112xi32, #tpu.memory_space<vmem>>
        %dma_start3A_456 = tpu.memref_squeeze %dma_start3A_455 : memref<1x2x112xi32, #tpu.memory_space<vmem>> -> memref<2x112xi32, #tpu.memory_space<vmem>>
        %dma_start3A_457 = arith.constant 0 : i32
        %dma_start3A_458 = arith.constant 0 : i32
        %dma_start3A_459 = tpu.memref_slice %arg3[%add3A, %add3A_451, %dma_start3A_457, %dma_start3A_458] : memref<32x90x2x112xi32, #tpu.memory_space<hbm>> -> memref<1x1x2x112xi32, #tpu.memory_space<hbm>>
        %dma_start3A_460 = tpu.memref_squeeze %dma_start3A_459 : memref<1x1x2x112xi32, #tpu.memory_space<hbm>> -> memref<2x112xi32, #tpu.memory_space<hbm>>
        %dma_start3A_461 = arith.constant 0 : i32
        %dma_start3A_462 = arith.constant 0 : i32
        %dma_start3A_463 = tpu.memref_slice %arg6[%dma_start3A_452, %dma_start3A_461, %dma_start3A_462] : memref<3x2x112xi32, #tpu.memory_space<vmem>> -> memref<1x2x112xi32, #tpu.memory_space<vmem>>
        %dma_start3A_464 = tpu.memref_squeeze %dma_start3A_463 : memref<1x2x112xi32, #tpu.memory_space<vmem>> -> memref<2x112xi32, #tpu.memory_space<vmem>>
        %dma_start3A_465 = arith.constant 0 : i32
        %dma_start3A_466 = arith.constant 0 : i32
        %dma_start3A_467 = tpu.memref_slice %arg3[%add3A, %add3A_451, %dma_start3A_465, %dma_start3A_466] : memref<32x90x2x112xi32, #tpu.memory_space<hbm>> -> memref<1x1x2x112xi32, #tpu.memory_space<hbm>>
        %dma_start3A_468 = tpu.memref_squeeze %dma_start3A_467 : memref<1x1x2x112xi32, #tpu.memory_space<hbm>> -> memref<2x112xi32, #tpu.memory_space<hbm>>
        tpu.enqueue_dma source(%dma_start3A_468 : memref<2x112xi32, #tpu.memory_space<hbm>>) target(%dma_start3A_464 : memref<2x112xi32, #tpu.memory_space<vmem>>) target_semaphore(%arg11 : memref<!tpu.dma_semaphore, #tpu.memory_space<semaphore_mem>>)
      } else {
      }
      %dma_wait3A_326 = arith.constant 2 : i32
      %dma_wait3A_327 = arith.constant 0 : i32
      %dma_wait3A_328 = arith.constant 0 : i32
      %dma_wait3A_329 = tpu.memref_slice %arg6[%dma_wait3A_326, %dma_wait3A_327, %dma_wait3A_328] : memref<3x2x112xi32, #tpu.memory_space<vmem>> -> memref<1x1x112xi32, #tpu.memory_space<vmem>>
      %dma_wait3A_330 = tpu.memref_squeeze %dma_wait3A_329 : memref<1x1x112xi32, #tpu.memory_space<vmem>> -> memref<112xi32, #tpu.memory_space<vmem>>
      %dma_wait3A_331 = arith.constant 0 : i32
      %dma_wait3A_332 = arith.constant 0 : i32
      %dma_wait3A_333 = tpu.memref_slice %arg2[%dma_wait3A_331, %dma_wait3A_332] : memref<10080x128xf32, #tpu.memory_space<hbm>> -> memref<10080x128xf32, #tpu.memory_space<hbm>>
      tpu.wait_indirect_dma semaphore(%arg15 : memref<!tpu.dma_semaphore, #tpu.memory_space<semaphore_mem>>) src(%dma_wait3A_333 : memref<10080x128xf32, #tpu.memory_space<hbm>>) dst(%arg9 : memref<112x128xf32, #tpu.memory_space<vmem>>)
      %dma_start3A_334 = arith.constant 2 : i32
      %dma_start3A_335 = arith.constant 1 : i32
      %dma_start3A_336 = arith.constant 0 : i32
      %dma_start3A_337 = tpu.memref_slice %arg6[%dma_start3A_334, %dma_start3A_335, %dma_start3A_336] : memref<3x2x112xi32, #tpu.memory_space<vmem>> -> memref<1x1x112xi32, #tpu.memory_space<vmem>>
      %dma_start3A_338 = tpu.memref_squeeze %dma_start3A_337 : memref<1x1x112xi32, #tpu.memory_space<vmem>> -> memref<112xi32, #tpu.memory_space<vmem>>
      %dma_start3A_339 = arith.constant 0 : i32
      %dma_start3A_340 = arith.constant 0 : i32
      %dma_start3A_341 = tpu.memref_slice %arg5[%dma_start3A_339, %dma_start3A_340] : memref<10080x128xf32, #tpu.memory_space<vmem_shared>> -> memref<10080x128xf32, #tpu.memory_space<vmem_shared>>
      tpu.enqueue_indirect_dma source(%arg9 : memref<112x128xf32, #tpu.memory_space<vmem>>) target(%dma_start3A_341 : memref<10080x128xf32, #tpu.memory_space<vmem_shared>>) offsets(%dma_start3A_338 : memref<112xi32, #tpu.memory_space<vmem>>) semaphore(%arg18 : memref<!tpu.dma_semaphore, #tpu.memory_space<semaphore_mem>>) {add = true}
      %add3A_342 = arith.constant 1 : i32
      %add3A_343 = arith.addi %add3A_291, %add3A_342 : i32
      %dma_wait3A_344 = arith.constant 1 : i32
      %dma_wait3A_345 = arith.constant 0 : i32
      %dma_wait3A_346 = arith.constant 0 : i32
      %dma_wait3A_347 = tpu.memref_slice %arg6[%dma_wait3A_344, %dma_wait3A_345, %dma_wait3A_346] : memref<3x2x112xi32, #tpu.memory_space<vmem>> -> memref<1x2x112xi32, #tpu.memory_space<vmem>>
      %dma_wait3A_348 = tpu.memref_squeeze %dma_wait3A_347 : memref<1x2x112xi32, #tpu.memory_space<vmem>> -> memref<2x112xi32, #tpu.memory_space<vmem>>
      %dma_wait3A_349 = arith.constant 0 : i32
      %dma_wait3A_350 = arith.constant 0 : i32
      %dma_wait3A_351 = tpu.memref_slice %arg3[%add3A, %add3A_343, %dma_wait3A_349, %dma_wait3A_350] : memref<32x90x2x112xi32, #tpu.memory_space<hbm>> -> memref<1x1x2x112xi32, #tpu.memory_space<hbm>>
      %dma_wait3A_352 = tpu.memref_squeeze %dma_wait3A_351 : memref<1x1x2x112xi32, #tpu.memory_space<hbm>> -> memref<2x112xi32, #tpu.memory_space<hbm>>
      %dma_wait3A_353 = arith.constant 0 : i32
      %dma_wait3A_354 = arith.constant 0 : i32
      %dma_wait3A_355 = tpu.memref_slice %arg6[%dma_wait3A_344, %dma_wait3A_353, %dma_wait3A_354] : memref<3x2x112xi32, #tpu.memory_space<vmem>> -> memref<1x2x112xi32, #tpu.memory_space<vmem>>
      %dma_wait3A_356 = tpu.memref_squeeze %dma_wait3A_355 : memref<1x2x112xi32, #tpu.memory_space<vmem>> -> memref<2x112xi32, #tpu.memory_space<vmem>>
      %dma_wait3A_357 = arith.constant 0 : i32
      %dma_wait3A_358 = arith.constant 0 : i32
      %dma_wait3A_359 = tpu.memref_slice %arg3[%add3A, %add3A_343, %dma_wait3A_357, %dma_wait3A_358] : memref<32x90x2x112xi32, #tpu.memory_space<hbm>> -> memref<1x1x2x112xi32, #tpu.memory_space<hbm>>
      %dma_wait3A_360 = tpu.memref_squeeze %dma_wait3A_359 : memref<1x1x2x112xi32, #tpu.memory_space<hbm>> -> memref<2x112xi32, #tpu.memory_space<hbm>>
      tpu.wait_dma2 semaphore(%arg11 : memref<!tpu.dma_semaphore, #tpu.memory_space<semaphore_mem>>) src(%dma_wait3A_360 : memref<2x112xi32, #tpu.memory_space<hbm>>) dst(%dma_wait3A_356 : memref<2x112xi32, #tpu.memory_space<vmem>>)
      %dma_start3A_361 = arith.constant 1 : i32
      %dma_start3A_362 = arith.constant 0 : i32
      %dma_start3A_363 = arith.constant 0 : i32
      %dma_start3A_364 = tpu.memref_slice %arg6[%dma_start3A_361, %dma_start3A_362, %dma_start3A_363] : memref<3x2x112xi32, #tpu.memory_space<vmem>> -> memref<1x1x112xi32, #tpu.memory_space<vmem>>
      %dma_start3A_365 = tpu.memref_squeeze %dma_start3A_364 : memref<1x1x112xi32, #tpu.memory_space<vmem>> -> memref<112xi32, #tpu.memory_space<vmem>>
      %dma_start3A_366 = arith.constant 0 : i32
      %dma_start3A_367 = arith.constant 0 : i32
      %dma_start3A_368 = tpu.memref_slice %arg2[%dma_start3A_366, %dma_start3A_367] : memref<10080x128xf32, #tpu.memory_space<hbm>> -> memref<10080x128xf32, #tpu.memory_space<hbm>>
      tpu.enqueue_indirect_dma source(%dma_start3A_368 : memref<10080x128xf32, #tpu.memory_space<hbm>>) target(%arg8 : memref<112x128xf32, #tpu.memory_space<vmem>>) offsets(%dma_start3A_365 : memref<112xi32, #tpu.memory_space<vmem>>) semaphore(%arg14 : memref<!tpu.dma_semaphore, #tpu.memory_space<semaphore_mem>>)
      %add3A_369 = arith.constant 1 : i32
      %add3A_370 = arith.addi %add3A_343, %add3A_369 : i32
      %lt3A_371 = arith.constant 90 : i32
      %lt3A_372 = arith.cmpi slt, %add3A_370, %lt3A_371 : i32
      %convert_element_type3A_373 = arith.extui %lt3A_372 : i1 to i32
      %cond3A_374 = arith.constant 0 : i32
      %cond3A_375 = arith.cmpi ne, %convert_element_type3A_373, %cond3A_374 : i32
      scf.if %cond3A_375 {
        %dma_wait3A_442 = arith.constant 2 : i32
        %dma_wait3A_443 = arith.constant 1 : i32
        %dma_wait3A_444 = arith.constant 0 : i32
        %dma_wait3A_445 = tpu.memref_slice %arg6[%dma_wait3A_442, %dma_wait3A_443, %dma_wait3A_444] : memref<3x2x112xi32, #tpu.memory_space<vmem>> -> memref<1x1x112xi32, #tpu.memory_space<vmem>>
        %dma_wait3A_446 = tpu.memref_squeeze %dma_wait3A_445 : memref<1x1x112xi32, #tpu.memory_space<vmem>> -> memref<112xi32, #tpu.memory_space<vmem>>
        %dma_wait3A_447 = arith.constant 0 : i32
        %dma_wait3A_448 = arith.constant 0 : i32
        %dma_wait3A_449 = tpu.memref_slice %arg5[%dma_wait3A_447, %dma_wait3A_448] : memref<10080x128xf32, #tpu.memory_space<vmem_shared>> -> memref<10080x128xf32, #tpu.memory_space<vmem_shared>>
        tpu.wait_indirect_dma semaphore(%arg18 : memref<!tpu.dma_semaphore, #tpu.memory_space<semaphore_mem>>) src(%arg9 : memref<112x128xf32, #tpu.memory_space<vmem>>) dst(%dma_wait3A_449 : memref<10080x128xf32, #tpu.memory_space<vmem_shared>>)
        %add3A_450 = arith.constant 1 : i32
        %add3A_451 = arith.addi %add3A_343, %add3A_450 : i32
        %dma_start3A_452 = arith.constant 2 : i32
        %dma_start3A_453 = arith.constant 0 : i32
        %dma_start3A_454 = arith.constant 0 : i32
        %dma_start3A_455 = tpu.memref_slice %arg6[%dma_start3A_452, %dma_start3A_453, %dma_start3A_454] : memref<3x2x112xi32, #tpu.memory_space<vmem>> -> memref<1x2x112xi32, #tpu.memory_space<vmem>>
        %dma_start3A_456 = tpu.memref_squeeze %dma_start3A_455 : memref<1x2x112xi32, #tpu.memory_space<vmem>> -> memref<2x112xi32, #tpu.memory_space<vmem>>
        %dma_start3A_457 = arith.constant 0 : i32
        %dma_start3A_458 = arith.constant 0 : i32
        %dma_start3A_459 = tpu.memref_slice %arg3[%add3A, %add3A_451, %dma_start3A_457, %dma_start3A_458] : memref<32x90x2x112xi32, #tpu.memory_space<hbm>> -> memref<1x1x2x112xi32, #tpu.memory_space<hbm>>
        %dma_start3A_460 = tpu.memref_squeeze %dma_start3A_459 : memref<1x1x2x112xi32, #tpu.memory_space<hbm>> -> memref<2x112xi32, #tpu.memory_space<hbm>>
        %dma_start3A_461 = arith.constant 0 : i32
        %dma_start3A_462 = arith.constant 0 : i32
        %dma_start3A_463 = tpu.memref_slice %arg6[%dma_start3A_452, %dma_start3A_461, %dma_start3A_462] : memref<3x2x112xi32, #tpu.memory_space<vmem>> -> memref<1x2x112xi32, #tpu.memory_space<vmem>>
        %dma_start3A_464 = tpu.memref_squeeze %dma_start3A_463 : memref<1x2x112xi32, #tpu.memory_space<vmem>> -> memref<2x112xi32, #tpu.memory_space<vmem>>
        %dma_start3A_465 = arith.constant 0 : i32
        %dma_start3A_466 = arith.constant 0 : i32
        %dma_start3A_467 = tpu.memref_slice %arg3[%add3A, %add3A_451, %dma_start3A_465, %dma_start3A_466] : memref<32x90x2x112xi32, #tpu.memory_space<hbm>> -> memref<1x1x2x112xi32, #tpu.memory_space<hbm>>
        %dma_start3A_468 = tpu.memref_squeeze %dma_start3A_467 : memref<1x1x2x112xi32, #tpu.memory_space<hbm>> -> memref<2x112xi32, #tpu.memory_space<hbm>>
        tpu.enqueue_dma source(%dma_start3A_468 : memref<2x112xi32, #tpu.memory_space<hbm>>) target(%dma_start3A_464 : memref<2x112xi32, #tpu.memory_space<vmem>>) target_semaphore(%arg12 : memref<!tpu.dma_semaphore, #tpu.memory_space<semaphore_mem>>)
      } else {
      }
      %dma_wait3A_376 = arith.constant 0 : i32
      %dma_wait3A_377 = arith.constant 0 : i32
      %dma_wait3A_378 = arith.constant 0 : i32
      %dma_wait3A_379 = tpu.memref_slice %arg6[%dma_wait3A_376, %dma_wait3A_377, %dma_wait3A_378] : memref<3x2x112xi32, #tpu.memory_space<vmem>> -> memref<1x1x112xi32, #tpu.memory_space<vmem>>
      %dma_wait3A_380 = tpu.memref_squeeze %dma_wait3A_379 : memref<1x1x112xi32, #tpu.memory_space<vmem>> -> memref<112xi32, #tpu.memory_space<vmem>>
      %dma_wait3A_381 = arith.constant 0 : i32
      %dma_wait3A_382 = arith.constant 0 : i32
      %dma_wait3A_383 = tpu.memref_slice %arg2[%dma_wait3A_381, %dma_wait3A_382] : memref<10080x128xf32, #tpu.memory_space<hbm>> -> memref<10080x128xf32, #tpu.memory_space<hbm>>
      tpu.wait_indirect_dma semaphore(%arg13 : memref<!tpu.dma_semaphore, #tpu.memory_space<semaphore_mem>>) src(%dma_wait3A_383 : memref<10080x128xf32, #tpu.memory_space<hbm>>) dst(%arg7 : memref<112x128xf32, #tpu.memory_space<vmem>>)
      %dma_start3A_384 = arith.constant 0 : i32
      %dma_start3A_385 = arith.constant 1 : i32
      %dma_start3A_386 = arith.constant 0 : i32
      %dma_start3A_387 = tpu.memref_slice %arg6[%dma_start3A_384, %dma_start3A_385, %dma_start3A_386] : memref<3x2x112xi32, #tpu.memory_space<vmem>> -> memref<1x1x112xi32, #tpu.memory_space<vmem>>
      %dma_start3A_388 = tpu.memref_squeeze %dma_start3A_387 : memref<1x1x112xi32, #tpu.memory_space<vmem>> -> memref<112xi32, #tpu.memory_space<vmem>>
      %dma_start3A_389 = arith.constant 0 : i32
      %dma_start3A_390 = arith.constant 0 : i32
      %dma_start3A_391 = tpu.memref_slice %arg5[%dma_start3A_389, %dma_start3A_390] : memref<10080x128xf32, #tpu.memory_space<vmem_shared>> -> memref<10080x128xf32, #tpu.memory_space<vmem_shared>>
      tpu.enqueue_indirect_dma source(%arg7 : memref<112x128xf32, #tpu.memory_space<vmem>>) target(%dma_start3A_391 : memref<10080x128xf32, #tpu.memory_space<vmem_shared>>) offsets(%dma_start3A_388 : memref<112xi32, #tpu.memory_space<vmem>>) semaphore(%arg16 : memref<!tpu.dma_semaphore, #tpu.memory_space<semaphore_mem>>) {add = true}
      %add3A_392 = arith.constant 2 : i32
      %add3A_393 = arith.addi %add3A_291, %add3A_392 : i32
      %dma_wait3A_394 = arith.constant 2 : i32
      %dma_wait3A_395 = arith.constant 0 : i32
      %dma_wait3A_396 = arith.constant 0 : i32
      %dma_wait3A_397 = tpu.memref_slice %arg6[%dma_wait3A_394, %dma_wait3A_395, %dma_wait3A_396] : memref<3x2x112xi32, #tpu.memory_space<vmem>> -> memref<1x2x112xi32, #tpu.memory_space<vmem>>
      %dma_wait3A_398 = tpu.memref_squeeze %dma_wait3A_397 : memref<1x2x112xi32, #tpu.memory_space<vmem>> -> memref<2x112xi32, #tpu.memory_space<vmem>>
      %dma_wait3A_399 = arith.constant 0 : i32
      %dma_wait3A_400 = arith.constant 0 : i32
      %dma_wait3A_401 = tpu.memref_slice %arg3[%add3A, %add3A_393, %dma_wait3A_399, %dma_wait3A_400] : memref<32x90x2x112xi32, #tpu.memory_space<hbm>> -> memref<1x1x2x112xi32, #tpu.memory_space<hbm>>
      %dma_wait3A_402 = tpu.memref_squeeze %dma_wait3A_401 : memref<1x1x2x112xi32, #tpu.memory_space<hbm>> -> memref<2x112xi32, #tpu.memory_space<hbm>>
      %dma_wait3A_403 = arith.constant 0 : i32
      %dma_wait3A_404 = arith.constant 0 : i32
      %dma_wait3A_405 = tpu.memref_slice %arg6[%dma_wait3A_394, %dma_wait3A_403, %dma_wait3A_404] : memref<3x2x112xi32, #tpu.memory_space<vmem>> -> memref<1x2x112xi32, #tpu.memory_space<vmem>>
      %dma_wait3A_406 = tpu.memref_squeeze %dma_wait3A_405 : memref<1x2x112xi32, #tpu.memory_space<vmem>> -> memref<2x112xi32, #tpu.memory_space<vmem>>
      %dma_wait3A_407 = arith.constant 0 : i32
      %dma_wait3A_408 = arith.constant 0 : i32
      %dma_wait3A_409 = tpu.memref_slice %arg3[%add3A, %add3A_393, %dma_wait3A_407, %dma_wait3A_408] : memref<32x90x2x112xi32, #tpu.memory_space<hbm>> -> memref<1x1x2x112xi32, #tpu.memory_space<hbm>>
      %dma_wait3A_410 = tpu.memref_squeeze %dma_wait3A_409 : memref<1x1x2x112xi32, #tpu.memory_space<hbm>> -> memref<2x112xi32, #tpu.memory_space<hbm>>
      tpu.wait_dma2 semaphore(%arg12 : memref<!tpu.dma_semaphore, #tpu.memory_space<semaphore_mem>>) src(%dma_wait3A_410 : memref<2x112xi32, #tpu.memory_space<hbm>>) dst(%dma_wait3A_406 : memref<2x112xi32, #tpu.memory_space<vmem>>)
      %dma_start3A_411 = arith.constant 2 : i32
      %dma_start3A_412 = arith.constant 0 : i32
      %dma_start3A_413 = arith.constant 0 : i32
      %dma_start3A_414 = tpu.memref_slice %arg6[%dma_start3A_411, %dma_start3A_412, %dma_start3A_413] : memref<3x2x112xi32, #tpu.memory_space<vmem>> -> memref<1x1x112xi32, #tpu.memory_space<vmem>>
      %dma_start3A_415 = tpu.memref_squeeze %dma_start3A_414 : memref<1x1x112xi32, #tpu.memory_space<vmem>> -> memref<112xi32, #tpu.memory_space<vmem>>
      %dma_start3A_416 = arith.constant 0 : i32
      %dma_start3A_417 = arith.constant 0 : i32
      %dma_start3A_418 = tpu.memref_slice %arg2[%dma_start3A_416, %dma_start3A_417] : memref<10080x128xf32, #tpu.memory_space<hbm>> -> memref<10080x128xf32, #tpu.memory_space<hbm>>
      tpu.enqueue_indirect_dma source(%dma_start3A_418 : memref<10080x128xf32, #tpu.memory_space<hbm>>) target(%arg9 : memref<112x128xf32, #tpu.memory_space<vmem>>) offsets(%dma_start3A_415 : memref<112xi32, #tpu.memory_space<vmem>>) semaphore(%arg15 : memref<!tpu.dma_semaphore, #tpu.memory_space<semaphore_mem>>)
      %add3A_419 = arith.constant 1 : i32
      %add3A_420 = arith.addi %add3A_393, %add3A_419 : i32
      %lt3A_421 = arith.constant 90 : i32
      %lt3A_422 = arith.cmpi slt, %add3A_420, %lt3A_421 : i32
      %convert_element_type3A_423 = arith.extui %lt3A_422 : i1 to i32
      %cond3A_424 = arith.constant 0 : i32
      %cond3A_425 = arith.cmpi ne, %convert_element_type3A_423, %cond3A_424 : i32
      scf.if %cond3A_425 {
        %dma_wait3A_442 = arith.constant 0 : i32
        %dma_wait3A_443 = arith.constant 1 : i32
        %dma_wait3A_444 = arith.constant 0 : i32
        %dma_wait3A_445 = tpu.memref_slice %arg6[%dma_wait3A_442, %dma_wait3A_443, %dma_wait3A_444] : memref<3x2x112xi32, #tpu.memory_space<vmem>> -> memref<1x1x112xi32, #tpu.memory_space<vmem>>
        %dma_wait3A_446 = tpu.memref_squeeze %dma_wait3A_445 : memref<1x1x112xi32, #tpu.memory_space<vmem>> -> memref<112xi32, #tpu.memory_space<vmem>>
        %dma_wait3A_447 = arith.constant 0 : i32
        %dma_wait3A_448 = arith.constant 0 : i32
        %dma_wait3A_449 = tpu.memref_slice %arg5[%dma_wait3A_447, %dma_wait3A_448] : memref<10080x128xf32, #tpu.memory_space<vmem_shared>> -> memref<10080x128xf32, #tpu.memory_space<vmem_shared>>
        tpu.wait_indirect_dma semaphore(%arg16 : memref<!tpu.dma_semaphore, #tpu.memory_space<semaphore_mem>>) src(%arg7 : memref<112x128xf32, #tpu.memory_space<vmem>>) dst(%dma_wait3A_449 : memref<10080x128xf32, #tpu.memory_space<vmem_shared>>)
        %add3A_450 = arith.constant 1 : i32
        %add3A_451 = arith.addi %add3A_393, %add3A_450 : i32
        %dma_start3A_452 = arith.constant 0 : i32
        %dma_start3A_453 = arith.constant 0 : i32
        %dma_start3A_454 = arith.constant 0 : i32
        %dma_start3A_455 = tpu.memref_slice %arg6[%dma_start3A_452, %dma_start3A_453, %dma_start3A_454] : memref<3x2x112xi32, #tpu.memory_space<vmem>> -> memref<1x2x112xi32, #tpu.memory_space<vmem>>
        %dma_start3A_456 = tpu.memref_squeeze %dma_start3A_455 : memref<1x2x112xi32, #tpu.memory_space<vmem>> -> memref<2x112xi32, #tpu.memory_space<vmem>>
        %dma_start3A_457 = arith.constant 0 : i32
        %dma_start3A_458 = arith.constant 0 : i32
        %dma_start3A_459 = tpu.memref_slice %arg3[%add3A, %add3A_451, %dma_start3A_457, %dma_start3A_458] : memref<32x90x2x112xi32, #tpu.memory_space<hbm>> -> memref<1x1x2x112xi32, #tpu.memory_space<hbm>>
        %dma_start3A_460 = tpu.memref_squeeze %dma_start3A_459 : memref<1x1x2x112xi32, #tpu.memory_space<hbm>> -> memref<2x112xi32, #tpu.memory_space<hbm>>
        %dma_start3A_461 = arith.constant 0 : i32
        %dma_start3A_462 = arith.constant 0 : i32
        %dma_start3A_463 = tpu.memref_slice %arg6[%dma_start3A_452, %dma_start3A_461, %dma_start3A_462] : memref<3x2x112xi32, #tpu.memory_space<vmem>> -> memref<1x2x112xi32, #tpu.memory_space<vmem>>
        %dma_start3A_464 = tpu.memref_squeeze %dma_start3A_463 : memref<1x2x112xi32, #tpu.memory_space<vmem>> -> memref<2x112xi32, #tpu.memory_space<vmem>>
        %dma_start3A_465 = arith.constant 0 : i32
        %dma_start3A_466 = arith.constant 0 : i32
        %dma_start3A_467 = tpu.memref_slice %arg3[%add3A, %add3A_451, %dma_start3A_465, %dma_start3A_466] : memref<32x90x2x112xi32, #tpu.memory_space<hbm>> -> memref<1x1x2x112xi32, #tpu.memory_space<hbm>>
        %dma_start3A_468 = tpu.memref_squeeze %dma_start3A_467 : memref<1x1x2x112xi32, #tpu.memory_space<hbm>> -> memref<2x112xi32, #tpu.memory_space<hbm>>
        tpu.enqueue_dma source(%dma_start3A_468 : memref<2x112xi32, #tpu.memory_space<hbm>>) target(%dma_start3A_464 : memref<2x112xi32, #tpu.memory_space<vmem>>) target_semaphore(%arg10 : memref<!tpu.dma_semaphore, #tpu.memory_space<semaphore_mem>>)
      } else {
      }
      %dma_wait3A_426 = arith.constant 1 : i32
      %dma_wait3A_427 = arith.constant 0 : i32
      %dma_wait3A_428 = arith.constant 0 : i32
      %dma_wait3A_429 = tpu.memref_slice %arg6[%dma_wait3A_426, %dma_wait3A_427, %dma_wait3A_428] : memref<3x2x112xi32, #tpu.memory_space<vmem>> -> memref<1x1x112xi32, #tpu.memory_space<vmem>>
      %dma_wait3A_430 = tpu.memref_squeeze %dma_wait3A_429 : memref<1x1x112xi32, #tpu.memory_space<vmem>> -> memref<112xi32, #tpu.memory_space<vmem>>
      %dma_wait3A_431 = arith.constant 0 : i32
      %dma_wait3A_432 = arith.constant 0 : i32
      %dma_wait3A_433 = tpu.memref_slice %arg2[%dma_wait3A_431, %dma_wait3A_432] : memref<10080x128xf32, #tpu.memory_space<hbm>> -> memref<10080x128xf32, #tpu.memory_space<hbm>>
      tpu.wait_indirect_dma semaphore(%arg14 : memref<!tpu.dma_semaphore, #tpu.memory_space<semaphore_mem>>) src(%dma_wait3A_433 : memref<10080x128xf32, #tpu.memory_space<hbm>>) dst(%arg8 : memref<112x128xf32, #tpu.memory_space<vmem>>)
      %dma_start3A_434 = arith.constant 1 : i32
      %dma_start3A_435 = arith.constant 1 : i32
      %dma_start3A_436 = arith.constant 0 : i32
      %dma_start3A_437 = tpu.memref_slice %arg6[%dma_start3A_434, %dma_start3A_435, %dma_start3A_436] : memref<3x2x112xi32, #tpu.memory_space<vmem>> -> memref<1x1x112xi32, #tpu.memory_space<vmem>>
      %dma_start3A_438 = tpu.memref_squeeze %dma_start3A_437 : memref<1x1x112xi32, #tpu.memory_space<vmem>> -> memref<112xi32, #tpu.memory_space<vmem>>
      %dma_start3A_439 = arith.constant 0 : i32
      %dma_start3A_440 = arith.constant 0 : i32
      %dma_start3A_441 = tpu.memref_slice %arg5[%dma_start3A_439, %dma_start3A_440] : memref<10080x128xf32, #tpu.memory_space<vmem_shared>> -> memref<10080x128xf32, #tpu.memory_space<vmem_shared>>
      tpu.enqueue_indirect_dma source(%arg8 : memref<112x128xf32, #tpu.memory_space<vmem>>) target(%dma_start3A_441 : memref<10080x128xf32, #tpu.memory_space<vmem_shared>>) offsets(%dma_start3A_438 : memref<112xi32, #tpu.memory_space<vmem>>) semaphore(%arg17 : memref<!tpu.dma_semaphore, #tpu.memory_space<semaphore_mem>>) {add = true}
    }
    %scan3A_203 = arith.constant 29 : i32
    %dma_wait3A_204 = arith.constant 2 : i32
    %dma_wait3A_205 = arith.constant 0 : i32
    %dma_wait3A_206 = arith.constant 0 : i32
    %dma_wait3A_207 = tpu.memref_slice %arg6[%dma_wait3A_204, %dma_wait3A_205, %dma_wait3A_206] : memref<3x2x112xi32, #tpu.memory_space<vmem>> -> memref<1x1x112xi32, #tpu.memory_space<vmem>>
    %dma_wait3A_208 = tpu.memref_squeeze %dma_wait3A_207 : memref<1x1x112xi32, #tpu.memory_space<vmem>> -> memref<112xi32, #tpu.memory_space<vmem>>
    %dma_wait3A_209 = arith.constant 0 : i32
    %dma_wait3A_210 = arith.constant 0 : i32
    %dma_wait3A_211 = tpu.memref_slice %arg2[%dma_wait3A_209, %dma_wait3A_210] : memref<10080x128xf32, #tpu.memory_space<hbm>> -> memref<10080x128xf32, #tpu.memory_space<hbm>>
    tpu.wait_indirect_dma semaphore(%arg15 : memref<!tpu.dma_semaphore, #tpu.memory_space<semaphore_mem>>) src(%dma_wait3A_211 : memref<10080x128xf32, #tpu.memory_space<hbm>>) dst(%arg9 : memref<112x128xf32, #tpu.memory_space<vmem>>)
    %dma_start3A_212 = arith.constant 2 : i32
    %dma_start3A_213 = arith.constant 1 : i32
    %dma_start3A_214 = arith.constant 0 : i32
    %dma_start3A_215 = tpu.memref_slice %arg6[%dma_start3A_212, %dma_start3A_213, %dma_start3A_214] : memref<3x2x112xi32, #tpu.memory_space<vmem>> -> memref<1x1x112xi32, #tpu.memory_space<vmem>>
    %dma_start3A_216 = tpu.memref_squeeze %dma_start3A_215 : memref<1x1x112xi32, #tpu.memory_space<vmem>> -> memref<112xi32, #tpu.memory_space<vmem>>
    %dma_start3A_217 = arith.constant 0 : i32
    %dma_start3A_218 = arith.constant 0 : i32
    %dma_start3A_219 = tpu.memref_slice %arg5[%dma_start3A_217, %dma_start3A_218] : memref<10080x128xf32, #tpu.memory_space<vmem_shared>> -> memref<10080x128xf32, #tpu.memory_space<vmem_shared>>
    tpu.enqueue_indirect_dma source(%arg9 : memref<112x128xf32, #tpu.memory_space<vmem>>) target(%dma_start3A_219 : memref<10080x128xf32, #tpu.memory_space<vmem_shared>>) offsets(%dma_start3A_216 : memref<112xi32, #tpu.memory_space<vmem>>) semaphore(%arg18 : memref<!tpu.dma_semaphore, #tpu.memory_space<semaphore_mem>>) {add = true}
    %dma_wait3A_220 = arith.constant 0 : i32
    %dma_wait3A_221 = arith.constant 1 : i32
    %dma_wait3A_222 = arith.constant 0 : i32
    %dma_wait3A_223 = tpu.memref_slice %arg6[%dma_wait3A_220, %dma_wait3A_221, %dma_wait3A_222] : memref<3x2x112xi32, #tpu.memory_space<vmem>> -> memref<1x1x112xi32, #tpu.memory_space<vmem>>
    %dma_wait3A_224 = tpu.memref_squeeze %dma_wait3A_223 : memref<1x1x112xi32, #tpu.memory_space<vmem>> -> memref<112xi32, #tpu.memory_space<vmem>>
    %dma_wait3A_225 = arith.constant 0 : i32
    %dma_wait3A_226 = arith.constant 0 : i32
    %dma_wait3A_227 = tpu.memref_slice %arg5[%dma_wait3A_225, %dma_wait3A_226] : memref<10080x128xf32, #tpu.memory_space<vmem_shared>> -> memref<10080x128xf32, #tpu.memory_space<vmem_shared>>
    tpu.wait_indirect_dma semaphore(%arg16 : memref<!tpu.dma_semaphore, #tpu.memory_space<semaphore_mem>>) src(%arg7 : memref<112x128xf32, #tpu.memory_space<vmem>>) dst(%dma_wait3A_227 : memref<10080x128xf32, #tpu.memory_space<vmem_shared>>)
    %dma_wait3A_228 = arith.constant 1 : i32
    %dma_wait3A_229 = arith.constant 1 : i32
    %dma_wait3A_230 = arith.constant 0 : i32
    %dma_wait3A_231 = tpu.memref_slice %arg6[%dma_wait3A_228, %dma_wait3A_229, %dma_wait3A_230] : memref<3x2x112xi32, #tpu.memory_space<vmem>> -> memref<1x1x112xi32, #tpu.memory_space<vmem>>
    %dma_wait3A_232 = tpu.memref_squeeze %dma_wait3A_231 : memref<1x1x112xi32, #tpu.memory_space<vmem>> -> memref<112xi32, #tpu.memory_space<vmem>>
    %dma_wait3A_233 = arith.constant 0 : i32
    %dma_wait3A_234 = arith.constant 0 : i32
    %dma_wait3A_235 = tpu.memref_slice %arg5[%dma_wait3A_233, %dma_wait3A_234] : memref<10080x128xf32, #tpu.memory_space<vmem_shared>> -> memref<10080x128xf32, #tpu.memory_space<vmem_shared>>
    tpu.wait_indirect_dma semaphore(%arg17 : memref<!tpu.dma_semaphore, #tpu.memory_space<semaphore_mem>>) src(%arg8 : memref<112x128xf32, #tpu.memory_space<vmem>>) dst(%dma_wait3A_235 : memref<10080x128xf32, #tpu.memory_space<vmem_shared>>)
    %dma_wait3A_236 = arith.constant 2 : i32
    %dma_wait3A_237 = arith.constant 1 : i32
    %dma_wait3A_238 = arith.constant 0 : i32
    %dma_wait3A_239 = tpu.memref_slice %arg6[%dma_wait3A_236, %dma_wait3A_237, %dma_wait3A_238] : memref<3x2x112xi32, #tpu.memory_space<vmem>> -> memref<1x1x112xi32, #tpu.memory_space<vmem>>
    %dma_wait3A_240 = tpu.memref_squeeze %dma_wait3A_239 : memref<1x1x112xi32, #tpu.memory_space<vmem>> -> memref<112xi32, #tpu.memory_space<vmem>>
    %dma_wait3A_241 = arith.constant 0 : i32
    %dma_wait3A_242 = arith.constant 0 : i32
    %dma_wait3A_243 = tpu.memref_slice %arg5[%dma_wait3A_241, %dma_wait3A_242] : memref<10080x128xf32, #tpu.memory_space<vmem_shared>> -> memref<10080x128xf32, #tpu.memory_space<vmem_shared>>
    tpu.wait_indirect_dma semaphore(%arg18 : memref<!tpu.dma_semaphore, #tpu.memory_space<semaphore_mem>>) src(%arg9 : memref<112x128xf32, #tpu.memory_space<vmem>>) dst(%dma_wait3A_243 : memref<10080x128xf32, #tpu.memory_space<vmem_shared>>)
    %barrier3A_244 = arith.constant 0 : index
    tpu.barrier barrier_id(%barrier3A_244)
    %add3A_245 = arith.constant 0 : i32
    %add3A_246 = arith.addi %arg1, %add3A_245 : i32
    %lt3A_247 = arith.constant 90 : i32
    %lt3A_248 = arith.cmpi slt, %add3A_246, %lt3A_247 : i32
    %convert_element_type3A_249 = arith.extui %lt3A_248 : i1 to i32
    %cond3A_250 = arith.constant 0 : i32
    %cond3A_251 = arith.cmpi ne, %convert_element_type3A_249, %cond3A_250 : i32
    scf.if %cond3A_251 {
      %mul3A_287 = arith.constant 112 : i32
      %mul3A_288 = arith.muli %add3A_246, %mul3A_287 : i32
      %multiple_of3A = tpu.assume_multiple %mul3A_288, 8 : i32
      "tpu.region"() ({
        %run_scoped3A_289 = tpu.sem_alloc : memref<!tpu.dma_semaphore, #tpu.memory_space<semaphore_mem>>
        %dma_start3A_290 = arith.constant 0 : i32
        %dma_start3A_291 = tpu.memref_slice %arg4[%arg0, %multiple_of3A, %dma_start3A_290] : memref<2x10080x128xf32, #tpu.memory_space<hbm>> -> memref<1x112x128xf32, #tpu.memory_space<hbm>>
        %dma_start3A_292 = tpu.memref_squeeze %dma_start3A_291 : memref<1x112x128xf32, #tpu.memory_space<hbm>> -> memref<112x128xf32, #tpu.memory_space<hbm>>
        %dma_start3A_293 = arith.constant 0 : i32
        %dma_start3A_294 = tpu.memref_slice %arg5[%multiple_of3A, %dma_start3A_293] : memref<10080x128xf32, #tpu.memory_space<vmem_shared>> -> memref<112x128xf32, #tpu.memory_space<vmem_shared>>
        tpu.enqueue_dma source(%dma_start3A_294 : memref<112x128xf32, #tpu.memory_space<vmem_shared>>) target(%dma_start3A_292 : memref<112x128xf32, #tpu.memory_space<hbm>>) target_semaphore(%run_scoped3A_289 : memref<!tpu.dma_semaphore, #tpu.memory_space<semaphore_mem>>)
        %dma_wait3A_295 = arith.constant 0 : i32
        %dma_wait3A_296 = tpu.memref_slice %arg4[%arg0, %multiple_of3A, %dma_wait3A_295] : memref<2x10080x128xf32, #tpu.memory_space<hbm>> -> memref<1x112x128xf32, #tpu.memory_space<hbm>>
        %dma_wait3A_297 = tpu.memref_squeeze %dma_wait3A_296 : memref<1x112x128xf32, #tpu.memory_space<hbm>> -> memref<112x128xf32, #tpu.memory_space<hbm>>
        %dma_wait3A_298 = arith.constant 0 : i32
        %dma_wait3A_299 = tpu.memref_slice %arg5[%multiple_of3A, %dma_wait3A_298] : memref<10080x128xf32, #tpu.memory_space<vmem_shared>> -> memref<112x128xf32, #tpu.memory_space<vmem_shared>>
        tpu.wait_dma2 semaphore(%run_scoped3A_289 : memref<!tpu.dma_semaphore, #tpu.memory_space<semaphore_mem>>) src(%dma_wait3A_299 : memref<112x128xf32, #tpu.memory_space<vmem_shared>>) dst(%dma_wait3A_297 : memref<112x128xf32, #tpu.memory_space<hbm>>)
        tpu.yield
      }) : () -> ()
    } else {
    }
    %add3A_252 = arith.constant 16 : i32
    %add3A_253 = arith.addi %arg1, %add3A_252 : i32
    %lt3A_254 = arith.constant 90 : i32
    %lt3A_255 = arith.cmpi slt, %add3A_253, %lt3A_254 : i32
    %convert_element_type3A_256 = arith.extui %lt3A_255 : i1 to i32
    %cond3A_257 = arith.constant 0 : i32
    %cond3A_258 = arith.cmpi ne, %convert_element_type3A_256, %cond3A_257 : i32
    scf.if %cond3A_258 {
      %mul3A_287 = arith.constant 112 : i32
      %mul3A_288 = arith.muli %add3A_253, %mul3A_287 : i32
      %multiple_of3A = tpu.assume_multiple %mul3A_288, 8 : i32
      "tpu.region"() ({
        %run_scoped3A_289 = tpu.sem_alloc : memref<!tpu.dma_semaphore, #tpu.memory_space<semaphore_mem>>
        %dma_start3A_290 = arith.constant 0 : i32
        %dma_start3A_291 = tpu.memref_slice %arg4[%arg0, %multiple_of3A, %dma_start3A_290] : memref<2x10080x128xf32, #tpu.memory_space<hbm>> -> memref<1x112x128xf32, #tpu.memory_space<hbm>>
        %dma_start3A_292 = tpu.memref_squeeze %dma_start3A_291 : memref<1x112x128xf32, #tpu.memory_space<hbm>> -> memref<112x128xf32, #tpu.memory_space<hbm>>
        %dma_start3A_293 = arith.constant 0 : i32
        %dma_start3A_294 = tpu.memref_slice %arg5[%multiple_of3A, %dma_start3A_293] : memref<10080x128xf32, #tpu.memory_space<vmem_shared>> -> memref<112x128xf32, #tpu.memory_space<vmem_shared>>
        tpu.enqueue_dma source(%dma_start3A_294 : memref<112x128xf32, #tpu.memory_space<vmem_shared>>) target(%dma_start3A_292 : memref<112x128xf32, #tpu.memory_space<hbm>>) target_semaphore(%run_scoped3A_289 : memref<!tpu.dma_semaphore, #tpu.memory_space<semaphore_mem>>)
        %dma_wait3A_295 = arith.constant 0 : i32
        %dma_wait3A_296 = tpu.memref_slice %arg4[%arg0, %multiple_of3A, %dma_wait3A_295] : memref<2x10080x128xf32, #tpu.memory_space<hbm>> -> memref<1x112x128xf32, #tpu.memory_space<hbm>>
        %dma_wait3A_297 = tpu.memref_squeeze %dma_wait3A_296 : memref<1x112x128xf32, #tpu.memory_space<hbm>> -> memref<112x128xf32, #tpu.memory_space<hbm>>
        %dma_wait3A_298 = arith.constant 0 : i32
        %dma_wait3A_299 = tpu.memref_slice %arg5[%multiple_of3A, %dma_wait3A_298] : memref<10080x128xf32, #tpu.memory_space<vmem_shared>> -> memref<112x128xf32, #tpu.memory_space<vmem_shared>>
        tpu.wait_dma2 semaphore(%run_scoped3A_289 : memref<!tpu.dma_semaphore, #tpu.memory_space<semaphore_mem>>) src(%dma_wait3A_299 : memref<112x128xf32, #tpu.memory_space<vmem_shared>>) dst(%dma_wait3A_297 : memref<112x128xf32, #tpu.memory_space<hbm>>)
        tpu.yield
      }) : () -> ()
    } else {
    }
    %add3A_259 = arith.constant 32 : i32
    %add3A_260 = arith.addi %arg1, %add3A_259 : i32
    %lt3A_261 = arith.constant 90 : i32
    %lt3A_262 = arith.cmpi slt, %add3A_260, %lt3A_261 : i32
    %convert_element_type3A_263 = arith.extui %lt3A_262 : i1 to i32
    %cond3A_264 = arith.constant 0 : i32
    %cond3A_265 = arith.cmpi ne, %convert_element_type3A_263, %cond3A_264 : i32
    scf.if %cond3A_265 {
      %mul3A_287 = arith.constant 112 : i32
      %mul3A_288 = arith.muli %add3A_260, %mul3A_287 : i32
      %multiple_of3A = tpu.assume_multiple %mul3A_288, 8 : i32
      "tpu.region"() ({
        %run_scoped3A_289 = tpu.sem_alloc : memref<!tpu.dma_semaphore, #tpu.memory_space<semaphore_mem>>
        %dma_start3A_290 = arith.constant 0 : i32
        %dma_start3A_291 = tpu.memref_slice %arg4[%arg0, %multiple_of3A, %dma_start3A_290] : memref<2x10080x128xf32, #tpu.memory_space<hbm>> -> memref<1x112x128xf32, #tpu.memory_space<hbm>>
        %dma_start3A_292 = tpu.memref_squeeze %dma_start3A_291 : memref<1x112x128xf32, #tpu.memory_space<hbm>> -> memref<112x128xf32, #tpu.memory_space<hbm>>
        %dma_start3A_293 = arith.constant 0 : i32
        %dma_start3A_294 = tpu.memref_slice %arg5[%multiple_of3A, %dma_start3A_293] : memref<10080x128xf32, #tpu.memory_space<vmem_shared>> -> memref<112x128xf32, #tpu.memory_space<vmem_shared>>
        tpu.enqueue_dma source(%dma_start3A_294 : memref<112x128xf32, #tpu.memory_space<vmem_shared>>) target(%dma_start3A_292 : memref<112x128xf32, #tpu.memory_space<hbm>>) target_semaphore(%run_scoped3A_289 : memref<!tpu.dma_semaphore, #tpu.memory_space<semaphore_mem>>)
        %dma_wait3A_295 = arith.constant 0 : i32
        %dma_wait3A_296 = tpu.memref_slice %arg4[%arg0, %multiple_of3A, %dma_wait3A_295] : memref<2x10080x128xf32, #tpu.memory_space<hbm>> -> memref<1x112x128xf32, #tpu.memory_space<hbm>>
        %dma_wait3A_297 = tpu.memref_squeeze %dma_wait3A_296 : memref<1x112x128xf32, #tpu.memory_space<hbm>> -> memref<112x128xf32, #tpu.memory_space<hbm>>
        %dma_wait3A_298 = arith.constant 0 : i32
        %dma_wait3A_299 = tpu.memref_slice %arg5[%multiple_of3A, %dma_wait3A_298] : memref<10080x128xf32, #tpu.memory_space<vmem_shared>> -> memref<112x128xf32, #tpu.memory_space<vmem_shared>>
        tpu.wait_dma2 semaphore(%run_scoped3A_289 : memref<!tpu.dma_semaphore, #tpu.memory_space<semaphore_mem>>) src(%dma_wait3A_299 : memref<112x128xf32, #tpu.memory_space<vmem_shared>>) dst(%dma_wait3A_297 : memref<112x128xf32, #tpu.memory_space<hbm>>)
        tpu.yield
      }) : () -> ()
    } else {
    }
    %add3A_266 = arith.constant 48 : i32
    %add3A_267 = arith.addi %arg1, %add3A_266 : i32
    %lt3A_268 = arith.constant 90 : i32
    %lt3A_269 = arith.cmpi slt, %add3A_267, %lt3A_268 : i32
    %convert_element_type3A_270 = arith.extui %lt3A_269 : i1 to i32
    %cond3A_271 = arith.constant 0 : i32
    %cond3A_272 = arith.cmpi ne, %convert_element_type3A_270, %cond3A_271 : i32
    scf.if %cond3A_272 {
      %mul3A_287 = arith.constant 112 : i32
      %mul3A_288 = arith.muli %add3A_267, %mul3A_287 : i32
      %multiple_of3A = tpu.assume_multiple %mul3A_288, 8 : i32
      "tpu.region"() ({
        %run_scoped3A_289 = tpu.sem_alloc : memref<!tpu.dma_semaphore, #tpu.memory_space<semaphore_mem>>
        %dma_start3A_290 = arith.constant 0 : i32
        %dma_start3A_291 = tpu.memref_slice %arg4[%arg0, %multiple_of3A, %dma_start3A_290] : memref<2x10080x128xf32, #tpu.memory_space<hbm>> -> memref<1x112x128xf32, #tpu.memory_space<hbm>>
        %dma_start3A_292 = tpu.memref_squeeze %dma_start3A_291 : memref<1x112x128xf32, #tpu.memory_space<hbm>> -> memref<112x128xf32, #tpu.memory_space<hbm>>
        %dma_start3A_293 = arith.constant 0 : i32
        %dma_start3A_294 = tpu.memref_slice %arg5[%multiple_of3A, %dma_start3A_293] : memref<10080x128xf32, #tpu.memory_space<vmem_shared>> -> memref<112x128xf32, #tpu.memory_space<vmem_shared>>
        tpu.enqueue_dma source(%dma_start3A_294 : memref<112x128xf32, #tpu.memory_space<vmem_shared>>) target(%dma_start3A_292 : memref<112x128xf32, #tpu.memory_space<hbm>>) target_semaphore(%run_scoped3A_289 : memref<!tpu.dma_semaphore, #tpu.memory_space<semaphore_mem>>)
        %dma_wait3A_295 = arith.constant 0 : i32
        %dma_wait3A_296 = tpu.memref_slice %arg4[%arg0, %multiple_of3A, %dma_wait3A_295] : memref<2x10080x128xf32, #tpu.memory_space<hbm>> -> memref<1x112x128xf32, #tpu.memory_space<hbm>>
        %dma_wait3A_297 = tpu.memref_squeeze %dma_wait3A_296 : memref<1x112x128xf32, #tpu.memory_space<hbm>> -> memref<112x128xf32, #tpu.memory_space<hbm>>
        %dma_wait3A_298 = arith.constant 0 : i32
        %dma_wait3A_299 = tpu.memref_slice %arg5[%multiple_of3A, %dma_wait3A_298] : memref<10080x128xf32, #tpu.memory_space<vmem_shared>> -> memref<112x128xf32, #tpu.memory_space<vmem_shared>>
        tpu.wait_dma2 semaphore(%run_scoped3A_289 : memref<!tpu.dma_semaphore, #tpu.memory_space<semaphore_mem>>) src(%dma_wait3A_299 : memref<112x128xf32, #tpu.memory_space<vmem_shared>>) dst(%dma_wait3A_297 : memref<112x128xf32, #tpu.memory_space<hbm>>)
        tpu.yield
      }) : () -> ()
    } else {
    }
    %add3A_273 = arith.constant 64 : i32
    %add3A_274 = arith.addi %arg1, %add3A_273 : i32
    %lt3A_275 = arith.constant 90 : i32
    %lt3A_276 = arith.cmpi slt, %add3A_274, %lt3A_275 : i32
    %convert_element_type3A_277 = arith.extui %lt3A_276 : i1 to i32
    %cond3A_278 = arith.constant 0 : i32
    %cond3A_279 = arith.cmpi ne, %convert_element_type3A_277, %cond3A_278 : i32
    scf.if %cond3A_279 {
      %mul3A_287 = arith.constant 112 : i32
      %mul3A_288 = arith.muli %add3A_274, %mul3A_287 : i32
      %multiple_of3A = tpu.assume_multiple %mul3A_288, 8 : i32
      "tpu.region"() ({
        %run_scoped3A_289 = tpu.sem_alloc : memref<!tpu.dma_semaphore, #tpu.memory_space<semaphore_mem>>
        %dma_start3A_290 = arith.constant 0 : i32
        %dma_start3A_291 = tpu.memref_slice %arg4[%arg0, %multiple_of3A, %dma_start3A_290] : memref<2x10080x128xf32, #tpu.memory_space<hbm>> -> memref<1x112x128xf32, #tpu.memory_space<hbm>>
        %dma_start3A_292 = tpu.memref_squeeze %dma_start3A_291 : memref<1x112x128xf32, #tpu.memory_space<hbm>> -> memref<112x128xf32, #tpu.memory_space<hbm>>
        %dma_start3A_293 = arith.constant 0 : i32
        %dma_start3A_294 = tpu.memref_slice %arg5[%multiple_of3A, %dma_start3A_293] : memref<10080x128xf32, #tpu.memory_space<vmem_shared>> -> memref<112x128xf32, #tpu.memory_space<vmem_shared>>
        tpu.enqueue_dma source(%dma_start3A_294 : memref<112x128xf32, #tpu.memory_space<vmem_shared>>) target(%dma_start3A_292 : memref<112x128xf32, #tpu.memory_space<hbm>>) target_semaphore(%run_scoped3A_289 : memref<!tpu.dma_semaphore, #tpu.memory_space<semaphore_mem>>)
        %dma_wait3A_295 = arith.constant 0 : i32
        %dma_wait3A_296 = tpu.memref_slice %arg4[%arg0, %multiple_of3A, %dma_wait3A_295] : memref<2x10080x128xf32, #tpu.memory_space<hbm>> -> memref<1x112x128xf32, #tpu.memory_space<hbm>>
        %dma_wait3A_297 = tpu.memref_squeeze %dma_wait3A_296 : memref<1x112x128xf32, #tpu.memory_space<hbm>> -> memref<112x128xf32, #tpu.memory_space<hbm>>
        %dma_wait3A_298 = arith.constant 0 : i32
        %dma_wait3A_299 = tpu.memref_slice %arg5[%multiple_of3A, %dma_wait3A_298] : memref<10080x128xf32, #tpu.memory_space<vmem_shared>> -> memref<112x128xf32, #tpu.memory_space<vmem_shared>>
        tpu.wait_dma2 semaphore(%run_scoped3A_289 : memref<!tpu.dma_semaphore, #tpu.memory_space<semaphore_mem>>) src(%dma_wait3A_299 : memref<112x128xf32, #tpu.memory_space<vmem_shared>>) dst(%dma_wait3A_297 : memref<112x128xf32, #tpu.memory_space<hbm>>)
        tpu.yield
      }) : () -> ()
    } else {
    }
    %add3A_280 = arith.constant 80 : i32
    %add3A_281 = arith.addi %arg1, %add3A_280 : i32
    %lt3A_282 = arith.constant 90 : i32
    %lt3A_283 = arith.cmpi slt, %add3A_281, %lt3A_282 : i32
    %convert_element_type3A_284 = arith.extui %lt3A_283 : i1 to i32
    %cond3A_285 = arith.constant 0 : i32
    %cond3A_286 = arith.cmpi ne, %convert_element_type3A_284, %cond3A_285 : i32
    scf.if %cond3A_286 {
      %mul3A_287 = arith.constant 112 : i32
      %mul3A_288 = arith.muli %add3A_281, %mul3A_287 : i32
      %multiple_of3A = tpu.assume_multiple %mul3A_288, 8 : i32
      "tpu.region"() ({
        %run_scoped3A_289 = tpu.sem_alloc : memref<!tpu.dma_semaphore, #tpu.memory_space<semaphore_mem>>
        %dma_start3A_290 = arith.constant 0 : i32
        %dma_start3A_291 = tpu.memref_slice %arg4[%arg0, %multiple_of3A, %dma_start3A_290] : memref<2x10080x128xf32, #tpu.memory_space<hbm>> -> memref<1x112x128xf32, #tpu.memory_space<hbm>>
        %dma_start3A_292 = tpu.memref_squeeze %dma_start3A_291 : memref<1x112x128xf32, #tpu.memory_space<hbm>> -> memref<112x128xf32, #tpu.memory_space<hbm>>
        %dma_start3A_293 = arith.constant 0 : i32
        %dma_start3A_294 = tpu.memref_slice %arg5[%multiple_of3A, %dma_start3A_293] : memref<10080x128xf32, #tpu.memory_space<vmem_shared>> -> memref<112x128xf32, #tpu.memory_space<vmem_shared>>
        tpu.enqueue_dma source(%dma_start3A_294 : memref<112x128xf32, #tpu.memory_space<vmem_shared>>) target(%dma_start3A_292 : memref<112x128xf32, #tpu.memory_space<hbm>>) target_semaphore(%run_scoped3A_289 : memref<!tpu.dma_semaphore, #tpu.memory_space<semaphore_mem>>)
        %dma_wait3A_295 = arith.constant 0 : i32
        %dma_wait3A_296 = tpu.memref_slice %arg4[%arg0, %multiple_of3A, %dma_wait3A_295] : memref<2x10080x128xf32, #tpu.memory_space<hbm>> -> memref<1x112x128xf32, #tpu.memory_space<hbm>>
        %dma_wait3A_297 = tpu.memref_squeeze %dma_wait3A_296 : memref<1x112x128xf32, #tpu.memory_space<hbm>> -> memref<112x128xf32, #tpu.memory_space<hbm>>
        %dma_wait3A_298 = arith.constant 0 : i32
        %dma_wait3A_299 = tpu.memref_slice %arg5[%multiple_of3A, %dma_wait3A_298] : memref<10080x128xf32, #tpu.memory_space<vmem_shared>> -> memref<112x128xf32, #tpu.memory_space<vmem_shared>>
        tpu.wait_dma2 semaphore(%run_scoped3A_289 : memref<!tpu.dma_semaphore, #tpu.memory_space<semaphore_mem>>) src(%dma_wait3A_299 : memref<112x128xf32, #tpu.memory_space<vmem_shared>>) dst(%dma_wait3A_297 : memref<112x128xf32, #tpu.memory_space<hbm>>)
        tpu.yield
      }) : () -> ()
    } else {
    }
    return
  }
}

#map = affine_map<(d0, d1) -> (0, 0)>
#map1 = affine_map<(d0, d1) -> (0, 0, 0, 0)>
#map2 = affine_map<(d0, d1) -> (0, 0, 0)>
module attributes {stable_mosaic.version = 14 : i64} {
  func.func @_spmm_kernel(%arg0: i32, %arg1: i32, %arg2: memref<10080x128xf32, #tpu.memory_space<hbm>>, %arg3: memref<32x90x2x112xi32, #tpu.memory_space<hbm>>, %arg4: memref<2x10080x128xf32, #tpu.memory_space<hbm>>, %arg5: memref<10080x128xf32, #tpu.memory_space<vmem_shared>>, %arg6: memref<3x2x112xi32, #tpu.memory_space<vmem>>, %arg7: memref<112x128xf32, #tpu.memory_space<vmem>>, %arg8: memref<112x128xf32, #tpu.memory_space<vmem>>, %arg9: memref<112x128xf32, #tpu.memory_space<vmem>>, %arg10: memref<!tpu.dma_semaphore, #tpu.memory_space<semaphore_mem>>, %arg11: memref<!tpu.dma_semaphore, #tpu.memory_space<semaphore_mem>>, %arg12: memref<!tpu.dma_semaphore, #tpu.memory_space<semaphore_mem>>, %arg13: memref<!tpu.dma_semaphore, #tpu.memory_space<semaphore_mem>>, %arg14: memref<!tpu.dma_semaphore, #tpu.memory_space<semaphore_mem>>, %arg15: memref<!tpu.dma_semaphore, #tpu.memory_space<semaphore_mem>>, %arg16: memref<!tpu.dma_semaphore, #tpu.memory_space<semaphore_mem>>, %arg17: memref<!tpu.dma_semaphore, #tpu.memory_space<semaphore_mem>>, %arg18: memref<!tpu.dma_semaphore, #tpu.memory_space<semaphore_mem>>) attributes {dimension_semantics = [#tpu.dimension_semantics<core_parallel>, #tpu.dimension_semantics<subcore_parallel>], iteration_bounds = array<i64: 2, 16>, scalar_prefetch = 0 : i64, scratch_operands = 14 : i64, tpu.core_type = #tpu.core_type<sc_vector_subcore>, window_params = [{transform_indices = #map}, {transform_indices = #map1}, {transform_indices = #map2}]} {
    %mul3A = arith.constant 16 : i32
    %mul3A_0 = arith.muli %arg0, %mul3A : i32
    %add3A = arith.addi %mul3A_0, %arg1 : i32
    %scan3A = arith.constant 0 : i32
    %scan3A_1 = arith.constant 0 : i32
    %scan3A_2 = arith.constant 112 : i32
    %scan3A_3 = arith.addi %scan3A_1, %scan3A_2 : i32
    %scan3A_4 = arith.constant 1 : i32
    scf.for %scan3A_287 = %scan3A_1 to %scan3A_3 step %scan3A_4  : i32 {
      %broadcast_in_dim3A = arith.constant 0.000000e+00 : f32
      %broadcast_in_dim3A_288 = vector.broadcast %broadcast_in_dim3A : f32 to vector<16xf32>
      %swap3A = arith.index_cast %scan3A_287 : i32 to index
      %swap3A_289 = arith.constant 0 : index
      %swap3A_290 = tpu.vector_load %arg7[%swap3A, %swap3A_289] {strides = array<i32>} : memref<112x128xf32, #tpu.memory_space<vmem>>, vector<1x16xf32>,
      %swap3A_291 = vector.shape_cast %swap3A_290 : vector<1x16xf32> to vector<16xf32>
      %swap3A_292 = vector.shape_cast %broadcast_in_dim3A_288 : vector<16xf32> to vector<1x16xf32>
      tpu.vector_store %arg7[%swap3A, %swap3A_289], %swap3A_292 {strides = array<i32>} : memref<112x128xf32, #tpu.memory_space<vmem>>, vector<1x16xf32>,
      %broadcast_in_dim3A_293 = arith.constant 0.000000e+00 : f32
      %broadcast_in_dim3A_294 = vector.broadcast %broadcast_in_dim3A_293 : f32 to vector<16xf32>
      %swap3A_295 = arith.index_cast %scan3A_287 : i32 to index
      %swap3A_296 = arith.constant 16 : index
      %swap3A_297 = tpu.vector_load %arg7[%swap3A_295, %swap3A_296] {strides = array<i32>} : memref<112x128xf32, #tpu.memory_space<vmem>>, vector<1x16xf32>,
      %swap3A_298 = vector.shape_cast %swap3A_297 : vector<1x16xf32> to vector<16xf32>
      %swap3A_299 = vector.shape_cast %broadcast_in_dim3A_294 : vector<16xf32> to vector<1x16xf32>
      tpu.vector_store %arg7[%swap3A_295, %swap3A_296], %swap3A_299 {strides = array<i32>} : memref<112x128xf32, #tpu.memory_space<vmem>>, vector<1x16xf32>,
      %broadcast_in_dim3A_300 = arith.constant 0.000000e+00 : f32
      %broadcast_in_dim3A_301 = vector.broadcast %broadcast_in_dim3A_300 : f32 to vector<16xf32>
      %swap3A_302 = arith.index_cast %scan3A_287 : i32 to index
      %swap3A_303 = arith.constant 32 : index
      %swap3A_304 = tpu.vector_load %arg7[%swap3A_302, %swap3A_303] {strides = array<i32>} : memref<112x128xf32, #tpu.memory_space<vmem>>, vector<1x16xf32>,
      %swap3A_305 = vector.shape_cast %swap3A_304 : vector<1x16xf32> to vector<16xf32>
      %swap3A_306 = vector.shape_cast %broadcast_in_dim3A_301 : vector<16xf32> to vector<1x16xf32>
      tpu.vector_store %arg7[%swap3A_302, %swap3A_303], %swap3A_306 {strides = array<i32>} : memref<112x128xf32, #tpu.memory_space<vmem>>, vector<1x16xf32>,
      %broadcast_in_dim3A_307 = arith.constant 0.000000e+00 : f32
      %broadcast_in_dim3A_308 = vector.broadcast %broadcast_in_dim3A_307 : f32 to vector<16xf32>
      %swap3A_309 = arith.index_cast %scan3A_287 : i32 to index
      %swap3A_310 = arith.constant 48 : index
      %swap3A_311 = tpu.vector_load %arg7[%swap3A_309, %swap3A_310] {strides = array<i32>} : memref<112x128xf32, #tpu.memory_space<vmem>>, vector<1x16xf32>,
      %swap3A_312 = vector.shape_cast %swap3A_311 : vector<1x16xf32> to vector<16xf32>
      %swap3A_313 = vector.shape_cast %broadcast_in_dim3A_308 : vector<16xf32> to vector<1x16xf32>
      tpu.vector_store %arg7[%swap3A_309, %swap3A_310], %swap3A_313 {strides = array<i32>} : memref<112x128xf32, #tpu.memory_space<vmem>>, vector<1x16xf32>,
      %broadcast_in_dim3A_314 = arith.constant 0.000000e+00 : f32
      %broadcast_in_dim3A_315 = vector.broadcast %broadcast_in_dim3A_314 : f32 to vector<16xf32>
      %swap3A_316 = arith.index_cast %scan3A_287 : i32 to index
      %swap3A_317 = arith.constant 64 : index
      %swap3A_318 = tpu.vector_load %arg7[%swap3A_316, %swap3A_317] {strides = array<i32>} : memref<112x128xf32, #tpu.memory_space<vmem>>, vector<1x16xf32>,
      %swap3A_319 = vector.shape_cast %swap3A_318 : vector<1x16xf32> to vector<16xf32>
      %swap3A_320 = vector.shape_cast %broadcast_in_dim3A_315 : vector<16xf32> to vector<1x16xf32>
      tpu.vector_store %arg7[%swap3A_316, %swap3A_317], %swap3A_320 {strides = array<i32>} : memref<112x128xf32, #tpu.memory_space<vmem>>, vector<1x16xf32>,
      %broadcast_in_dim3A_321 = arith.constant 0.000000e+00 : f32
      %broadcast_in_dim3A_322 = vector.broadcast %broadcast_in_dim3A_321 : f32 to vector<16xf32>
      %swap3A_323 = arith.index_cast %scan3A_287 : i32 to index
      %swap3A_324 = arith.constant 80 : index
      %swap3A_325 = tpu.vector_load %arg7[%swap3A_323, %swap3A_324] {strides = array<i32>} : memref<112x128xf32, #tpu.memory_space<vmem>>, vector<1x16xf32>,
      %swap3A_326 = vector.shape_cast %swap3A_325 : vector<1x16xf32> to vector<16xf32>
      %swap3A_327 = vector.shape_cast %broadcast_in_dim3A_322 : vector<16xf32> to vector<1x16xf32>
      tpu.vector_store %arg7[%swap3A_323, %swap3A_324], %swap3A_327 {strides = array<i32>} : memref<112x128xf32, #tpu.memory_space<vmem>>, vector<1x16xf32>,
      %broadcast_in_dim3A_328 = arith.constant 0.000000e+00 : f32
      %broadcast_in_dim3A_329 = vector.broadcast %broadcast_in_dim3A_328 : f32 to vector<16xf32>
      %swap3A_330 = arith.index_cast %scan3A_287 : i32 to index
      %swap3A_331 = arith.constant 96 : index
      %swap3A_332 = tpu.vector_load %arg7[%swap3A_330, %swap3A_331] {strides = array<i32>} : memref<112x128xf32, #tpu.memory_space<vmem>>, vector<1x16xf32>,
      %swap3A_333 = vector.shape_cast %swap3A_332 : vector<1x16xf32> to vector<16xf32>
      %swap3A_334 = vector.shape_cast %broadcast_in_dim3A_329 : vector<16xf32> to vector<1x16xf32>
      tpu.vector_store %arg7[%swap3A_330, %swap3A_331], %swap3A_334 {strides = array<i32>} : memref<112x128xf32, #tpu.memory_space<vmem>>, vector<1x16xf32>,
      %broadcast_in_dim3A_335 = arith.constant 0.000000e+00 : f32
      %broadcast_in_dim3A_336 = vector.broadcast %broadcast_in_dim3A_335 : f32 to vector<16xf32>
      %swap3A_337 = arith.index_cast %scan3A_287 : i32 to index
      %swap3A_338 = arith.constant 112 : index
      %swap3A_339 = tpu.vector_load %arg7[%swap3A_337, %swap3A_338] {strides = array<i32>} : memref<112x128xf32, #tpu.memory_space<vmem>>, vector<1x16xf32>,
      %swap3A_340 = vector.shape_cast %swap3A_339 : vector<1x16xf32> to vector<16xf32>
      %swap3A_341 = vector.shape_cast %broadcast_in_dim3A_336 : vector<16xf32> to vector<1x16xf32>
      tpu.vector_store %arg7[%swap3A_337, %swap3A_338], %swap3A_341 {strides = array<i32>} : memref<112x128xf32, #tpu.memory_space<vmem>>, vector<1x16xf32>,
    }
    %scan3A_5 = arith.constant 112 : i32
    %add3A_6 = arith.constant 0 : i32
    %add3A_7 = arith.addi %arg1, %add3A_6 : i32
    %lt3A = arith.constant 90 : i32
    %lt3A_8 = arith.cmpi slt, %add3A_7, %lt3A : i32
    %convert_element_type3A = arith.extui %lt3A_8 : i1 to i32
    %cond3A = arith.constant 0 : i32
    %cond3A_9 = arith.cmpi ne, %convert_element_type3A, %cond3A : i32
    scf.if %cond3A_9 {
      %mul3A_287 = arith.constant 112 : i32
      %mul3A_288 = arith.muli %add3A_7, %mul3A_287 : i32
      %multiple_of3A = tpu.assume_multiple %mul3A_288, 8 : i32
      "tpu.region"() ({
        %run_scoped3A_289 = tpu.sem_alloc : memref<!tpu.dma_semaphore, #tpu.memory_space<semaphore_mem>>
        %dma_start3A_290 = arith.constant 0 : i32
        %dma_start3A_291 = tpu.memref_slice %arg5[%multiple_of3A, %dma_start3A_290] : memref<10080x128xf32, #tpu.memory_space<vmem_shared>> -> memref<112x128xf32, #tpu.memory_space<vmem_shared>>
        %dma_start3A_292 = arith.constant 0 : i32
        %dma_start3A_293 = tpu.memref_slice %arg5[%multiple_of3A, %dma_start3A_292] : memref<10080x128xf32, #tpu.memory_space<vmem_shared>> -> memref<112x128xf32, #tpu.memory_space<vmem_shared>>
        tpu.enqueue_dma source(%arg7 : memref<112x128xf32, #tpu.memory_space<vmem>>) target(%dma_start3A_293 : memref<112x128xf32, #tpu.memory_space<vmem_shared>>) target_semaphore(%run_scoped3A_289 : memref<!tpu.dma_semaphore, #tpu.memory_space<semaphore_mem>>)
        %dma_wait3A_294 = arith.constant 0 : i32
        %dma_wait3A_295 = tpu.memref_slice %arg5[%multiple_of3A, %dma_wait3A_294] : memref<10080x128xf32, #tpu.memory_space<vmem_shared>> -> memref<112x128xf32, #tpu.memory_space<vmem_shared>>
        %dma_wait3A_296 = arith.constant 0 : i32
        %dma_wait3A_297 = tpu.memref_slice %arg5[%multiple_of3A, %dma_wait3A_296] : memref<10080x128xf32, #tpu.memory_space<vmem_shared>> -> memref<112x128xf32, #tpu.memory_space<vmem_shared>>
        tpu.wait_dma2 semaphore(%run_scoped3A_289 : memref<!tpu.dma_semaphore, #tpu.memory_space<semaphore_mem>>) src(%arg7 : memref<112x128xf32, #tpu.memory_space<vmem>>) dst(%dma_wait3A_297 : memref<112x128xf32, #tpu.memory_space<vmem_shared>>)
        tpu.yield
      }) : () -> ()
    } else {
    }
    %add3A_10 = arith.constant 16 : i32
    %add3A_11 = arith.addi %arg1, %add3A_10 : i32
    %lt3A_12 = arith.constant 90 : i32
    %lt3A_13 = arith.cmpi slt, %add3A_11, %lt3A_12 : i32
    %convert_element_type3A_14 = arith.extui %lt3A_13 : i1 to i32
    %cond3A_15 = arith.constant 0 : i32
    %cond3A_16 = arith.cmpi ne, %convert_element_type3A_14, %cond3A_15 : i32
    scf.if %cond3A_16 {
      %mul3A_287 = arith.constant 112 : i32
      %mul3A_288 = arith.muli %add3A_11, %mul3A_287 : i32
      %multiple_of3A = tpu.assume_multiple %mul3A_288, 8 : i32
      "tpu.region"() ({
        %run_scoped3A_289 = tpu.sem_alloc : memref<!tpu.dma_semaphore, #tpu.memory_space<semaphore_mem>>
        %dma_start3A_290 = arith.constant 0 : i32
        %dma_start3A_291 = tpu.memref_slice %arg5[%multiple_of3A, %dma_start3A_290] : memref<10080x128xf32, #tpu.memory_space<vmem_shared>> -> memref<112x128xf32, #tpu.memory_space<vmem_shared>>
        %dma_start3A_292 = arith.constant 0 : i32
        %dma_start3A_293 = tpu.memref_slice %arg5[%multiple_of3A, %dma_start3A_292] : memref<10080x128xf32, #tpu.memory_space<vmem_shared>> -> memref<112x128xf32, #tpu.memory_space<vmem_shared>>
        tpu.enqueue_dma source(%arg7 : memref<112x128xf32, #tpu.memory_space<vmem>>) target(%dma_start3A_293 : memref<112x128xf32, #tpu.memory_space<vmem_shared>>) target_semaphore(%run_scoped3A_289 : memref<!tpu.dma_semaphore, #tpu.memory_space<semaphore_mem>>)
        %dma_wait3A_294 = arith.constant 0 : i32
        %dma_wait3A_295 = tpu.memref_slice %arg5[%multiple_of3A, %dma_wait3A_294] : memref<10080x128xf32, #tpu.memory_space<vmem_shared>> -> memref<112x128xf32, #tpu.memory_space<vmem_shared>>
        %dma_wait3A_296 = arith.constant 0 : i32
        %dma_wait3A_297 = tpu.memref_slice %arg5[%multiple_of3A, %dma_wait3A_296] : memref<10080x128xf32, #tpu.memory_space<vmem_shared>> -> memref<112x128xf32, #tpu.memory_space<vmem_shared>>
        tpu.wait_dma2 semaphore(%run_scoped3A_289 : memref<!tpu.dma_semaphore, #tpu.memory_space<semaphore_mem>>) src(%arg7 : memref<112x128xf32, #tpu.memory_space<vmem>>) dst(%dma_wait3A_297 : memref<112x128xf32, #tpu.memory_space<vmem_shared>>)
        tpu.yield
      }) : () -> ()
    } else {
    }
    %add3A_17 = arith.constant 32 : i32
    %add3A_18 = arith.addi %arg1, %add3A_17 : i32
    %lt3A_19 = arith.constant 90 : i32
    %lt3A_20 = arith.cmpi slt, %add3A_18, %lt3A_19 : i32
    %convert_element_type3A_21 = arith.extui %lt3A_20 : i1 to i32
    %cond3A_22 = arith.constant 0 : i32
    %cond3A_23 = arith.cmpi ne, %convert_element_type3A_21, %cond3A_22 : i32
    scf.if %cond3A_23 {
      %mul3A_287 = arith.constant 112 : i32
      %mul3A_288 = arith.muli %add3A_18, %mul3A_287 : i32
      %multiple_of3A = tpu.assume_multiple %mul3A_288, 8 : i32
      "tpu.region"() ({
        %run_scoped3A_289 = tpu.sem_alloc : memref<!tpu.dma_semaphore, #tpu.memory_space<semaphore_mem>>
        %dma_start3A_290 = arith.constant 0 : i32
        %dma_start3A_291 = tpu.memref_slice %arg5[%multiple_of3A, %dma_start3A_290] : memref<10080x128xf32, #tpu.memory_space<vmem_shared>> -> memref<112x128xf32, #tpu.memory_space<vmem_shared>>
        %dma_start3A_292 = arith.constant 0 : i32
        %dma_start3A_293 = tpu.memref_slice %arg5[%multiple_of3A, %dma_start3A_292] : memref<10080x128xf32, #tpu.memory_space<vmem_shared>> -> memref<112x128xf32, #tpu.memory_space<vmem_shared>>
        tpu.enqueue_dma source(%arg7 : memref<112x128xf32, #tpu.memory_space<vmem>>) target(%dma_start3A_293 : memref<112x128xf32, #tpu.memory_space<vmem_shared>>) target_semaphore(%run_scoped3A_289 : memref<!tpu.dma_semaphore, #tpu.memory_space<semaphore_mem>>)
        %dma_wait3A_294 = arith.constant 0 : i32
        %dma_wait3A_295 = tpu.memref_slice %arg5[%multiple_of3A, %dma_wait3A_294] : memref<10080x128xf32, #tpu.memory_space<vmem_shared>> -> memref<112x128xf32, #tpu.memory_space<vmem_shared>>
        %dma_wait3A_296 = arith.constant 0 : i32
        %dma_wait3A_297 = tpu.memref_slice %arg5[%multiple_of3A, %dma_wait3A_296] : memref<10080x128xf32, #tpu.memory_space<vmem_shared>> -> memref<112x128xf32, #tpu.memory_space<vmem_shared>>
        tpu.wait_dma2 semaphore(%run_scoped3A_289 : memref<!tpu.dma_semaphore, #tpu.memory_space<semaphore_mem>>) src(%arg7 : memref<112x128xf32, #tpu.memory_space<vmem>>) dst(%dma_wait3A_297 : memref<112x128xf32, #tpu.memory_space<vmem_shared>>)
        tpu.yield
      }) : () -> ()
    } else {
    }
    %add3A_24 = arith.constant 48 : i32
    %add3A_25 = arith.addi %arg1, %add3A_24 : i32
    %lt3A_26 = arith.constant 90 : i32
    %lt3A_27 = arith.cmpi slt, %add3A_25, %lt3A_26 : i32
    %convert_element_type3A_28 = arith.extui %lt3A_27 : i1 to i32
    %cond3A_29 = arith.constant 0 : i32
    %cond3A_30 = arith.cmpi ne, %convert_element_type3A_28, %cond3A_29 : i32
    scf.if %cond3A_30 {
      %mul3A_287 = arith.constant 112 : i32
      %mul3A_288 = arith.muli %add3A_25, %mul3A_287 : i32
      %multiple_of3A = tpu.assume_multiple %mul3A_288, 8 : i32
      "tpu.region"() ({
        %run_scoped3A_289 = tpu.sem_alloc : memref<!tpu.dma_semaphore, #tpu.memory_space<semaphore_mem>>
        %dma_start3A_290 = arith.constant 0 : i32
        %dma_start3A_291 = tpu.memref_slice %arg5[%multiple_of3A, %dma_start3A_290] : memref<10080x128xf32, #tpu.memory_space<vmem_shared>> -> memref<112x128xf32, #tpu.memory_space<vmem_shared>>
        %dma_start3A_292 = arith.constant 0 : i32
        %dma_start3A_293 = tpu.memref_slice %arg5[%multiple_of3A, %dma_start3A_292] : memref<10080x128xf32, #tpu.memory_space<vmem_shared>> -> memref<112x128xf32, #tpu.memory_space<vmem_shared>>
        tpu.enqueue_dma source(%arg7 : memref<112x128xf32, #tpu.memory_space<vmem>>) target(%dma_start3A_293 : memref<112x128xf32, #tpu.memory_space<vmem_shared>>) target_semaphore(%run_scoped3A_289 : memref<!tpu.dma_semaphore, #tpu.memory_space<semaphore_mem>>)
        %dma_wait3A_294 = arith.constant 0 : i32
        %dma_wait3A_295 = tpu.memref_slice %arg5[%multiple_of3A, %dma_wait3A_294] : memref<10080x128xf32, #tpu.memory_space<vmem_shared>> -> memref<112x128xf32, #tpu.memory_space<vmem_shared>>
        %dma_wait3A_296 = arith.constant 0 : i32
        %dma_wait3A_297 = tpu.memref_slice %arg5[%multiple_of3A, %dma_wait3A_296] : memref<10080x128xf32, #tpu.memory_space<vmem_shared>> -> memref<112x128xf32, #tpu.memory_space<vmem_shared>>
        tpu.wait_dma2 semaphore(%run_scoped3A_289 : memref<!tpu.dma_semaphore, #tpu.memory_space<semaphore_mem>>) src(%arg7 : memref<112x128xf32, #tpu.memory_space<vmem>>) dst(%dma_wait3A_297 : memref<112x128xf32, #tpu.memory_space<vmem_shared>>)
        tpu.yield
      }) : () -> ()
    } else {
    }
    %add3A_31 = arith.constant 64 : i32
    %add3A_32 = arith.addi %arg1, %add3A_31 : i32
    %lt3A_33 = arith.constant 90 : i32
    %lt3A_34 = arith.cmpi slt, %add3A_32, %lt3A_33 : i32
    %convert_element_type3A_35 = arith.extui %lt3A_34 : i1 to i32
    %cond3A_36 = arith.constant 0 : i32
    %cond3A_37 = arith.cmpi ne, %convert_element_type3A_35, %cond3A_36 : i32
    scf.if %cond3A_37 {
      %mul3A_287 = arith.constant 112 : i32
      %mul3A_288 = arith.muli %add3A_32, %mul3A_287 : i32
      %multiple_of3A = tpu.assume_multiple %mul3A_288, 8 : i32
      "tpu.region"() ({
        %run_scoped3A_289 = tpu.sem_alloc : memref<!tpu.dma_semaphore, #tpu.memory_space<semaphore_mem>>
        %dma_start3A_290 = arith.constant 0 : i32
        %dma_start3A_291 = tpu.memref_slice %arg5[%multiple_of3A, %dma_start3A_290] : memref<10080x128xf32, #tpu.memory_space<vmem_shared>> -> memref<112x128xf32, #tpu.memory_space<vmem_shared>>
        %dma_start3A_292 = arith.constant 0 : i32
        %dma_start3A_293 = tpu.memref_slice %arg5[%multiple_of3A, %dma_start3A_292] : memref<10080x128xf32, #tpu.memory_space<vmem_shared>> -> memref<112x128xf32, #tpu.memory_space<vmem_shared>>
        tpu.enqueue_dma source(%arg7 : memref<112x128xf32, #tpu.memory_space<vmem>>) target(%dma_start3A_293 : memref<112x128xf32, #tpu.memory_space<vmem_shared>>) target_semaphore(%run_scoped3A_289 : memref<!tpu.dma_semaphore, #tpu.memory_space<semaphore_mem>>)
        %dma_wait3A_294 = arith.constant 0 : i32
        %dma_wait3A_295 = tpu.memref_slice %arg5[%multiple_of3A, %dma_wait3A_294] : memref<10080x128xf32, #tpu.memory_space<vmem_shared>> -> memref<112x128xf32, #tpu.memory_space<vmem_shared>>
        %dma_wait3A_296 = arith.constant 0 : i32
        %dma_wait3A_297 = tpu.memref_slice %arg5[%multiple_of3A, %dma_wait3A_296] : memref<10080x128xf32, #tpu.memory_space<vmem_shared>> -> memref<112x128xf32, #tpu.memory_space<vmem_shared>>
        tpu.wait_dma2 semaphore(%run_scoped3A_289 : memref<!tpu.dma_semaphore, #tpu.memory_space<semaphore_mem>>) src(%arg7 : memref<112x128xf32, #tpu.memory_space<vmem>>) dst(%dma_wait3A_297 : memref<112x128xf32, #tpu.memory_space<vmem_shared>>)
        tpu.yield
      }) : () -> ()
    } else {
    }
    %add3A_38 = arith.constant 80 : i32
    %add3A_39 = arith.addi %arg1, %add3A_38 : i32
    %lt3A_40 = arith.constant 90 : i32
    %lt3A_41 = arith.cmpi slt, %add3A_39, %lt3A_40 : i32
    %convert_element_type3A_42 = arith.extui %lt3A_41 : i1 to i32
    %cond3A_43 = arith.constant 0 : i32
    %cond3A_44 = arith.cmpi ne, %convert_element_type3A_42, %cond3A_43 : i32
    scf.if %cond3A_44 {
      %mul3A_287 = arith.constant 112 : i32
      %mul3A_288 = arith.muli %add3A_39, %mul3A_287 : i32
      %multiple_of3A = tpu.assume_multiple %mul3A_288, 8 : i32
      "tpu.region"() ({
        %run_scoped3A_289 = tpu.sem_alloc : memref<!tpu.dma_semaphore, #tpu.memory_space<semaphore_mem>>
        %dma_start3A_290 = arith.constant 0 : i32
        %dma_start3A_291 = tpu.memref_slice %arg5[%multiple_of3A, %dma_start3A_290] : memref<10080x128xf32, #tpu.memory_space<vmem_shared>> -> memref<112x128xf32, #tpu.memory_space<vmem_shared>>
        %dma_start3A_292 = arith.constant 0 : i32
        %dma_start3A_293 = tpu.memref_slice %arg5[%multiple_of3A, %dma_start3A_292] : memref<10080x128xf32, #tpu.memory_space<vmem_shared>> -> memref<112x128xf32, #tpu.memory_space<vmem_shared>>
        tpu.enqueue_dma source(%arg7 : memref<112x128xf32, #tpu.memory_space<vmem>>) target(%dma_start3A_293 : memref<112x128xf32, #tpu.memory_space<vmem_shared>>) target_semaphore(%run_scoped3A_289 : memref<!tpu.dma_semaphore, #tpu.memory_space<semaphore_mem>>)
        %dma_wait3A_294 = arith.constant 0 : i32
        %dma_wait3A_295 = tpu.memref_slice %arg5[%multiple_of3A, %dma_wait3A_294] : memref<10080x128xf32, #tpu.memory_space<vmem_shared>> -> memref<112x128xf32, #tpu.memory_space<vmem_shared>>
        %dma_wait3A_296 = arith.constant 0 : i32
        %dma_wait3A_297 = tpu.memref_slice %arg5[%multiple_of3A, %dma_wait3A_296] : memref<10080x128xf32, #tpu.memory_space<vmem_shared>> -> memref<112x128xf32, #tpu.memory_space<vmem_shared>>
        tpu.wait_dma2 semaphore(%run_scoped3A_289 : memref<!tpu.dma_semaphore, #tpu.memory_space<semaphore_mem>>) src(%arg7 : memref<112x128xf32, #tpu.memory_space<vmem>>) dst(%dma_wait3A_297 : memref<112x128xf32, #tpu.memory_space<vmem_shared>>)
        tpu.yield
      }) : () -> ()
    } else {
    }
    %barrier3A = arith.constant 0 : index
    tpu.barrier barrier_id(%barrier3A)
    %run_scoped3A = arith.constant 0 : i32
    %run_scoped3A_45 = arith.constant 0 : i32
    "tpu.region"() ({
      %run_scoped3A_287 = tpu.sem_alloc : memref<!tpu.dma_semaphore, #tpu.memory_space<semaphore_mem>>
      %dma_start3A_288 = arith.constant 0 : i32
      %dma_start3A_289 = arith.constant 0 : i32
      %dma_start3A_290 = tpu.memref_slice %arg6[%run_scoped3A_45, %dma_start3A_288, %dma_start3A_289] : memref<3x2x112xi32, #tpu.memory_space<vmem>> -> memref<1x2x112xi32, #tpu.memory_space<vmem>>
      %dma_start3A_291 = tpu.memref_squeeze %dma_start3A_290 : memref<1x2x112xi32, #tpu.memory_space<vmem>> -> memref<2x112xi32, #tpu.memory_space<vmem>>
      %dma_start3A_292 = arith.constant 0 : i32
      %dma_start3A_293 = arith.constant 0 : i32
      %dma_start3A_294 = tpu.memref_slice %arg3[%add3A, %run_scoped3A, %dma_start3A_292, %dma_start3A_293] : memref<32x90x2x112xi32, #tpu.memory_space<hbm>> -> memref<1x1x2x112xi32, #tpu.memory_space<hbm>>
      %dma_start3A_295 = tpu.memref_squeeze %dma_start3A_294 : memref<1x1x2x112xi32, #tpu.memory_space<hbm>> -> memref<2x112xi32, #tpu.memory_space<hbm>>
      %dma_start3A_296 = arith.constant 0 : i32
      %dma_start3A_297 = arith.constant 0 : i32
      %dma_start3A_298 = tpu.memref_slice %arg6[%run_scoped3A_45, %dma_start3A_296, %dma_start3A_297] : memref<3x2x112xi32, #tpu.memory_space<vmem>> -> memref<1x2x112xi32, #tpu.memory_space<vmem>>
      %dma_start3A_299 = tpu.memref_squeeze %dma_start3A_298 : memref<1x2x112xi32, #tpu.memory_space<vmem>> -> memref<2x112xi32, #tpu.memory_space<vmem>>
      %dma_start3A_300 = arith.constant 0 : i32
      %dma_start3A_301 = arith.constant 0 : i32
      %dma_start3A_302 = tpu.memref_slice %arg3[%add3A, %run_scoped3A, %dma_start3A_300, %dma_start3A_301] : memref<32x90x2x112xi32, #tpu.memory_space<hbm>> -> memref<1x1x2x112xi32, #tpu.memory_space<hbm>>
      %dma_start3A_303 = tpu.memref_squeeze %dma_start3A_302 : memref<1x1x2x112xi32, #tpu.memory_space<hbm>> -> memref<2x112xi32, #tpu.memory_space<hbm>>
      tpu.enqueue_dma source(%dma_start3A_303 : memref<2x112xi32, #tpu.memory_space<hbm>>) target(%dma_start3A_299 : memref<2x112xi32, #tpu.memory_space<vmem>>) target_semaphore(%run_scoped3A_287 : memref<!tpu.dma_semaphore, #tpu.memory_space<semaphore_mem>>)
      %dma_wait3A_304 = arith.constant 0 : i32
      %dma_wait3A_305 = arith.constant 0 : i32
      %dma_wait3A_306 = tpu.memref_slice %arg6[%run_scoped3A_45, %dma_wait3A_304, %dma_wait3A_305] : memref<3x2x112xi32, #tpu.memory_space<vmem>> -> memref<1x2x112xi32, #tpu.memory_space<vmem>>
      %dma_wait3A_307 = tpu.memref_squeeze %dma_wait3A_306 : memref<1x2x112xi32, #tpu.memory_space<vmem>> -> memref<2x112xi32, #tpu.memory_space<vmem>>
      %dma_wait3A_308 = arith.constant 0 : i32
      %dma_wait3A_309 = arith.constant 0 : i32
      %dma_wait3A_310 = tpu.memref_slice %arg3[%add3A, %run_scoped3A, %dma_wait3A_308, %dma_wait3A_309] : memref<32x90x2x112xi32, #tpu.memory_space<hbm>> -> memref<1x1x2x112xi32, #tpu.memory_space<hbm>>
      %dma_wait3A_311 = tpu.memref_squeeze %dma_wait3A_310 : memref<1x1x2x112xi32, #tpu.memory_space<hbm>> -> memref<2x112xi32, #tpu.memory_space<hbm>>
      %dma_wait3A_312 = arith.constant 0 : i32
      %dma_wait3A_313 = arith.constant 0 : i32
      %dma_wait3A_314 = tpu.memref_slice %arg6[%run_scoped3A_45, %dma_wait3A_312, %dma_wait3A_313] : memref<3x2x112xi32, #tpu.memory_space<vmem>> -> memref<1x2x112xi32, #tpu.memory_space<vmem>>
      %dma_wait3A_315 = tpu.memref_squeeze %dma_wait3A_314 : memref<1x2x112xi32, #tpu.memory_space<vmem>> -> memref<2x112xi32, #tpu.memory_space<vmem>>
      %dma_wait3A_316 = arith.constant 0 : i32
      %dma_wait3A_317 = arith.constant 0 : i32
      %dma_wait3A_318 = tpu.memref_slice %arg3[%add3A, %run_scoped3A, %dma_wait3A_316, %dma_wait3A_317] : memref<32x90x2x112xi32, #tpu.memory_space<hbm>> -> memref<1x1x2x112xi32, #tpu.memory_space<hbm>>
      %dma_wait3A_319 = tpu.memref_squeeze %dma_wait3A_318 : memref<1x1x2x112xi32, #tpu.memory_space<hbm>> -> memref<2x112xi32, #tpu.memory_space<hbm>>
      tpu.wait_dma2 semaphore(%run_scoped3A_287 : memref<!tpu.dma_semaphore, #tpu.memory_space<semaphore_mem>>) src(%dma_wait3A_319 : memref<2x112xi32, #tpu.memory_space<hbm>>) dst(%dma_wait3A_315 : memref<2x112xi32, #tpu.memory_space<vmem>>)
      tpu.yield
    }) : () -> ()
    %dma_start3A = arith.constant 0 : i32
    %dma_start3A_46 = arith.constant 0 : i32
    %dma_start3A_47 = arith.constant 0 : i32
    %dma_start3A_48 = tpu.memref_slice %arg6[%dma_start3A, %dma_start3A_46, %dma_start3A_47] : memref<3x2x112xi32, #tpu.memory_space<vmem>> -> memref<1x1x112xi32, #tpu.memory_space<vmem>>
    %dma_start3A_49 = tpu.memref_squeeze %dma_start3A_48 : memref<1x1x112xi32, #tpu.memory_space<vmem>> -> memref<112xi32, #tpu.memory_space<vmem>>
    %dma_start3A_50 = arith.constant 0 : i32
    %dma_start3A_51 = arith.constant 0 : i32
    %dma_start3A_52 = tpu.memref_slice %arg2[%dma_start3A_50, %dma_start3A_51] : memref<10080x128xf32, #tpu.memory_space<hbm>> -> memref<10080x128xf32, #tpu.memory_space<hbm>>
    tpu.enqueue_indirect_dma source(%dma_start3A_52 : memref<10080x128xf32, #tpu.memory_space<hbm>>) target(%arg7 : memref<112x128xf32, #tpu.memory_space<vmem>>) offsets(%dma_start3A_49 : memref<112xi32, #tpu.memory_space<vmem>>) semaphore(%arg13 : memref<!tpu.dma_semaphore, #tpu.memory_space<semaphore_mem>>)
    %dma_start3A_53 = arith.constant 1 : i32
    %dma_start3A_54 = arith.constant 1 : i32
    %dma_start3A_55 = arith.constant 0 : i32
    %dma_start3A_56 = arith.constant 0 : i32
    %dma_start3A_57 = tpu.memref_slice %arg6[%dma_start3A_54, %dma_start3A_55, %dma_start3A_56] : memref<3x2x112xi32, #tpu.memory_space<vmem>> -> memref<1x2x112xi32, #tpu.memory_space<vmem>>
    %dma_start3A_58 = tpu.memref_squeeze %dma_start3A_57 : memref<1x2x112xi32, #tpu.memory_space<vmem>> -> memref<2x112xi32, #tpu.memory_space<vmem>>
    %dma_start3A_59 = arith.constant 0 : i32
    %dma_start3A_60 = arith.constant 0 : i32
    %dma_start3A_61 = tpu.memref_slice %arg3[%add3A, %dma_start3A_53, %dma_start3A_59, %dma_start3A_60] : memref<32x90x2x112xi32, #tpu.memory_space<hbm>> -> memref<1x1x2x112xi32, #tpu.memory_space<hbm>>
    %dma_start3A_62 = tpu.memref_squeeze %dma_start3A_61 : memref<1x1x2x112xi32, #tpu.memory_space<hbm>> -> memref<2x112xi32, #tpu.memory_space<hbm>>
    %dma_start3A_63 = arith.constant 0 : i32
    %dma_start3A_64 = arith.constant 0 : i32
    %dma_start3A_65 = tpu.memref_slice %arg6[%dma_start3A_54, %dma_start3A_63, %dma_start3A_64] : memref<3x2x112xi32, #tpu.memory_space<vmem>> -> memref<1x2x112xi32, #tpu.memory_space<vmem>>
    %dma_start3A_66 = tpu.memref_squeeze %dma_start3A_65 : memref<1x2x112xi32, #tpu.memory_space<vmem>> -> memref<2x112xi32, #tpu.memory_space<vmem>>
    %dma_start3A_67 = arith.constant 0 : i32
    %dma_start3A_68 = arith.constant 0 : i32
    %dma_start3A_69 = tpu.memref_slice %arg3[%add3A, %dma_start3A_53, %dma_start3A_67, %dma_start3A_68] : memref<32x90x2x112xi32, #tpu.memory_space<hbm>> -> memref<1x1x2x112xi32, #tpu.memory_space<hbm>>
    %dma_start3A_70 = tpu.memref_squeeze %dma_start3A_69 : memref<1x1x2x112xi32, #tpu.memory_space<hbm>> -> memref<2x112xi32, #tpu.memory_space<hbm>>
    tpu.enqueue_dma source(%dma_start3A_70 : memref<2x112xi32, #tpu.memory_space<hbm>>) target(%dma_start3A_66 : memref<2x112xi32, #tpu.memory_space<vmem>>) target_semaphore(%arg11 : memref<!tpu.dma_semaphore, #tpu.memory_space<semaphore_mem>>)
    %dma_wait3A = arith.constant 1 : i32
    %dma_wait3A_71 = arith.constant 1 : i32
    %dma_wait3A_72 = arith.constant 0 : i32
    %dma_wait3A_73 = arith.constant 0 : i32
    %dma_wait3A_74 = tpu.memref_slice %arg6[%dma_wait3A_71, %dma_wait3A_72, %dma_wait3A_73] : memref<3x2x112xi32, #tpu.memory_space<vmem>> -> memref<1x2x112xi32, #tpu.memory_space<vmem>>
    %dma_wait3A_75 = tpu.memref_squeeze %dma_wait3A_74 : memref<1x2x112xi32, #tpu.memory_space<vmem>> -> memref<2x112xi32, #tpu.memory_space<vmem>>
    %dma_wait3A_76 = arith.constant 0 : i32
    %dma_wait3A_77 = arith.constant 0 : i32
    %dma_wait3A_78 = tpu.memref_slice %arg3[%add3A, %dma_wait3A, %dma_wait3A_76, %dma_wait3A_77] : memref<32x90x2x112xi32, #tpu.memory_space<hbm>> -> memref<1x1x2x112xi32, #tpu.memory_space<hbm>>
    %dma_wait3A_79 = tpu.memref_squeeze %dma_wait3A_78 : memref<1x1x2x112xi32, #tpu.memory_space<hbm>> -> memref<2x112xi32, #tpu.memory_space<hbm>>
    %dma_wait3A_80 = arith.constant 0 : i32
    %dma_wait3A_81 = arith.constant 0 : i32
    %dma_wait3A_82 = tpu.memref_slice %arg6[%dma_wait3A_71, %dma_wait3A_80, %dma_wait3A_81] : memref<3x2x112xi32, #tpu.memory_space<vmem>> -> memref<1x2x112xi32, #tpu.memory_space<vmem>>
    %dma_wait3A_83 = tpu.memref_squeeze %dma_wait3A_82 : memref<1x2x112xi32, #tpu.memory_space<vmem>> -> memref<2x112xi32, #tpu.memory_space<vmem>>
    %dma_wait3A_84 = arith.constant 0 : i32
    %dma_wait3A_85 = arith.constant 0 : i32
    %dma_wait3A_86 = tpu.memref_slice %arg3[%add3A, %dma_wait3A, %dma_wait3A_84, %dma_wait3A_85] : memref<32x90x2x112xi32, #tpu.memory_space<hbm>> -> memref<1x1x2x112xi32, #tpu.memory_space<hbm>>
    %dma_wait3A_87 = tpu.memref_squeeze %dma_wait3A_86 : memref<1x1x2x112xi32, #tpu.memory_space<hbm>> -> memref<2x112xi32, #tpu.memory_space<hbm>>
    tpu.wait_dma2 semaphore(%arg11 : memref<!tpu.dma_semaphore, #tpu.memory_space<semaphore_mem>>) src(%dma_wait3A_87 : memref<2x112xi32, #tpu.memory_space<hbm>>) dst(%dma_wait3A_83 : memref<2x112xi32, #tpu.memory_space<vmem>>)
    %dma_start3A_88 = arith.constant 1 : i32
    %dma_start3A_89 = arith.constant 0 : i32
    %dma_start3A_90 = arith.constant 0 : i32
    %dma_start3A_91 = tpu.memref_slice %arg6[%dma_start3A_88, %dma_start3A_89, %dma_start3A_90] : memref<3x2x112xi32, #tpu.memory_space<vmem>> -> memref<1x1x112xi32, #tpu.memory_space<vmem>>
    %dma_start3A_92 = tpu.memref_squeeze %dma_start3A_91 : memref<1x1x112xi32, #tpu.memory_space<vmem>> -> memref<112xi32, #tpu.memory_space<vmem>>
    %dma_start3A_93 = arith.constant 0 : i32
    %dma_start3A_94 = arith.constant 0 : i32
    %dma_start3A_95 = tpu.memref_slice %arg2[%dma_start3A_93, %dma_start3A_94] : memref<10080x128xf32, #tpu.memory_space<hbm>> -> memref<10080x128xf32, #tpu.memory_space<hbm>>
    tpu.enqueue_indirect_dma source(%dma_start3A_95 : memref<10080x128xf32, #tpu.memory_space<hbm>>) target(%arg8 : memref<112x128xf32, #tpu.memory_space<vmem>>) offsets(%dma_start3A_92 : memref<112xi32, #tpu.memory_space<vmem>>) semaphore(%arg14 : memref<!tpu.dma_semaphore, #tpu.memory_space<semaphore_mem>>)
    %dma_start3A_96 = arith.constant 2 : i32
    %dma_start3A_97 = arith.constant 2 : i32
    %dma_start3A_98 = arith.constant 0 : i32
    %dma_start3A_99 = arith.constant 0 : i32
    %dma_start3A_100 = tpu.memref_slice %arg6[%dma_start3A_97, %dma_start3A_98, %dma_start3A_99] : memref<3x2x112xi32, #tpu.memory_space<vmem>> -> memref<1x2x112xi32, #tpu.memory_space<vmem>>
    %dma_start3A_101 = tpu.memref_squeeze %dma_start3A_100 : memref<1x2x112xi32, #tpu.memory_space<vmem>> -> memref<2x112xi32, #tpu.memory_space<vmem>>
    %dma_start3A_102 = arith.constant 0 : i32
    %dma_start3A_103 = arith.constant 0 : i32
    %dma_start3A_104 = tpu.memref_slice %arg3[%add3A, %dma_start3A_96, %dma_start3A_102, %dma_start3A_103] : memref<32x90x2x112xi32, #tpu.memory_space<hbm>> -> memref<1x1x2x112xi32, #tpu.memory_space<hbm>>
    %dma_start3A_105 = tpu.memref_squeeze %dma_start3A_104 : memref<1x1x2x112xi32, #tpu.memory_space<hbm>> -> memref<2x112xi32, #tpu.memory_space<hbm>>
    %dma_start3A_106 = arith.constant 0 : i32
    %dma_start3A_107 = arith.constant 0 : i32
    %dma_start3A_108 = tpu.memref_slice %arg6[%dma_start3A_97, %dma_start3A_106, %dma_start3A_107] : memref<3x2x112xi32, #tpu.memory_space<vmem>> -> memref<1x2x112xi32, #tpu.memory_space<vmem>>
    %dma_start3A_109 = tpu.memref_squeeze %dma_start3A_108 : memref<1x2x112xi32, #tpu.memory_space<vmem>> -> memref<2x112xi32, #tpu.memory_space<vmem>>
    %dma_start3A_110 = arith.constant 0 : i32
    %dma_start3A_111 = arith.constant 0 : i32
    %dma_start3A_112 = tpu.memref_slice %arg3[%add3A, %dma_start3A_96, %dma_start3A_110, %dma_start3A_111] : memref<32x90x2x112xi32, #tpu.memory_space<hbm>> -> memref<1x1x2x112xi32, #tpu.memory_space<hbm>>
    %dma_start3A_113 = tpu.memref_squeeze %dma_start3A_112 : memref<1x1x2x112xi32, #tpu.memory_space<hbm>> -> memref<2x112xi32, #tpu.memory_space<hbm>>
    tpu.enqueue_dma source(%dma_start3A_113 : memref<2x112xi32, #tpu.memory_space<hbm>>) target(%dma_start3A_109 : memref<2x112xi32, #tpu.memory_space<vmem>>) target_semaphore(%arg12 : memref<!tpu.dma_semaphore, #tpu.memory_space<semaphore_mem>>)
    %dma_wait3A_114 = arith.constant 0 : i32
    %dma_wait3A_115 = arith.constant 0 : i32
    %dma_wait3A_116 = arith.constant 0 : i32
    %dma_wait3A_117 = tpu.memref_slice %arg6[%dma_wait3A_114, %dma_wait3A_115, %dma_wait3A_116] : memref<3x2x112xi32, #tpu.memory_space<vmem>> -> memref<1x1x112xi32, #tpu.memory_space<vmem>>
    %dma_wait3A_118 = tpu.memref_squeeze %dma_wait3A_117 : memref<1x1x112xi32, #tpu.memory_space<vmem>> -> memref<112xi32, #tpu.memory_space<vmem>>
    %dma_wait3A_119 = arith.constant 0 : i32
    %dma_wait3A_120 = arith.constant 0 : i32
    %dma_wait3A_121 = tpu.memref_slice %arg2[%dma_wait3A_119, %dma_wait3A_120] : memref<10080x128xf32, #tpu.memory_space<hbm>> -> memref<10080x128xf32, #tpu.memory_space<hbm>>
    tpu.wait_indirect_dma semaphore(%arg13 : memref<!tpu.dma_semaphore, #tpu.memory_space<semaphore_mem>>) src(%dma_wait3A_121 : memref<10080x128xf32, #tpu.memory_space<hbm>>) dst(%arg7 : memref<112x128xf32, #tpu.memory_space<vmem>>)
    %dma_start3A_122 = arith.constant 0 : i32
    %dma_start3A_123 = arith.constant 1 : i32
    %dma_start3A_124 = arith.constant 0 : i32
    %dma_start3A_125 = tpu.memref_slice %arg6[%dma_start3A_122, %dma_start3A_123, %dma_start3A_124] : memref<3x2x112xi32, #tpu.memory_space<vmem>> -> memref<1x1x112xi32, #tpu.memory_space<vmem>>
    %dma_start3A_126 = tpu.memref_squeeze %dma_start3A_125 : memref<1x1x112xi32, #tpu.memory_space<vmem>> -> memref<112xi32, #tpu.memory_space<vmem>>
    %dma_start3A_127 = arith.constant 0 : i32
    %dma_start3A_128 = arith.constant 0 : i32
    %dma_start3A_129 = tpu.memref_slice %arg5[%dma_start3A_127, %dma_start3A_128] : memref<10080x128xf32, #tpu.memory_space<vmem_shared>> -> memref<10080x128xf32, #tpu.memory_space<vmem_shared>>
    tpu.enqueue_indirect_dma source(%arg7 : memref<112x128xf32, #tpu.memory_space<vmem>>) target(%dma_start3A_129 : memref<10080x128xf32, #tpu.memory_space<vmem_shared>>) offsets(%dma_start3A_126 : memref<112xi32, #tpu.memory_space<vmem>>) semaphore(%arg16 : memref<!tpu.dma_semaphore, #tpu.memory_space<semaphore_mem>>) {add = true}
    %dma_wait3A_130 = arith.constant 2 : i32
    %dma_wait3A_131 = arith.constant 2 : i32
    %dma_wait3A_132 = arith.constant 0 : i32
    %dma_wait3A_133 = arith.constant 0 : i32
    %dma_wait3A_134 = tpu.memref_slice %arg6[%dma_wait3A_131, %dma_wait3A_132, %dma_wait3A_133] : memref<3x2x112xi32, #tpu.memory_space<vmem>> -> memref<1x2x112xi32, #tpu.memory_space<vmem>>
    %dma_wait3A_135 = tpu.memref_squeeze %dma_wait3A_134 : memref<1x2x112xi32, #tpu.memory_space<vmem>> -> memref<2x112xi32, #tpu.memory_space<vmem>>
    %dma_wait3A_136 = arith.constant 0 : i32
    %dma_wait3A_137 = arith.constant 0 : i32
    %dma_wait3A_138 = tpu.memref_slice %arg3[%add3A, %dma_wait3A_130, %dma_wait3A_136, %dma_wait3A_137] : memref<32x90x2x112xi32, #tpu.memory_space<hbm>> -> memref<1x1x2x112xi32, #tpu.memory_space<hbm>>
    %dma_wait3A_139 = tpu.memref_squeeze %dma_wait3A_138 : memref<1x1x2x112xi32, #tpu.memory_space<hbm>> -> memref<2x112xi32, #tpu.memory_space<hbm>>
    %dma_wait3A_140 = arith.constant 0 : i32
    %dma_wait3A_141 = arith.constant 0 : i32
    %dma_wait3A_142 = tpu.memref_slice %arg6[%dma_wait3A_131, %dma_wait3A_140, %dma_wait3A_141] : memref<3x2x112xi32, #tpu.memory_space<vmem>> -> memref<1x2x112xi32, #tpu.memory_space<vmem>>
    %dma_wait3A_143 = tpu.memref_squeeze %dma_wait3A_142 : memref<1x2x112xi32, #tpu.memory_space<vmem>> -> memref<2x112xi32, #tpu.memory_space<vmem>>
    %dma_wait3A_144 = arith.constant 0 : i32
    %dma_wait3A_145 = arith.constant 0 : i32
    %dma_wait3A_146 = tpu.memref_slice %arg3[%add3A, %dma_wait3A_130, %dma_wait3A_144, %dma_wait3A_145] : memref<32x90x2x112xi32, #tpu.memory_space<hbm>> -> memref<1x1x2x112xi32, #tpu.memory_space<hbm>>
    %dma_wait3A_147 = tpu.memref_squeeze %dma_wait3A_146 : memref<1x1x2x112xi32, #tpu.memory_space<hbm>> -> memref<2x112xi32, #tpu.memory_space<hbm>>
    tpu.wait_dma2 semaphore(%arg12 : memref<!tpu.dma_semaphore, #tpu.memory_space<semaphore_mem>>) src(%dma_wait3A_147 : memref<2x112xi32, #tpu.memory_space<hbm>>) dst(%dma_wait3A_143 : memref<2x112xi32, #tpu.memory_space<vmem>>)
    %dma_start3A_148 = arith.constant 2 : i32
    %dma_start3A_149 = arith.constant 0 : i32
    %dma_start3A_150 = arith.constant 0 : i32
    %dma_start3A_151 = tpu.memref_slice %arg6[%dma_start3A_148, %dma_start3A_149, %dma_start3A_150] : memref<3x2x112xi32, #tpu.memory_space<vmem>> -> memref<1x1x112xi32, #tpu.memory_space<vmem>>
    %dma_start3A_152 = tpu.memref_squeeze %dma_start3A_151 : memref<1x1x112xi32, #tpu.memory_space<vmem>> -> memref<112xi32, #tpu.memory_space<vmem>>
    %dma_start3A_153 = arith.constant 0 : i32
    %dma_start3A_154 = arith.constant 0 : i32
    %dma_start3A_155 = tpu.memref_slice %arg2[%dma_start3A_153, %dma_start3A_154] : memref<10080x128xf32, #tpu.memory_space<hbm>> -> memref<10080x128xf32, #tpu.memory_space<hbm>>
    tpu.enqueue_indirect_dma source(%dma_start3A_155 : memref<10080x128xf32, #tpu.memory_space<hbm>>) target(%arg9 : memref<112x128xf32, #tpu.memory_space<vmem>>) offsets(%dma_start3A_152 : memref<112xi32, #tpu.memory_space<vmem>>) semaphore(%arg15 : memref<!tpu.dma_semaphore, #tpu.memory_space<semaphore_mem>>)
    %dma_wait3A_156 = arith.constant 0 : i32
    %dma_wait3A_157 = arith.constant 1 : i32
    %dma_wait3A_158 = arith.constant 0 : i32
    %dma_wait3A_159 = tpu.memref_slice %arg6[%dma_wait3A_156, %dma_wait3A_157, %dma_wait3A_158] : memref<3x2x112xi32, #tpu.memory_space<vmem>> -> memref<1x1x112xi32, #tpu.memory_space<vmem>>
    %dma_wait3A_160 = tpu.memref_squeeze %dma_wait3A_159 : memref<1x1x112xi32, #tpu.memory_space<vmem>> -> memref<112xi32, #tpu.memory_space<vmem>>
    %dma_wait3A_161 = arith.constant 0 : i32
    %dma_wait3A_162 = arith.constant 0 : i32
    %dma_wait3A_163 = tpu.memref_slice %arg5[%dma_wait3A_161, %dma_wait3A_162] : memref<10080x128xf32, #tpu.memory_space<vmem_shared>> -> memref<10080x128xf32, #tpu.memory_space<vmem_shared>>
    tpu.wait_indirect_dma semaphore(%arg16 : memref<!tpu.dma_semaphore, #tpu.memory_space<semaphore_mem>>) src(%arg7 : memref<112x128xf32, #tpu.memory_space<vmem>>) dst(%dma_wait3A_163 : memref<10080x128xf32, #tpu.memory_space<vmem_shared>>)
    %dma_start3A_164 = arith.constant 3 : i32
    %dma_start3A_165 = arith.constant 0 : i32
    %dma_start3A_166 = arith.constant 0 : i32
    %dma_start3A_167 = arith.constant 0 : i32
    %dma_start3A_168 = tpu.memref_slice %arg6[%dma_start3A_165, %dma_start3A_166, %dma_start3A_167] : memref<3x2x112xi32, #tpu.memory_space<vmem>> -> memref<1x2x112xi32, #tpu.memory_space<vmem>>
    %dma_start3A_169 = tpu.memref_squeeze %dma_start3A_168 : memref<1x2x112xi32, #tpu.memory_space<vmem>> -> memref<2x112xi32, #tpu.memory_space<vmem>>
    %dma_start3A_170 = arith.constant 0 : i32
    %dma_start3A_171 = arith.constant 0 : i32
    %dma_start3A_172 = tpu.memref_slice %arg3[%add3A, %dma_start3A_164, %dma_start3A_170, %dma_start3A_171] : memref<32x90x2x112xi32, #tpu.memory_space<hbm>> -> memref<1x1x2x112xi32, #tpu.memory_space<hbm>>
    %dma_start3A_173 = tpu.memref_squeeze %dma_start3A_172 : memref<1x1x2x112xi32, #tpu.memory_space<hbm>> -> memref<2x112xi32, #tpu.memory_space<hbm>>
    %dma_start3A_174 = arith.constant 0 : i32
    %dma_start3A_175 = arith.constant 0 : i32
    %dma_start3A_176 = tpu.memref_slice %arg6[%dma_start3A_165, %dma_start3A_174, %dma_start3A_175] : memref<3x2x112xi32, #tpu.memory_space<vmem>> -> memref<1x2x112xi32, #tpu.memory_space<vmem>>
    %dma_start3A_177 = tpu.memref_squeeze %dma_start3A_176 : memref<1x2x112xi32, #tpu.memory_space<vmem>> -> memref<2x112xi32, #tpu.memory_space<vmem>>
    %dma_start3A_178 = arith.constant 0 : i32
    %dma_start3A_179 = arith.constant 0 : i32
    %dma_start3A_180 = tpu.memref_slice %arg3[%add3A, %dma_start3A_164, %dma_start3A_178, %dma_start3A_179] : memref<32x90x2x112xi32, #tpu.memory_space<hbm>> -> memref<1x1x2x112xi32, #tpu.memory_space<hbm>>
    %dma_start3A_181 = tpu.memref_squeeze %dma_start3A_180 : memref<1x1x2x112xi32, #tpu.memory_space<hbm>> -> memref<2x112xi32, #tpu.memory_space<hbm>>
    tpu.enqueue_dma source(%dma_start3A_181 : memref<2x112xi32, #tpu.memory_space<hbm>>) target(%dma_start3A_177 : memref<2x112xi32, #tpu.memory_space<vmem>>) target_semaphore(%arg10 : memref<!tpu.dma_semaphore, #tpu.memory_space<semaphore_mem>>)
    %dma_wait3A_182 = arith.constant 1 : i32
    %dma_wait3A_183 = arith.constant 0 : i32
    %dma_wait3A_184 = arith.constant 0 : i32
    %dma_wait3A_185 = tpu.memref_slice %arg6[%dma_wait3A_182, %dma_wait3A_183, %dma_wait3A_184] : memref<3x2x112xi32, #tpu.memory_space<vmem>> -> memref<1x1x112xi32, #tpu.memory_space<vmem>>
    %dma_wait3A_186 = tpu.memref_squeeze %dma_wait3A_185 : memref<1x1x112xi32, #tpu.memory_space<vmem>> -> memref<112xi32, #tpu.memory_space<vmem>>
    %dma_wait3A_187 = arith.constant 0 : i32
    %dma_wait3A_188 = arith.constant 0 : i32
    %dma_wait3A_189 = tpu.memref_slice %arg2[%dma_wait3A_187, %dma_wait3A_188] : memref<10080x128xf32, #tpu.memory_space<hbm>> -> memref<10080x128xf32, #tpu.memory_space<hbm>>
    tpu.wait_indirect_dma semaphore(%arg14 : memref<!tpu.dma_semaphore, #tpu.memory_space<semaphore_mem>>) src(%dma_wait3A_189 : memref<10080x128xf32, #tpu.memory_space<hbm>>) dst(%arg8 : memref<112x128xf32, #tpu.memory_space<vmem>>)
    %dma_start3A_190 = arith.constant 1 : i32
    %dma_start3A_191 = arith.constant 1 : i32
    %dma_start3A_192 = arith.constant 0 : i32
    %dma_start3A_193 = tpu.memref_slice %arg6[%dma_start3A_190, %dma_start3A_191, %dma_start3A_192] : memref<3x2x112xi32, #tpu.memory_space<vmem>> -> memref<1x1x112xi32, #tpu.memory_space<vmem>>
    %dma_start3A_194 = tpu.memref_squeeze %dma_start3A_193 : memref<1x1x112xi32, #tpu.memory_space<vmem>> -> memref<112xi32, #tpu.memory_space<vmem>>
    %dma_start3A_195 = arith.constant 0 : i32
    %dma_start3A_196 = arith.constant 0 : i32
    %dma_start3A_197 = tpu.memref_slice %arg5[%dma_start3A_195, %dma_start3A_196] : memref<10080x128xf32, #tpu.memory_space<vmem_shared>> -> memref<10080x128xf32, #tpu.memory_space<vmem_shared>>
    tpu.enqueue_indirect_dma source(%arg8 : memref<112x128xf32, #tpu.memory_space<vmem>>) target(%dma_start3A_197 : memref<10080x128xf32, #tpu.memory_space<vmem_shared>>) offsets(%dma_start3A_194 : memref<112xi32, #tpu.memory_space<vmem>>) semaphore(%arg17 : memref<!tpu.dma_semaphore, #tpu.memory_space<semaphore_mem>>) {add = true}
    %scan3A_198 = arith.constant 0 : i32
    %scan3A_199 = arith.constant 0 : i32
    %scan3A_200 = arith.constant 29 : i32
    %scan3A_201 = arith.addi %scan3A_199, %scan3A_200 : i32
    %scan3A_202 = arith.constant 1 : i32
    scf.for %scan3A_287 = %scan3A_199 to %scan3A_201 step %scan3A_202  : i32 {
      %mul3A_288 = arith.constant 3 : i32
      %mul3A_289 = arith.muli %mul3A_288, %scan3A_287 : i32
      %add3A_290 = arith.constant 3 : i32
      %add3A_291 = arith.addi %mul3A_289, %add3A_290 : i32
      %add3A_292 = arith.constant 0 : i32
      %add3A_293 = arith.addi %add3A_291, %add3A_292 : i32
      %dma_wait3A_294 = arith.constant 0 : i32
      %dma_wait3A_295 = arith.constant 0 : i32
      %dma_wait3A_296 = arith.constant 0 : i32
      %dma_wait3A_297 = tpu.memref_slice %arg6[%dma_wait3A_294, %dma_wait3A_295, %dma_wait3A_296] : memref<3x2x112xi32, #tpu.memory_space<vmem>> -> memref<1x2x112xi32, #tpu.memory_space<vmem>>
      %dma_wait3A_298 = tpu.memref_squeeze %dma_wait3A_297 : memref<1x2x112xi32, #tpu.memory_space<vmem>> -> memref<2x112xi32, #tpu.memory_space<vmem>>
      %dma_wait3A_299 = arith.constant 0 : i32
      %dma_wait3A_300 = arith.constant 0 : i32
      %dma_wait3A_301 = tpu.memref_slice %arg3[%add3A, %add3A_293, %dma_wait3A_299, %dma_wait3A_300] : memref<32x90x2x112xi32, #tpu.memory_space<hbm>> -> memref<1x1x2x112xi32, #tpu.memory_space<hbm>>
      %dma_wait3A_302 = tpu.memref_squeeze %dma_wait3A_301 : memref<1x1x2x112xi32, #tpu.memory_space<hbm>> -> memref<2x112xi32, #tpu.memory_space<hbm>>
      %dma_wait3A_303 = arith.constant 0 : i32
      %dma_wait3A_304 = arith.constant 0 : i32
      %dma_wait3A_305 = tpu.memref_slice %arg6[%dma_wait3A_294, %dma_wait3A_303, %dma_wait3A_304] : memref<3x2x112xi32, #tpu.memory_space<vmem>> -> memref<1x2x112xi32, #tpu.memory_space<vmem>>
      %dma_wait3A_306 = tpu.memref_squeeze %dma_wait3A_305 : memref<1x2x112xi32, #tpu.memory_space<vmem>> -> memref<2x112xi32, #tpu.memory_space<vmem>>
      %dma_wait3A_307 = arith.constant 0 : i32
      %dma_wait3A_308 = arith.constant 0 : i32
      %dma_wait3A_309 = tpu.memref_slice %arg3[%add3A, %add3A_293, %dma_wait3A_307, %dma_wait3A_308] : memref<32x90x2x112xi32, #tpu.memory_space<hbm>> -> memref<1x1x2x112xi32, #tpu.memory_space<hbm>>
      %dma_wait3A_310 = tpu.memref_squeeze %dma_wait3A_309 : memref<1x1x2x112xi32, #tpu.memory_space<hbm>> -> memref<2x112xi32, #tpu.memory_space<hbm>>
      tpu.wait_dma2 semaphore(%arg10 : memref<!tpu.dma_semaphore, #tpu.memory_space<semaphore_mem>>) src(%dma_wait3A_310 : memref<2x112xi32, #tpu.memory_space<hbm>>) dst(%dma_wait3A_306 : memref<2x112xi32, #tpu.memory_space<vmem>>)
      %dma_start3A_311 = arith.constant 0 : i32
      %dma_start3A_312 = arith.constant 0 : i32
      %dma_start3A_313 = arith.constant 0 : i32
      %dma_start3A_314 = tpu.memref_slice %arg6[%dma_start3A_311, %dma_start3A_312, %dma_start3A_313] : memref<3x2x112xi32, #tpu.memory_space<vmem>> -> memref<1x1x112xi32, #tpu.memory_space<vmem>>
      %dma_start3A_315 = tpu.memref_squeeze %dma_start3A_314 : memref<1x1x112xi32, #tpu.memory_space<vmem>> -> memref<112xi32, #tpu.memory_space<vmem>>
      %dma_start3A_316 = arith.constant 0 : i32
      %dma_start3A_317 = arith.constant 0 : i32
      %dma_start3A_318 = tpu.memref_slice %arg2[%dma_start3A_316, %dma_start3A_317] : memref<10080x128xf32, #tpu.memory_space<hbm>> -> memref<10080x128xf32, #tpu.memory_space<hbm>>
      tpu.enqueue_indirect_dma source(%dma_start3A_318 : memref<10080x128xf32, #tpu.memory_space<hbm>>) target(%arg7 : memref<112x128xf32, #tpu.memory_space<vmem>>) offsets(%dma_start3A_315 : memref<112xi32, #tpu.memory_space<vmem>>) semaphore(%arg13 : memref<!tpu.dma_semaphore, #tpu.memory_space<semaphore_mem>>)
      %add3A_319 = arith.constant 1 : i32
      %add3A_320 = arith.addi %add3A_293, %add3A_319 : i32
      %lt3A_321 = arith.constant 90 : i32
      %lt3A_322 = arith.cmpi slt, %add3A_320, %lt3A_321 : i32
      %convert_element_type3A_323 = arith.extui %lt3A_322 : i1 to i32
      %cond3A_324 = arith.constant 0 : i32
      %cond3A_325 = arith.cmpi ne, %convert_element_type3A_323, %cond3A_324 : i32
      scf.if %cond3A_325 {
        %dma_wait3A_442 = arith.constant 1 : i32
        %dma_wait3A_443 = arith.constant 1 : i32
        %dma_wait3A_444 = arith.constant 0 : i32
        %dma_wait3A_445 = tpu.memref_slice %arg6[%dma_wait3A_442, %dma_wait3A_443, %dma_wait3A_444] : memref<3x2x112xi32, #tpu.memory_space<vmem>> -> memref<1x1x112xi32, #tpu.memory_space<vmem>>
        %dma_wait3A_446 = tpu.memref_squeeze %dma_wait3A_445 : memref<1x1x112xi32, #tpu.memory_space<vmem>> -> memref<112xi32, #tpu.memory_space<vmem>>
        %dma_wait3A_447 = arith.constant 0 : i32
        %dma_wait3A_448 = arith.constant 0 : i32
        %dma_wait3A_449 = tpu.memref_slice %arg5[%dma_wait3A_447, %dma_wait3A_448] : memref<10080x128xf32, #tpu.memory_space<vmem_shared>> -> memref<10080x128xf32, #tpu.memory_space<vmem_shared>>
        tpu.wait_indirect_dma semaphore(%arg17 : memref<!tpu.dma_semaphore, #tpu.memory_space<semaphore_mem>>) src(%arg8 : memref<112x128xf32, #tpu.memory_space<vmem>>) dst(%dma_wait3A_449 : memref<10080x128xf32, #tpu.memory_space<vmem_shared>>)
        %add3A_450 = arith.constant 1 : i32
        %add3A_451 = arith.addi %add3A_293, %add3A_450 : i32
        %dma_start3A_452 = arith.constant 1 : i32
        %dma_start3A_453 = arith.constant 0 : i32
        %dma_start3A_454 = arith.constant 0 : i32
        %dma_start3A_455 = tpu.memref_slice %arg6[%dma_start3A_452, %dma_start3A_453, %dma_start3A_454] : memref<3x2x112xi32, #tpu.memory_space<vmem>> -> memref<1x2x112xi32, #tpu.memory_space<vmem>>
        %dma_start3A_456 = tpu.memref_squeeze %dma_start3A_455 : memref<1x2x112xi32, #tpu.memory_space<vmem>> -> memref<2x112xi32, #tpu.memory_space<vmem>>
        %dma_start3A_457 = arith.constant 0 : i32
        %dma_start3A_458 = arith.constant 0 : i32
        %dma_start3A_459 = tpu.memref_slice %arg3[%add3A, %add3A_451, %dma_start3A_457, %dma_start3A_458] : memref<32x90x2x112xi32, #tpu.memory_space<hbm>> -> memref<1x1x2x112xi32, #tpu.memory_space<hbm>>
        %dma_start3A_460 = tpu.memref_squeeze %dma_start3A_459 : memref<1x1x2x112xi32, #tpu.memory_space<hbm>> -> memref<2x112xi32, #tpu.memory_space<hbm>>
        %dma_start3A_461 = arith.constant 0 : i32
        %dma_start3A_462 = arith.constant 0 : i32
        %dma_start3A_463 = tpu.memref_slice %arg6[%dma_start3A_452, %dma_start3A_461, %dma_start3A_462] : memref<3x2x112xi32, #tpu.memory_space<vmem>> -> memref<1x2x112xi32, #tpu.memory_space<vmem>>
        %dma_start3A_464 = tpu.memref_squeeze %dma_start3A_463 : memref<1x2x112xi32, #tpu.memory_space<vmem>> -> memref<2x112xi32, #tpu.memory_space<vmem>>
        %dma_start3A_465 = arith.constant 0 : i32
        %dma_start3A_466 = arith.constant 0 : i32
        %dma_start3A_467 = tpu.memref_slice %arg3[%add3A, %add3A_451, %dma_start3A_465, %dma_start3A_466] : memref<32x90x2x112xi32, #tpu.memory_space<hbm>> -> memref<1x1x2x112xi32, #tpu.memory_space<hbm>>
        %dma_start3A_468 = tpu.memref_squeeze %dma_start3A_467 : memref<1x1x2x112xi32, #tpu.memory_space<hbm>> -> memref<2x112xi32, #tpu.memory_space<hbm>>
        tpu.enqueue_dma source(%dma_start3A_468 : memref<2x112xi32, #tpu.memory_space<hbm>>) target(%dma_start3A_464 : memref<2x112xi32, #tpu.memory_space<vmem>>) target_semaphore(%arg11 : memref<!tpu.dma_semaphore, #tpu.memory_space<semaphore_mem>>)
      } else {
      }
      %dma_wait3A_326 = arith.constant 2 : i32
      %dma_wait3A_327 = arith.constant 0 : i32
      %dma_wait3A_328 = arith.constant 0 : i32
      %dma_wait3A_329 = tpu.memref_slice %arg6[%dma_wait3A_326, %dma_wait3A_327, %dma_wait3A_328] : memref<3x2x112xi32, #tpu.memory_space<vmem>> -> memref<1x1x112xi32, #tpu.memory_space<vmem>>
      %dma_wait3A_330 = tpu.memref_squeeze %dma_wait3A_329 : memref<1x1x112xi32, #tpu.memory_space<vmem>> -> memref<112xi32, #tpu.memory_space<vmem>>
      %dma_wait3A_331 = arith.constant 0 : i32
      %dma_wait3A_332 = arith.constant 0 : i32
      %dma_wait3A_333 = tpu.memref_slice %arg2[%dma_wait3A_331, %dma_wait3A_332] : memref<10080x128xf32, #tpu.memory_space<hbm>> -> memref<10080x128xf32, #tpu.memory_space<hbm>>
      tpu.wait_indirect_dma semaphore(%arg15 : memref<!tpu.dma_semaphore, #tpu.memory_space<semaphore_mem>>) src(%dma_wait3A_333 : memref<10080x128xf32, #tpu.memory_space<hbm>>) dst(%arg9 : memref<112x128xf32, #tpu.memory_space<vmem>>)
      %dma_start3A_334 = arith.constant 2 : i32
      %dma_start3A_335 = arith.constant 1 : i32
      %dma_start3A_336 = arith.constant 0 : i32
      %dma_start3A_337 = tpu.memref_slice %arg6[%dma_start3A_334, %dma_start3A_335, %dma_start3A_336] : memref<3x2x112xi32, #tpu.memory_space<vmem>> -> memref<1x1x112xi32, #tpu.memory_space<vmem>>
      %dma_start3A_338 = tpu.memref_squeeze %dma_start3A_337 : memref<1x1x112xi32, #tpu.memory_space<vmem>> -> memref<112xi32, #tpu.memory_space<vmem>>
      %dma_start3A_339 = arith.constant 0 : i32
      %dma_start3A_340 = arith.constant 0 : i32
      %dma_start3A_341 = tpu.memref_slice %arg5[%dma_start3A_339, %dma_start3A_340] : memref<10080x128xf32, #tpu.memory_space<vmem_shared>> -> memref<10080x128xf32, #tpu.memory_space<vmem_shared>>
      tpu.enqueue_indirect_dma source(%arg9 : memref<112x128xf32, #tpu.memory_space<vmem>>) target(%dma_start3A_341 : memref<10080x128xf32, #tpu.memory_space<vmem_shared>>) offsets(%dma_start3A_338 : memref<112xi32, #tpu.memory_space<vmem>>) semaphore(%arg18 : memref<!tpu.dma_semaphore, #tpu.memory_space<semaphore_mem>>) {add = true}
      %add3A_342 = arith.constant 1 : i32
      %add3A_343 = arith.addi %add3A_291, %add3A_342 : i32
      %dma_wait3A_344 = arith.constant 1 : i32
      %dma_wait3A_345 = arith.constant 0 : i32
      %dma_wait3A_346 = arith.constant 0 : i32
      %dma_wait3A_347 = tpu.memref_slice %arg6[%dma_wait3A_344, %dma_wait3A_345, %dma_wait3A_346] : memref<3x2x112xi32, #tpu.memory_space<vmem>> -> memref<1x2x112xi32, #tpu.memory_space<vmem>>
      %dma_wait3A_348 = tpu.memref_squeeze %dma_wait3A_347 : memref<1x2x112xi32, #tpu.memory_space<vmem>> -> memref<2x112xi32, #tpu.memory_space<vmem>>
      %dma_wait3A_349 = arith.constant 0 : i32
      %dma_wait3A_350 = arith.constant 0 : i32
      %dma_wait3A_351 = tpu.memref_slice %arg3[%add3A, %add3A_343, %dma_wait3A_349, %dma_wait3A_350] : memref<32x90x2x112xi32, #tpu.memory_space<hbm>> -> memref<1x1x2x112xi32, #tpu.memory_space<hbm>>
      %dma_wait3A_352 = tpu.memref_squeeze %dma_wait3A_351 : memref<1x1x2x112xi32, #tpu.memory_space<hbm>> -> memref<2x112xi32, #tpu.memory_space<hbm>>
      %dma_wait3A_353 = arith.constant 0 : i32
      %dma_wait3A_354 = arith.constant 0 : i32
      %dma_wait3A_355 = tpu.memref_slice %arg6[%dma_wait3A_344, %dma_wait3A_353, %dma_wait3A_354] : memref<3x2x112xi32, #tpu.memory_space<vmem>> -> memref<1x2x112xi32, #tpu.memory_space<vmem>>
      %dma_wait3A_356 = tpu.memref_squeeze %dma_wait3A_355 : memref<1x2x112xi32, #tpu.memory_space<vmem>> -> memref<2x112xi32, #tpu.memory_space<vmem>>
      %dma_wait3A_357 = arith.constant 0 : i32
      %dma_wait3A_358 = arith.constant 0 : i32
      %dma_wait3A_359 = tpu.memref_slice %arg3[%add3A, %add3A_343, %dma_wait3A_357, %dma_wait3A_358] : memref<32x90x2x112xi32, #tpu.memory_space<hbm>> -> memref<1x1x2x112xi32, #tpu.memory_space<hbm>>
      %dma_wait3A_360 = tpu.memref_squeeze %dma_wait3A_359 : memref<1x1x2x112xi32, #tpu.memory_space<hbm>> -> memref<2x112xi32, #tpu.memory_space<hbm>>
      tpu.wait_dma2 semaphore(%arg11 : memref<!tpu.dma_semaphore, #tpu.memory_space<semaphore_mem>>) src(%dma_wait3A_360 : memref<2x112xi32, #tpu.memory_space<hbm>>) dst(%dma_wait3A_356 : memref<2x112xi32, #tpu.memory_space<vmem>>)
      %dma_start3A_361 = arith.constant 1 : i32
      %dma_start3A_362 = arith.constant 0 : i32
      %dma_start3A_363 = arith.constant 0 : i32
      %dma_start3A_364 = tpu.memref_slice %arg6[%dma_start3A_361, %dma_start3A_362, %dma_start3A_363] : memref<3x2x112xi32, #tpu.memory_space<vmem>> -> memref<1x1x112xi32, #tpu.memory_space<vmem>>
      %dma_start3A_365 = tpu.memref_squeeze %dma_start3A_364 : memref<1x1x112xi32, #tpu.memory_space<vmem>> -> memref<112xi32, #tpu.memory_space<vmem>>
      %dma_start3A_366 = arith.constant 0 : i32
      %dma_start3A_367 = arith.constant 0 : i32
      %dma_start3A_368 = tpu.memref_slice %arg2[%dma_start3A_366, %dma_start3A_367] : memref<10080x128xf32, #tpu.memory_space<hbm>> -> memref<10080x128xf32, #tpu.memory_space<hbm>>
      tpu.enqueue_indirect_dma source(%dma_start3A_368 : memref<10080x128xf32, #tpu.memory_space<hbm>>) target(%arg8 : memref<112x128xf32, #tpu.memory_space<vmem>>) offsets(%dma_start3A_365 : memref<112xi32, #tpu.memory_space<vmem>>) semaphore(%arg14 : memref<!tpu.dma_semaphore, #tpu.memory_space<semaphore_mem>>)
      %add3A_369 = arith.constant 1 : i32
      %add3A_370 = arith.addi %add3A_343, %add3A_369 : i32
      %lt3A_371 = arith.constant 90 : i32
      %lt3A_372 = arith.cmpi slt, %add3A_370, %lt3A_371 : i32
      %convert_element_type3A_373 = arith.extui %lt3A_372 : i1 to i32
      %cond3A_374 = arith.constant 0 : i32
      %cond3A_375 = arith.cmpi ne, %convert_element_type3A_373, %cond3A_374 : i32
      scf.if %cond3A_375 {
        %dma_wait3A_442 = arith.constant 2 : i32
        %dma_wait3A_443 = arith.constant 1 : i32
        %dma_wait3A_444 = arith.constant 0 : i32
        %dma_wait3A_445 = tpu.memref_slice %arg6[%dma_wait3A_442, %dma_wait3A_443, %dma_wait3A_444] : memref<3x2x112xi32, #tpu.memory_space<vmem>> -> memref<1x1x112xi32, #tpu.memory_space<vmem>>
        %dma_wait3A_446 = tpu.memref_squeeze %dma_wait3A_445 : memref<1x1x112xi32, #tpu.memory_space<vmem>> -> memref<112xi32, #tpu.memory_space<vmem>>
        %dma_wait3A_447 = arith.constant 0 : i32
        %dma_wait3A_448 = arith.constant 0 : i32
        %dma_wait3A_449 = tpu.memref_slice %arg5[%dma_wait3A_447, %dma_wait3A_448] : memref<10080x128xf32, #tpu.memory_space<vmem_shared>> -> memref<10080x128xf32, #tpu.memory_space<vmem_shared>>
        tpu.wait_indirect_dma semaphore(%arg18 : memref<!tpu.dma_semaphore, #tpu.memory_space<semaphore_mem>>) src(%arg9 : memref<112x128xf32, #tpu.memory_space<vmem>>) dst(%dma_wait3A_449 : memref<10080x128xf32, #tpu.memory_space<vmem_shared>>)
        %add3A_450 = arith.constant 1 : i32
        %add3A_451 = arith.addi %add3A_343, %add3A_450 : i32
        %dma_start3A_452 = arith.constant 2 : i32
        %dma_start3A_453 = arith.constant 0 : i32
        %dma_start3A_454 = arith.constant 0 : i32
        %dma_start3A_455 = tpu.memref_slice %arg6[%dma_start3A_452, %dma_start3A_453, %dma_start3A_454] : memref<3x2x112xi32, #tpu.memory_space<vmem>> -> memref<1x2x112xi32, #tpu.memory_space<vmem>>
        %dma_start3A_456 = tpu.memref_squeeze %dma_start3A_455 : memref<1x2x112xi32, #tpu.memory_space<vmem>> -> memref<2x112xi32, #tpu.memory_space<vmem>>
        %dma_start3A_457 = arith.constant 0 : i32
        %dma_start3A_458 = arith.constant 0 : i32
        %dma_start3A_459 = tpu.memref_slice %arg3[%add3A, %add3A_451, %dma_start3A_457, %dma_start3A_458] : memref<32x90x2x112xi32, #tpu.memory_space<hbm>> -> memref<1x1x2x112xi32, #tpu.memory_space<hbm>>
        %dma_start3A_460 = tpu.memref_squeeze %dma_start3A_459 : memref<1x1x2x112xi32, #tpu.memory_space<hbm>> -> memref<2x112xi32, #tpu.memory_space<hbm>>
        %dma_start3A_461 = arith.constant 0 : i32
        %dma_start3A_462 = arith.constant 0 : i32
        %dma_start3A_463 = tpu.memref_slice %arg6[%dma_start3A_452, %dma_start3A_461, %dma_start3A_462] : memref<3x2x112xi32, #tpu.memory_space<vmem>> -> memref<1x2x112xi32, #tpu.memory_space<vmem>>
        %dma_start3A_464 = tpu.memref_squeeze %dma_start3A_463 : memref<1x2x112xi32, #tpu.memory_space<vmem>> -> memref<2x112xi32, #tpu.memory_space<vmem>>
        %dma_start3A_465 = arith.constant 0 : i32
        %dma_start3A_466 = arith.constant 0 : i32
        %dma_start3A_467 = tpu.memref_slice %arg3[%add3A, %add3A_451, %dma_start3A_465, %dma_start3A_466] : memref<32x90x2x112xi32, #tpu.memory_space<hbm>> -> memref<1x1x2x112xi32, #tpu.memory_space<hbm>>
        %dma_start3A_468 = tpu.memref_squeeze %dma_start3A_467 : memref<1x1x2x112xi32, #tpu.memory_space<hbm>> -> memref<2x112xi32, #tpu.memory_space<hbm>>
        tpu.enqueue_dma source(%dma_start3A_468 : memref<2x112xi32, #tpu.memory_space<hbm>>) target(%dma_start3A_464 : memref<2x112xi32, #tpu.memory_space<vmem>>) target_semaphore(%arg12 : memref<!tpu.dma_semaphore, #tpu.memory_space<semaphore_mem>>)
      } else {
      }
      %dma_wait3A_376 = arith.constant 0 : i32
      %dma_wait3A_377 = arith.constant 0 : i32
      %dma_wait3A_378 = arith.constant 0 : i32
      %dma_wait3A_379 = tpu.memref_slice %arg6[%dma_wait3A_376, %dma_wait3A_377, %dma_wait3A_378] : memref<3x2x112xi32, #tpu.memory_space<vmem>> -> memref<1x1x112xi32, #tpu.memory_space<vmem>>
      %dma_wait3A_380 = tpu.memref_squeeze %dma_wait3A_379 : memref<1x1x112xi32, #tpu.memory_space<vmem>> -> memref<112xi32, #tpu.memory_space<vmem>>
      %dma_wait3A_381 = arith.constant 0 : i32
      %dma_wait3A_382 = arith.constant 0 : i32
      %dma_wait3A_383 = tpu.memref_slice %arg2[%dma_wait3A_381, %dma_wait3A_382] : memref<10080x128xf32, #tpu.memory_space<hbm>> -> memref<10080x128xf32, #tpu.memory_space<hbm>>
      tpu.wait_indirect_dma semaphore(%arg13 : memref<!tpu.dma_semaphore, #tpu.memory_space<semaphore_mem>>) src(%dma_wait3A_383 : memref<10080x128xf32, #tpu.memory_space<hbm>>) dst(%arg7 : memref<112x128xf32, #tpu.memory_space<vmem>>)
      %dma_start3A_384 = arith.constant 0 : i32
      %dma_start3A_385 = arith.constant 1 : i32
      %dma_start3A_386 = arith.constant 0 : i32
      %dma_start3A_387 = tpu.memref_slice %arg6[%dma_start3A_384, %dma_start3A_385, %dma_start3A_386] : memref<3x2x112xi32, #tpu.memory_space<vmem>> -> memref<1x1x112xi32, #tpu.memory_space<vmem>>
      %dma_start3A_388 = tpu.memref_squeeze %dma_start3A_387 : memref<1x1x112xi32, #tpu.memory_space<vmem>> -> memref<112xi32, #tpu.memory_space<vmem>>
      %dma_start3A_389 = arith.constant 0 : i32
      %dma_start3A_390 = arith.constant 0 : i32
      %dma_start3A_391 = tpu.memref_slice %arg5[%dma_start3A_389, %dma_start3A_390] : memref<10080x128xf32, #tpu.memory_space<vmem_shared>> -> memref<10080x128xf32, #tpu.memory_space<vmem_shared>>
      tpu.enqueue_indirect_dma source(%arg7 : memref<112x128xf32, #tpu.memory_space<vmem>>) target(%dma_start3A_391 : memref<10080x128xf32, #tpu.memory_space<vmem_shared>>) offsets(%dma_start3A_388 : memref<112xi32, #tpu.memory_space<vmem>>) semaphore(%arg16 : memref<!tpu.dma_semaphore, #tpu.memory_space<semaphore_mem>>) {add = true}
      %add3A_392 = arith.constant 2 : i32
      %add3A_393 = arith.addi %add3A_291, %add3A_392 : i32
      %dma_wait3A_394 = arith.constant 2 : i32
      %dma_wait3A_395 = arith.constant 0 : i32
      %dma_wait3A_396 = arith.constant 0 : i32
      %dma_wait3A_397 = tpu.memref_slice %arg6[%dma_wait3A_394, %dma_wait3A_395, %dma_wait3A_396] : memref<3x2x112xi32, #tpu.memory_space<vmem>> -> memref<1x2x112xi32, #tpu.memory_space<vmem>>
      %dma_wait3A_398 = tpu.memref_squeeze %dma_wait3A_397 : memref<1x2x112xi32, #tpu.memory_space<vmem>> -> memref<2x112xi32, #tpu.memory_space<vmem>>
      %dma_wait3A_399 = arith.constant 0 : i32
      %dma_wait3A_400 = arith.constant 0 : i32
      %dma_wait3A_401 = tpu.memref_slice %arg3[%add3A, %add3A_393, %dma_wait3A_399, %dma_wait3A_400] : memref<32x90x2x112xi32, #tpu.memory_space<hbm>> -> memref<1x1x2x112xi32, #tpu.memory_space<hbm>>
      %dma_wait3A_402 = tpu.memref_squeeze %dma_wait3A_401 : memref<1x1x2x112xi32, #tpu.memory_space<hbm>> -> memref<2x112xi32, #tpu.memory_space<hbm>>
      %dma_wait3A_403 = arith.constant 0 : i32
      %dma_wait3A_404 = arith.constant 0 : i32
      %dma_wait3A_405 = tpu.memref_slice %arg6[%dma_wait3A_394, %dma_wait3A_403, %dma_wait3A_404] : memref<3x2x112xi32, #tpu.memory_space<vmem>> -> memref<1x2x112xi32, #tpu.memory_space<vmem>>
      %dma_wait3A_406 = tpu.memref_squeeze %dma_wait3A_405 : memref<1x2x112xi32, #tpu.memory_space<vmem>> -> memref<2x112xi32, #tpu.memory_space<vmem>>
      %dma_wait3A_407 = arith.constant 0 : i32
      %dma_wait3A_408 = arith.constant 0 : i32
      %dma_wait3A_409 = tpu.memref_slice %arg3[%add3A, %add3A_393, %dma_wait3A_407, %dma_wait3A_408] : memref<32x90x2x112xi32, #tpu.memory_space<hbm>> -> memref<1x1x2x112xi32, #tpu.memory_space<hbm>>
      %dma_wait3A_410 = tpu.memref_squeeze %dma_wait3A_409 : memref<1x1x2x112xi32, #tpu.memory_space<hbm>> -> memref<2x112xi32, #tpu.memory_space<hbm>>
      tpu.wait_dma2 semaphore(%arg12 : memref<!tpu.dma_semaphore, #tpu.memory_space<semaphore_mem>>) src(%dma_wait3A_410 : memref<2x112xi32, #tpu.memory_space<hbm>>) dst(%dma_wait3A_406 : memref<2x112xi32, #tpu.memory_space<vmem>>)
      %dma_start3A_411 = arith.constant 2 : i32
      %dma_start3A_412 = arith.constant 0 : i32
      %dma_start3A_413 = arith.constant 0 : i32
      %dma_start3A_414 = tpu.memref_slice %arg6[%dma_start3A_411, %dma_start3A_412, %dma_start3A_413] : memref<3x2x112xi32, #tpu.memory_space<vmem>> -> memref<1x1x112xi32, #tpu.memory_space<vmem>>
      %dma_start3A_415 = tpu.memref_squeeze %dma_start3A_414 : memref<1x1x112xi32, #tpu.memory_space<vmem>> -> memref<112xi32, #tpu.memory_space<vmem>>
      %dma_start3A_416 = arith.constant 0 : i32
      %dma_start3A_417 = arith.constant 0 : i32
      %dma_start3A_418 = tpu.memref_slice %arg2[%dma_start3A_416, %dma_start3A_417] : memref<10080x128xf32, #tpu.memory_space<hbm>> -> memref<10080x128xf32, #tpu.memory_space<hbm>>
      tpu.enqueue_indirect_dma source(%dma_start3A_418 : memref<10080x128xf32, #tpu.memory_space<hbm>>) target(%arg9 : memref<112x128xf32, #tpu.memory_space<vmem>>) offsets(%dma_start3A_415 : memref<112xi32, #tpu.memory_space<vmem>>) semaphore(%arg15 : memref<!tpu.dma_semaphore, #tpu.memory_space<semaphore_mem>>)
      %add3A_419 = arith.constant 1 : i32
      %add3A_420 = arith.addi %add3A_393, %add3A_419 : i32
      %lt3A_421 = arith.constant 90 : i32
      %lt3A_422 = arith.cmpi slt, %add3A_420, %lt3A_421 : i32
      %convert_element_type3A_423 = arith.extui %lt3A_422 : i1 to i32
      %cond3A_424 = arith.constant 0 : i32
      %cond3A_425 = arith.cmpi ne, %convert_element_type3A_423, %cond3A_424 : i32
      scf.if %cond3A_425 {
        %dma_wait3A_442 = arith.constant 0 : i32
        %dma_wait3A_443 = arith.constant 1 : i32
        %dma_wait3A_444 = arith.constant 0 : i32
        %dma_wait3A_445 = tpu.memref_slice %arg6[%dma_wait3A_442, %dma_wait3A_443, %dma_wait3A_444] : memref<3x2x112xi32, #tpu.memory_space<vmem>> -> memref<1x1x112xi32, #tpu.memory_space<vmem>>
        %dma_wait3A_446 = tpu.memref_squeeze %dma_wait3A_445 : memref<1x1x112xi32, #tpu.memory_space<vmem>> -> memref<112xi32, #tpu.memory_space<vmem>>
        %dma_wait3A_447 = arith.constant 0 : i32
        %dma_wait3A_448 = arith.constant 0 : i32
        %dma_wait3A_449 = tpu.memref_slice %arg5[%dma_wait3A_447, %dma_wait3A_448] : memref<10080x128xf32, #tpu.memory_space<vmem_shared>> -> memref<10080x128xf32, #tpu.memory_space<vmem_shared>>
        tpu.wait_indirect_dma semaphore(%arg16 : memref<!tpu.dma_semaphore, #tpu.memory_space<semaphore_mem>>) src(%arg7 : memref<112x128xf32, #tpu.memory_space<vmem>>) dst(%dma_wait3A_449 : memref<10080x128xf32, #tpu.memory_space<vmem_shared>>)
        %add3A_450 = arith.constant 1 : i32
        %add3A_451 = arith.addi %add3A_393, %add3A_450 : i32
        %dma_start3A_452 = arith.constant 0 : i32
        %dma_start3A_453 = arith.constant 0 : i32
        %dma_start3A_454 = arith.constant 0 : i32
        %dma_start3A_455 = tpu.memref_slice %arg6[%dma_start3A_452, %dma_start3A_453, %dma_start3A_454] : memref<3x2x112xi32, #tpu.memory_space<vmem>> -> memref<1x2x112xi32, #tpu.memory_space<vmem>>
        %dma_start3A_456 = tpu.memref_squeeze %dma_start3A_455 : memref<1x2x112xi32, #tpu.memory_space<vmem>> -> memref<2x112xi32, #tpu.memory_space<vmem>>
        %dma_start3A_457 = arith.constant 0 : i32
        %dma_start3A_458 = arith.constant 0 : i32
        %dma_start3A_459 = tpu.memref_slice %arg3[%add3A, %add3A_451, %dma_start3A_457, %dma_start3A_458] : memref<32x90x2x112xi32, #tpu.memory_space<hbm>> -> memref<1x1x2x112xi32, #tpu.memory_space<hbm>>
        %dma_start3A_460 = tpu.memref_squeeze %dma_start3A_459 : memref<1x1x2x112xi32, #tpu.memory_space<hbm>> -> memref<2x112xi32, #tpu.memory_space<hbm>>
        %dma_start3A_461 = arith.constant 0 : i32
        %dma_start3A_462 = arith.constant 0 : i32
        %dma_start3A_463 = tpu.memref_slice %arg6[%dma_start3A_452, %dma_start3A_461, %dma_start3A_462] : memref<3x2x112xi32, #tpu.memory_space<vmem>> -> memref<1x2x112xi32, #tpu.memory_space<vmem>>
        %dma_start3A_464 = tpu.memref_squeeze %dma_start3A_463 : memref<1x2x112xi32, #tpu.memory_space<vmem>> -> memref<2x112xi32, #tpu.memory_space<vmem>>
        %dma_start3A_465 = arith.constant 0 : i32
        %dma_start3A_466 = arith.constant 0 : i32
        %dma_start3A_467 = tpu.memref_slice %arg3[%add3A, %add3A_451, %dma_start3A_465, %dma_start3A_466] : memref<32x90x2x112xi32, #tpu.memory_space<hbm>> -> memref<1x1x2x112xi32, #tpu.memory_space<hbm>>
        %dma_start3A_468 = tpu.memref_squeeze %dma_start3A_467 : memref<1x1x2x112xi32, #tpu.memory_space<hbm>> -> memref<2x112xi32, #tpu.memory_space<hbm>>
        tpu.enqueue_dma source(%dma_start3A_468 : memref<2x112xi32, #tpu.memory_space<hbm>>) target(%dma_start3A_464 : memref<2x112xi32, #tpu.memory_space<vmem>>) target_semaphore(%arg10 : memref<!tpu.dma_semaphore, #tpu.memory_space<semaphore_mem>>)
      } else {
      }
      %dma_wait3A_426 = arith.constant 1 : i32
      %dma_wait3A_427 = arith.constant 0 : i32
      %dma_wait3A_428 = arith.constant 0 : i32
      %dma_wait3A_429 = tpu.memref_slice %arg6[%dma_wait3A_426, %dma_wait3A_427, %dma_wait3A_428] : memref<3x2x112xi32, #tpu.memory_space<vmem>> -> memref<1x1x112xi32, #tpu.memory_space<vmem>>
      %dma_wait3A_430 = tpu.memref_squeeze %dma_wait3A_429 : memref<1x1x112xi32, #tpu.memory_space<vmem>> -> memref<112xi32, #tpu.memory_space<vmem>>
      %dma_wait3A_431 = arith.constant 0 : i32
      %dma_wait3A_432 = arith.constant 0 : i32
      %dma_wait3A_433 = tpu.memref_slice %arg2[%dma_wait3A_431, %dma_wait3A_432] : memref<10080x128xf32, #tpu.memory_space<hbm>> -> memref<10080x128xf32, #tpu.memory_space<hbm>>
      tpu.wait_indirect_dma semaphore(%arg14 : memref<!tpu.dma_semaphore, #tpu.memory_space<semaphore_mem>>) src(%dma_wait3A_433 : memref<10080x128xf32, #tpu.memory_space<hbm>>) dst(%arg8 : memref<112x128xf32, #tpu.memory_space<vmem>>)
      %dma_start3A_434 = arith.constant 1 : i32
      %dma_start3A_435 = arith.constant 1 : i32
      %dma_start3A_436 = arith.constant 0 : i32
      %dma_start3A_437 = tpu.memref_slice %arg6[%dma_start3A_434, %dma_start3A_435, %dma_start3A_436] : memref<3x2x112xi32, #tpu.memory_space<vmem>> -> memref<1x1x112xi32, #tpu.memory_space<vmem>>
      %dma_start3A_438 = tpu.memref_squeeze %dma_start3A_437 : memref<1x1x112xi32, #tpu.memory_space<vmem>> -> memref<112xi32, #tpu.memory_space<vmem>>
      %dma_start3A_439 = arith.constant 0 : i32
      %dma_start3A_440 = arith.constant 0 : i32
      %dma_start3A_441 = tpu.memref_slice %arg5[%dma_start3A_439, %dma_start3A_440] : memref<10080x128xf32, #tpu.memory_space<vmem_shared>> -> memref<10080x128xf32, #tpu.memory_space<vmem_shared>>
      tpu.enqueue_indirect_dma source(%arg8 : memref<112x128xf32, #tpu.memory_space<vmem>>) target(%dma_start3A_441 : memref<10080x128xf32, #tpu.memory_space<vmem_shared>>) offsets(%dma_start3A_438 : memref<112xi32, #tpu.memory_space<vmem>>) semaphore(%arg17 : memref<!tpu.dma_semaphore, #tpu.memory_space<semaphore_mem>>) {add = true}
    }
    %scan3A_203 = arith.constant 29 : i32
    %dma_wait3A_204 = arith.constant 2 : i32
    %dma_wait3A_205 = arith.constant 0 : i32
    %dma_wait3A_206 = arith.constant 0 : i32
    %dma_wait3A_207 = tpu.memref_slice %arg6[%dma_wait3A_204, %dma_wait3A_205, %dma_wait3A_206] : memref<3x2x112xi32, #tpu.memory_space<vmem>> -> memref<1x1x112xi32, #tpu.memory_space<vmem>>
    %dma_wait3A_208 = tpu.memref_squeeze %dma_wait3A_207 : memref<1x1x112xi32, #tpu.memory_space<vmem>> -> memref<112xi32, #tpu.memory_space<vmem>>
    %dma_wait3A_209 = arith.constant 0 : i32
    %dma_wait3A_210 = arith.constant 0 : i32
    %dma_wait3A_211 = tpu.memref_slice %arg2[%dma_wait3A_209, %dma_wait3A_210] : memref<10080x128xf32, #tpu.memory_space<hbm>> -> memref<10080x128xf32, #tpu.memory_space<hbm>>
    tpu.wait_indirect_dma semaphore(%arg15 : memref<!tpu.dma_semaphore, #tpu.memory_space<semaphore_mem>>) src(%dma_wait3A_211 : memref<10080x128xf32, #tpu.memory_space<hbm>>) dst(%arg9 : memref<112x128xf32, #tpu.memory_space<vmem>>)
    %dma_start3A_212 = arith.constant 2 : i32
    %dma_start3A_213 = arith.constant 1 : i32
    %dma_start3A_214 = arith.constant 0 : i32
    %dma_start3A_215 = tpu.memref_slice %arg6[%dma_start3A_212, %dma_start3A_213, %dma_start3A_214] : memref<3x2x112xi32, #tpu.memory_space<vmem>> -> memref<1x1x112xi32, #tpu.memory_space<vmem>>
    %dma_start3A_216 = tpu.memref_squeeze %dma_start3A_215 : memref<1x1x112xi32, #tpu.memory_space<vmem>> -> memref<112xi32, #tpu.memory_space<vmem>>
    %dma_start3A_217 = arith.constant 0 : i32
    %dma_start3A_218 = arith.constant 0 : i32
    %dma_start3A_219 = tpu.memref_slice %arg5[%dma_start3A_217, %dma_start3A_218] : memref<10080x128xf32, #tpu.memory_space<vmem_shared>> -> memref<10080x128xf32, #tpu.memory_space<vmem_shared>>
    tpu.enqueue_indirect_dma source(%arg9 : memref<112x128xf32, #tpu.memory_space<vmem>>) target(%dma_start3A_219 : memref<10080x128xf32, #tpu.memory_space<vmem_shared>>) offsets(%dma_start3A_216 : memref<112xi32, #tpu.memory_space<vmem>>) semaphore(%arg18 : memref<!tpu.dma_semaphore, #tpu.memory_space<semaphore_mem>>) {add = true}
    %dma_wait3A_220 = arith.constant 0 : i32
    %dma_wait3A_221 = arith.constant 1 : i32
    %dma_wait3A_222 = arith.constant 0 : i32
    %dma_wait3A_223 = tpu.memref_slice %arg6[%dma_wait3A_220, %dma_wait3A_221, %dma_wait3A_222] : memref<3x2x112xi32, #tpu.memory_space<vmem>> -> memref<1x1x112xi32, #tpu.memory_space<vmem>>
    %dma_wait3A_224 = tpu.memref_squeeze %dma_wait3A_223 : memref<1x1x112xi32, #tpu.memory_space<vmem>> -> memref<112xi32, #tpu.memory_space<vmem>>
    %dma_wait3A_225 = arith.constant 0 : i32
    %dma_wait3A_226 = arith.constant 0 : i32
    %dma_wait3A_227 = tpu.memref_slice %arg5[%dma_wait3A_225, %dma_wait3A_226] : memref<10080x128xf32, #tpu.memory_space<vmem_shared>> -> memref<10080x128xf32, #tpu.memory_space<vmem_shared>>
    tpu.wait_indirect_dma semaphore(%arg16 : memref<!tpu.dma_semaphore, #tpu.memory_space<semaphore_mem>>) src(%arg7 : memref<112x128xf32, #tpu.memory_space<vmem>>) dst(%dma_wait3A_227 : memref<10080x128xf32, #tpu.memory_space<vmem_shared>>)
    %dma_wait3A_228 = arith.constant 1 : i32
    %dma_wait3A_229 = arith.constant 1 : i32
    %dma_wait3A_230 = arith.constant 0 : i32
    %dma_wait3A_231 = tpu.memref_slice %arg6[%dma_wait3A_228, %dma_wait3A_229, %dma_wait3A_230] : memref<3x2x112xi32, #tpu.memory_space<vmem>> -> memref<1x1x112xi32, #tpu.memory_space<vmem>>
    %dma_wait3A_232 = tpu.memref_squeeze %dma_wait3A_231 : memref<1x1x112xi32, #tpu.memory_space<vmem>> -> memref<112xi32, #tpu.memory_space<vmem>>
    %dma_wait3A_233 = arith.constant 0 : i32
    %dma_wait3A_234 = arith.constant 0 : i32
    %dma_wait3A_235 = tpu.memref_slice %arg5[%dma_wait3A_233, %dma_wait3A_234] : memref<10080x128xf32, #tpu.memory_space<vmem_shared>> -> memref<10080x128xf32, #tpu.memory_space<vmem_shared>>
    tpu.wait_indirect_dma semaphore(%arg17 : memref<!tpu.dma_semaphore, #tpu.memory_space<semaphore_mem>>) src(%arg8 : memref<112x128xf32, #tpu.memory_space<vmem>>) dst(%dma_wait3A_235 : memref<10080x128xf32, #tpu.memory_space<vmem_shared>>)
    %dma_wait3A_236 = arith.constant 2 : i32
    %dma_wait3A_237 = arith.constant 1 : i32
    %dma_wait3A_238 = arith.constant 0 : i32
    %dma_wait3A_239 = tpu.memref_slice %arg6[%dma_wait3A_236, %dma_wait3A_237, %dma_wait3A_238] : memref<3x2x112xi32, #tpu.memory_space<vmem>> -> memref<1x1x112xi32, #tpu.memory_space<vmem>>
    %dma_wait3A_240 = tpu.memref_squeeze %dma_wait3A_239 : memref<1x1x112xi32, #tpu.memory_space<vmem>> -> memref<112xi32, #tpu.memory_space<vmem>>
    %dma_wait3A_241 = arith.constant 0 : i32
    %dma_wait3A_242 = arith.constant 0 : i32
    %dma_wait3A_243 = tpu.memref_slice %arg5[%dma_wait3A_241, %dma_wait3A_242] : memref<10080x128xf32, #tpu.memory_space<vmem_shared>> -> memref<10080x128xf32, #tpu.memory_space<vmem_shared>>
    tpu.wait_indirect_dma semaphore(%arg18 : memref<!tpu.dma_semaphore, #tpu.memory_space<semaphore_mem>>) src(%arg9 : memref<112x128xf32, #tpu.memory_space<vmem>>) dst(%dma_wait3A_243 : memref<10080x128xf32, #tpu.memory_space<vmem_shared>>)
    %barrier3A_244 = arith.constant 0 : index
    tpu.barrier barrier_id(%barrier3A_244)
    %add3A_245 = arith.constant 0 : i32
    %add3A_246 = arith.addi %arg1, %add3A_245 : i32
    %lt3A_247 = arith.constant 90 : i32
    %lt3A_248 = arith.cmpi slt, %add3A_246, %lt3A_247 : i32
    %convert_element_type3A_249 = arith.extui %lt3A_248 : i1 to i32
    %cond3A_250 = arith.constant 0 : i32
    %cond3A_251 = arith.cmpi ne, %convert_element_type3A_249, %cond3A_250 : i32
    scf.if %cond3A_251 {
      %mul3A_287 = arith.constant 112 : i32
      %mul3A_288 = arith.muli %add3A_246, %mul3A_287 : i32
      %multiple_of3A = tpu.assume_multiple %mul3A_288, 8 : i32
      "tpu.region"() ({
        %run_scoped3A_289 = tpu.sem_alloc : memref<!tpu.dma_semaphore, #tpu.memory_space<semaphore_mem>>
        %dma_start3A_290 = arith.constant 0 : i32
        %dma_start3A_291 = tpu.memref_slice %arg4[%arg0, %multiple_of3A, %dma_start3A_290] : memref<2x10080x128xf32, #tpu.memory_space<hbm>> -> memref<1x112x128xf32, #tpu.memory_space<hbm>>
        %dma_start3A_292 = tpu.memref_squeeze %dma_start3A_291 : memref<1x112x128xf32, #tpu.memory_space<hbm>> -> memref<112x128xf32, #tpu.memory_space<hbm>>
        %dma_start3A_293 = arith.constant 0 : i32
        %dma_start3A_294 = tpu.memref_slice %arg5[%multiple_of3A, %dma_start3A_293] : memref<10080x128xf32, #tpu.memory_space<vmem_shared>> -> memref<112x128xf32, #tpu.memory_space<vmem_shared>>
        tpu.enqueue_dma source(%dma_start3A_294 : memref<112x128xf32, #tpu.memory_space<vmem_shared>>) target(%dma_start3A_292 : memref<112x128xf32, #tpu.memory_space<hbm>>) target_semaphore(%run_scoped3A_289 : memref<!tpu.dma_semaphore, #tpu.memory_space<semaphore_mem>>)
        %dma_wait3A_295 = arith.constant 0 : i32
        %dma_wait3A_296 = tpu.memref_slice %arg4[%arg0, %multiple_of3A, %dma_wait3A_295] : memref<2x10080x128xf32, #tpu.memory_space<hbm>> -> memref<1x112x128xf32, #tpu.memory_space<hbm>>
        %dma_wait3A_297 = tpu.memref_squeeze %dma_wait3A_296 : memref<1x112x128xf32, #tpu.memory_space<hbm>> -> memref<112x128xf32, #tpu.memory_space<hbm>>
        %dma_wait3A_298 = arith.constant 0 : i32
        %dma_wait3A_299 = tpu.memref_slice %arg5[%multiple_of3A, %dma_wait3A_298] : memref<10080x128xf32, #tpu.memory_space<vmem_shared>> -> memref<112x128xf32, #tpu.memory_space<vmem_shared>>
        tpu.wait_dma2 semaphore(%run_scoped3A_289 : memref<!tpu.dma_semaphore, #tpu.memory_space<semaphore_mem>>) src(%dma_wait3A_299 : memref<112x128xf32, #tpu.memory_space<vmem_shared>>) dst(%dma_wait3A_297 : memref<112x128xf32, #tpu.memory_space<hbm>>)
        tpu.yield
      }) : () -> ()
    } else {
    }
    %add3A_252 = arith.constant 16 : i32
    %add3A_253 = arith.addi %arg1, %add3A_252 : i32
    %lt3A_254 = arith.constant 90 : i32
    %lt3A_255 = arith.cmpi slt, %add3A_253, %lt3A_254 : i32
    %convert_element_type3A_256 = arith.extui %lt3A_255 : i1 to i32
    %cond3A_257 = arith.constant 0 : i32
    %cond3A_258 = arith.cmpi ne, %convert_element_type3A_256, %cond3A_257 : i32
    scf.if %cond3A_258 {
      %mul3A_287 = arith.constant 112 : i32
      %mul3A_288 = arith.muli %add3A_253, %mul3A_287 : i32
      %multiple_of3A = tpu.assume_multiple %mul3A_288, 8 : i32
      "tpu.region"() ({
        %run_scoped3A_289 = tpu.sem_alloc : memref<!tpu.dma_semaphore, #tpu.memory_space<semaphore_mem>>
        %dma_start3A_290 = arith.constant 0 : i32
        %dma_start3A_291 = tpu.memref_slice %arg4[%arg0, %multiple_of3A, %dma_start3A_290] : memref<2x10080x128xf32, #tpu.memory_space<hbm>> -> memref<1x112x128xf32, #tpu.memory_space<hbm>>
        %dma_start3A_292 = tpu.memref_squeeze %dma_start3A_291 : memref<1x112x128xf32, #tpu.memory_space<hbm>> -> memref<112x128xf32, #tpu.memory_space<hbm>>
        %dma_start3A_293 = arith.constant 0 : i32
        %dma_start3A_294 = tpu.memref_slice %arg5[%multiple_of3A, %dma_start3A_293] : memref<10080x128xf32, #tpu.memory_space<vmem_shared>> -> memref<112x128xf32, #tpu.memory_space<vmem_shared>>
        tpu.enqueue_dma source(%dma_start3A_294 : memref<112x128xf32, #tpu.memory_space<vmem_shared>>) target(%dma_start3A_292 : memref<112x128xf32, #tpu.memory_space<hbm>>) target_semaphore(%run_scoped3A_289 : memref<!tpu.dma_semaphore, #tpu.memory_space<semaphore_mem>>)
        %dma_wait3A_295 = arith.constant 0 : i32
        %dma_wait3A_296 = tpu.memref_slice %arg4[%arg0, %multiple_of3A, %dma_wait3A_295] : memref<2x10080x128xf32, #tpu.memory_space<hbm>> -> memref<1x112x128xf32, #tpu.memory_space<hbm>>
        %dma_wait3A_297 = tpu.memref_squeeze %dma_wait3A_296 : memref<1x112x128xf32, #tpu.memory_space<hbm>> -> memref<112x128xf32, #tpu.memory_space<hbm>>
        %dma_wait3A_298 = arith.constant 0 : i32
        %dma_wait3A_299 = tpu.memref_slice %arg5[%multiple_of3A, %dma_wait3A_298] : memref<10080x128xf32, #tpu.memory_space<vmem_shared>> -> memref<112x128xf32, #tpu.memory_space<vmem_shared>>
        tpu.wait_dma2 semaphore(%run_scoped3A_289 : memref<!tpu.dma_semaphore, #tpu.memory_space<semaphore_mem>>) src(%dma_wait3A_299 : memref<112x128xf32, #tpu.memory_space<vmem_shared>>) dst(%dma_wait3A_297 : memref<112x128xf32, #tpu.memory_space<hbm>>)
        tpu.yield
      }) : () -> ()
    } else {
    }
    %add3A_259 = arith.constant 32 : i32
    %add3A_260 = arith.addi %arg1, %add3A_259 : i32
    %lt3A_261 = arith.constant 90 : i32
    %lt3A_262 = arith.cmpi slt, %add3A_260, %lt3A_261 : i32
    %convert_element_type3A_263 = arith.extui %lt3A_262 : i1 to i32
    %cond3A_264 = arith.constant 0 : i32
    %cond3A_265 = arith.cmpi ne, %convert_element_type3A_263, %cond3A_264 : i32
    scf.if %cond3A_265 {
      %mul3A_287 = arith.constant 112 : i32
      %mul3A_288 = arith.muli %add3A_260, %mul3A_287 : i32
      %multiple_of3A = tpu.assume_multiple %mul3A_288, 8 : i32
      "tpu.region"() ({
        %run_scoped3A_289 = tpu.sem_alloc : memref<!tpu.dma_semaphore, #tpu.memory_space<semaphore_mem>>
        %dma_start3A_290 = arith.constant 0 : i32
        %dma_start3A_291 = tpu.memref_slice %arg4[%arg0, %multiple_of3A, %dma_start3A_290] : memref<2x10080x128xf32, #tpu.memory_space<hbm>> -> memref<1x112x128xf32, #tpu.memory_space<hbm>>
        %dma_start3A_292 = tpu.memref_squeeze %dma_start3A_291 : memref<1x112x128xf32, #tpu.memory_space<hbm>> -> memref<112x128xf32, #tpu.memory_space<hbm>>
        %dma_start3A_293 = arith.constant 0 : i32
        %dma_start3A_294 = tpu.memref_slice %arg5[%multiple_of3A, %dma_start3A_293] : memref<10080x128xf32, #tpu.memory_space<vmem_shared>> -> memref<112x128xf32, #tpu.memory_space<vmem_shared>>
        tpu.enqueue_dma source(%dma_start3A_294 : memref<112x128xf32, #tpu.memory_space<vmem_shared>>) target(%dma_start3A_292 : memref<112x128xf32, #tpu.memory_space<hbm>>) target_semaphore(%run_scoped3A_289 : memref<!tpu.dma_semaphore, #tpu.memory_space<semaphore_mem>>)
        %dma_wait3A_295 = arith.constant 0 : i32
        %dma_wait3A_296 = tpu.memref_slice %arg4[%arg0, %multiple_of3A, %dma_wait3A_295] : memref<2x10080x128xf32, #tpu.memory_space<hbm>> -> memref<1x112x128xf32, #tpu.memory_space<hbm>>
        %dma_wait3A_297 = tpu.memref_squeeze %dma_wait3A_296 : memref<1x112x128xf32, #tpu.memory_space<hbm>> -> memref<112x128xf32, #tpu.memory_space<hbm>>
        %dma_wait3A_298 = arith.constant 0 : i32
        %dma_wait3A_299 = tpu.memref_slice %arg5[%multiple_of3A, %dma_wait3A_298] : memref<10080x128xf32, #tpu.memory_space<vmem_shared>> -> memref<112x128xf32, #tpu.memory_space<vmem_shared>>
        tpu.wait_dma2 semaphore(%run_scoped3A_289 : memref<!tpu.dma_semaphore, #tpu.memory_space<semaphore_mem>>) src(%dma_wait3A_299 : memref<112x128xf32, #tpu.memory_space<vmem_shared>>) dst(%dma_wait3A_297 : memref<112x128xf32, #tpu.memory_space<hbm>>)
        tpu.yield
      }) : () -> ()
    } else {
    }
    %add3A_266 = arith.constant 48 : i32
    %add3A_267 = arith.addi %arg1, %add3A_266 : i32
    %lt3A_268 = arith.constant 90 : i32
    %lt3A_269 = arith.cmpi slt, %add3A_267, %lt3A_268 : i32
    %convert_element_type3A_270 = arith.extui %lt3A_269 : i1 to i32
    %cond3A_271 = arith.constant 0 : i32
    %cond3A_272 = arith.cmpi ne, %convert_element_type3A_270, %cond3A_271 : i32
    scf.if %cond3A_272 {
      %mul3A_287 = arith.constant 112 : i32
      %mul3A_288 = arith.muli %add3A_267, %mul3A_287 : i32
      %multiple_of3A = tpu.assume_multiple %mul3A_288, 8 : i32
      "tpu.region"() ({
        %run_scoped3A_289 = tpu.sem_alloc : memref<!tpu.dma_semaphore, #tpu.memory_space<semaphore_mem>>
        %dma_start3A_290 = arith.constant 0 : i32
        %dma_start3A_291 = tpu.memref_slice %arg4[%arg0, %multiple_of3A, %dma_start3A_290] : memref<2x10080x128xf32, #tpu.memory_space<hbm>> -> memref<1x112x128xf32, #tpu.memory_space<hbm>>
        %dma_start3A_292 = tpu.memref_squeeze %dma_start3A_291 : memref<1x112x128xf32, #tpu.memory_space<hbm>> -> memref<112x128xf32, #tpu.memory_space<hbm>>
        %dma_start3A_293 = arith.constant 0 : i32
        %dma_start3A_294 = tpu.memref_slice %arg5[%multiple_of3A, %dma_start3A_293] : memref<10080x128xf32, #tpu.memory_space<vmem_shared>> -> memref<112x128xf32, #tpu.memory_space<vmem_shared>>
        tpu.enqueue_dma source(%dma_start3A_294 : memref<112x128xf32, #tpu.memory_space<vmem_shared>>) target(%dma_start3A_292 : memref<112x128xf32, #tpu.memory_space<hbm>>) target_semaphore(%run_scoped3A_289 : memref<!tpu.dma_semaphore, #tpu.memory_space<semaphore_mem>>)
        %dma_wait3A_295 = arith.constant 0 : i32
        %dma_wait3A_296 = tpu.memref_slice %arg4[%arg0, %multiple_of3A, %dma_wait3A_295] : memref<2x10080x128xf32, #tpu.memory_space<hbm>> -> memref<1x112x128xf32, #tpu.memory_space<hbm>>
        %dma_wait3A_297 = tpu.memref_squeeze %dma_wait3A_296 : memref<1x112x128xf32, #tpu.memory_space<hbm>> -> memref<112x128xf32, #tpu.memory_space<hbm>>
        %dma_wait3A_298 = arith.constant 0 : i32
        %dma_wait3A_299 = tpu.memref_slice %arg5[%multiple_of3A, %dma_wait3A_298] : memref<10080x128xf32, #tpu.memory_space<vmem_shared>> -> memref<112x128xf32, #tpu.memory_space<vmem_shared>>
        tpu.wait_dma2 semaphore(%run_scoped3A_289 : memref<!tpu.dma_semaphore, #tpu.memory_space<semaphore_mem>>) src(%dma_wait3A_299 : memref<112x128xf32, #tpu.memory_space<vmem_shared>>) dst(%dma_wait3A_297 : memref<112x128xf32, #tpu.memory_space<hbm>>)
        tpu.yield
      }) : () -> ()
    } else {
    }
    %add3A_273 = arith.constant 64 : i32
    %add3A_274 = arith.addi %arg1, %add3A_273 : i32
    %lt3A_275 = arith.constant 90 : i32
    %lt3A_276 = arith.cmpi slt, %add3A_274, %lt3A_275 : i32
    %convert_element_type3A_277 = arith.extui %lt3A_276 : i1 to i32
    %cond3A_278 = arith.constant 0 : i32
    %cond3A_279 = arith.cmpi ne, %convert_element_type3A_277, %cond3A_278 : i32
    scf.if %cond3A_279 {
      %mul3A_287 = arith.constant 112 : i32
      %mul3A_288 = arith.muli %add3A_274, %mul3A_287 : i32
      %multiple_of3A = tpu.assume_multiple %mul3A_288, 8 : i32
      "tpu.region"() ({
        %run_scoped3A_289 = tpu.sem_alloc : memref<!tpu.dma_semaphore, #tpu.memory_space<semaphore_mem>>
        %dma_start3A_290 = arith.constant 0 : i32
        %dma_start3A_291 = tpu.memref_slice %arg4[%arg0, %multiple_of3A, %dma_start3A_290] : memref<2x10080x128xf32, #tpu.memory_space<hbm>> -> memref<1x112x128xf32, #tpu.memory_space<hbm>>
        %dma_start3A_292 = tpu.memref_squeeze %dma_start3A_291 : memref<1x112x128xf32, #tpu.memory_space<hbm>> -> memref<112x128xf32, #tpu.memory_space<hbm>>
        %dma_start3A_293 = arith.constant 0 : i32
        %dma_start3A_294 = tpu.memref_slice %arg5[%multiple_of3A, %dma_start3A_293] : memref<10080x128xf32, #tpu.memory_space<vmem_shared>> -> memref<112x128xf32, #tpu.memory_space<vmem_shared>>
        tpu.enqueue_dma source(%dma_start3A_294 : memref<112x128xf32, #tpu.memory_space<vmem_shared>>) target(%dma_start3A_292 : memref<112x128xf32, #tpu.memory_space<hbm>>) target_semaphore(%run_scoped3A_289 : memref<!tpu.dma_semaphore, #tpu.memory_space<semaphore_mem>>)
        %dma_wait3A_295 = arith.constant 0 : i32
        %dma_wait3A_296 = tpu.memref_slice %arg4[%arg0, %multiple_of3A, %dma_wait3A_295] : memref<2x10080x128xf32, #tpu.memory_space<hbm>> -> memref<1x112x128xf32, #tpu.memory_space<hbm>>
        %dma_wait3A_297 = tpu.memref_squeeze %dma_wait3A_296 : memref<1x112x128xf32, #tpu.memory_space<hbm>> -> memref<112x128xf32, #tpu.memory_space<hbm>>
        %dma_wait3A_298 = arith.constant 0 : i32
        %dma_wait3A_299 = tpu.memref_slice %arg5[%multiple_of3A, %dma_wait3A_298] : memref<10080x128xf32, #tpu.memory_space<vmem_shared>> -> memref<112x128xf32, #tpu.memory_space<vmem_shared>>
        tpu.wait_dma2 semaphore(%run_scoped3A_289 : memref<!tpu.dma_semaphore, #tpu.memory_space<semaphore_mem>>) src(%dma_wait3A_299 : memref<112x128xf32, #tpu.memory_space<vmem_shared>>) dst(%dma_wait3A_297 : memref<112x128xf32, #tpu.memory_space<hbm>>)
        tpu.yield
      }) : () -> ()
    } else {
    }
    %add3A_280 = arith.constant 80 : i32
    %add3A_281 = arith.addi %arg1, %add3A_280 : i32
    %lt3A_282 = arith.constant 90 : i32
    %lt3A_283 = arith.cmpi slt, %add3A_281, %lt3A_282 : i32
    %convert_element_type3A_284 = arith.extui %lt3A_283 : i1 to i32
    %cond3A_285 = arith.constant 0 : i32
    %cond3A_286 = arith.cmpi ne, %convert_element_type3A_284, %cond3A_285 : i32
    scf.if %cond3A_286 {
      %mul3A_287 = arith.constant 112 : i32
      %mul3A_288 = arith.muli %add3A_281, %mul3A_287 : i32
      %multiple_of3A = tpu.assume_multiple %mul3A_288, 8 : i32
      "tpu.region"() ({
        %run_scoped3A_289 = tpu.sem_alloc : memref<!tpu.dma_semaphore, #tpu.memory_space<semaphore_mem>>
        %dma_start3A_290 = arith.constant 0 : i32
        %dma_start3A_291 = tpu.memref_slice %arg4[%arg0, %multiple_of3A, %dma_start3A_290] : memref<2x10080x128xf32, #tpu.memory_space<hbm>> -> memref<1x112x128xf32, #tpu.memory_space<hbm>>
        %dma_start3A_292 = tpu.memref_squeeze %dma_start3A_291 : memref<1x112x128xf32, #tpu.memory_space<hbm>> -> memref<112x128xf32, #tpu.memory_space<hbm>>
        %dma_start3A_293 = arith.constant 0 : i32
        %dma_start3A_294 = tpu.memref_slice %arg5[%multiple_of3A, %dma_start3A_293] : memref<10080x128xf32, #tpu.memory_space<vmem_shared>> -> memref<112x128xf32, #tpu.memory_space<vmem_shared>>
        tpu.enqueue_dma source(%dma_start3A_294 : memref<112x128xf32, #tpu.memory_space<vmem_shared>>) target(%dma_start3A_292 : memref<112x128xf32, #tpu.memory_space<hbm>>) target_semaphore(%run_scoped3A_289 : memref<!tpu.dma_semaphore, #tpu.memory_space<semaphore_mem>>)
        %dma_wait3A_295 = arith.constant 0 : i32
        %dma_wait3A_296 = tpu.memref_slice %arg4[%arg0, %multiple_of3A, %dma_wait3A_295] : memref<2x10080x128xf32, #tpu.memory_space<hbm>> -> memref<1x112x128xf32, #tpu.memory_space<hbm>>
        %dma_wait3A_297 = tpu.memref_squeeze %dma_wait3A_296 : memref<1x112x128xf32, #tpu.memory_space<hbm>> -> memref<112x128xf32, #tpu.memory_space<hbm>>
        %dma_wait3A_298 = arith.constant 0 : i32
        %dma_wait3A_299 = tpu.memref_slice %arg5[%multiple_of3A, %dma_wait3A_298] : memref<10080x128xf32, #tpu.memory_space<vmem_shared>> -> memref<112x128xf32, #tpu.memory_space<vmem_shared>>
        tpu.wait_dma2 semaphore(%run_scoped3A_289 : memref<!tpu.dma_semaphore, #tpu.memory_space<semaphore_mem>>) src(%dma_wait3A_299 : memref<112x128xf32, #tpu.memory_space<vmem_shared>>) dst(%dma_wait3A_297 : memref<112x128xf32, #tpu.memory_space<hbm>>)
        tpu.yield
      }) : () -> ()
    } else {
    }
    return
  }
}

module attributes {stable_mosaic.version = 14 : i64} {
  func.func @_prep_body(%arg0: i32, %arg1: memref<2x1680x128xf32, #tpu.memory_space<vmem>>, %arg2: memref<1680x128xf32, #tpu.memory_space<vmem>>, %arg3: memref<1680x16xf32, #tpu.memory_space<vmem>>, %arg4: memref<128x128xf32, #tpu.memory_space<vmem>>, %arg5: memref<16x128xf32, #tpu.memory_space<vmem>>, %arg6: memref<1680x128xf32, #tpu.memory_space<vmem>>, %arg7: memref<1680x128xf32, #tpu.memory_space<vmem>>, %arg8: memref<1680x1xf32, #tpu.memory_space<vmem>>, %arg9: memref<1680x1xf32, #tpu.memory_space<vmem>>) attributes {dimension_semantics = [#tpu.dimension_semantics<arbitrary>], iteration_bounds = array<i64: 6>, scalar_prefetch = 0 : i64, scratch_operands = 0 : i64, tpu.core_type = #tpu.core_type<tc>, window_params = [{transform_indices = @transform_0, window_bounds = array<i64: 2, 1680, 128>}, {transform_indices = @transform_1, window_bounds = array<i64: 1680, 128>}, {transform_indices = @transform_2, window_bounds = array<i64: 1680, 16>}, {pipeline_mode = #tpu.pipeline_mode<synchronous>, transform_indices = @transform_3, window_bounds = array<i64: 128, 128>}, {pipeline_mode = #tpu.pipeline_mode<synchronous>, transform_indices = @transform_4, window_bounds = array<i64: 16, 128>}, {transform_indices = @transform_5, window_bounds = array<i64: 1680, 128>}, {transform_indices = @transform_6, window_bounds = array<i64: 1680, 128>}, {transform_indices = @transform_7, window_bounds = array<i64: 1680, 1>}, {transform_indices = @transform_8, window_bounds = array<i64: 1680, 1>}]} {
    %get3A = arith.constant 0 : index
    %get3A_0 = arith.constant 0 : index
    %get3A_1 = arith.constant 0 : index
    %get3A_2 = vector.load %arg1[%get3A, %get3A_0, %get3A_1] : memref<2x1680x128xf32, #tpu.memory_space<vmem>>, vector<1x1680x1xf32>
    %get3A_3 = vector.shape_cast %get3A_2 : vector<1x1680x1xf32> to vector<1680x1xf32>
    %get3A_4 = arith.constant 1 : index
    %get3A_5 = arith.constant 0 : index
    %get3A_6 = arith.constant 0 : index
    %get3A_7 = vector.load %arg1[%get3A_4, %get3A_5, %get3A_6] : memref<2x1680x128xf32, #tpu.memory_space<vmem>>, vector<1x1680x1xf32>
    %get3A_8 = vector.shape_cast %get3A_7 : vector<1x1680x1xf32> to vector<1680x1xf32>
    %add3A = arith.addf %get3A_3, %get3A_8 : vector<1680x1xf32>
    %mul3A = arith.constant 1.050000e+00 : f32
    %mul3A_9 = vector.broadcast %mul3A : f32 to vector<1680x1xf32>
    %mul3A_10 = arith.mulf %add3A, %mul3A_9 : vector<1680x1xf32>
    %gt3A = arith.constant 0.000000e+00 : f32
    %gt3A_11 = vector.broadcast %gt3A : f32 to vector<1680x1xf32>
    %gt3A_12 = arith.cmpf ogt, %mul3A_10, %gt3A_11 : vector<1680x1xf32>
    %rsqrt3A = math.rsqrt %mul3A_10 : vector<1680x1xf32>
    %jit3A = arith.constant 0.000000e+00 : f32
    %broadcast_in_dim3A = vector.broadcast %jit3A : f32 to vector<1680x1xf32>
    %select_n3A = arith.select %gt3A_12, %rsqrt3A, %broadcast_in_dim3A : vector<1680x1xi1>, vector<1680x1xf32>
    %mul3A_13 = arith.constant 5.000000e-02 : f32
    %mul3A_14 = vector.broadcast %mul3A_13 : f32 to vector<1680x1xf32>
    %mul3A_15 = arith.mulf %add3A, %mul3A_14 : vector<1680x1xf32>
    %div3A = arith.divf %mul3A_15, %mul3A_10 : vector<1680x1xf32>
    %jit3A_16 = arith.constant 0.000000e+00 : f32
    %broadcast_in_dim3A_17 = vector.broadcast %jit3A_16 : f32 to vector<1680x1xf32>
    %select_n3A_18 = arith.select %gt3A_12, %div3A, %broadcast_in_dim3A_17 : vector<1680x1xi1>, vector<1680x1xf32>
    %get3A_19 = arith.constant 0 : index
    %get3A_20 = arith.constant 0 : index
    %get3A_21 = vector.load %arg2[%get3A_19, %get3A_20] : memref<1680x128xf32, #tpu.memory_space<vmem>>, vector<1680x128xf32>
    %get3A_22 = arith.constant 0 : index
    %get3A_23 = arith.constant 0 : index
    %get3A_24 = vector.load %arg4[%get3A_22, %get3A_23] : memref<128x128xf32, #tpu.memory_space<vmem>>, vector<128x128xf32>
    %dot_general3A = arith.constant dense<0.000000e+00> : vector<1680x128xf32>
    %dot_general3A_25 = tpu.matmul %get3A_21, %get3A_24, %dot_general3A {dimension_numbers = #tpu.dot_dimension_numbers<[1], [0], [0], [1], [0, 0, 1, 1], [], []>, transpose_lhs_hint = false} : vector<1680x128xf32>, vector<128x128xf32>, vector<1680x128xf32> -> vector<1680x128xf32>
    %get3A_26 = arith.constant 0 : index
    %get3A_27 = arith.constant 0 : index
    %get3A_28 = vector.load %arg3[%get3A_26, %get3A_27] : memref<1680x16xf32, #tpu.memory_space<vmem>>, vector<1680x16xf32>
    %get3A_29 = arith.constant 0 : index
    %get3A_30 = arith.constant 0 : index
    %get3A_31 = vector.load %arg5[%get3A_29, %get3A_30] : memref<16x128xf32, #tpu.memory_space<vmem>>, vector<16x128xf32>
    %dot_general3A_32 = arith.constant dense<0.000000e+00> : vector<1680x128xf32>
    %dot_general3A_33 = tpu.matmul %get3A_28, %get3A_31, %dot_general3A_32 {dimension_numbers = #tpu.dot_dimension_numbers<[1], [0], [0], [1], [0, 0, 1, 1], [], []>, transpose_lhs_hint = false} : vector<1680x16xf32>, vector<16x128xf32>, vector<1680x128xf32> -> vector<1680x128xf32>
    %add3A_34 = arith.addf %dot_general3A_25, %dot_general3A_33 : vector<1680x128xf32>
    %swap3A = arith.constant 0 : index
    %swap3A_35 = arith.constant 0 : index
    %swap3A_36 = vector.load %arg6[%swap3A, %swap3A_35] : memref<1680x128xf32, #tpu.memory_space<vmem>>, vector<1680x128xf32>
    tpu.vector_store %arg6[%swap3A, %swap3A_35], %add3A_34 {strides = array<i32>} : memref<1680x128xf32, #tpu.memory_space<vmem>>, vector<1680x128xf32>,
    %mul3A_37 = vector.broadcast %select_n3A : vector<1680x1xf32> to vector<1680x128xf32>
    %mul3A_38 = arith.mulf %add3A_34, %mul3A_37 : vector<1680x128xf32>
    %swap3A_39 = arith.constant 0 : index
    %swap3A_40 = arith.constant 0 : index
    %swap3A_41 = vector.load %arg7[%swap3A_39, %swap3A_40] : memref<1680x128xf32, #tpu.memory_space<vmem>>, vector<1680x128xf32>
    tpu.vector_store %arg7[%swap3A_39, %swap3A_40], %mul3A_38 {strides = array<i32>} : memref<1680x128xf32, #tpu.memory_space<vmem>>, vector<1680x128xf32>,
    %swap3A_42 = arith.constant 0 : index
    %swap3A_43 = arith.constant 0 : index
    %swap3A_44 = vector.load %arg8[%swap3A_42, %swap3A_43] : memref<1680x1xf32, #tpu.memory_space<vmem>>, vector<1680x1xf32>
    tpu.vector_store %arg8[%swap3A_42, %swap3A_43], %select_n3A {strides = array<i32>} : memref<1680x1xf32, #tpu.memory_space<vmem>>, vector<1680x1xf32>,
    %swap3A_45 = arith.constant 0 : index
    %swap3A_46 = arith.constant 0 : index
    %swap3A_47 = vector.load %arg9[%swap3A_45, %swap3A_46] : memref<1680x1xf32, #tpu.memory_space<vmem>>, vector<1680x1xf32>
    tpu.vector_store %arg9[%swap3A_45, %swap3A_46], %select_n3A_18 {strides = array<i32>} : memref<1680x1xf32, #tpu.memory_space<vmem>>, vector<1680x1xf32>,
    return
  }
  func.func @transform_0(%arg0: i32) -> (i32, i32, i32) {
    %c0_i32 = arith.constant 0 : i32
    %c0_i32_0 = arith.constant 0 : i32
    %c0_i32_1 = arith.constant 0 : i32
    return %c0_i32, %arg0, %c0_i32_0 : i32, i32, i32
  }
  func.func @transform_1(%arg0: i32) -> (i32, i32) {
    %c0_i32 = arith.constant 0 : i32
    %c0_i32_0 = arith.constant 0 : i32
    return %arg0, %c0_i32 : i32, i32
  }
  func.func @transform_2(%arg0: i32) -> (i32, i32) {
    %c0_i32 = arith.constant 0 : i32
    %c0_i32_0 = arith.constant 0 : i32
    return %arg0, %c0_i32 : i32, i32
  }
  func.func @transform_3(%arg0: i32) -> (i32, i32) {
    %c0_i32 = arith.constant 0 : i32
    %c0_i32_0 = arith.constant 0 : i32
    %c0_i32_1 = arith.constant 0 : i32
    return %c0_i32, %c0_i32_0 : i32, i32
  }
  func.func @transform_4(%arg0: i32) -> (i32, i32) {
    %c0_i32 = arith.constant 0 : i32
    %c0_i32_0 = arith.constant 0 : i32
    %c0_i32_1 = arith.constant 0 : i32
    return %c0_i32, %c0_i32_0 : i32, i32
  }
  func.func @transform_5(%arg0: i32) -> (i32, i32) {
    %c0_i32 = arith.constant 0 : i32
    %c0_i32_0 = arith.constant 0 : i32
    return %arg0, %c0_i32 : i32, i32
  }
  func.func @transform_6(%arg0: i32) -> (i32, i32) {
    %c0_i32 = arith.constant 0 : i32
    %c0_i32_0 = arith.constant 0 : i32
    return %arg0, %c0_i32 : i32, i32
  }
  func.func @transform_7(%arg0: i32) -> (i32, i32) {
    %c0_i32 = arith.constant 0 : i32
    %c0_i32_0 = arith.constant 0 : i32
    return %arg0, %c0_i32 : i32, i32
  }
  func.func @transform_8(%arg0: i32) -> (i32, i32) {
    %c0_i32 = arith.constant 0 : i32
    %c0_i32_0 = arith.constant 0 : i32
    return %arg0, %c0_i32 : i32, i32
  }
}

module attributes {stable_mosaic.version = 14 : i64} {
  func.func @_mid_body(%arg0: i32, %arg1: memref<2x1680x128xf32, #tpu.memory_space<vmem>>, %arg2: memref<1680x128xf32, #tpu.memory_space<vmem>>, %arg3: memref<1680x1xf32, #tpu.memory_space<vmem>>, %arg4: memref<1680x1xf32, #tpu.memory_space<vmem>>, %arg5: memref<1680x16xf32, #tpu.memory_space<vmem>>, %arg6: memref<128x128xf32, #tpu.memory_space<vmem>>, %arg7: memref<16x128xf32, #tpu.memory_space<vmem>>, %arg8: memref<1680x128xf32, #tpu.memory_space<vmem>>, %arg9: memref<1680x128xf32, #tpu.memory_space<vmem>>) attributes {dimension_semantics = [#tpu.dimension_semantics<arbitrary>], iteration_bounds = array<i64: 6>, scalar_prefetch = 0 : i64, scratch_operands = 0 : i64, tpu.core_type = #tpu.core_type<tc>, window_params = [{transform_indices = @transform_0, window_bounds = array<i64: 2, 1680, 128>}, {transform_indices = @transform_1, window_bounds = array<i64: 1680, 128>}, {transform_indices = @transform_2, window_bounds = array<i64: 1680, 1>}, {transform_indices = @transform_3, window_bounds = array<i64: 1680, 1>}, {transform_indices = @transform_4, window_bounds = array<i64: 1680, 16>}, {pipeline_mode = #tpu.pipeline_mode<synchronous>, transform_indices = @transform_5, window_bounds = array<i64: 128, 128>}, {pipeline_mode = #tpu.pipeline_mode<synchronous>, transform_indices = @transform_6, window_bounds = array<i64: 16, 128>}, {transform_indices = @transform_7, window_bounds = array<i64: 1680, 128>}, {transform_indices = @transform_8, window_bounds = array<i64: 1680, 128>}]} {
    %get3A = arith.constant 0 : index
    %get3A_0 = arith.constant 0 : index
    %get3A_1 = vector.load %arg3[%get3A, %get3A_0] : memref<1680x1xf32, #tpu.memory_space<vmem>>, vector<1680x1xf32>
    %get3A_2 = arith.constant 0 : index
    %get3A_3 = arith.constant 0 : index
    %get3A_4 = arith.constant 0 : index
    %get3A_5 = vector.load %arg1[%get3A_2, %get3A_3, %get3A_4] : memref<2x1680x128xf32, #tpu.memory_space<vmem>>, vector<1x1680x128xf32>
    %get3A_6 = vector.shape_cast %get3A_5 : vector<1x1680x128xf32> to vector<1680x128xf32>
    %get3A_7 = arith.constant 1 : index
    %get3A_8 = arith.constant 0 : index
    %get3A_9 = arith.constant 0 : index
    %get3A_10 = vector.load %arg1[%get3A_7, %get3A_8, %get3A_9] : memref<2x1680x128xf32, #tpu.memory_space<vmem>>, vector<1x1680x128xf32>
    %get3A_11 = vector.shape_cast %get3A_10 : vector<1x1680x128xf32> to vector<1680x128xf32>
    %add3A = arith.addf %get3A_6, %get3A_11 : vector<1680x128xf32>
    %mul3A = vector.broadcast %get3A_1 : vector<1680x1xf32> to vector<1680x128xf32>
    %mul3A_12 = arith.mulf %mul3A, %add3A : vector<1680x128xf32>
    %get3A_13 = arith.constant 0 : index
    %get3A_14 = arith.constant 0 : index
    %get3A_15 = vector.load %arg4[%get3A_13, %get3A_14] : memref<1680x1xf32, #tpu.memory_space<vmem>>, vector<1680x1xf32>
    %get3A_16 = arith.constant 0 : index
    %get3A_17 = arith.constant 0 : index
    %get3A_18 = vector.load %arg2[%get3A_16, %get3A_17] : memref<1680x128xf32, #tpu.memory_space<vmem>>, vector<1680x128xf32>
    %mul3A_19 = vector.broadcast %get3A_15 : vector<1680x1xf32> to vector<1680x128xf32>
    %mul3A_20 = arith.mulf %mul3A_19, %get3A_18 : vector<1680x128xf32>
    %add3A_21 = arith.addf %mul3A_12, %mul3A_20 : vector<1680x128xf32>
    %tanh3A = math.tanh %add3A_21 : vector<1680x128xf32>
    %get3A_22 = arith.constant 0 : index
    %get3A_23 = arith.constant 0 : index
    %get3A_24 = vector.load %arg6[%get3A_22, %get3A_23] : memref<128x128xf32, #tpu.memory_space<vmem>>, vector<128x128xf32>
    %dot_general3A = arith.constant dense<0.000000e+00> : vector<1680x128xf32>
    %dot_general3A_25 = tpu.matmul %tanh3A, %get3A_24, %dot_general3A {dimension_numbers = #tpu.dot_dimension_numbers<[1], [0], [0], [1], [0, 0, 1, 1], [], []>, transpose_lhs_hint = false} : vector<1680x128xf32>, vector<128x128xf32>, vector<1680x128xf32> -> vector<1680x128xf32>
    %get3A_26 = arith.constant 0 : index
    %get3A_27 = arith.constant 0 : index
    %get3A_28 = vector.load %arg5[%get3A_26, %get3A_27] : memref<1680x16xf32, #tpu.memory_space<vmem>>, vector<1680x16xf32>
    %get3A_29 = arith.constant 0 : index
    %get3A_30 = arith.constant 0 : index
    %get3A_31 = vector.load %arg7[%get3A_29, %get3A_30] : memref<16x128xf32, #tpu.memory_space<vmem>>, vector<16x128xf32>
    %dot_general3A_32 = arith.constant dense<0.000000e+00> : vector<1680x128xf32>
    %dot_general3A_33 = tpu.matmul %get3A_28, %get3A_31, %dot_general3A_32 {dimension_numbers = #tpu.dot_dimension_numbers<[1], [0], [0], [1], [0, 0, 1, 1], [], []>, transpose_lhs_hint = false} : vector<1680x16xf32>, vector<16x128xf32>, vector<1680x128xf32> -> vector<1680x128xf32>
    %add3A_34 = arith.addf %dot_general3A_25, %dot_general3A_33 : vector<1680x128xf32>
    %swap3A = arith.constant 0 : index
    %swap3A_35 = arith.constant 0 : index
    %swap3A_36 = vector.load %arg8[%swap3A, %swap3A_35] : memref<1680x128xf32, #tpu.memory_space<vmem>>, vector<1680x128xf32>
    tpu.vector_store %arg8[%swap3A, %swap3A_35], %add3A_34 {strides = array<i32>} : memref<1680x128xf32, #tpu.memory_space<vmem>>, vector<1680x128xf32>,
    %get3A_37 = arith.constant 0 : index
    %get3A_38 = arith.constant 0 : index
    %get3A_39 = vector.load %arg3[%get3A_37, %get3A_38] : memref<1680x1xf32, #tpu.memory_space<vmem>>, vector<1680x1xf32>
    %mul3A_40 = vector.broadcast %get3A_39 : vector<1680x1xf32> to vector<1680x128xf32>
    %mul3A_41 = arith.mulf %add3A_34, %mul3A_40 : vector<1680x128xf32>
    %swap3A_42 = arith.constant 0 : index
    %swap3A_43 = arith.constant 0 : index
    %swap3A_44 = vector.load %arg9[%swap3A_42, %swap3A_43] : memref<1680x128xf32, #tpu.memory_space<vmem>>, vector<1680x128xf32>
    tpu.vector_store %arg9[%swap3A_42, %swap3A_43], %mul3A_41 {strides = array<i32>} : memref<1680x128xf32, #tpu.memory_space<vmem>>, vector<1680x128xf32>,
    return
  }
  func.func @transform_0(%arg0: i32) -> (i32, i32, i32) {
    %c0_i32 = arith.constant 0 : i32
    %c0_i32_0 = arith.constant 0 : i32
    %c0_i32_1 = arith.constant 0 : i32
    return %c0_i32, %arg0, %c0_i32_0 : i32, i32, i32
  }
  func.func @transform_1(%arg0: i32) -> (i32, i32) {
    %c0_i32 = arith.constant 0 : i32
    %c0_i32_0 = arith.constant 0 : i32
    return %arg0, %c0_i32 : i32, i32
  }
  func.func @transform_2(%arg0: i32) -> (i32, i32) {
    %c0_i32 = arith.constant 0 : i32
    %c0_i32_0 = arith.constant 0 : i32
    return %arg0, %c0_i32 : i32, i32
  }
  func.func @transform_3(%arg0: i32) -> (i32, i32) {
    %c0_i32 = arith.constant 0 : i32
    %c0_i32_0 = arith.constant 0 : i32
    return %arg0, %c0_i32 : i32, i32
  }
  func.func @transform_4(%arg0: i32) -> (i32, i32) {
    %c0_i32 = arith.constant 0 : i32
    %c0_i32_0 = arith.constant 0 : i32
    return %arg0, %c0_i32 : i32, i32
  }
  func.func @transform_5(%arg0: i32) -> (i32, i32) {
    %c0_i32 = arith.constant 0 : i32
    %c0_i32_0 = arith.constant 0 : i32
    %c0_i32_1 = arith.constant 0 : i32
    return %c0_i32, %c0_i32_0 : i32, i32
  }
  func.func @transform_6(%arg0: i32) -> (i32, i32) {
    %c0_i32 = arith.constant 0 : i32
    %c0_i32_0 = arith.constant 0 : i32
    %c0_i32_1 = arith.constant 0 : i32
    return %c0_i32, %c0_i32_0 : i32, i32
  }
  func.func @transform_7(%arg0: i32) -> (i32, i32) {
    %c0_i32 = arith.constant 0 : i32
    %c0_i32_0 = arith.constant 0 : i32
    return %arg0, %c0_i32 : i32, i32
  }
  func.func @transform_8(%arg0: i32) -> (i32, i32) {
    %c0_i32 = arith.constant 0 : i32
    %c0_i32_0 = arith.constant 0 : i32
    return %arg0, %c0_i32 : i32, i32
  }
}

module attributes {stable_mosaic.version = 14 : i64} {
  func.func @_fin_body(%arg0: i32, %arg1: memref<2x1680x128xf32, #tpu.memory_space<vmem>>, %arg2: memref<1680x128xf32, #tpu.memory_space<vmem>>, %arg3: memref<1680x1xf32, #tpu.memory_space<vmem>>, %arg4: memref<1680x1xf32, #tpu.memory_space<vmem>>, %arg5: memref<1680x128xf32, #tpu.memory_space<vmem>>) attributes {dimension_semantics = [#tpu.dimension_semantics<arbitrary>], iteration_bounds = array<i64: 6>, scalar_prefetch = 0 : i64, scratch_operands = 0 : i64, tpu.core_type = #tpu.core_type<tc>, window_params = [{transform_indices = @transform_0, window_bounds = array<i64: 2, 1680, 128>}, {transform_indices = @transform_1, window_bounds = array<i64: 1680, 128>}, {transform_indices = @transform_2, window_bounds = array<i64: 1680, 1>}, {transform_indices = @transform_3, window_bounds = array<i64: 1680, 1>}, {transform_indices = @transform_4, window_bounds = array<i64: 1680, 128>}]} {
    %get3A = arith.constant 0 : index
    %get3A_0 = arith.constant 0 : index
    %get3A_1 = vector.load %arg3[%get3A, %get3A_0] : memref<1680x1xf32, #tpu.memory_space<vmem>>, vector<1680x1xf32>
    %get3A_2 = arith.constant 0 : index
    %get3A_3 = arith.constant 0 : index
    %get3A_4 = arith.constant 0 : index
    %get3A_5 = vector.load %arg1[%get3A_2, %get3A_3, %get3A_4] : memref<2x1680x128xf32, #tpu.memory_space<vmem>>, vector<1x1680x128xf32>
    %get3A_6 = vector.shape_cast %get3A_5 : vector<1x1680x128xf32> to vector<1680x128xf32>
    %get3A_7 = arith.constant 1 : index
    %get3A_8 = arith.constant 0 : index
    %get3A_9 = arith.constant 0 : index
    %get3A_10 = vector.load %arg1[%get3A_7, %get3A_8, %get3A_9] : memref<2x1680x128xf32, #tpu.memory_space<vmem>>, vector<1x1680x128xf32>
    %get3A_11 = vector.shape_cast %get3A_10 : vector<1x1680x128xf32> to vector<1680x128xf32>
    %add3A = arith.addf %get3A_6, %get3A_11 : vector<1680x128xf32>
    %mul3A = vector.broadcast %get3A_1 : vector<1680x1xf32> to vector<1680x128xf32>
    %mul3A_12 = arith.mulf %mul3A, %add3A : vector<1680x128xf32>
    %get3A_13 = arith.constant 0 : index
    %get3A_14 = arith.constant 0 : index
    %get3A_15 = vector.load %arg4[%get3A_13, %get3A_14] : memref<1680x1xf32, #tpu.memory_space<vmem>>, vector<1680x1xf32>
    %get3A_16 = arith.constant 0 : index
    %get3A_17 = arith.constant 0 : index
    %get3A_18 = vector.load %arg2[%get3A_16, %get3A_17] : memref<1680x128xf32, #tpu.memory_space<vmem>>, vector<1680x128xf32>
    %mul3A_19 = vector.broadcast %get3A_15 : vector<1680x1xf32> to vector<1680x128xf32>
    %mul3A_20 = arith.mulf %mul3A_19, %get3A_18 : vector<1680x128xf32>
    %add3A_21 = arith.addf %mul3A_12, %mul3A_20 : vector<1680x128xf32>
    %tanh3A = math.tanh %add3A_21 : vector<1680x128xf32>
    %mul3A_22 = arith.mulf %tanh3A, %tanh3A : vector<1680x128xf32>
    %reduce_sum3A = arith.constant dense<0.000000e+00> : vector<1680xf32>
    %reduce_sum3A_23 = vector.multi_reduction <add>, %mul3A_22, %reduce_sum3A [1] : vector<1680x128xf32> to vector<1680xf32>
    %broadcast_in_dim3A = vector.shape_cast %reduce_sum3A_23 : vector<1680xf32> to vector<1680x1xf32>
    %max3A = arith.constant 9.99999996E-13 : f32
    %max3A_24 = vector.broadcast %max3A : f32 to vector<1680x1xf32>
    %max3A_25 = arith.maximumf %broadcast_in_dim3A, %max3A_24 : vector<1680x1xf32>
    %rsqrt3A = math.rsqrt %max3A_25 : vector<1680x1xf32>
    %mul3A_26 = vector.broadcast %rsqrt3A : vector<1680x1xf32> to vector<1680x128xf32>
    %mul3A_27 = arith.mulf %tanh3A, %mul3A_26 : vector<1680x128xf32>
    %swap3A = arith.constant 0 : index
    %swap3A_28 = arith.constant 0 : index
    %swap3A_29 = vector.load %arg5[%swap3A, %swap3A_28] : memref<1680x128xf32, #tpu.memory_space<vmem>>, vector<1680x128xf32>
    tpu.vector_store %arg5[%swap3A, %swap3A_28], %mul3A_27 {strides = array<i32>} : memref<1680x128xf32, #tpu.memory_space<vmem>>, vector<1680x128xf32>,
    return
  }
  func.func @transform_0(%arg0: i32) -> (i32, i32, i32) {
    %c0_i32 = arith.constant 0 : i32
    %c0_i32_0 = arith.constant 0 : i32
    %c0_i32_1 = arith.constant 0 : i32
    return %c0_i32, %arg0, %c0_i32_0 : i32, i32, i32
  }
  func.func @transform_1(%arg0: i32) -> (i32, i32) {
    %c0_i32 = arith.constant 0 : i32
    %c0_i32_0 = arith.constant 0 : i32
    return %arg0, %c0_i32 : i32, i32
  }
  func.func @transform_2(%arg0: i32) -> (i32, i32) {
    %c0_i32 = arith.constant 0 : i32
    %c0_i32_0 = arith.constant 0 : i32
    return %arg0, %c0_i32 : i32, i32
  }
  func.func @transform_3(%arg0: i32) -> (i32, i32) {
    %c0_i32 = arith.constant 0 : i32
    %c0_i32_0 = arith.constant 0 : i32
    return %arg0, %c0_i32 : i32, i32
  }
  func.func @transform_4(%arg0: i32) -> (i32, i32) {
    %c0_i32 = arith.constant 0 : i32
    %c0_i32_0 = arith.constant 0 : i32
    return %arg0, %c0_i32 : i32, i32
  }
}

</mosaic_0001>

<sc_bundles>
// kernel: kernel.11.cloned.1.call-start
scs
__scs_entry_jumppad:
0x0: {  	(pc) =	sbr.rel $0x88, $3  }
0x1: {  	(tag) =	ssettag $0x0;
	lr =	simm.s32 $0x1  }
0x2: {  	[smem:$0x3F9C] =	sst lr;
	_ =	strace $0xD0000000  }
0x3: {  	_ = 	snop  }
0x4: {  	_ = 	snop  }
0x5: {  	_ = 	snop  }
0x6: {  	_ = 	snop  }
0x7: {  	_ = 	snop  }
__scs_overlays_trampoline_lowered:
0x8: {  	[smem:$0x3FAB] =	sst s0  }
0x9: {  	[smem:$0x3FAC] =	sst s1  }
0xa: {  	[smem:$0x3FAD] =	sst s2  }
0xb: {  	[smem:$0x3FAE] =	sst s3  }
0xc: {  	[smem:$0x3FAF] =	sst s4  }
0xd: {  	[smem:$0x3FB0] =	sst s5  }
0xe: {  	[smem:$0x3FB1] =	sst s6  }
0xf: {  	[smem:$0x3FB2] =	sst s7  }
0x10: {  	[smem:$0x3FB3] =	sst s8  }
0x11: {  	[smem:$0x3FB4] =	sst s9;
	s0 =	simm.s32 @!p0 $0x0  }
0x12: {  	s1 =	sld [smem:$0x3F9A];
	s0 =	simm.s32 @p0 $0x1  }
0x13: {  	[smem:$0x3FB5] =	sst s0;
	s0 =	simm.s32 @!p1 $0x0  }
0x14: {  	s2 =	sld [smem:$0x3F99];
	s0 =	simm.s32 @p1 $0x1  }
0x15: {  	[smem:$0x3FB6] =	sst s0;
	s0 =	simm.s32 @!p2 $0x0  }
0x16: {  	s3 =	sld [smem:$0x3FDB];
	s0 =	simm.s32 @p2 $0x1  }
0x17: {  	s4 =	simm.s32 $0x1BF5;
	[smem:$0x3FB8] =	sst s0  }
0x18: {  	s0 =	sld [smem:$0x3F9B];
	_ =	swait.ge [sflag:s4], $0x0  }
0x19: {  	s7 =	sld [smem:$0x3F9C]  }
0x1a: {  	s8 =	sadd.s32 $0xFFFFE003, lr  }
0x1b: {  	s9 =	sadd.s32 $0xFFFFFEF7, lr;
	s5 =	simm.s32 $0xFFFFFFFF;
	p2 =	slt.u32 s8, $0xFFFFF086  }
0x1c: {  	p1 =	slt.u32 s9, $0xF7A;
	s5 =	simm.s32 @!p2 $0x0  }
0x1d: {  	s5 =	simm.s32 @p1 $0x1;
	p0 =	seq.s32 s7, s2  }
0x1e: {  	s7 =	smul.u32 @!p0 $0xF7A, s2;
	p2 =	seq.s32 @!p0 s5, $0x0  }
0x1f: {  	s9 =	smul.u32 $0xF7A, s1;
	s8 =	simm.s32 @!p0 $0x1BF5;
	p2 =	por !p2, p0  }
0x20: {  	[sflag:s8] =	ssyncset.s32 @!p0 $0xFFFFF086;
	s6 =	sadd.s32 @!p0 s3, s7;
	s7 =	simm.s32 @!p0 $0x108  }
0x21: {  	s3 =	sadd.s32 s3, s9;
	s6 =	sadd.s32 @!p0 $0x88, s6;
	s7 =	simm.s32 @p2 $0x1082  }
0x22: {  	[simem:s7], [sflag:s8] =	dma.local @!p0 [hbm:s6], $0xF7A  }
0x23: {  	s9 =	sor.u32 $0xD0000000, s2;
	s6 =	simm.s32 $0x108;
	_ =	swait.ge @!p0 [sflag:s8], $0x0  }
0x24: {  	s3 =	sadd.s32 $0x88, s3;
	s6 =	simm.s32 @!p1 $0x1082;
	[sflag:s4] =	ssyncset.s32 $0xFFFFF086  }
0x25: {  	[simem:s6], [sflag:s4] =	dma.local [hbm:s3], $0xF7A  }
0x26: {  	[smem:$0x3F9C] =	sst s1;
	(tag) =	ssettag s2;
	_ =	strace s9  }
0x27: {  	s1 =	sld [smem:$0x3FAC]  }
0x28: {  	s2 =	sld [smem:$0x3FAD]  }
0x29: {  	s4 =	sld [smem:$0x3FAF]  }
0x2a: {  	p0 =	seq.s32 s5, $0x0;
	s5 =	sld [smem:$0x3FB0]  }
0x2b: {  	s6 =	sld [smem:$0x3FB1]  }
0x2c: {  	s7 =	sld [smem:$0x3FB2]  }
0x2d: {  	s3 =	simm.s32 $0x108;
	s8 =	sld [smem:$0x3FB3]  }
0x2e: {  	s3 =	simm.s32 @!p0 $0x1082;
	s9 =	sld [smem:$0x3FB4]  }
0x2f: {  	lr =	sadd.s32 s0, s3;
	s0 =	sld [smem:$0x3FAB]  }
0x30: {  	s3 =	sld [smem:$0x3FAE]  }
0x31: {  	[smem:$0x3FB7] =	sst s10  }
0x32: {  	s10 =	sld [smem:$0x3FB5];
	_ =	sdelay $0x3  }
0x33: {  	p0 =	seq.s32 s10, $0x1;
	s10 =	sld [smem:$0x3FB7];
	_ =	sdelay $0x3  }
0x34: {  	[smem:$0x3FB7] =	sst s10  }
0x35: {  	s10 =	sld [smem:$0x3FB6];
	_ =	sdelay $0x3  }
0x36: {  	p1 =	seq.s32 s10, $0x1;
	s10 =	sld [smem:$0x3FB7];
	_ =	sdelay $0x3  }
0x37: {  	[smem:$0x3FB7] =	sst s10  }
0x38: {  	s10 =	sld [smem:$0x3FB8]  }
0x39: {  	_ = 	snop;
	(pc) =	sbr.ind lr, $3  }
0x3a: {  	_ = 	snop  }
0x3b: {  	_ = 	snop  }
0x3c: {  	p2 =	seq.s32 s10, $0x1;
	s10 =	sld [smem:$0x3FB7]  }
0x3d: {  	_ =	shalt  }
0x3e: {  	_ =	shalt  }
0x3f: {  	_ =	shalt  }
0x40: {  	_ =	shalt  }
0x41: {  	_ =	shalt  }
0x42: {  	_ =	shalt  }
0x43: {  	_ =	shalt  }
0x44: {  	_ =	shalt  }
0x45: {  	_ =	shalt  }
0x46: {  	_ =	shalt  }
0x47: {  	_ =	shalt  }
0x48: {  	_ =	shalt  }
0x49: {  	_ =	shalt  }
0x4a: {  	_ =	shalt  }
0x4b: {  	_ =	shalt  }
0x4c: {  	_ =	shalt  }
0x4d: {  	_ =	shalt  }
0x4e: {  	_ =	shalt  }
0x4f: {  	_ =	shalt  }
0x50: {  	_ =	shalt  }
0x51: {  	_ =	shalt  }
0x52: {  	_ =	shalt  }
0x53: {  	_ =	shalt  }
0x54: {  	_ =	shalt  }
0x55: {  	_ =	shalt  }
0x56: {  	_ =	shalt  }
0x57: {  	_ =	shalt  }
0x58: {  	_ =	shalt  }
0x59: {  	_ =	shalt  }
0x5a: {  	_ =	shalt  }
0x5b: {  	_ =	shalt  }
0x5c: {  	_ =	shalt  }
0x5d: {  	_ =	shalt  }
0x5e: {  	_ =	shalt  }
0x5f: {  	_ =	shalt  }
0x60: {  	_ =	shalt  }
0x61: {  	_ =	shalt  }
0x62: {  	_ =	shalt  }
0x63: {  	_ =	shalt  }
0x64: {  	_ =	shalt  }
0x65: {  	_ =	shalt  }
0x66: {  	_ =	shalt  }
0x67: {  	_ =	shalt  }
0x68: {  	_ =	shalt  }
0x69: {  	_ =	shalt  }
0x6a: {  	_ =	shalt  }
0x6b: {  	_ =	shalt  }
0x6c: {  	_ =	shalt  }
0x6d: {  	_ =	shalt  }
0x6e: {  	_ =	shalt  }
0x6f: {  	_ =	shalt  }
0x70: {  	_ =	shalt  }
0x71: {  	_ =	shalt  }
0x72: {  	_ =	shalt  }
0x73: {  	_ =	shalt  }
0x74: {  	_ =	shalt  }
0x75: {  	_ =	shalt  }
0x76: {  	_ =	shalt  }
0x77: {  	_ =	shalt  }
0x78: {  	_ =	shalt  }
0x79: {  	_ =	shalt  }
0x7a: {  	_ =	shalt  }
0x7b: {  	_ =	shalt  }
0x7c: {  	_ =	shalt  }
0x7d: {  	_ =	shalt  }
0x7e: {  	_ =	shalt  }
0x7f: {  	_ =	shalt  }
0x80: {  	_ =	shalt  }
0x81: {  	_ =	shalt  }
0x82: {  	_ =	shalt  }
0x83: {  	_ =	shalt  }
0x84: {  	_ =	shalt  }
0x85: {  	_ =	shalt  }
0x86: {  	_ =	shalt  }
0x87: {  	_ =	shalt  }
.Lfunc_end0:
.L_simem_size_0:
called_computation.1_lowered:
.L_overlay_start_0:
0x88: {  	s2 =	sld [smem:$0x3FD9]  }
0x89: {  	s3 =	sld [smem:$0x3FFE];
	_ =	sdelay $0x1  }
0x8a: {  	s1 =	srdreg.scid  }
0x8b: {  	s0 =	sand.u32 $0x1, s1  }
0x8c: {  	s17 =	sshll.u32 s0, $0xA;
	s2 =	sadd.s32 s3, s2  }
0x8d: {  	s2 =	sadd.s32 s2, s17  }
0x8e: {  	[smem:$0x3FC3] =	sst s2  }
0x8f: {  	_ = 	snop  }
0x90: {  	s2 =	sld [smem:$0x3FD0];
	(tm) =	ssettm $0x1  }
0x91: {  	s18 =	sld [smem:$0x3FFB];
	_ =	sdelay $0x3  }
0x92: {  	_ =	strace s18  }
0x93: {  	s3 =	sld [smem:$0x3FFC];
	_ =	sdelay $0x3  }
0x94: {  	_ =	strace s3  }
0x95: {  	s3 =	sld [smem:$0x3FFD];
	_ =	sdelay $0x3  }
0x96: {  	_ =	strace s3  }
0x97: {  	_ =	strace $0x8FFFFFFF  }
0x98: {  	s19 =	sld [smem:$0x3FDB];
	_ =	sdelay $0x1  }
0x99: {  	s4 =	simm.s32 $_scs_section_size  }
0x9a: {  	s5 =	simm.s32 $_size__tile_overlayer_lowered;
	s6 =	simm.s32 $_tile_overlayer_lowered  }
0x9b: {  	s22 =	simm.s32 $0x1BFF;
	s21 =	sshll.u32 s6, $0x1;
	s3 =	sadd.s32 s4, s19  }
0x9c: {  	s7 =	simm.s32 $0x0;
	s20 =	sshll.u32 s5, $0x1;
	s5 =	sadd.s32 s21, s3  }
0x9d: {  	[timem:s7], [sflag:s22] =	dma.local [hbm:s5], s20  }
0x9e: {  	_ =	swait.ge [sflag:s22], s20  }
0x9f: {  	s4 =	ssub.s32 $0x0, s20;
	[sflag:s22] =	ssyncset.done $0x0  }
0xa0: {  	[sflag:s22] =	ssyncadd.s32 s4;
	_ =	sdelay $0x1  }
0xa1: {  	s23 =	simm.s32 $0x1B8B  }
0xa2: {  	_ =	swait.ge [sflag:s23], $0x1  }
0xa3: {  	[sflag:s23] =	ssyncset.done $0x0  }
0xa4: {  	s25 =	simm.s32 $0x1B8E;
	s24 =	sld [smem:$0x3FFE];
	[sflag:s23] =	ssyncadd.s32 $0xFFFFFFFF  }
0xa5: {  	s26 =	simm.s32 $execute0_lowered;
	[smem:$0x3FD2] =	sst s25  }
0xa6: {  	s5 =	sshll.u32 s26, $0x1;
	_ =	strace $0x80000049;
	[dreg:$0x1] =	wrdreg $0xFFFFFFFF  }
0xa7: {  	s28 =	simm.s32 $_size_execute0_lowered;
	s3 =	sadd.s32 s3, s5;
	[dreg:$0x0] =	wrdreg $0x0  }
0xa8: {  	s5 =	sshll.u32 s28, $0x1;
	[dreg:$0x2] =	wrdreg s3  }
0xa9: {  	[dreg:$0x3] =	wrdreg s5  }
0xaa: {  	[dreg:$0x4] =	wrdreg $0xC0  }
0xab: {  	_ =	task [dreg:s7], $0x5FFFF  }
0xac: {  	[dreg:$0x1] =	wrdreg $0xFFFFFFFF  }
0xad: {  	[dreg:$0x0] =	wrdreg $0x60  }
0xae: {  	[dreg:$0x2] =	wrdreg s24  }
0xaf: {  	[dreg:$0x3] =	wrdreg s2  }
0xb0: {  	[dreg:$0x4] =	wrdreg $0x0  }
0xb1: {  	[dreg:$0x5] =	wrdreg $0x9  }
0xb2: {  	_ =	task.clear_ibuf [dreg:s7], $0x6FFFF;
	_ =	strace $0x90000049  }
0xb3: {  	s29 =	simm.s32 $0x9;
	_ =	strace $0x8000004B  }
0xb4: {  	_ =	swait.ge [sflag:s29], $0x1  }
0xb5: {  	[sflag:s29] =	ssyncadd.s32 $0xFFFFFFFF  }
0xb6: {  	_ =	strace $0x9000004B  }
0xb7: {  	_ =	sfence  }
0xb8: {  	s30 =	sld [smem:$0x0];
	_ =	sdelay $0x2  }
0xb9: {  	s31 =	sshll.u32 s1, $0xD;
	s1 =	sshrl.u32 s1, $0x2  }
0xba: {  	s3 =	sand.u32 $0x4000, s31;
	s1 =	sadd.s32 s1, s30  }
0xbb: {  	s0 =	sor.u32 s3, s0;
	s1 =	sshll.u32 s1, $0x11  }
0xbc: {  	s0 =	sor.u32 s1, s0  }
0xbd: {  	s0 =	sadd.s32 $0x8F2B, s0  }
0xbe: {  	[sflag:s0] =	ssyncadd.remote.s32 $0x1  }
0xbf: {  	_ =	sfence.sel $0xFFFF  }
0xc0: {  	[dreg:$0x0] =	wrdreg $0xFFFFFFFF;
	(pc) =	sbr.abs _section_cstart, $3  }
0xc1: {  	[dreg:$0x1] =	wrdreg $0xFFFFFFFF  }
0xc2: {  	_ =	task.clear_ibuf [dreg:s7], $0x2FFFF;
	_ =	strace $0x9FFFFFFF  }
0xc3: {  	(tm) =	ssettm $0x7FFFFFFF  }
tec
execute0_lowered:
.L_overlay_start_1:
0x0: {  	(tag) =	ssettag $0x1  }
0x1: {  	s3 =	rddreg [dreg:$0x0]  }
0x2: {  	s0 =	rddreg [dreg:$0x1]  }
0x3: {  	s1 =	rddreg [dreg:$0x2];
	s4 =	srdreg.scid;
	s2 =	simm.s32 $0x0  }
0x4: {  	s18 =	stileid.u32;
	s28 =	simm.s32 $0x13E00;
	s29 =	simm.s32 $0xA  }
0x5: {  	s30 =	simm.s32 $0x13B00;
	s31 =	simm.s32 $0x70;
	s8 =	smul.u32 $0xE000, s18  }
0x6: {  	s5 =	sand.u32 $0x1, s4;
	s11 =	sor.u32 $0x10, s18;
	s17 =	smul.u32 $0x3800, s18  }
0x7: {  	[smem:$0x7FF] =	sst s2;
	s12 =	sor.u32 $0x20, s18;
	s9 =	smul.u32 $0xE000, s11  }
0x8: {  	s4 =	sadd.s32 $0x2600, s3;
	s13 =	sor.u32 $0x30, s18;
	s10 =	smul.u32 $0xE000, s12  }
0x9: {  	s3 =	sadd.s32 $0x79600, s3;
	s14 =	sor.u32 $0x40, s18;
	s23 =	smul.u32 $0xE000, s13  }
0xa: {  	s16 =	sor.u32 $0x50, s18;
	p0 =	sgt.u32 s18, $0x9;
	s15 =	smul.u32 $0xE000, s14  }
0xb: {  	s6 =	ssub.s32 $0x2, s5;
	_ =	strace $0x8000004A;
	s25 =	smul.u32 $0xE000, s16  }
0xc: {  	s22 =	sshll.u32 s5, $0x4;
	s20 =	smul.u32 $0x3800, s11;
	s7 =	sshrl.u32 s6, $0x1  }
0xd: {  	s8 =	sshrl.u32 s8, $0x2;
	s6 =	ssub.s32 s6, s7;
	s7 =	sor.u32 s18, s22  }
0xe: {  	s8 =	sadd.s32 s8, s1;
	s26 =	sshrl.u32 s15, $0x2;
	s15 =	smul.u32 $0x13B000, s5  }
0xf: {  	s9 =	sshrl.u32 s9, $0x2;
	s24 =	sshrl.u32 s10, $0x2;
	s22 =	smul.u32 $0x3800, s12  }
0x10: {  	s10 =	sshrl.u32 s25, $0x2;
	s5 =	smul.u32 $0x5A000, s5;
	[dreg:$0x4] =	wrdreg s8  }
0x11: {  	s9 =	sadd.s32 s9, s1;
	s8 =	sshrl.u32 s23, $0x2;
	s7 =	smul.u32 $0x5A00, s7  }
0x12: {  	s10 =	sadd.s32 s10, s1;
	[dreg:$0x5] =	wrdreg s9;
	s9 =	sadd.s32 s24, s1  }
0x13: {  	s8 =	sadd.s32 s8, s1;
	[dreg:$0x8] =	wrdreg s10;
	s19 =	sadd.s32 s17, s15  }
0x14: {  	s24 =	sadd.s32 s15, s20;
	s25 =	sadd.s32 s15, s22;
	s17 =	smul.u32 $0x3800, s16  }
0x15: {  	s22 =	smax.u32 s6, $0x1;
	s16 =	simm.s32 $0x3;
	[dreg:$0x6] =	wrdreg s8  }
0x16: {  	s7 =	sshrl.u32 s7, $0x3;
	s8 =	sadd.s32 s26, s1;
	s26 =	smul.u32 $0x3800, s13  }
0x17: {  	s12 =	sshrl.u32 s25, $0x3;
	s13 =	smul.u32 $0x3800, s14;
	[dreg:$0x13] =	wrdreg s22  }
0x18: {  	[dreg:$0x7] =	wrdreg s8;
	s10 =	sadd.s32 s0, s7;
	s11 =	sadd.s32 s15, s17  }
0x19: {  	s17 =	simm.s32 $0x1AE00;
	s7 =	sadd.s32 $0x20, s10;
	s21 =	sadd.s32 $0x40, s10  }
0x1a: {  	s23 =	sadd.s32 $0x60, s10;
	s14 =	sadd.s32 s15, s26;
	[dreg:$0x9] =	wrdreg s10  }
0x1b: {  	s8 =	sadd.s32 s15, s13;
	s25 =	sadd.s32 $0xB00, s10;
	[dreg:$0xa] =	wrdreg s7  }
0x1c: {  	s26 =	sadd.s32 $0xB20, s10;
	s13 =	simm.s32 $0x13D00;
	[dreg:$0xb] =	wrdreg s21  }
0x1d: {  	s15 =	simm.s32 $0x13B80;
	s7 =	sshrl.u32 s19, $0x3;
	[dreg:$0xc] =	wrdreg s23  }
0x1e: {  	s8 =	sshrl.u32 s8, $0x3;
	s19 =	smul.u32 $0x5A00, s18;
	[dreg:$0x14] =	wrdreg s25  }
0x1f: {  	s21 =	sshrl.u32 s11, $0x3;
	[dreg:$0x15] =	wrdreg s26;
	s18 =	simm.s32 $0x7  }
0x20: {  	s25 =	simm.s32 $0x8;
	s26 =	simm.s32 $0x6;
	s7 =	sadd.s32 s3, s7  }
0x21: {  	s11 =	simm.s32 $0x13D80;
	s20 =	sadd.s32 s3, s8;
	[dreg:$0xd] =	wrdreg s7  }
0x22: {  	s7 =	sshrl.u32 s24, $0x3;
	[dreg:$0x11] =	wrdreg s20;
	s23 =	sadd.s32 s19, s5  }
0x23: {  	s19 =	simm.s32 $0x5;
	s20 =	simm.s32 $0x13C80;
	s7 =	sadd.s32 s3, s7  }
0x24: {  	s5 =	sadd.s32 $0x600, s23;
	s24 =	sadd.s32 $0x500, s23;
	[dreg:$0xe] =	wrdreg s7  }
0x25: {  	s7 =	sadd.s32 s3, s12;
	s5 =	sshrl.u32 s5, $0x3;
	s6 =	sshrl.u32 s24, $0x3  }
0x26: {  	s12 =	simm.s32 $0x17600;
	[dreg:$0xf] =	wrdreg s7;
	s7 =	sshrl.u32 s14, $0x3  }
0x27: {  	s22 =	sadd.s32 s5, s0;
	s14 =	simm.s32 $0x4;
	s7 =	sadd.s32 s3, s7  }
0x28: {  	s5 =	simm.s32 $0x9;
	s3 =	sadd.s32 s3, s21;
	[dreg:$0x10] =	wrdreg s7  }
0x29: {  	s21 =	simm.s32 $0x1;
	[dreg:$0x12] =	wrdreg s3;
	s3 =	sadd.s32 $0x400, s23  }
0x2a: {  	s23 =	sadd.s32 s6, s0;
	s6 =	simm.s32 $0x0;
	s3 =	sshrl.u32 s3, $0x3  }
0x2b: {  	v0 =	vimm.f32 $0.0e+00;
	s24 =	sadd.s32 s3, s0;
	s0 =	simm.s32 $0x13C00;
	s3 =	simm.s32 $0x2  }
.LBB2_1:
0x2c: {  	s7 =	simm.s32 $0x0;
	s8 =	simm.s32 $0x200  }
.LBB2_2:
0x2d: {  	p1 =	sne.s32 s8, $0xDE00;
	[tilespmem:s7+$0x13E70] =	vst v0  }
0x2e: {  	[tilespmem:s7+$0x13E00] =	vst v0  }
0x2f: {  	[tilespmem:s7+$0x13E10] =	vst v0  }
.Ltmp0:
0x30: {  	[tilespmem:s7+$0x13E20] =	vst v0;
	(pc) =	sbr.rel @p1 .LBB2_2-.Ltmp0, $4  }
0x31: {  	[tilespmem:s7+$0x13E30] =	vst v0  }
0x32: {  	[tilespmem:s7+$0x13E40] =	vst v0  }
0x33: {  	[tilespmem:s7+$0x13E50] =	vst v0  }
0x34: {  	[tilespmem:s7+$0x13E60] =	vst v0;
	s7 =	sshra.s32 s8, $0x2;
	s8 =	sadd.s32 $0x200, s8  }
0x35: {  	[tilespmem:s7+$0x13E70] =	vst v0  }
0x36: {  	[tilespmem:s7+$0x13E00] =	vst v0  }
0x37: {  	[tilespmem:s7+$0x13E10] =	vst v0  }
0x38: {  	[tilespmem:s7+$0x13E20] =	vst v0  }
0x39: {  	[tilespmem:s7+$0x13E30] =	vst v0  }
0x3a: {  	[tilespmem:s7+$0x13E40] =	vst v0  }
0x3b: {  	[tilespmem:s7+$0x13E50] =	vst v0  }
0x3c: {  	[tilespmem:s7+$0x13E60] =	vst v0;
	s10 =	rddreg [dreg:$0x4]  }
0x3d: {  	[spmem:s10] =	stream.linear.scatter [tilespmem:s28], [sflag:$0xA], $0x3800, $0x38;
	[tilespmem:$0x1E600] =	vst v63  }
0x3e: {  	_ =	swait.ge [sflag:s29], $0x3800  }
0x3f: {  	[sflag:s29] =	ssyncset.done $0x0  }
0x40: {  	s8 =	rddreg [dreg:$0x5];
	[sflag:s29] =	ssyncadd.s32 $0xFFFFC800  }
0x41: {  	[spmem:s8] =	stream.linear.scatter [tilespmem:s28], [sflag:$0xA], $0x3800, $0x38;
	[tilespmem:$0x1E600] =	vst v63  }
0x42: {  	_ =	swait.ge [sflag:s29], $0x3800  }
0x43: {  	[sflag:s29] =	ssyncset.done $0x0  }
0x44: {  	[sflag:s29] =	ssyncadd.s32 $0xFFFFC800  }
0x45: {  	[spmem:s9] =	stream.linear.scatter [tilespmem:s28], [sflag:$0xA], $0x3800, $0x38;
	[tilespmem:$0x1E600] =	vst v63  }
0x46: {  	_ =	swait.ge [sflag:s29], $0x3800  }
0x47: {  	[sflag:s29] =	ssyncset.done $0x0  }
0x48: {  	s10 =	smov.u32 s9;
	s9 =	rddreg [dreg:$0x6];
	[sflag:s29] =	ssyncadd.s32 $0xFFFFC800  }
0x49: {  	[spmem:s9] =	stream.linear.scatter [tilespmem:s28], [sflag:$0xA], $0x3800, $0x38;
	[tilespmem:$0x1E600] =	vst v63  }
0x4a: {  	_ =	swait.ge [sflag:s29], $0x3800  }
0x4b: {  	[sflag:s29] =	ssyncset.done $0x0  }
0x4c: {  	s8 =	rddreg [dreg:$0x7];
	[sflag:s29] =	ssyncadd.s32 $0xFFFFC800  }
0x4d: {  	[spmem:s8] =	stream.linear.scatter [tilespmem:s28], [sflag:$0xA], $0x3800, $0x38;
	[tilespmem:$0x1E600] =	vst v63  }
0x4e: {  	_ =	swait.ge [sflag:s29], $0x3800  }
0x4f: {  	[sflag:s29] =	ssyncset.done $0x0  }
0x50: {  	s7 =	simm.s32 @!p0 $0x13E00;
	s8 =	rddreg [dreg:$0x8];
	[sflag:s29] =	ssyncadd.s32 $0xFFFFC800  }
0x51: {  	[spmem:s8] =	stream.linear.scatter @!p0 [tilespmem:s7], [sflag:$0xA], $0x3800, $0x38;
	[tilespmem:$0x1E600] =	vst v63  }
0x52: {  	s7 =	simm.s32 @!p0 $0xA  }
0x53: {  	_ =	swait.ge @!p0 [sflag:s7], $0x3800  }
0x54: {  	[sflag:s7] =	ssyncset.done @!p0 $0x0  }
0x55: {  	[sflag:s7] =	ssyncadd.s32 @!p0 $0xFFFFC800  }
0x56: {  	[bflag:$0x0] =	sbarrier.arrive $0xFFFF  }
0x57: {  	s7 =	simm.s32 $0x0;
	s9 =	rddreg [dreg:$0x9]  }
0x58: {  	[tilespmem:s30], [sflag:$0xA] =	stream.linear.gather [hbm4b:s9+s7], $0x100, $0x38;
	[tilespmem:$0x1E600] =	vst v63  }
0x59: {  	_ =	swait.ge [sflag:s29], $0x100  }
0x5a: {  	[sflag:s29] =	ssyncset.done $0x0  }
0x5b: {  	[sflag:s29] =	ssyncadd.s32 $0xFFFFFF00  }
0x5c: {  	[tilespmem:s28], [sflag:$0x4] =	stream.indirect.gather [hbm4b:s4+s31], $0x80, s30, s31, $0xb8;
	[tilespmem:$0x1E600] =	vst v63  }
0x5d: {  	s9 =	rddreg [dreg:$0xa]  }
0x5e: {  	[tilespmem:s0], [sflag:$0x2] =	stream.linear.gather [hbm4b:s9+s7], $0x100, $0x38;
	[tilespmem:$0x1E600] =	vst v63  }
0x5f: {  	_ =	swait.ge [sflag:s3], $0x100  }
0x60: {  	[sflag:s3] =	ssyncset.done $0x0  }
0x61: {  	[sflag:s3] =	ssyncadd.s32 $0xFFFFFF00  }
0x62: {  	[tilespmem:s12], [sflag:$0x5] =	stream.indirect.gather [hbm4b:s4+s31], $0x80, s0, s31, $0xb8;
	[tilespmem:$0x1E600] =	vst v63  }
0x63: {  	s9 =	rddreg [dreg:$0xb]  }
0x64: {  	[tilespmem:s13], [sflag:$0x3] =	stream.linear.gather [hbm4b:s9+s7], $0x100, $0x38;
	[tilespmem:$0x1E600] =	vst v63  }
0x65: {  	_ =	swait.ge [sflag:s14], $0x3800  }
0x66: {  	[sflag:s14] =	ssyncset.done $0x0  }
0x67: {  	[sflag:s14] =	ssyncadd.s32 $0xFFFFC800  }
0x68: {  	[spmem:s1] =	stream.indirect.scatter.add.f32 [tilespmem:s28], [sflag:$0x7], $0x80, s15, s31, $0xb8;
	[tilespmem:$0x1E600] =	vst v63  }
0x69: {  	_ =	swait.ge [sflag:s16], $0x100  }
0x6a: {  	[sflag:s16] =	ssyncset.done $0x0  }
0x6b: {  	[sflag:s16] =	ssyncadd.s32 $0xFFFFFF00  }
0x6c: {  	[tilespmem:s17], [sflag:$0x6] =	stream.indirect.gather [hbm4b:s4+s31], $0x80, s13, s31, $0xb8;
	[tilespmem:$0x1E600] =	vst v63  }
0x6d: {  	_ =	swait.ge [sflag:s18], $0x3800  }
0x6e: {  	[sflag:s18] =	ssyncset.done $0x0  }
0x6f: {  	s9 =	rddreg [dreg:$0xc];
	[sflag:s18] =	ssyncadd.s32 $0xFFFFC800  }
0x70: {  	[tilespmem:s30], [sflag:$0x1] =	stream.linear.gather [hbm4b:s9+s7], $0x100, $0x38;
	[tilespmem:$0x1E600] =	vst v63  }
0x71: {  	_ =	swait.ge [sflag:s19], $0x3800  }
0x72: {  	[sflag:s19] =	ssyncset.done $0x0  }
0x73: {  	[sflag:s19] =	ssyncadd.s32 $0xFFFFC800  }
0x74: {  	[spmem:s1] =	stream.indirect.scatter.add.f32 [tilespmem:s12], [sflag:$0x8], $0x80, s20, s31, $0xb8;
	[tilespmem:$0x1E600] =	vst v63  }
0x75: {  	_ =	swait.ge [sflag:s21], $0x100  }
0x76: {  	[sflag:s21] =	ssyncset.done $0x0  }
0x77: {  	[sflag:s21] =	ssyncadd.s32 $0xFFFFFF00  }
0x78: {  	[tilespmem:s28], [sflag:$0x4] =	stream.indirect.gather [hbm4b:s4+s31], $0x80, s30, s31, $0xb8;
	[tilespmem:$0x1E600] =	vst v63  }
0x79: {  	_ =	swait.ge [sflag:s25], $0x3800  }
0x7a: {  	[sflag:s25] =	ssyncset.done $0x0  }
0x7b: {  	s9 =	sadd.s32 $0x0, s24;
	[sflag:s25] =	ssyncadd.s32 $0xFFFFC800  }
0x7c: {  	[tilespmem:s0], [sflag:$0x2] =	stream.linear.gather [hbm4b:s9+s2], $0x100, $0x38;
	[tilespmem:$0x1E600] =	vst v63  }
0x7d: {  	_ =	swait.ge [sflag:s26], $0x3800  }
0x7e: {  	[sflag:s26] =	ssyncset.done $0x0  }
0x7f: {  	[sflag:s26] =	ssyncadd.s32 $0xFFFFC800  }
0x80: {  	[spmem:s1] =	stream.indirect.scatter.add.f32 [tilespmem:s17], [sflag:$0x9], $0x80, s11, s31, $0xb8;
	[tilespmem:$0x1E600] =	vst v63  }
0x81: {  	_ =	swait.ge [sflag:s3], $0x100  }
0x82: {  	[sflag:s3] =	ssyncset.done $0x0  }
0x83: {  	[sflag:s3] =	ssyncadd.s32 $0xFFFFFF00  }
0x84: {  	[tilespmem:s12], [sflag:$0x5] =	stream.indirect.gather [hbm4b:s4+s31], $0x80, s0, s31, $0xb8;
	[tilespmem:$0x1E600] =	vst v63  }
0x85: {  	_ =	swait.ge [sflag:s5], $0x3800  }
0x86: {  	[sflag:s5] =	ssyncset.done $0x0  }
0x87: {  	s8 =	sadd.s32 $0x0, s23;
	[sflag:s5] =	ssyncadd.s32 $0xFFFFC800  }
0x88: {  	[tilespmem:s13], [sflag:$0x3] =	stream.linear.gather [hbm4b:s8+s2], $0x100, $0x38;
	[tilespmem:$0x1E600] =	vst v63  }
0x89: {  	_ =	swait.ge [sflag:s14], $0x3800  }
0x8a: {  	[sflag:s14] =	ssyncset.done $0x0  }
0x8b: {  	[sflag:s14] =	ssyncadd.s32 $0xFFFFC800  }
0x8c: {  	[spmem:s1] =	stream.indirect.scatter.add.f32 [tilespmem:s28], [sflag:$0x7], $0x80, s15, s31, $0xb8;
	[tilespmem:$0x1E600] =	vst v63  }
0x8d: {  	_ =	swait.ge [sflag:s16], $0x100  }
0x8e: {  	[sflag:s16] =	ssyncset.done $0x0  }
0x8f: {  	[sflag:s16] =	ssyncadd.s32 $0xFFFFFF00  }
0x90: {  	[tilespmem:s17], [sflag:$0x6] =	stream.indirect.gather [hbm4b:s4+s31], $0x80, s13, s31, $0xb8;
	[tilespmem:$0x1E600] =	vst v63  }
0x91: {  	_ =	swait.ge [sflag:s18], $0x3800  }
0x92: {  	[sflag:s18] =	ssyncset.done $0x0  }
0x93: {  	s9 =	sadd.s32 $0x0, s22;
	[sflag:s18] =	ssyncadd.s32 $0xFFFFC800  }
0x94: {  	[tilespmem:s30], [sflag:$0x1] =	stream.linear.gather [hbm4b:s9+s2], $0x100, $0x38;
	[tilespmem:$0x1E600] =	vst v63  }
0x95: {  	_ =	swait.ge [sflag:s19], $0x3800  }
0x96: {  	[sflag:s19] =	ssyncset.done $0x0  }
0x97: {  	s7 =	simm.s32 $0x60;
	[sflag:s19] =	ssyncadd.s32 $0xFFFFC800  }
.LBB2_4:
0x98: {  	[spmem:s1] =	stream.indirect.scatter.add.f32 [tilespmem:s12], [sflag:$0x8], $0x80, s20, s31, $0xb8;
	[tilespmem:$0x1E600] =	vst v63  }
0x99: {  	s8 =	smov.u32 s7  }
0x9a: {  	p1 =	sne.s32 s7, $0xA20;
	s7 =	sadd.s32 $0x60, s7;
	_ =	swait.ge [sflag:s21], $0x100  }
0x9b: {  	[sflag:s21] =	ssyncset.done $0x0  }
0x9c: {  	[sflag:s21] =	ssyncadd.s32 $0xFFFFFF00  }
0x9d: {  	[tilespmem:s28], [sflag:$0x4] =	stream.indirect.gather [hbm4b:s4+s31], $0x80, s30, s31, $0xb8;
	[tilespmem:$0x1E600] =	vst v63  }
0x9e: {  	_ =	swait.ge [sflag:s25], $0x3800  }
0x9f: {  	[sflag:s25] =	ssyncset.done $0x0  }
0xa0: {  	s9 =	sadd.s32 s8, s24;
	[sflag:s25] =	ssyncadd.s32 $0xFFFFC800  }
0xa1: {  	[tilespmem:s0], [sflag:$0x2] =	stream.linear.gather [hbm4b:s9+s2], $0x100, $0x38;
	[tilespmem:$0x1E600] =	vst v63  }
0xa2: {  	_ =	swait.ge [sflag:s26], $0x3800  }
0xa3: {  	[sflag:s26] =	ssyncset.done $0x0  }
0xa4: {  	[sflag:s26] =	ssyncadd.s32 $0xFFFFC800  }
0xa5: {  	[spmem:s1] =	stream.indirect.scatter.add.f32 [tilespmem:s17], [sflag:$0x9], $0x80, s11, s31, $0xb8;
	[tilespmem:$0x1E600] =	vst v63  }
0xa6: {  	_ =	swait.ge [sflag:s3], $0x100  }
0xa7: {  	[sflag:s3] =	ssyncset.done $0x0  }
0xa8: {  	[sflag:s3] =	ssyncadd.s32 $0xFFFFFF00  }
0xa9: {  	[tilespmem:s12], [sflag:$0x5] =	stream.indirect.gather [hbm4b:s4+s31], $0x80, s0, s31, $0xb8;
	[tilespmem:$0x1E600] =	vst v63  }
0xaa: {  	_ =	swait.ge [sflag:s5], $0x3800  }
0xab: {  	[sflag:s5] =	ssyncset.done $0x0  }
0xac: {  	s9 =	sadd.s32 s8, s23;
	[sflag:s5] =	ssyncadd.s32 $0xFFFFC800  }
0xad: {  	[tilespmem:s13], [sflag:$0x3] =	stream.linear.gather [hbm4b:s9+s2], $0x100, $0x38;
	[tilespmem:$0x1E600] =	vst v63  }
0xae: {  	_ =	swait.ge [sflag:s14], $0x3800  }
0xaf: {  	[sflag:s14] =	ssyncset.done $0x0  }
0xb0: {  	[sflag:s14] =	ssyncadd.s32 $0xFFFFC800  }
0xb1: {  	[spmem:s1] =	stream.indirect.scatter.add.f32 [tilespmem:s28], [sflag:$0x7], $0x80, s15, s31, $0xb8;
	[tilespmem:$0x1E600] =	vst v63  }
0xb2: {  	_ =	swait.ge [sflag:s16], $0x100  }
0xb3: {  	[sflag:s16] =	ssyncset.done $0x0  }
0xb4: {  	[sflag:s16] =	ssyncadd.s32 $0xFFFFFF00  }
0xb5: {  	[tilespmem:s17], [sflag:$0x6] =	stream.indirect.gather [hbm4b:s4+s31], $0x80, s13, s31, $0xb8;
	[tilespmem:$0x1E600] =	vst v63  }
0xb6: {  	_ =	swait.ge [sflag:s18], $0x3800  }
0xb7: {  	[sflag:s18] =	ssyncset.done $0x0  }
.Ltmp1:
0xb8: {  	s8 =	sadd.s32 s8, s22;
	[sflag:s18] =	ssyncadd.s32 $0xFFFFC800;
	(pc) =	sbr.rel @p1 .LBB2_4-.Ltmp1, $4  }
0xb9: {  	[tilespmem:s30], [sflag:$0x1] =	stream.linear.gather [hbm4b:s8+s2], $0x100, $0x38;
	[tilespmem:$0x1E600] =	vst v63  }
0xba: {  	_ =	swait.ge [sflag:s19], $0x3800  }
0xbb: {  	[sflag:s19] =	ssyncset.done $0x0  }
0xbc: {  	[sflag:s19] =	ssyncadd.s32 $0xFFFFC800  }
0xbd: {  	[spmem:s1] =	stream.indirect.scatter.add.f32 [tilespmem:s12], [sflag:$0x8], $0x80, s20, s31, $0xb8;
	[tilespmem:$0x1E600] =	vst v63  }
0xbe: {  	_ =	swait.ge [sflag:s21], $0x100  }
0xbf: {  	[sflag:s21] =	ssyncset.done $0x0  }
0xc0: {  	[sflag:s21] =	ssyncadd.s32 $0xFFFFFF00  }
0xc1: {  	[tilespmem:s28], [sflag:$0x4] =	stream.indirect.gather [hbm4b:s4+s31], $0x80, s30, s31, $0xb8;
	[tilespmem:$0x1E600] =	vst v63  }
0xc2: {  	_ =	swait.ge [sflag:s25], $0x3800  }
0xc3: {  	[sflag:s25] =	ssyncset.done $0x0  }
0xc4: {  	s7 =	rddreg [dreg:$0x14];
	[sflag:s25] =	ssyncadd.s32 $0xFFFFC800  }
0xc5: {  	[tilespmem:s0], [sflag:$0x2] =	stream.linear.gather [hbm4b:s7+s2], $0x100, $0x38;
	[tilespmem:$0x1E600] =	vst v63  }
0xc6: {  	_ =	swait.ge [sflag:s26], $0x3800  }
0xc7: {  	[sflag:s26] =	ssyncset.done $0x0  }
0xc8: {  	[sflag:s26] =	ssyncadd.s32 $0xFFFFC800  }
0xc9: {  	[spmem:s1] =	stream.indirect.scatter.add.f32 [tilespmem:s17], [sflag:$0x9], $0x80, s11, s31, $0xb8;
	[tilespmem:$0x1E600] =	vst v63  }
0xca: {  	_ =	swait.ge [sflag:s3], $0x100  }
0xcb: {  	[sflag:s3] =	ssyncset.done $0x0  }
0xcc: {  	[sflag:s3] =	ssyncadd.s32 $0xFFFFFF00  }
0xcd: {  	[tilespmem:s12], [sflag:$0x5] =	stream.indirect.gather [hbm4b:s4+s31], $0x80, s0, s31, $0xb8;
	[tilespmem:$0x1E600] =	vst v63  }
0xce: {  	_ =	swait.ge [sflag:s5], $0x3800  }
0xcf: {  	[sflag:s5] =	ssyncset.done $0x0  }
0xd0: {  	s9 =	rddreg [dreg:$0x15];
	[sflag:s5] =	ssyncadd.s32 $0xFFFFC800  }
0xd1: {  	[tilespmem:s13], [sflag:$0x3] =	stream.linear.gather [hbm4b:s9+s2], $0x100, $0x38;
	[tilespmem:$0x1E600] =	vst v63  }
0xd2: {  	_ =	swait.ge [sflag:s14], $0x3800  }
0xd3: {  	[sflag:s14] =	ssyncset.done $0x0  }
0xd4: {  	[sflag:s14] =	ssyncadd.s32 $0xFFFFC800  }
0xd5: {  	[spmem:s1] =	stream.indirect.scatter.add.f32 [tilespmem:s28], [sflag:$0x7], $0x80, s15, s31, $0xb8;
	[tilespmem:$0x1E600] =	vst v63  }
0xd6: {  	_ =	swait.ge [sflag:s16], $0x100  }
0xd7: {  	[sflag:s16] =	ssyncset.done $0x0  }
0xd8: {  	[sflag:s16] =	ssyncadd.s32 $0xFFFFFF00  }
0xd9: {  	[tilespmem:s17], [sflag:$0x6] =	stream.indirect.gather [hbm4b:s4+s31], $0x80, s13, s31, $0xb8;
	[tilespmem:$0x1E600] =	vst v63  }
0xda: {  	_ =	swait.ge [sflag:s19], $0x3800  }
0xdb: {  	[sflag:s19] =	ssyncset.done $0x0  }
0xdc: {  	[sflag:s19] =	ssyncadd.s32 $0xFFFFC800  }
0xdd: {  	[spmem:s1] =	stream.indirect.scatter.add.f32 [tilespmem:s12], [sflag:$0x8], $0x80, s20, s31, $0xb8;
	[tilespmem:$0x1E600] =	vst v63  }
0xde: {  	_ =	swait.ge [sflag:s26], $0x3800  }
0xdf: {  	[sflag:s26] =	ssyncset.done $0x0  }
0xe0: {  	[sflag:s26] =	ssyncadd.s32 $0xFFFFC800  }
0xe1: {  	[spmem:s1] =	stream.indirect.scatter.add.f32 [tilespmem:s17], [sflag:$0x9], $0x80, s11, s31, $0xb8;
	[tilespmem:$0x1E600] =	vst v63  }
0xe2: {  	_ =	swait.ge [sflag:s18], $0x3800  }
0xe3: {  	[sflag:s18] =	ssyncset.done $0x0  }
0xe4: {  	[sflag:s18] =	ssyncadd.s32 $0xFFFFC800  }
0xe5: {  	_ =	swait.ge [sflag:s25], $0x3800  }
0xe6: {  	[sflag:s25] =	ssyncset.done $0x0  }
0xe7: {  	[sflag:s25] =	ssyncadd.s32 $0xFFFFC800  }
0xe8: {  	_ =	swait.ge [sflag:s5], $0x3800  }
0xe9: {  	[sflag:s5] =	ssyncset.done $0x0  }
0xea: {  	[sflag:s5] =	ssyncadd.s32 $0xFFFFC800  }
0xeb: {  	s8 =	stileid.u32;
	[bflag:$0x0] =	sbarrier.arrive $0xFFFF  }
0xec: {  	s7 =	sshll.u32 s8, $0x6;
	s8 =	rddreg [dreg:$0x4]  }
0xed: {  	s7 =	sor.u32 $0x1C0A, s7;
	s9 =	rddreg [dreg:$0xd];
	s8 =	sshrl.u32 s8, $0x3  }
0xee: {  	[hbm:s9], [sflag:s7] =	dma.local [spmem:s8], $0x700  }
0xef: {  	_ =	swait.ge [sflag:s29], $0x700  }
0xf0: {  	[sflag:s29] =	ssyncset.done $0x0;
	s9 =	rddreg [dreg:$0x5]  }
0xf1: {  	[sflag:s29] =	ssyncadd.s32 $0xFFFFF900;
	s8 =	sshrl.u32 s9, $0x3;
	s9 =	rddreg [dreg:$0xe]  }
0xf2: {  	[hbm:s9], [sflag:s7] =	dma.local [spmem:s8], $0x700  }
0xf3: {  	_ =	swait.ge [sflag:s29], $0x700  }
0xf4: {  	s9 =	smov.u32 s10;
	[sflag:s29] =	ssyncset.done $0x0  }
0xf5: {  	s8 =	sshrl.u32 s10, $0x3;
	s10 =	rddreg [dreg:$0xf];
	[sflag:s29] =	ssyncadd.s32 $0xFFFFF900  }
0xf6: {  	[hbm:s10], [sflag:s7] =	dma.local [spmem:s8], $0x700  }
0xf7: {  	_ =	swait.ge [sflag:s29], $0x700  }
0xf8: {  	[sflag:s29] =	ssyncset.done $0x0;
	s10 =	rddreg [dreg:$0x6]  }
0xf9: {  	[sflag:s29] =	ssyncadd.s32 $0xFFFFF900;
	s8 =	sshrl.u32 s10, $0x3;
	s10 =	rddreg [dreg:$0x10]  }
0xfa: {  	[hbm:s10], [sflag:s7] =	dma.local [spmem:s8], $0x700  }
0xfb: {  	_ =	swait.ge [sflag:s29], $0x700  }
0xfc: {  	[sflag:s29] =	ssyncset.done $0x0;
	s10 =	rddreg [dreg:$0x7]  }
0xfd: {  	[sflag:s29] =	ssyncadd.s32 $0xFFFFF900;
	s8 =	sshrl.u32 s10, $0x3;
	s10 =	rddreg [dreg:$0x11]  }
0xfe: {  	[hbm:s10], [sflag:s7] =	dma.local [spmem:s8], $0x700  }
0xff: {  	_ =	swait.ge [sflag:s29], $0x700  }
0x100: {  	[sflag:s29] =	ssyncset.done $0x0;
	s8 =	rddreg [dreg:$0x8]  }
0x101: {  	s10 =	rddreg [dreg:$0x12];
	[sflag:s29] =	ssyncadd.s32 $0xFFFFF900;
	s8 =	sshrl.u32 @!p0 s8, $0x3  }
0x102: {  	[hbm:s10], [sflag:s7] =	dma.local @!p0 [spmem:s8], $0x700  }
0x103: {  	s7 =	simm.s32 @!p0 $0xA  }
0x104: {  	_ =	swait.ge @!p0 [sflag:s7], $0x700  }
0x105: {  	s6 =	sadd.s32 $0x1, s6;
	s10 =	rddreg [dreg:$0x13]  }
0x106: {  	p1 =	sne.s32 s6, s10  }
.Ltmp2:
0x107: {  	_ = 	snop;
	(pc) =	sbr.rel @p1 .LBB2_1-.Ltmp2, $3  }
0x108: {  	_ =	sdelay $0x1  }
0x109: {  	[sflag:s7] =	ssyncset.done @!p0 $0x0  }
0x10a: {  	[sflag:s7] =	ssyncadd.s32 @!p0 $0xFFFFF900  }
0x10b: {  	_ =	sfence.sel $0x180000  }
0x10c: {  	[bflag:$0x0] =	sbarrier.arrive $0xFFFF  }
0x10d: {  	_ =	strace $0x9000004A  }
0x10e: {  	s0 =	stileid.u32;
	[bflag:$0x2] =	sbarrier.arrive $0xFFFF  }
0x10f: {  	p0 =	sne.s32 s0, $0x0;
	s0 =	rddreg [dreg:$0x3]  }
0x110: {  	s0 =	sadd.s32 @!p0 $0x100000, s0  }
0x111: {  	[sflag:s0] =	ssyncadd.tile.s32 @!p0 $0x1;
	_ =	shalt  }
.Lfunc_end2:
_tile_overlayer_lowered:
.L_overlay_start_2:
0x112: {  	(tag) =	ssettag $0x2  }
0x113: {  	s0 =	rddreg [dreg:$0x0];
	s2 =	stileid.u32  }
0x114: {  	s1 =	rddreg [dreg:$0x1];
	p0 =	sne.s32 s2, $0x0  }
0x115: {  	s3 =	rddreg [dreg:$0x2];
	[bflag:$0x3] =	sbarrier.arrive $0xFFFF;
	s2 =	simm.s32 @!p0 $0x1C0A  }
0x116: {  	[timem:s3], [sflag:s2] =	dma.local @!p0 [hbm:s0], s1  }
0x117: {  	s0 =	simm.s32 @!p0 $0xA  }
0x118: {  	_ =	swait.ge @!p0 [sflag:s0], s1  }
0x119: {  	s1 =	ssub.s32 @!p0 $0x0, s1;
	[sflag:s0] =	ssyncset.done @!p0 $0x0  }
0x11a: {  	[sflag:s0] =	ssyncadd.s32 @!p0 s1  }
0x11b: {  	[bflag:$0x3] =	sbarrier.arrive $0xFFFF  }
0x11c: {  	_ =	shalt  }

// kernel: kernel.14.cloned.1.call-start
scs
__scs_entry_jumppad:
0x0: {  	(pc) =	sbr.rel $0x88, $3  }
0x1: {  	(tag) =	ssettag $0x0;
	lr =	simm.s32 $0x1  }
0x2: {  	[smem:$0x3F9C] =	sst lr;
	_ =	strace $0xD0000000  }
0x3: {  	_ = 	snop  }
0x4: {  	_ = 	snop  }
0x5: {  	_ = 	snop  }
0x6: {  	_ = 	snop  }
0x7: {  	_ = 	snop  }
__scs_overlays_trampoline_lowered:
0x8: {  	[smem:$0x3FAB] =	sst s0  }
0x9: {  	[smem:$0x3FAC] =	sst s1  }
0xa: {  	[smem:$0x3FAD] =	sst s2  }
0xb: {  	[smem:$0x3FAE] =	sst s3  }
0xc: {  	[smem:$0x3FAF] =	sst s4  }
0xd: {  	[smem:$0x3FB0] =	sst s5  }
0xe: {  	[smem:$0x3FB1] =	sst s6  }
0xf: {  	[smem:$0x3FB2] =	sst s7  }
0x10: {  	[smem:$0x3FB3] =	sst s8  }
0x11: {  	[smem:$0x3FB4] =	sst s9;
	s0 =	simm.s32 @!p0 $0x0  }
0x12: {  	s1 =	sld [smem:$0x3F9A];
	s0 =	simm.s32 @p0 $0x1  }
0x13: {  	[smem:$0x3FB5] =	sst s0;
	s0 =	simm.s32 @!p1 $0x0  }
0x14: {  	s2 =	sld [smem:$0x3F99];
	s0 =	simm.s32 @p1 $0x1  }
0x15: {  	[smem:$0x3FB6] =	sst s0;
	s0 =	simm.s32 @!p2 $0x0  }
0x16: {  	s3 =	sld [smem:$0x3FDB];
	s0 =	simm.s32 @p2 $0x1  }
0x17: {  	s4 =	simm.s32 $0x1BF5;
	[smem:$0x3FB8] =	sst s0  }
0x18: {  	s0 =	sld [smem:$0x3F9B];
	_ =	swait.ge [sflag:s4], $0x0  }
0x19: {  	s7 =	sld [smem:$0x3F9C]  }
0x1a: {  	s8 =	sadd.s32 $0xFFFFE003, lr  }
0x1b: {  	s9 =	sadd.s32 $0xFFFFFEF7, lr;
	s5 =	simm.s32 $0xFFFFFFFF;
	p2 =	slt.u32 s8, $0xFFFFF086  }
0x1c: {  	p1 =	slt.u32 s9, $0xF7A;
	s5 =	simm.s32 @!p2 $0x0  }
0x1d: {  	s5 =	simm.s32 @p1 $0x1;
	p0 =	seq.s32 s7, s2  }
0x1e: {  	s7 =	smul.u32 @!p0 $0xF7A, s2;
	p2 =	seq.s32 @!p0 s5, $0x0  }
0x1f: {  	s9 =	smul.u32 $0xF7A, s1;
	s8 =	simm.s32 @!p0 $0x1BF5;
	p2 =	por !p2, p0  }
0x20: {  	[sflag:s8] =	ssyncset.s32 @!p0 $0xFFFFF086;
	s6 =	sadd.s32 @!p0 s3, s7;
	s7 =	simm.s32 @!p0 $0x108  }
0x21: {  	s3 =	sadd.s32 s3, s9;
	s6 =	sadd.s32 @!p0 $0x88, s6;
	s7 =	simm.s32 @p2 $0x1082  }
0x22: {  	[simem:s7], [sflag:s8] =	dma.local @!p0 [hbm:s6], $0xF7A  }
0x23: {  	s9 =	sor.u32 $0xD0000000, s2;
	s6 =	simm.s32 $0x108;
	_ =	swait.ge @!p0 [sflag:s8], $0x0  }
0x24: {  	s3 =	sadd.s32 $0x88, s3;
	s6 =	simm.s32 @!p1 $0x1082;
	[sflag:s4] =	ssyncset.s32 $0xFFFFF086  }
0x25: {  	[simem:s6], [sflag:s4] =	dma.local [hbm:s3], $0xF7A  }
0x26: {  	[smem:$0x3F9C] =	sst s1;
	(tag) =	ssettag s2;
	_ =	strace s9  }
0x27: {  	s1 =	sld [smem:$0x3FAC]  }
0x28: {  	s2 =	sld [smem:$0x3FAD]  }
0x29: {  	s4 =	sld [smem:$0x3FAF]  }
0x2a: {  	p0 =	seq.s32 s5, $0x0;
	s5 =	sld [smem:$0x3FB0]  }
0x2b: {  	s6 =	sld [smem:$0x3FB1]  }
0x2c: {  	s7 =	sld [smem:$0x3FB2]  }
0x2d: {  	s3 =	simm.s32 $0x108;
	s8 =	sld [smem:$0x3FB3]  }
0x2e: {  	s3 =	simm.s32 @!p0 $0x1082;
	s9 =	sld [smem:$0x3FB4]  }
0x2f: {  	lr =	sadd.s32 s0, s3;
	s0 =	sld [smem:$0x3FAB]  }
0x30: {  	s3 =	sld [smem:$0x3FAE]  }
0x31: {  	[smem:$0x3FB7] =	sst s10  }
0x32: {  	s10 =	sld [smem:$0x3FB5];
	_ =	sdelay $0x3  }
0x33: {  	p0 =	seq.s32 s10, $0x1;
	s10 =	sld [smem:$0x3FB7];
	_ =	sdelay $0x3  }
0x34: {  	[smem:$0x3FB7] =	sst s10  }
0x35: {  	s10 =	sld [smem:$0x3FB6];
	_ =	sdelay $0x3  }
0x36: {  	p1 =	seq.s32 s10, $0x1;
	s10 =	sld [smem:$0x3FB7];
	_ =	sdelay $0x3  }
0x37: {  	[smem:$0x3FB7] =	sst s10  }
0x38: {  	s10 =	sld [smem:$0x3FB8]  }
0x39: {  	_ = 	snop;
	(pc) =	sbr.ind lr, $3  }
0x3a: {  	_ = 	snop  }
0x3b: {  	_ = 	snop  }
0x3c: {  	p2 =	seq.s32 s10, $0x1;
	s10 =	sld [smem:$0x3FB7]  }
0x3d: {  	_ =	shalt  }
0x3e: {  	_ =	shalt  }
0x3f: {  	_ =	shalt  }
0x40: {  	_ =	shalt  }
0x41: {  	_ =	shalt  }
0x42: {  	_ =	shalt  }
0x43: {  	_ =	shalt  }
0x44: {  	_ =	shalt  }
0x45: {  	_ =	shalt  }
0x46: {  	_ =	shalt  }
0x47: {  	_ =	shalt  }
0x48: {  	_ =	shalt  }
0x49: {  	_ =	shalt  }
0x4a: {  	_ =	shalt  }
0x4b: {  	_ =	shalt  }
0x4c: {  	_ =	shalt  }
0x4d: {  	_ =	shalt  }
0x4e: {  	_ =	shalt  }
0x4f: {  	_ =	shalt  }
0x50: {  	_ =	shalt  }
0x51: {  	_ =	shalt  }
0x52: {  	_ =	shalt  }
0x53: {  	_ =	shalt  }
0x54: {  	_ =	shalt  }
0x55: {  	_ =	shalt  }
0x56: {  	_ =	shalt  }
0x57: {  	_ =	shalt  }
0x58: {  	_ =	shalt  }
0x59: {  	_ =	shalt  }
0x5a: {  	_ =	shalt  }
0x5b: {  	_ =	shalt  }
0x5c: {  	_ =	shalt  }
0x5d: {  	_ =	shalt  }
0x5e: {  	_ =	shalt  }
0x5f: {  	_ =	shalt  }
0x60: {  	_ =	shalt  }
0x61: {  	_ =	shalt  }
0x62: {  	_ =	shalt  }
0x63: {  	_ =	shalt  }
0x64: {  	_ =	shalt  }
0x65: {  	_ =	shalt  }
0x66: {  	_ =	shalt  }
0x67: {  	_ =	shalt  }
0x68: {  	_ =	shalt  }
0x69: {  	_ =	shalt  }
0x6a: {  	_ =	shalt  }
0x6b: {  	_ =	shalt  }
0x6c: {  	_ =	shalt  }
0x6d: {  	_ =	shalt  }
0x6e: {  	_ =	shalt  }
0x6f: {  	_ =	shalt  }
0x70: {  	_ =	shalt  }
0x71: {  	_ =	shalt  }
0x72: {  	_ =	shalt  }
0x73: {  	_ =	shalt  }
0x74: {  	_ =	shalt  }
0x75: {  	_ =	shalt  }
0x76: {  	_ =	shalt  }
0x77: {  	_ =	shalt  }
0x78: {  	_ =	shalt  }
0x79: {  	_ =	shalt  }
0x7a: {  	_ =	shalt  }
0x7b: {  	_ =	shalt  }
0x7c: {  	_ =	shalt  }
0x7d: {  	_ =	shalt  }
0x7e: {  	_ =	shalt  }
0x7f: {  	_ =	shalt  }
0x80: {  	_ =	shalt  }
0x81: {  	_ =	shalt  }
0x82: {  	_ =	shalt  }
0x83: {  	_ =	shalt  }
0x84: {  	_ =	shalt  }
0x85: {  	_ =	shalt  }
0x86: {  	_ =	shalt  }
0x87: {  	_ =	shalt  }
.Lfunc_end0:
.L_simem_size_0:
called_computation.2_lowered:
.L_overlay_start_0:
0x88: {  	s2 =	sld [smem:$0x3FD9]  }
0x89: {  	s3 =	sld [smem:$0x3FFE];
	_ =	sdelay $0x1  }
0x8a: {  	s1 =	srdreg.scid  }
0x8b: {  	s0 =	sand.u32 $0x1, s1  }
0x8c: {  	s17 =	sshll.u32 s0, $0xA;
	s2 =	sadd.s32 s3, s2  }
0x8d: {  	s2 =	sadd.s32 s2, s17  }
0x8e: {  	[smem:$0x3FC3] =	sst s2  }
0x8f: {  	_ = 	snop  }
0x90: {  	s2 =	sld [smem:$0x3FD0];
	(tm) =	ssettm $0x1  }
0x91: {  	s18 =	sld [smem:$0x3FFB];
	_ =	sdelay $0x3  }
0x92: {  	_ =	strace s18  }
0x93: {  	s3 =	sld [smem:$0x3FFC];
	_ =	sdelay $0x3  }
0x94: {  	_ =	strace s3  }
0x95: {  	s3 =	sld [smem:$0x3FFD];
	_ =	sdelay $0x3  }
0x96: {  	_ =	strace s3  }
0x97: {  	_ =	strace $0x8FFFFFFF  }
0x98: {  	s19 =	sld [smem:$0x3FDB];
	_ =	sdelay $0x1  }
0x99: {  	s4 =	simm.s32 $_scs_section_size  }
0x9a: {  	s5 =	simm.s32 $_size__tile_overlayer_lowered;
	s6 =	simm.s32 $_tile_overlayer_lowered  }
0x9b: {  	s22 =	simm.s32 $0x1BFF;
	s21 =	sshll.u32 s6, $0x1;
	s3 =	sadd.s32 s4, s19  }
0x9c: {  	s7 =	simm.s32 $0x0;
	s20 =	sshll.u32 s5, $0x1;
	s5 =	sadd.s32 s21, s3  }
0x9d: {  	[timem:s7], [sflag:s22] =	dma.local [hbm:s5], s20  }
0x9e: {  	_ =	swait.ge [sflag:s22], s20  }
0x9f: {  	s4 =	ssub.s32 $0x0, s20;
	[sflag:s22] =	ssyncset.done $0x0  }
0xa0: {  	[sflag:s22] =	ssyncadd.s32 s4;
	_ =	sdelay $0x1  }
0xa1: {  	s23 =	simm.s32 $0x1B8B  }
0xa2: {  	_ =	swait.ge [sflag:s23], $0x1  }
0xa3: {  	[sflag:s23] =	ssyncset.done $0x0  }
0xa4: {  	s25 =	simm.s32 $0x1B8E;
	s24 =	sld [smem:$0x3FFE];
	[sflag:s23] =	ssyncadd.s32 $0xFFFFFFFF  }
0xa5: {  	s26 =	simm.s32 $execute0_lowered;
	[smem:$0x3FD2] =	sst s25  }
0xa6: {  	s5 =	sshll.u32 s26, $0x1;
	_ =	strace $0x8000004C;
	[dreg:$0x1] =	wrdreg $0xFFFFFFFF  }
0xa7: {  	s28 =	simm.s32 $_size_execute0_lowered;
	s3 =	sadd.s32 s3, s5;
	[dreg:$0x0] =	wrdreg $0x0  }
0xa8: {  	s5 =	sshll.u32 s28, $0x1;
	[dreg:$0x2] =	wrdreg s3  }
0xa9: {  	[dreg:$0x3] =	wrdreg s5  }
0xaa: {  	[dreg:$0x4] =	wrdreg $0xC0  }
0xab: {  	_ =	task [dreg:s7], $0x5FFFF  }
0xac: {  	[dreg:$0x1] =	wrdreg $0xFFFFFFFF  }
0xad: {  	[dreg:$0x0] =	wrdreg $0x60  }
0xae: {  	[dreg:$0x2] =	wrdreg s24  }
0xaf: {  	[dreg:$0x3] =	wrdreg s2  }
0xb0: {  	[dreg:$0x4] =	wrdreg $0x0  }
0xb1: {  	[dreg:$0x5] =	wrdreg $0x9  }
0xb2: {  	_ =	task.clear_ibuf [dreg:s7], $0x6FFFF;
	_ =	strace $0x9000004C  }
0xb3: {  	s29 =	simm.s32 $0x9;
	_ =	strace $0x8000004E  }
0xb4: {  	_ =	swait.ge [sflag:s29], $0x1  }
0xb5: {  	[sflag:s29] =	ssyncadd.s32 $0xFFFFFFFF  }
0xb6: {  	_ =	strace $0x9000004E  }
0xb7: {  	_ =	sfence  }
0xb8: {  	s30 =	sld [smem:$0x0];
	_ =	sdelay $0x2  }
0xb9: {  	s31 =	sshll.u32 s1, $0xD;
	s1 =	sshrl.u32 s1, $0x2  }
0xba: {  	s3 =	sand.u32 $0x4000, s31;
	s1 =	sadd.s32 s1, s30  }
0xbb: {  	s0 =	sor.u32 s3, s0;
	s1 =	sshll.u32 s1, $0x11  }
0xbc: {  	s0 =	sor.u32 s1, s0  }
0xbd: {  	s0 =	sadd.s32 $0x8F2B, s0  }
0xbe: {  	[sflag:s0] =	ssyncadd.remote.s32 $0x1  }
0xbf: {  	_ =	sfence.sel $0xFFFF  }
0xc0: {  	[dreg:$0x0] =	wrdreg $0xFFFFFFFF;
	(pc) =	sbr.abs _section_cstart, $3  }
0xc1: {  	[dreg:$0x1] =	wrdreg $0xFFFFFFFF  }
0xc2: {  	_ =	task.clear_ibuf [dreg:s7], $0x2FFFF;
	_ =	strace $0x9FFFFFFF  }
0xc3: {  	(tm) =	ssettm $0x7FFFFFFF  }
tec
execute0_lowered:
.L_overlay_start_1:
0x0: {  	(tag) =	ssettag $0x1  }
0x1: {  	s3 =	rddreg [dreg:$0x0]  }
0x2: {  	s0 =	rddreg [dreg:$0x1]  }
0x3: {  	s1 =	rddreg [dreg:$0x2];
	s4 =	srdreg.scid;
	s2 =	simm.s32 $0x0  }
0x4: {  	s18 =	stileid.u32;
	s28 =	simm.s32 $0x13E00;
	s29 =	simm.s32 $0xA  }
0x5: {  	s30 =	simm.s32 $0x13B00;
	s31 =	simm.s32 $0x70;
	s8 =	smul.u32 $0xE000, s18  }
0x6: {  	s5 =	sand.u32 $0x1, s4;
	s11 =	sor.u32 $0x10, s18;
	s17 =	smul.u32 $0x3800, s18  }
0x7: {  	[smem:$0x7FF] =	sst s2;
	s12 =	sor.u32 $0x20, s18;
	s9 =	smul.u32 $0xE000, s11  }
0x8: {  	s4 =	sadd.s32 $0x2600, s3;
	s13 =	sor.u32 $0x30, s18;
	s10 =	smul.u32 $0xE000, s12  }
0x9: {  	s3 =	sadd.s32 $0x51200, s3;
	s14 =	sor.u32 $0x40, s18;
	s23 =	smul.u32 $0xE000, s13  }
0xa: {  	s16 =	sor.u32 $0x50, s18;
	p0 =	sgt.u32 s18, $0x9;
	s15 =	smul.u32 $0xE000, s14  }
0xb: {  	s6 =	ssub.s32 $0x2, s5;
	_ =	strace $0x8000004D;
	s25 =	smul.u32 $0xE000, s16  }
0xc: {  	s22 =	sshll.u32 s5, $0x4;
	s20 =	smul.u32 $0x3800, s11;
	s7 =	sshrl.u32 s6, $0x1  }
0xd: {  	s8 =	sshrl.u32 s8, $0x2;
	s6 =	ssub.s32 s6, s7;
	s7 =	sor.u32 s18, s22  }
0xe: {  	s8 =	sadd.s32 s8, s1;
	s26 =	sshrl.u32 s15, $0x2;
	s15 =	smul.u32 $0x13B000, s5  }
0xf: {  	s9 =	sshrl.u32 s9, $0x2;
	s24 =	sshrl.u32 s10, $0x2;
	s22 =	smul.u32 $0x3800, s12  }
0x10: {  	s10 =	sshrl.u32 s25, $0x2;
	s5 =	smul.u32 $0x5A000, s5;
	[dreg:$0x4] =	wrdreg s8  }
0x11: {  	s9 =	sadd.s32 s9, s1;
	s8 =	sshrl.u32 s23, $0x2;
	s7 =	smul.u32 $0x5A00, s7  }
0x12: {  	s10 =	sadd.s32 s10, s1;
	[dreg:$0x5] =	wrdreg s9;
	s9 =	sadd.s32 s24, s1  }
0x13: {  	s8 =	sadd.s32 s8, s1;
	[dreg:$0x8] =	wrdreg s10;
	s19 =	sadd.s32 s17, s15  }
0x14: {  	s24 =	sadd.s32 s15, s20;
	s25 =	sadd.s32 s15, s22;
	s17 =	smul.u32 $0x3800, s16  }
0x15: {  	s22 =	smax.u32 s6, $0x1;
	s16 =	simm.s32 $0x3;
	[dreg:$0x6] =	wrdreg s8  }
0x16: {  	s7 =	sshrl.u32 s7, $0x3;
	s8 =	sadd.s32 s26, s1;
	s26 =	smul.u32 $0x3800, s13  }
0x17: {  	s12 =	sshrl.u32 s25, $0x3;
	s13 =	smul.u32 $0x3800, s14;
	[dreg:$0x13] =	wrdreg s22  }
0x18: {  	[dreg:$0x7] =	wrdreg s8;
	s10 =	sadd.s32 s0, s7;
	s11 =	sadd.s32 s15, s17  }
0x19: {  	s17 =	simm.s32 $0x1AE00;
	s7 =	sadd.s32 $0x20, s10;
	s21 =	sadd.s32 $0x40, s10  }
0x1a: {  	s23 =	sadd.s32 $0x60, s10;
	s14 =	sadd.s32 s15, s26;
	[dreg:$0x9] =	wrdreg s10  }
0x1b: {  	s8 =	sadd.s32 s15, s13;
	s25 =	sadd.s32 $0xB00, s10;
	[dreg:$0xa] =	wrdreg s7  }
0x1c: {  	s26 =	sadd.s32 $0xB20, s10;
	s13 =	simm.s32 $0x13D00;
	[dreg:$0xb] =	wrdreg s21  }
0x1d: {  	s15 =	simm.s32 $0x13B80;
	s7 =	sshrl.u32 s19, $0x3;
	[dreg:$0xc] =	wrdreg s23  }
0x1e: {  	s8 =	sshrl.u32 s8, $0x3;
	s19 =	smul.u32 $0x5A00, s18;
	[dreg:$0x14] =	wrdreg s25  }
0x1f: {  	s21 =	sshrl.u32 s11, $0x3;
	[dreg:$0x15] =	wrdreg s26;
	s18 =	simm.s32 $0x7  }
0x20: {  	s25 =	simm.s32 $0x8;
	s26 =	simm.s32 $0x6;
	s7 =	sadd.s32 s3, s7  }
0x21: {  	s11 =	simm.s32 $0x13D80;
	s20 =	sadd.s32 s3, s8;
	[dreg:$0xd] =	wrdreg s7  }
0x22: {  	s7 =	sshrl.u32 s24, $0x3;
	[dreg:$0x11] =	wrdreg s20;
	s23 =	sadd.s32 s19, s5  }
0x23: {  	s19 =	simm.s32 $0x5;
	s20 =	simm.s32 $0x13C80;
	s7 =	sadd.s32 s3, s7  }
0x24: {  	s5 =	sadd.s32 $0x600, s23;
	s24 =	sadd.s32 $0x500, s23;
	[dreg:$0xe] =	wrdreg s7  }
0x25: {  	s7 =	sadd.s32 s3, s12;
	s5 =	sshrl.u32 s5, $0x3;
	s6 =	sshrl.u32 s24, $0x3  }
0x26: {  	s12 =	simm.s32 $0x17600;
	[dreg:$0xf] =	wrdreg s7;
	s7 =	sshrl.u32 s14, $0x3  }
0x27: {  	s22 =	sadd.s32 s5, s0;
	s14 =	simm.s32 $0x4;
	s7 =	sadd.s32 s3, s7  }
0x28: {  	s5 =	simm.s32 $0x9;
	s3 =	sadd.s32 s3, s21;
	[dreg:$0x10] =	wrdreg s7  }
0x29: {  	s21 =	simm.s32 $0x1;
	[dreg:$0x12] =	wrdreg s3;
	s3 =	sadd.s32 $0x400, s23  }
0x2a: {  	s23 =	sadd.s32 s6, s0;
	s6 =	simm.s32 $0x0;
	s3 =	sshrl.u32 s3, $0x3  }
0x2b: {  	v0 =	vimm.f32 $0.0e+00;
	s24 =	sadd.s32 s3, s0;
	s0 =	simm.s32 $0x13C00;
	s3 =	simm.s32 $0x2  }
.LBB2_1:
0x2c: {  	s7 =	simm.s32 $0x0;
	s8 =	simm.s32 $0x200  }
.LBB2_2:
0x2d: {  	p1 =	sne.s32 s8, $0xDE00;
	[tilespmem:s7+$0x13E70] =	vst v0  }
0x2e: {  	[tilespmem:s7+$0x13E00] =	vst v0  }
0x2f: {  	[tilespmem:s7+$0x13E10] =	vst v0  }
.Ltmp0:
0x30: {  	[tilespmem:s7+$0x13E20] =	vst v0;
	(pc) =	sbr.rel @p1 .LBB2_2-.Ltmp0, $4  }
0x31: {  	[tilespmem:s7+$0x13E30] =	vst v0  }
0x32: {  	[tilespmem:s7+$0x13E40] =	vst v0  }
0x33: {  	[tilespmem:s7+$0x13E50] =	vst v0  }
0x34: {  	[tilespmem:s7+$0x13E60] =	vst v0;
	s7 =	sshra.s32 s8, $0x2;
	s8 =	sadd.s32 $0x200, s8  }
0x35: {  	[tilespmem:s7+$0x13E70] =	vst v0  }
0x36: {  	[tilespmem:s7+$0x13E00] =	vst v0  }
0x37: {  	[tilespmem:s7+$0x13E10] =	vst v0  }
0x38: {  	[tilespmem:s7+$0x13E20] =	vst v0  }
0x39: {  	[tilespmem:s7+$0x13E30] =	vst v0  }
0x3a: {  	[tilespmem:s7+$0x13E40] =	vst v0  }
0x3b: {  	[tilespmem:s7+$0x13E50] =	vst v0  }
0x3c: {  	[tilespmem:s7+$0x13E60] =	vst v0;
	s10 =	rddreg [dreg:$0x4]  }
0x3d: {  	[spmem:s10] =	stream.linear.scatter [tilespmem:s28], [sflag:$0xA], $0x3800, $0x38;
	[tilespmem:$0x1E600] =	vst v63  }
0x3e: {  	_ =	swait.ge [sflag:s29], $0x3800  }
0x3f: {  	[sflag:s29] =	ssyncset.done $0x0  }
0x40: {  	s8 =	rddreg [dreg:$0x5];
	[sflag:s29] =	ssyncadd.s32 $0xFFFFC800  }
0x41: {  	[spmem:s8] =	stream.linear.scatter [tilespmem:s28], [sflag:$0xA], $0x3800, $0x38;
	[tilespmem:$0x1E600] =	vst v63  }
0x42: {  	_ =	swait.ge [sflag:s29], $0x3800  }
0x43: {  	[sflag:s29] =	ssyncset.done $0x0  }
0x44: {  	[sflag:s29] =	ssyncadd.s32 $0xFFFFC800  }
0x45: {  	[spmem:s9] =	stream.linear.scatter [tilespmem:s28], [sflag:$0xA], $0x3800, $0x38;
	[tilespmem:$0x1E600] =	vst v63  }
0x46: {  	_ =	swait.ge [sflag:s29], $0x3800  }
0x47: {  	[sflag:s29] =	ssyncset.done $0x0  }
0x48: {  	s10 =	smov.u32 s9;
	s9 =	rddreg [dreg:$0x6];
	[sflag:s29] =	ssyncadd.s32 $0xFFFFC800  }
0x49: {  	[spmem:s9] =	stream.linear.scatter [tilespmem:s28], [sflag:$0xA], $0x3800, $0x38;
	[tilespmem:$0x1E600] =	vst v63  }
0x4a: {  	_ =	swait.ge [sflag:s29], $0x3800  }
0x4b: {  	[sflag:s29] =	ssyncset.done $0x0  }
0x4c: {  	s8 =	rddreg [dreg:$0x7];
	[sflag:s29] =	ssyncadd.s32 $0xFFFFC800  }
0x4d: {  	[spmem:s8] =	stream.linear.scatter [tilespmem:s28], [sflag:$0xA], $0x3800, $0x38;
	[tilespmem:$0x1E600] =	vst v63  }
0x4e: {  	_ =	swait.ge [sflag:s29], $0x3800  }
0x4f: {  	[sflag:s29] =	ssyncset.done $0x0  }
0x50: {  	s7 =	simm.s32 @!p0 $0x13E00;
	s8 =	rddreg [dreg:$0x8];
	[sflag:s29] =	ssyncadd.s32 $0xFFFFC800  }
0x51: {  	[spmem:s8] =	stream.linear.scatter @!p0 [tilespmem:s7], [sflag:$0xA], $0x3800, $0x38;
	[tilespmem:$0x1E600] =	vst v63  }
0x52: {  	s7 =	simm.s32 @!p0 $0xA  }
0x53: {  	_ =	swait.ge @!p0 [sflag:s7], $0x3800  }
0x54: {  	[sflag:s7] =	ssyncset.done @!p0 $0x0  }
0x55: {  	[sflag:s7] =	ssyncadd.s32 @!p0 $0xFFFFC800  }
0x56: {  	[bflag:$0x0] =	sbarrier.arrive $0xFFFF  }
0x57: {  	s7 =	simm.s32 $0x0;
	s9 =	rddreg [dreg:$0x9]  }
0x58: {  	[tilespmem:s30], [sflag:$0xA] =	stream.linear.gather [hbm4b:s9+s7], $0x100, $0x38;
	[tilespmem:$0x1E600] =	vst v63  }
0x59: {  	_ =	swait.ge [sflag:s29], $0x100  }
0x5a: {  	[sflag:s29] =	ssyncset.done $0x0  }
0x5b: {  	[sflag:s29] =	ssyncadd.s32 $0xFFFFFF00  }
0x5c: {  	[tilespmem:s28], [sflag:$0x4] =	stream.indirect.gather [hbm4b:s4+s31], $0x80, s30, s31, $0xb8;
	[tilespmem:$0x1E600] =	vst v63  }
0x5d: {  	s9 =	rddreg [dreg:$0xa]  }
0x5e: {  	[tilespmem:s0], [sflag:$0x2] =	stream.linear.gather [hbm4b:s9+s7], $0x100, $0x38;
	[tilespmem:$0x1E600] =	vst v63  }
0x5f: {  	_ =	swait.ge [sflag:s3], $0x100  }
0x60: {  	[sflag:s3] =	ssyncset.done $0x0  }
0x61: {  	[sflag:s3] =	ssyncadd.s32 $0xFFFFFF00  }
0x62: {  	[tilespmem:s12], [sflag:$0x5] =	stream.indirect.gather [hbm4b:s4+s31], $0x80, s0, s31, $0xb8;
	[tilespmem:$0x1E600] =	vst v63  }
0x63: {  	s9 =	rddreg [dreg:$0xb]  }
0x64: {  	[tilespmem:s13], [sflag:$0x3] =	stream.linear.gather [hbm4b:s9+s7], $0x100, $0x38;
	[tilespmem:$0x1E600] =	vst v63  }
0x65: {  	_ =	swait.ge [sflag:s14], $0x3800  }
0x66: {  	[sflag:s14] =	ssyncset.done $0x0  }
0x67: {  	[sflag:s14] =	ssyncadd.s32 $0xFFFFC800  }
0x68: {  	[spmem:s1] =	stream.indirect.scatter.add.f32 [tilespmem:s28], [sflag:$0x7], $0x80, s15, s31, $0xb8;
	[tilespmem:$0x1E600] =	vst v63  }
0x69: {  	_ =	swait.ge [sflag:s16], $0x100  }
0x6a: {  	[sflag:s16] =	ssyncset.done $0x0  }
0x6b: {  	[sflag:s16] =	ssyncadd.s32 $0xFFFFFF00  }
0x6c: {  	[tilespmem:s17], [sflag:$0x6] =	stream.indirect.gather [hbm4b:s4+s31], $0x80, s13, s31, $0xb8;
	[tilespmem:$0x1E600] =	vst v63  }
0x6d: {  	_ =	swait.ge [sflag:s18], $0x3800  }
0x6e: {  	[sflag:s18] =	ssyncset.done $0x0  }
0x6f: {  	s9 =	rddreg [dreg:$0xc];
	[sflag:s18] =	ssyncadd.s32 $0xFFFFC800  }
0x70: {  	[tilespmem:s30], [sflag:$0x1] =	stream.linear.gather [hbm4b:s9+s7], $0x100, $0x38;
	[tilespmem:$0x1E600] =	vst v63  }
0x71: {  	_ =	swait.ge [sflag:s19], $0x3800  }
0x72: {  	[sflag:s19] =	ssyncset.done $0x0  }
0x73: {  	[sflag:s19] =	ssyncadd.s32 $0xFFFFC800  }
0x74: {  	[spmem:s1] =	stream.indirect.scatter.add.f32 [tilespmem:s12], [sflag:$0x8], $0x80, s20, s31, $0xb8;
	[tilespmem:$0x1E600] =	vst v63  }
0x75: {  	_ =	swait.ge [sflag:s21], $0x100  }
0x76: {  	[sflag:s21] =	ssyncset.done $0x0  }
0x77: {  	[sflag:s21] =	ssyncadd.s32 $0xFFFFFF00  }
0x78: {  	[tilespmem:s28], [sflag:$0x4] =	stream.indirect.gather [hbm4b:s4+s31], $0x80, s30, s31, $0xb8;
	[tilespmem:$0x1E600] =	vst v63  }
0x79: {  	_ =	swait.ge [sflag:s25], $0x3800  }
0x7a: {  	[sflag:s25] =	ssyncset.done $0x0  }
0x7b: {  	s9 =	sadd.s32 $0x0, s24;
	[sflag:s25] =	ssyncadd.s32 $0xFFFFC800  }
0x7c: {  	[tilespmem:s0], [sflag:$0x2] =	stream.linear.gather [hbm4b:s9+s2], $0x100, $0x38;
	[tilespmem:$0x1E600] =	vst v63  }
0x7d: {  	_ =	swait.ge [sflag:s26], $0x3800  }
0x7e: {  	[sflag:s26] =	ssyncset.done $0x0  }
0x7f: {  	[sflag:s26] =	ssyncadd.s32 $0xFFFFC800  }
0x80: {  	[spmem:s1] =	stream.indirect.scatter.add.f32 [tilespmem:s17], [sflag:$0x9], $0x80, s11, s31, $0xb8;
	[tilespmem:$0x1E600] =	vst v63  }
0x81: {  	_ =	swait.ge [sflag:s3], $0x100  }
0x82: {  	[sflag:s3] =	ssyncset.done $0x0  }
0x83: {  	[sflag:s3] =	ssyncadd.s32 $0xFFFFFF00  }
0x84: {  	[tilespmem:s12], [sflag:$0x5] =	stream.indirect.gather [hbm4b:s4+s31], $0x80, s0, s31, $0xb8;
	[tilespmem:$0x1E600] =	vst v63  }
0x85: {  	_ =	swait.ge [sflag:s5], $0x3800  }
0x86: {  	[sflag:s5] =	ssyncset.done $0x0  }
0x87: {  	s8 =	sadd.s32 $0x0, s23;
	[sflag:s5] =	ssyncadd.s32 $0xFFFFC800  }
0x88: {  	[tilespmem:s13], [sflag:$0x3] =	stream.linear.gather [hbm4b:s8+s2], $0x100, $0x38;
	[tilespmem:$0x1E600] =	vst v63  }
0x89: {  	_ =	swait.ge [sflag:s14], $0x3800  }
0x8a: {  	[sflag:s14] =	ssyncset.done $0x0  }
0x8b: {  	[sflag:s14] =	ssyncadd.s32 $0xFFFFC800  }
0x8c: {  	[spmem:s1] =	stream.indirect.scatter.add.f32 [tilespmem:s28], [sflag:$0x7], $0x80, s15, s31, $0xb8;
	[tilespmem:$0x1E600] =	vst v63  }
0x8d: {  	_ =	swait.ge [sflag:s16], $0x100  }
0x8e: {  	[sflag:s16] =	ssyncset.done $0x0  }
0x8f: {  	[sflag:s16] =	ssyncadd.s32 $0xFFFFFF00  }
0x90: {  	[tilespmem:s17], [sflag:$0x6] =	stream.indirect.gather [hbm4b:s4+s31], $0x80, s13, s31, $0xb8;
	[tilespmem:$0x1E600] =	vst v63  }
0x91: {  	_ =	swait.ge [sflag:s18], $0x3800  }
0x92: {  	[sflag:s18] =	ssyncset.done $0x0  }
0x93: {  	s9 =	sadd.s32 $0x0, s22;
	[sflag:s18] =	ssyncadd.s32 $0xFFFFC800  }
0x94: {  	[tilespmem:s30], [sflag:$0x1] =	stream.linear.gather [hbm4b:s9+s2], $0x100, $0x38;
	[tilespmem:$0x1E600] =	vst v63  }
0x95: {  	_ =	swait.ge [sflag:s19], $0x3800  }
0x96: {  	[sflag:s19] =	ssyncset.done $0x0  }
0x97: {  	s7 =	simm.s32 $0x60;
	[sflag:s19] =	ssyncadd.s32 $0xFFFFC800  }
.LBB2_4:
0x98: {  	[spmem:s1] =	stream.indirect.scatter.add.f32 [tilespmem:s12], [sflag:$0x8], $0x80, s20, s31, $0xb8;
	[tilespmem:$0x1E600] =	vst v63  }
0x99: {  	s8 =	smov.u32 s7  }
0x9a: {  	p1 =	sne.s32 s7, $0xA20;
	s7 =	sadd.s32 $0x60, s7;
	_ =	swait.ge [sflag:s21], $0x100  }
0x9b: {  	[sflag:s21] =	ssyncset.done $0x0  }
0x9c: {  	[sflag:s21] =	ssyncadd.s32 $0xFFFFFF00  }
0x9d: {  	[tilespmem:s28], [sflag:$0x4] =	stream.indirect.gather [hbm4b:s4+s31], $0x80, s30, s31, $0xb8;
	[tilespmem:$0x1E600] =	vst v63  }
0x9e: {  	_ =	swait.ge [sflag:s25], $0x3800  }
0x9f: {  	[sflag:s25] =	ssyncset.done $0x0  }
0xa0: {  	s9 =	sadd.s32 s8, s24;
	[sflag:s25] =	ssyncadd.s32 $0xFFFFC800  }
0xa1: {  	[tilespmem:s0], [sflag:$0x2] =	stream.linear.gather [hbm4b:s9+s2], $0x100, $0x38;
	[tilespmem:$0x1E600] =	vst v63  }
0xa2: {  	_ =	swait.ge [sflag:s26], $0x3800  }
0xa3: {  	[sflag:s26] =	ssyncset.done $0x0  }
0xa4: {  	[sflag:s26] =	ssyncadd.s32 $0xFFFFC800  }
0xa5: {  	[spmem:s1] =	stream.indirect.scatter.add.f32 [tilespmem:s17], [sflag:$0x9], $0x80, s11, s31, $0xb8;
	[tilespmem:$0x1E600] =	vst v63  }
0xa6: {  	_ =	swait.ge [sflag:s3], $0x100  }
0xa7: {  	[sflag:s3] =	ssyncset.done $0x0  }
0xa8: {  	[sflag:s3] =	ssyncadd.s32 $0xFFFFFF00  }
0xa9: {  	[tilespmem:s12], [sflag:$0x5] =	stream.indirect.gather [hbm4b:s4+s31], $0x80, s0, s31, $0xb8;
	[tilespmem:$0x1E600] =	vst v63  }
0xaa: {  	_ =	swait.ge [sflag:s5], $0x3800  }
0xab: {  	[sflag:s5] =	ssyncset.done $0x0  }
0xac: {  	s9 =	sadd.s32 s8, s23;
	[sflag:s5] =	ssyncadd.s32 $0xFFFFC800  }
0xad: {  	[tilespmem:s13], [sflag:$0x3] =	stream.linear.gather [hbm4b:s9+s2], $0x100, $0x38;
	[tilespmem:$0x1E600] =	vst v63  }
0xae: {  	_ =	swait.ge [sflag:s14], $0x3800  }
0xaf: {  	[sflag:s14] =	ssyncset.done $0x0  }
0xb0: {  	[sflag:s14] =	ssyncadd.s32 $0xFFFFC800  }
0xb1: {  	[spmem:s1] =	stream.indirect.scatter.add.f32 [tilespmem:s28], [sflag:$0x7], $0x80, s15, s31, $0xb8;
	[tilespmem:$0x1E600] =	vst v63  }
0xb2: {  	_ =	swait.ge [sflag:s16], $0x100  }
0xb3: {  	[sflag:s16] =	ssyncset.done $0x0  }
0xb4: {  	[sflag:s16] =	ssyncadd.s32 $0xFFFFFF00  }
0xb5: {  	[tilespmem:s17], [sflag:$0x6] =	stream.indirect.gather [hbm4b:s4+s31], $0x80, s13, s31, $0xb8;
	[tilespmem:$0x1E600] =	vst v63  }
0xb6: {  	_ =	swait.ge [sflag:s18], $0x3800  }
0xb7: {  	[sflag:s18] =	ssyncset.done $0x0  }
.Ltmp1:
0xb8: {  	s8 =	sadd.s32 s8, s22;
	[sflag:s18] =	ssyncadd.s32 $0xFFFFC800;
	(pc) =	sbr.rel @p1 .LBB2_4-.Ltmp1, $4  }
0xb9: {  	[tilespmem:s30], [sflag:$0x1] =	stream.linear.gather [hbm4b:s8+s2], $0x100, $0x38;
	[tilespmem:$0x1E600] =	vst v63  }
0xba: {  	_ =	swait.ge [sflag:s19], $0x3800  }
0xbb: {  	[sflag:s19] =	ssyncset.done $0x0  }
0xbc: {  	[sflag:s19] =	ssyncadd.s32 $0xFFFFC800  }
0xbd: {  	[spmem:s1] =	stream.indirect.scatter.add.f32 [tilespmem:s12], [sflag:$0x8], $0x80, s20, s31, $0xb8;
	[tilespmem:$0x1E600] =	vst v63  }
0xbe: {  	_ =	swait.ge [sflag:s21], $0x100  }
0xbf: {  	[sflag:s21] =	ssyncset.done $0x0  }
0xc0: {  	[sflag:s21] =	ssyncadd.s32 $0xFFFFFF00  }
0xc1: {  	[tilespmem:s28], [sflag:$0x4] =	stream.indirect.gather [hbm4b:s4+s31], $0x80, s30, s31, $0xb8;
	[tilespmem:$0x1E600] =	vst v63  }
0xc2: {  	_ =	swait.ge [sflag:s25], $0x3800  }
0xc3: {  	[sflag:s25] =	ssyncset.done $0x0  }
0xc4: {  	s7 =	rddreg [dreg:$0x14];
	[sflag:s25] =	ssyncadd.s32 $0xFFFFC800  }
0xc5: {  	[tilespmem:s0], [sflag:$0x2] =	stream.linear.gather [hbm4b:s7+s2], $0x100, $0x38;
	[tilespmem:$0x1E600] =	vst v63  }
0xc6: {  	_ =	swait.ge [sflag:s26], $0x3800  }
0xc7: {  	[sflag:s26] =	ssyncset.done $0x0  }
0xc8: {  	[sflag:s26] =	ssyncadd.s32 $0xFFFFC800  }
0xc9: {  	[spmem:s1] =	stream.indirect.scatter.add.f32 [tilespmem:s17], [sflag:$0x9], $0x80, s11, s31, $0xb8;
	[tilespmem:$0x1E600] =	vst v63  }
0xca: {  	_ =	swait.ge [sflag:s3], $0x100  }
0xcb: {  	[sflag:s3] =	ssyncset.done $0x0  }
0xcc: {  	[sflag:s3] =	ssyncadd.s32 $0xFFFFFF00  }
0xcd: {  	[tilespmem:s12], [sflag:$0x5] =	stream.indirect.gather [hbm4b:s4+s31], $0x80, s0, s31, $0xb8;
	[tilespmem:$0x1E600] =	vst v63  }
0xce: {  	_ =	swait.ge [sflag:s5], $0x3800  }
0xcf: {  	[sflag:s5] =	ssyncset.done $0x0  }
0xd0: {  	s9 =	rddreg [dreg:$0x15];
	[sflag:s5] =	ssyncadd.s32 $0xFFFFC800  }
0xd1: {  	[tilespmem:s13], [sflag:$0x3] =	stream.linear.gather [hbm4b:s9+s2], $0x100, $0x38;
	[tilespmem:$0x1E600] =	vst v63  }
0xd2: {  	_ =	swait.ge [sflag:s14], $0x3800  }
0xd3: {  	[sflag:s14] =	ssyncset.done $0x0  }
0xd4: {  	[sflag:s14] =	ssyncadd.s32 $0xFFFFC800  }
0xd5: {  	[spmem:s1] =	stream.indirect.scatter.add.f32 [tilespmem:s28], [sflag:$0x7], $0x80, s15, s31, $0xb8;
	[tilespmem:$0x1E600] =	vst v63  }
0xd6: {  	_ =	swait.ge [sflag:s16], $0x100  }
0xd7: {  	[sflag:s16] =	ssyncset.done $0x0  }
0xd8: {  	[sflag:s16] =	ssyncadd.s32 $0xFFFFFF00  }
0xd9: {  	[tilespmem:s17], [sflag:$0x6] =	stream.indirect.gather [hbm4b:s4+s31], $0x80, s13, s31, $0xb8;
	[tilespmem:$0x1E600] =	vst v63  }
0xda: {  	_ =	swait.ge [sflag:s19], $0x3800  }
0xdb: {  	[sflag:s19] =	ssyncset.done $0x0  }
0xdc: {  	[sflag:s19] =	ssyncadd.s32 $0xFFFFC800  }
0xdd: {  	[spmem:s1] =	stream.indirect.scatter.add.f32 [tilespmem:s12], [sflag:$0x8], $0x80, s20, s31, $0xb8;
	[tilespmem:$0x1E600] =	vst v63  }
0xde: {  	_ =	swait.ge [sflag:s26], $0x3800  }
0xdf: {  	[sflag:s26] =	ssyncset.done $0x0  }
0xe0: {  	[sflag:s26] =	ssyncadd.s32 $0xFFFFC800  }
0xe1: {  	[spmem:s1] =	stream.indirect.scatter.add.f32 [tilespmem:s17], [sflag:$0x9], $0x80, s11, s31, $0xb8;
	[tilespmem:$0x1E600] =	vst v63  }
0xe2: {  	_ =	swait.ge [sflag:s18], $0x3800  }
0xe3: {  	[sflag:s18] =	ssyncset.done $0x0  }
0xe4: {  	[sflag:s18] =	ssyncadd.s32 $0xFFFFC800  }
0xe5: {  	_ =	swait.ge [sflag:s25], $0x3800  }
0xe6: {  	[sflag:s25] =	ssyncset.done $0x0  }
0xe7: {  	[sflag:s25] =	ssyncadd.s32 $0xFFFFC800  }
0xe8: {  	_ =	swait.ge [sflag:s5], $0x3800  }
0xe9: {  	[sflag:s5] =	ssyncset.done $0x0  }
0xea: {  	[sflag:s5] =	ssyncadd.s32 $0xFFFFC800  }
0xeb: {  	s8 =	stileid.u32;
	[bflag:$0x0] =	sbarrier.arrive $0xFFFF  }
0xec: {  	s7 =	sshll.u32 s8, $0x6;
	s8 =	rddreg [dreg:$0x4]  }
0xed: {  	s7 =	sor.u32 $0x1C0A, s7;
	s9 =	rddreg [dreg:$0xd];
	s8 =	sshrl.u32 s8, $0x3  }
0xee: {  	[hbm:s9], [sflag:s7] =	dma.local [spmem:s8], $0x700  }
0xef: {  	_ =	swait.ge [sflag:s29], $0x700  }
0xf0: {  	[sflag:s29] =	ssyncset.done $0x0;
	s9 =	rddreg [dreg:$0x5]  }
0xf1: {  	[sflag:s29] =	ssyncadd.s32 $0xFFFFF900;
	s8 =	sshrl.u32 s9, $0x3;
	s9 =	rddreg [dreg:$0xe]  }
0xf2: {  	[hbm:s9], [sflag:s7] =	dma.local [spmem:s8], $0x700  }
0xf3: {  	_ =	swait.ge [sflag:s29], $0x700  }
0xf4: {  	s9 =	smov.u32 s10;
	[sflag:s29] =	ssyncset.done $0x0  }
0xf5: {  	s8 =	sshrl.u32 s10, $0x3;
	s10 =	rddreg [dreg:$0xf];
	[sflag:s29] =	ssyncadd.s32 $0xFFFFF900  }
0xf6: {  	[hbm:s10], [sflag:s7] =	dma.local [spmem:s8], $0x700  }
0xf7: {  	_ =	swait.ge [sflag:s29], $0x700  }
0xf8: {  	[sflag:s29] =	ssyncset.done $0x0;
	s10 =	rddreg [dreg:$0x6]  }
0xf9: {  	[sflag:s29] =	ssyncadd.s32 $0xFFFFF900;
	s8 =	sshrl.u32 s10, $0x3;
	s10 =	rddreg [dreg:$0x10]  }
0xfa: {  	[hbm:s10], [sflag:s7] =	dma.local [spmem:s8], $0x700  }
0xfb: {  	_ =	swait.ge [sflag:s29], $0x700  }
0xfc: {  	[sflag:s29] =	ssyncset.done $0x0;
	s10 =	rddreg [dreg:$0x7]  }
0xfd: {  	[sflag:s29] =	ssyncadd.s32 $0xFFFFF900;
	s8 =	sshrl.u32 s10, $0x3;
	s10 =	rddreg [dreg:$0x11]  }
0xfe: {  	[hbm:s10], [sflag:s7] =	dma.local [spmem:s8], $0x700  }
0xff: {  	_ =	swait.ge [sflag:s29], $0x700  }
0x100: {  	[sflag:s29] =	ssyncset.done $0x0;
	s8 =	rddreg [dreg:$0x8]  }
0x101: {  	s10 =	rddreg [dreg:$0x12];
	[sflag:s29] =	ssyncadd.s32 $0xFFFFF900;
	s8 =	sshrl.u32 @!p0 s8, $0x3  }
0x102: {  	[hbm:s10], [sflag:s7] =	dma.local @!p0 [spmem:s8], $0x700  }
0x103: {  	s7 =	simm.s32 @!p0 $0xA  }
0x104: {  	_ =	swait.ge @!p0 [sflag:s7], $0x700  }
0x105: {  	s6 =	sadd.s32 $0x1, s6;
	s10 =	rddreg [dreg:$0x13]  }
0x106: {  	p1 =	sne.s32 s6, s10  }
.Ltmp2:
0x107: {  	_ = 	snop;
	(pc) =	sbr.rel @p1 .LBB2_1-.Ltmp2, $3  }
0x108: {  	_ =	sdelay $0x1  }
0x109: {  	[sflag:s7] =	ssyncset.done @!p0 $0x0  }
0x10a: {  	[sflag:s7] =	ssyncadd.s32 @!p0 $0xFFFFF900  }
0x10b: {  	_ =	sfence.sel $0x180000  }
0x10c: {  	[bflag:$0x0] =	sbarrier.arrive $0xFFFF  }
0x10d: {  	_ =	strace $0x9000004D  }
0x10e: {  	s0 =	stileid.u32;
	[bflag:$0x2] =	sbarrier.arrive $0xFFFF  }
0x10f: {  	p0 =	sne.s32 s0, $0x0;
	s0 =	rddreg [dreg:$0x3]  }
0x110: {  	s0 =	sadd.s32 @!p0 $0x100000, s0  }
0x111: {  	[sflag:s0] =	ssyncadd.tile.s32 @!p0 $0x1;
	_ =	shalt  }
.Lfunc_end2:
_tile_overlayer_lowered:
.L_overlay_start_2:
0x112: {  	(tag) =	ssettag $0x2  }
0x113: {  	s0 =	rddreg [dreg:$0x0];
	s2 =	stileid.u32  }
0x114: {  	s1 =	rddreg [dreg:$0x1];
	p0 =	sne.s32 s2, $0x0  }
0x115: {  	s3 =	rddreg [dreg:$0x2];
	[bflag:$0x3] =	sbarrier.arrive $0xFFFF;
	s2 =	simm.s32 @!p0 $0x1C0A  }
0x116: {  	[timem:s3], [sflag:s2] =	dma.local @!p0 [hbm:s0], s1  }
0x117: {  	s0 =	simm.s32 @!p0 $0xA  }
0x118: {  	_ =	swait.ge @!p0 [sflag:s0], s1  }
0x119: {  	s1 =	ssub.s32 @!p0 $0x0, s1;
	[sflag:s0] =	ssyncset.done @!p0 $0x0  }
0x11a: {  	[sflag:s0] =	ssyncadd.s32 @!p0 s1  }
0x11b: {  	[bflag:$0x3] =	sbarrier.arrive $0xFFFF  }
0x11c: {  	_ =	shalt  }

// kernel: kernel.8.cloned.1.call-start
scs
__scs_entry_jumppad:
0x0: {  	(pc) =	sbr.rel $0x88, $3  }
0x1: {  	(tag) =	ssettag $0x0;
	lr =	simm.s32 $0x1  }
0x2: {  	[smem:$0x3F9C] =	sst lr;
	_ =	strace $0xD0000000  }
0x3: {  	_ = 	snop  }
0x4: {  	_ = 	snop  }
0x5: {  	_ = 	snop  }
0x6: {  	_ = 	snop  }
0x7: {  	_ = 	snop  }
__scs_overlays_trampoline_lowered:
0x8: {  	[smem:$0x3FAB] =	sst s0  }
0x9: {  	[smem:$0x3FAC] =	sst s1  }
0xa: {  	[smem:$0x3FAD] =	sst s2  }
0xb: {  	[smem:$0x3FAE] =	sst s3  }
0xc: {  	[smem:$0x3FAF] =	sst s4  }
0xd: {  	[smem:$0x3FB0] =	sst s5  }
0xe: {  	[smem:$0x3FB1] =	sst s6  }
0xf: {  	[smem:$0x3FB2] =	sst s7  }
0x10: {  	[smem:$0x3FB3] =	sst s8  }
0x11: {  	[smem:$0x3FB4] =	sst s9;
	s0 =	simm.s32 @!p0 $0x0  }
0x12: {  	s1 =	sld [smem:$0x3F9A];
	s0 =	simm.s32 @p0 $0x1  }
0x13: {  	[smem:$0x3FB5] =	sst s0;
	s0 =	simm.s32 @!p1 $0x0  }
0x14: {  	s2 =	sld [smem:$0x3F99];
	s0 =	simm.s32 @p1 $0x1  }
0x15: {  	[smem:$0x3FB6] =	sst s0;
	s0 =	simm.s32 @!p2 $0x0  }
0x16: {  	s3 =	sld [smem:$0x3FDB];
	s0 =	simm.s32 @p2 $0x1  }
0x17: {  	s4 =	simm.s32 $0x1BF5;
	[smem:$0x3FB8] =	sst s0  }
0x18: {  	s0 =	sld [smem:$0x3F9B];
	_ =	swait.ge [sflag:s4], $0x0  }
0x19: {  	s7 =	sld [smem:$0x3F9C]  }
0x1a: {  	s8 =	sadd.s32 $0xFFFFE003, lr  }
0x1b: {  	s9 =	sadd.s32 $0xFFFFFEF7, lr;
	s5 =	simm.s32 $0xFFFFFFFF;
	p2 =	slt.u32 s8, $0xFFFFF086  }
0x1c: {  	p1 =	slt.u32 s9, $0xF7A;
	s5 =	simm.s32 @!p2 $0x0  }
0x1d: {  	s5 =	simm.s32 @p1 $0x1;
	p0 =	seq.s32 s7, s2  }
0x1e: {  	s7 =	smul.u32 @!p0 $0xF7A, s2;
	p2 =	seq.s32 @!p0 s5, $0x0  }
0x1f: {  	s9 =	smul.u32 $0xF7A, s1;
	s8 =	simm.s32 @!p0 $0x1BF5;
	p2 =	por !p2, p0  }
0x20: {  	[sflag:s8] =	ssyncset.s32 @!p0 $0xFFFFF086;
	s6 =	sadd.s32 @!p0 s3, s7;
	s7 =	simm.s32 @!p0 $0x108  }
0x21: {  	s3 =	sadd.s32 s3, s9;
	s6 =	sadd.s32 @!p0 $0x88, s6;
	s7 =	simm.s32 @p2 $0x1082  }
0x22: {  	[simem:s7], [sflag:s8] =	dma.local @!p0 [hbm:s6], $0xF7A  }
0x23: {  	s9 =	sor.u32 $0xD0000000, s2;
	s6 =	simm.s32 $0x108;
	_ =	swait.ge @!p0 [sflag:s8], $0x0  }
0x24: {  	s3 =	sadd.s32 $0x88, s3;
	s6 =	simm.s32 @!p1 $0x1082;
	[sflag:s4] =	ssyncset.s32 $0xFFFFF086  }
0x25: {  	[simem:s6], [sflag:s4] =	dma.local [hbm:s3], $0xF7A  }
0x26: {  	[smem:$0x3F9C] =	sst s1;
	(tag) =	ssettag s2;
	_ =	strace s9  }
0x27: {  	s1 =	sld [smem:$0x3FAC]  }
0x28: {  	s2 =	sld [smem:$0x3FAD]  }
0x29: {  	s4 =	sld [smem:$0x3FAF]  }
0x2a: {  	p0 =	seq.s32 s5, $0x0;
	s5 =	sld [smem:$0x3FB0]  }
0x2b: {  	s6 =	sld [smem:$0x3FB1]  }
0x2c: {  	s7 =	sld [smem:$0x3FB2]  }
0x2d: {  	s3 =	simm.s32 $0x108;
	s8 =	sld [smem:$0x3FB3]  }
0x2e: {  	s3 =	simm.s32 @!p0 $0x1082;
	s9 =	sld [smem:$0x3FB4]  }
0x2f: {  	lr =	sadd.s32 s0, s3;
	s0 =	sld [smem:$0x3FAB]  }
0x30: {  	s3 =	sld [smem:$0x3FAE]  }
0x31: {  	[smem:$0x3FB7] =	sst s10  }
0x32: {  	s10 =	sld [smem:$0x3FB5];
	_ =	sdelay $0x3  }
0x33: {  	p0 =	seq.s32 s10, $0x1;
	s10 =	sld [smem:$0x3FB7];
	_ =	sdelay $0x3  }
0x34: {  	[smem:$0x3FB7] =	sst s10  }
0x35: {  	s10 =	sld [smem:$0x3FB6];
	_ =	sdelay $0x3  }
0x36: {  	p1 =	seq.s32 s10, $0x1;
	s10 =	sld [smem:$0x3FB7];
	_ =	sdelay $0x3  }
0x37: {  	[smem:$0x3FB7] =	sst s10  }
0x38: {  	s10 =	sld [smem:$0x3FB8]  }
0x39: {  	_ = 	snop;
	(pc) =	sbr.ind lr, $3  }
0x3a: {  	_ = 	snop  }
0x3b: {  	_ = 	snop  }
0x3c: {  	p2 =	seq.s32 s10, $0x1;
	s10 =	sld [smem:$0x3FB7]  }
0x3d: {  	_ =	shalt  }
0x3e: {  	_ =	shalt  }
0x3f: {  	_ =	shalt  }
0x40: {  	_ =	shalt  }
0x41: {  	_ =	shalt  }
0x42: {  	_ =	shalt  }
0x43: {  	_ =	shalt  }
0x44: {  	_ =	shalt  }
0x45: {  	_ =	shalt  }
0x46: {  	_ =	shalt  }
0x47: {  	_ =	shalt  }
0x48: {  	_ =	shalt  }
0x49: {  	_ =	shalt  }
0x4a: {  	_ =	shalt  }
0x4b: {  	_ =	shalt  }
0x4c: {  	_ =	shalt  }
0x4d: {  	_ =	shalt  }
0x4e: {  	_ =	shalt  }
0x4f: {  	_ =	shalt  }
0x50: {  	_ =	shalt  }
0x51: {  	_ =	shalt  }
0x52: {  	_ =	shalt  }
0x53: {  	_ =	shalt  }
0x54: {  	_ =	shalt  }
0x55: {  	_ =	shalt  }
0x56: {  	_ =	shalt  }
0x57: {  	_ =	shalt  }
0x58: {  	_ =	shalt  }
0x59: {  	_ =	shalt  }
0x5a: {  	_ =	shalt  }
0x5b: {  	_ =	shalt  }
0x5c: {  	_ =	shalt  }
0x5d: {  	_ =	shalt  }
0x5e: {  	_ =	shalt  }
0x5f: {  	_ =	shalt  }
0x60: {  	_ =	shalt  }
0x61: {  	_ =	shalt  }
0x62: {  	_ =	shalt  }
0x63: {  	_ =	shalt  }
0x64: {  	_ =	shalt  }
0x65: {  	_ =	shalt  }
0x66: {  	_ =	shalt  }
0x67: {  	_ =	shalt  }
0x68: {  	_ =	shalt  }
0x69: {  	_ =	shalt  }
0x6a: {  	_ =	shalt  }
0x6b: {  	_ =	shalt  }
0x6c: {  	_ =	shalt  }
0x6d: {  	_ =	shalt  }
0x6e: {  	_ =	shalt  }
0x6f: {  	_ =	shalt  }
0x70: {  	_ =	shalt  }
0x71: {  	_ =	shalt  }
0x72: {  	_ =	shalt  }
0x73: {  	_ =	shalt  }
0x74: {  	_ =	shalt  }
0x75: {  	_ =	shalt  }
0x76: {  	_ =	shalt  }
0x77: {  	_ =	shalt  }
0x78: {  	_ =	shalt  }
0x79: {  	_ =	shalt  }
0x7a: {  	_ =	shalt  }
0x7b: {  	_ =	shalt  }
0x7c: {  	_ =	shalt  }
0x7d: {  	_ =	shalt  }
0x7e: {  	_ =	shalt  }
0x7f: {  	_ =	shalt  }
0x80: {  	_ =	shalt  }
0x81: {  	_ =	shalt  }
0x82: {  	_ =	shalt  }
0x83: {  	_ =	shalt  }
0x84: {  	_ =	shalt  }
0x85: {  	_ =	shalt  }
0x86: {  	_ =	shalt  }
0x87: {  	_ =	shalt  }
.Lfunc_end0:
.L_simem_size_0:
called_computation_lowered:
.L_overlay_start_0:
0x88: {  	s2 =	sld [smem:$0x3FD9]  }
0x89: {  	s3 =	sld [smem:$0x3FFE];
	_ =	sdelay $0x1  }
0x8a: {  	s1 =	srdreg.scid  }
0x8b: {  	s0 =	sand.u32 $0x1, s1  }
0x8c: {  	s17 =	sshll.u32 s0, $0xA;
	s2 =	sadd.s32 s3, s2  }
0x8d: {  	s2 =	sadd.s32 s2, s17  }
0x8e: {  	[smem:$0x3FC3] =	sst s2  }
0x8f: {  	_ = 	snop  }
0x90: {  	s2 =	sld [smem:$0x3FD0];
	(tm) =	ssettm $0x1  }
0x91: {  	s18 =	sld [smem:$0x3FFB];
	_ =	sdelay $0x3  }
0x92: {  	_ =	strace s18  }
0x93: {  	s3 =	sld [smem:$0x3FFC];
	_ =	sdelay $0x3  }
0x94: {  	_ =	strace s3  }
0x95: {  	s3 =	sld [smem:$0x3FFD];
	_ =	sdelay $0x3  }
0x96: {  	_ =	strace s3  }
0x97: {  	_ =	strace $0x8FFFFFFF  }
0x98: {  	s19 =	sld [smem:$0x3FDB];
	_ =	sdelay $0x1  }
0x99: {  	s4 =	simm.s32 $_scs_section_size  }
0x9a: {  	s5 =	simm.s32 $_size__tile_overlayer_lowered;
	s6 =	simm.s32 $_tile_overlayer_lowered  }
0x9b: {  	s22 =	simm.s32 $0x1BFF;
	s21 =	sshll.u32 s6, $0x1;
	s3 =	sadd.s32 s4, s19  }
0x9c: {  	s7 =	simm.s32 $0x0;
	s20 =	sshll.u32 s5, $0x1;
	s5 =	sadd.s32 s21, s3  }
0x9d: {  	[timem:s7], [sflag:s22] =	dma.local [hbm:s5], s20  }
0x9e: {  	_ =	swait.ge [sflag:s22], s20  }
0x9f: {  	s4 =	ssub.s32 $0x0, s20;
	[sflag:s22] =	ssyncset.done $0x0  }
0xa0: {  	[sflag:s22] =	ssyncadd.s32 s4;
	_ =	sdelay $0x1  }
0xa1: {  	s23 =	simm.s32 $0x1B8B  }
0xa2: {  	_ =	swait.ge [sflag:s23], $0x1  }
0xa3: {  	[sflag:s23] =	ssyncset.done $0x0  }
0xa4: {  	s25 =	simm.s32 $0x1B8E;
	s24 =	sld [smem:$0x3FFE];
	[sflag:s23] =	ssyncadd.s32 $0xFFFFFFFF  }
0xa5: {  	s26 =	simm.s32 $execute0_lowered;
	[smem:$0x3FD2] =	sst s25  }
0xa6: {  	s5 =	sshll.u32 s26, $0x1;
	_ =	strace $0x80000046;
	[dreg:$0x1] =	wrdreg $0xFFFFFFFF  }
0xa7: {  	s28 =	simm.s32 $_size_execute0_lowered;
	s3 =	sadd.s32 s3, s5;
	[dreg:$0x0] =	wrdreg $0x0  }
0xa8: {  	s5 =	sshll.u32 s28, $0x1;
	[dreg:$0x2] =	wrdreg s3  }
0xa9: {  	[dreg:$0x3] =	wrdreg s5  }
0xaa: {  	[dreg:$0x4] =	wrdreg $0xC0  }
0xab: {  	_ =	task [dreg:s7], $0x5FFFF  }
0xac: {  	[dreg:$0x1] =	wrdreg $0xFFFFFFFF  }
0xad: {  	[dreg:$0x0] =	wrdreg $0x60  }
0xae: {  	[dreg:$0x2] =	wrdreg s2  }
0xaf: {  	[dreg:$0x3] =	wrdreg s24  }
0xb0: {  	[dreg:$0x4] =	wrdreg $0x0  }
0xb1: {  	[dreg:$0x5] =	wrdreg $0x9  }
0xb2: {  	_ =	task.clear_ibuf [dreg:s7], $0x6FFFF;
	_ =	strace $0x90000046  }
0xb3: {  	s29 =	simm.s32 $0x9;
	_ =	strace $0x80000048  }
0xb4: {  	_ =	swait.ge [sflag:s29], $0x1  }
0xb5: {  	[sflag:s29] =	ssyncadd.s32 $0xFFFFFFFF  }
0xb6: {  	_ =	strace $0x90000048  }
0xb7: {  	_ =	sfence  }
0xb8: {  	s30 =	sld [smem:$0x0];
	_ =	sdelay $0x2  }
0xb9: {  	s31 =	sshll.u32 s1, $0xD;
	s1 =	sshrl.u32 s1, $0x2  }
0xba: {  	s3 =	sand.u32 $0x4000, s31;
	s1 =	sadd.s32 s1, s30  }
0xbb: {  	s0 =	sor.u32 s3, s0;
	s1 =	sshll.u32 s1, $0x11  }
0xbc: {  	s0 =	sor.u32 s1, s0  }
0xbd: {  	s0 =	sadd.s32 $0x8F2B, s0  }
0xbe: {  	[sflag:s0] =	ssyncadd.remote.s32 $0x1  }
0xbf: {  	_ =	sfence.sel $0xFFFF  }
0xc0: {  	[dreg:$0x0] =	wrdreg $0xFFFFFFFF;
	(pc) =	sbr.abs _section_cstart, $3  }
0xc1: {  	[dreg:$0x1] =	wrdreg $0xFFFFFFFF  }
0xc2: {  	_ =	task.clear_ibuf [dreg:s7], $0x2FFFF;
	_ =	strace $0x9FFFFFFF  }
0xc3: {  	(tm) =	ssettm $0x7FFFFFFF  }
tec
execute0_lowered:
.L_overlay_start_1:
0x0: {  	(tag) =	ssettag $0x1  }
0x1: {  	s1 =	rddreg [dreg:$0x0]  }
0x2: {  	s0 =	rddreg [dreg:$0x1]  }
0x3: {  	s2 =	rddreg [dreg:$0x2];
	s24 =	stileid.u32  }
0x4: {  	s3 =	simm.s32 $0x0;
	s4 =	srdreg.scid;
	s8 =	smul.u32 $0xE000, s24  }
0x5: {  	s28 =	simm.s32 $0x3;
	s20 =	sor.u32 $0x10, s24;
	s26 =	smul.u32 $0x3800, s24  }
0x6: {  	s29 =	simm.s32 $0x13D00;
	s14 =	sor.u32 $0x20, s24;
	s22 =	smul.u32 $0xE000, s20  }
0x7: {  	s30 =	simm.s32 $0x13B00;
	s15 =	sor.u32 $0x30, s24;
	s9 =	smul.u32 $0xE000, s14  }
0x8: {  	[smem:$0x7FF] =	sst s3;
	s16 =	sor.u32 $0x40, s24;
	s11 =	smul.u32 $0xE000, s15  }
0x9: {  	s5 =	sadd.s32 $0x2600, s0;
	s17 =	sor.u32 $0x50, s24;
	s12 =	smul.u32 $0xE000, s16  }
0xa: {  	s6 =	sadd.s32 $0x3400, s0;
	s0 =	sadd.s32 $0x2D00, s0;
	s13 =	smul.u32 $0xE000, s17  }
0xb: {  	_ =	strace $0x80000047;
	[dreg:$0x5] =	wrdreg s0;
	s0 =	smul.u32 $0x3800, s20  }
0xc: {  	s31 =	simm.s32 $0x13C00;
	s4 =	sand.u32 $0x1, s4;
	s14 =	smul.u32 $0x3800, s14  }
0xd: {  	p0 =	sgt.u32 s24, $0x9;
	[dreg:$0x4] =	wrdreg s5;
	s15 =	smul.u32 $0x3800, s15  }
0xe: {  	s18 =	ssub.s32 $0x2, s4;
	s19 =	sshll.u32 s4, $0x4;
	s16 =	smul.u32 $0x3800, s16  }
0xf: {  	s7 =	sshrl.u32 s18, $0x1;
	s10 =	sor.u32 s24, s19;
	s19 =	smul.u32 $0x13B000, s4  }
0x10: {  	s21 =	sshrl.u32 s8, $0x2;
	s4 =	smul.u32 $0x5A000, s4;
	s5 =	ssub.s32 s18, s7  }
0x11: {  	s7 =	sadd.s32 s21, s2;
	s8 =	sshrl.u32 s22, $0x2;
	s9 =	sshrl.u32 s9, $0x2  }
0x12: {  	s11 =	sshrl.u32 s11, $0x2;
	s12 =	sshrl.u32 s12, $0x2;
	s18 =	smul.u32 $0x5A00, s10  }
0x13: {  	s23 =	sshrl.u32 s13, $0x2;
	s21 =	smul.u32 $0x3800, s17;
	s8 =	sadd.s32 s8, s2  }
0x14: {  	s9 =	sadd.s32 s9, s2;
	s10 =	sadd.s32 s11, s2;
	s11 =	sadd.s32 s12, s2  }
0x15: {  	s12 =	sadd.s32 s23, s2;
	s0 =	sadd.s32 s19, s0;
	s15 =	sadd.s32 s19, s15  }
0x16: {  	s23 =	smul.u32 $0x5A00, s24;
	s25 =	sshrl.u32 s18, $0x3;
	s18 =	sadd.s32 s26, s19  }
0x17: {  	s0 =	sshrl.u32 s0, $0x3;
	s22 =	sshrl.u32 s15, $0x3;
	s15 =	simm.s32 $0x0  }
0x18: {  	s13 =	sadd.s32 s1, s25;
	s18 =	sshrl.u32 s18, $0x3;
	s0 =	sadd.s32 s6, s0  }
0x19: {  	s25 =	sadd.s32 s19, s16;
	s4 =	sadd.s32 s23, s4;
	s20 =	sadd.s32 $0x20, s13  }
0x1a: {  	s18 =	sadd.s32 s6, s18;
	[dreg:$0x8] =	wrdreg s0;
	s26 =	sadd.s32 $0x300, s4  }
0x1b: {  	s23 =	sadd.s32 $0xB00, s13;
	s17 =	sadd.s32 $0x200, s4;
	[dreg:$0x6] =	wrdreg s20  }
0x1c: {  	s4 =	simm.s32 $0x13B80;
	[dreg:$0x7] =	wrdreg s18;
	s20 =	sadd.s32 s19, s14  }
0x1d: {  	s14 =	sadd.s32 s19, s21;
	s21 =	smax.u32 s5, $0x1;
	s0 =	sshrl.u32 s20, $0x3  }
0x1e: {  	s19 =	smov.u32 s13;
	s5 =	simm.s32 $0x2;
	s0 =	sadd.s32 s6, s0  }
0x1f: {  	s14 =	sshrl.u32 s14, $0x3;
	[dreg:$0x9] =	wrdreg s0;
	s0 =	sadd.s32 s6, s22  }
0x20: {  	s20 =	sadd.s32 s6, s14;
	[dreg:$0xa] =	wrdreg s0;
	s0 =	sshrl.u32 s25, $0x3  }
0x21: {  	s14 =	simm.s32 $0x1;
	s22 =	sadd.s32 $0xB20, s13;
	s0 =	sadd.s32 s6, s0  }
0x22: {  	s6 =	simm.s32 $0x13C80;
	[dreg:$0xb] =	wrdreg s0;
	s0 =	sshrl.u32 s26, $0x3  }
0x23: {  	s26 =	simm.s32 $0x17500;
	s25 =	sadd.s32 s0, s1;
	s0 =	simm.s32 $0x70  }
.LBB2_1:
0x24: {  	s13 =	rddreg [dreg:$0x4]  }
0x25: {  	[tilespmem:s26], [sflag:$0x3] =	stream.linear.gather [hbm4b:s13+s3], $0x3800, $0x38;
	[tilespmem:$0x1AD00] =	vst v63  }
0x26: {  	_ =	swait.ge [sflag:s28], $0x3800  }
0x27: {  	[sflag:s28] =	ssyncset.done $0x0  }
0x28: {  	s24 =	rddreg [dreg:$0x5];
	[sflag:s28] =	ssyncadd.s32 $0xFFFFC800  }
0x29: {  	[tilespmem:s29], [sflag:$0x3] =	stream.linear.gather [hbm4b:s24+s3], $0x3800, $0x38;
	[tilespmem:$0x1AD00] =	vst v63  }
0x2a: {  	_ =	swait.ge [sflag:s28], $0x3800  }
0x2b: {  	[sflag:s28] =	ssyncset.done $0x0  }
0x2c: {  	[sflag:s28] =	ssyncadd.s32 $0xFFFFC800  }
0x2d: {  	[spmem:s7] =	stream.linear.scatter [tilespmem:s26], [sflag:$0x3], $0x3800, $0x38;
	[tilespmem:$0x1AD00] =	vst v63  }
0x2e: {  	_ =	swait.ge [sflag:s28], $0x3800  }
0x2f: {  	[sflag:s28] =	ssyncset.done $0x0  }
0x30: {  	[sflag:s28] =	ssyncadd.s32 $0xFFFFC800  }
0x31: {  	[spmem:s8] =	stream.linear.scatter [tilespmem:s26], [sflag:$0x3], $0x3800, $0x38;
	[tilespmem:$0x1AD00] =	vst v63  }
0x32: {  	_ =	swait.ge [sflag:s28], $0x3800  }
0x33: {  	[sflag:s28] =	ssyncset.done $0x0  }
0x34: {  	[sflag:s28] =	ssyncadd.s32 $0xFFFFC800  }
0x35: {  	[spmem:s9] =	stream.linear.scatter [tilespmem:s26], [sflag:$0x3], $0x3800, $0x38;
	[tilespmem:$0x1AD00] =	vst v63  }
0x36: {  	_ =	swait.ge [sflag:s28], $0x3800  }
0x37: {  	[sflag:s28] =	ssyncset.done $0x0  }
0x38: {  	[sflag:s28] =	ssyncadd.s32 $0xFFFFC800  }
0x39: {  	[spmem:s10] =	stream.linear.scatter [tilespmem:s26], [sflag:$0x3], $0x3800, $0x38;
	[tilespmem:$0x1AD00] =	vst v63  }
0x3a: {  	_ =	swait.ge [sflag:s28], $0x3800  }
0x3b: {  	[sflag:s28] =	ssyncset.done $0x0  }
0x3c: {  	[sflag:s28] =	ssyncadd.s32 $0xFFFFC800  }
0x3d: {  	[spmem:s11] =	stream.linear.scatter [tilespmem:s26], [sflag:$0x3], $0x3800, $0x38;
	[tilespmem:$0x1AD00] =	vst v63  }
0x3e: {  	_ =	swait.ge [sflag:s28], $0x3800  }
0x3f: {  	[sflag:s28] =	ssyncset.done $0x0  }
0x40: {  	s16 =	simm.s32 @!p0 $0x17500;
	[sflag:s28] =	ssyncadd.s32 $0xFFFFC800  }
0x41: {  	[spmem:s12] =	stream.linear.scatter @!p0 [tilespmem:s16], [sflag:$0x3], $0x3800, $0x38;
	[tilespmem:$0x1AD00] =	vst v63  }
0x42: {  	s16 =	simm.s32 @!p0 $0x3  }
0x43: {  	_ =	swait.ge @!p0 [sflag:s16], $0x3800  }
0x44: {  	[sflag:s16] =	ssyncset.done @!p0 $0x0  }
0x45: {  	[sflag:s16] =	ssyncadd.s32 @!p0 $0xFFFFC800  }
0x46: {  	[bflag:$0x0] =	sbarrier.arrive $0xFFFF  }
0x47: {  	[tilespmem:s30], [sflag:$0x3] =	stream.linear.gather [hbm4b:s19+s3], $0x100, $0x38;
	[tilespmem:$0x1AD00] =	vst v63  }
0x48: {  	_ =	swait.ge [sflag:s28], $0x100  }
0x49: {  	[sflag:s28] =	ssyncset.done $0x0  }
0x4a: {  	s16 =	rddreg [dreg:$0x6];
	[sflag:s28] =	ssyncadd.s32 $0xFFFFFF00  }
0x4b: {  	[tilespmem:s31], [sflag:$0x2] =	stream.linear.gather [hbm4b:s16+s3], $0x100, $0x38;
	[tilespmem:$0x1AD00] =	vst v63  }
0x4c: {  	_ = 	snop  }
0x4d: {  	[spmem:s2] =	stream.indirect.scatter.add.f32 [tilespmem:s29], [sflag:$0x3], $0x80, s4, s0, $0xb8;
	[tilespmem:$0x1AD00] =	vst v63  }
0x4e: {  	_ =	swait.ge [sflag:s28], $0x3800  }
0x4f: {  	s18 =	sshrl.u32 s17, $0x3;
	[sflag:s28] =	ssyncset.done $0x0  }
0x50: {  	s16 =	sadd.s32 s1, s18;
	[sflag:s28] =	ssyncadd.s32 $0xFFFFC800  }
0x51: {  	[tilespmem:s30], [sflag:$0x1] =	stream.linear.gather [hbm4b:s16+s3], $0x100, $0x38;
	[tilespmem:$0x1AD00] =	vst v63  }
0x52: {  	_ =	swait.ge [sflag:s5], $0x100  }
0x53: {  	[sflag:s5] =	ssyncset.done $0x0  }
0x54: {  	[sflag:s5] =	ssyncadd.s32 $0xFFFFFF00  }
0x55: {  	[spmem:s2] =	stream.indirect.scatter.add.f32 [tilespmem:s29], [sflag:$0x3], $0x80, s6, s0, $0xb8;
	[tilespmem:$0x1AD00] =	vst v63  }
0x56: {  	_ =	swait.ge [sflag:s28], $0x3800  }
0x57: {  	[sflag:s28] =	ssyncset.done $0x0  }
0x58: {  	s24 =	sadd.s32 $0x0, s25;
	[sflag:s28] =	ssyncadd.s32 $0xFFFFC800  }
0x59: {  	[tilespmem:s31], [sflag:$0x2] =	stream.linear.gather [hbm4b:s24+s3], $0x100, $0x38;
	[tilespmem:$0x1AD00] =	vst v63  }
0x5a: {  	_ =	swait.ge [sflag:s14], $0x100  }
0x5b: {  	s16 =	simm.s32 $0x40;
	s24 =	smov.u32 s17;
	[sflag:s14] =	ssyncset.done $0x0  }
.LBB2_2:
0x5c: {  	p1 =	sne.s32 s16, $0xA80;
	[sflag:s14] =	ssyncadd.s32 $0xFFFFFF00;
	s24 =	sadd.s32 $0x200, s24  }
0x5d: {  	[spmem:s2] =	stream.indirect.scatter.add.f32 [tilespmem:s29], [sflag:$0x3], $0x80, s4, s0, $0xb8;
	[tilespmem:$0x1AD00] =	vst v63  }
0x5e: {  	s18 =	smov.u32 s16;
	s16 =	sadd.s32 $0x40, s16;
	_ =	swait.ge [sflag:s28], $0x3800  }
0x5f: {  	s13 =	sshrl.u32 s24, $0x3;
	[sflag:s28] =	ssyncset.done $0x0  }
0x60: {  	s13 =	sadd.s32 s1, s13;
	[sflag:s28] =	ssyncadd.s32 $0xFFFFC800  }
0x61: {  	[tilespmem:s30], [sflag:$0x1] =	stream.linear.gather [hbm4b:s13+s3], $0x100, $0x38;
	[tilespmem:$0x1AD00] =	vst v63  }
0x62: {  	_ =	swait.ge [sflag:s5], $0x100  }
0x63: {  	[sflag:s5] =	ssyncset.done $0x0  }
0x64: {  	[sflag:s5] =	ssyncadd.s32 $0xFFFFFF00  }
0x65: {  	[spmem:s2] =	stream.indirect.scatter.add.f32 [tilespmem:s29], [sflag:$0x3], $0x80, s6, s0, $0xb8;
	[tilespmem:$0x1AD00] =	vst v63  }
0x66: {  	_ =	swait.ge [sflag:s28], $0x3800  }
.Ltmp0:
0x67: {  	[sflag:s28] =	ssyncset.done $0x0;
	(pc) =	sbr.rel @p1 .LBB2_2-.Ltmp0, $4  }
0x68: {  	s13 =	sadd.s32 s18, s25;
	[sflag:s28] =	ssyncadd.s32 $0xFFFFC800  }
0x69: {  	[tilespmem:s31], [sflag:$0x2] =	stream.linear.gather [hbm4b:s13+s3], $0x100, $0x38;
	[tilespmem:$0x1AD00] =	vst v63  }
0x6a: {  	_ =	swait.ge [sflag:s14], $0x100  }
0x6b: {  	[sflag:s14] =	ssyncset.done $0x0  }
0x6c: {  	[sflag:s14] =	ssyncadd.s32 $0xFFFFFF00  }
0x6d: {  	[spmem:s2] =	stream.indirect.scatter.add.f32 [tilespmem:s29], [sflag:$0x3], $0x80, s4, s0, $0xb8;
	[tilespmem:$0x1AD00] =	vst v63  }
0x6e: {  	_ =	swait.ge [sflag:s28], $0x3800  }
0x6f: {  	[sflag:s28] =	ssyncset.done $0x0  }
0x70: {  	[sflag:s28] =	ssyncadd.s32 $0xFFFFC800  }
0x71: {  	[tilespmem:s30], [sflag:$0x1] =	stream.linear.gather [hbm4b:s23+s3], $0x100, $0x38;
	[tilespmem:$0x1AD00] =	vst v63  }
0x72: {  	_ =	swait.ge [sflag:s5], $0x100  }
0x73: {  	[sflag:s5] =	ssyncset.done $0x0  }
0x74: {  	[sflag:s5] =	ssyncadd.s32 $0xFFFFFF00  }
0x75: {  	[spmem:s2] =	stream.indirect.scatter.add.f32 [tilespmem:s29], [sflag:$0x3], $0x80, s6, s0, $0xb8;
	[tilespmem:$0x1AD00] =	vst v63  }
0x76: {  	_ =	swait.ge [sflag:s28], $0x3800  }
0x77: {  	[sflag:s28] =	ssyncset.done $0x0  }
0x78: {  	[sflag:s28] =	ssyncadd.s32 $0xFFFFC800  }
0x79: {  	[tilespmem:s31], [sflag:$0x2] =	stream.linear.gather [hbm4b:s22+s3], $0x100, $0x38;
	[tilespmem:$0x1AD00] =	vst v63  }
0x7a: {  	_ =	swait.ge [sflag:s14], $0x100  }
0x7b: {  	[sflag:s14] =	ssyncset.done $0x0  }
0x7c: {  	[sflag:s14] =	ssyncadd.s32 $0xFFFFFF00  }
0x7d: {  	[spmem:s2] =	stream.indirect.scatter.add.f32 [tilespmem:s29], [sflag:$0x3], $0x80, s4, s0, $0xb8;
	[tilespmem:$0x1AD00] =	vst v63  }
0x7e: {  	_ =	swait.ge [sflag:s28], $0x3800  }
0x7f: {  	[sflag:s28] =	ssyncset.done $0x0  }
0x80: {  	[sflag:s28] =	ssyncadd.s32 $0xFFFFC800  }
0x81: {  	[tilespmem:s30], [sflag:$0x1] =	stream.linear.gather [hbm4b:s22+s3], $0x100, $0x38;
	[tilespmem:$0x1AD00] =	vst v63  }
0x82: {  	_ =	swait.ge [sflag:s5], $0x100  }
0x83: {  	[sflag:s5] =	ssyncset.done $0x0  }
0x84: {  	[sflag:s5] =	ssyncadd.s32 $0xFFFFFF00  }
0x85: {  	[spmem:s2] =	stream.indirect.scatter.add.f32 [tilespmem:s29], [sflag:$0x3], $0x80, s6, s0, $0xb8;
	[tilespmem:$0x1AD00] =	vst v63  }
0x86: {  	_ =	swait.ge [sflag:s28], $0x3800  }
0x87: {  	[sflag:s28] =	ssyncset.done $0x0  }
0x88: {  	[sflag:s28] =	ssyncadd.s32 $0xFFFFC800  }
0x89: {  	[tilespmem:s31], [sflag:$0x2] =	stream.linear.gather [hbm4b:s22+s3], $0x100, $0x38;
	[tilespmem:$0x1AD00] =	vst v63  }
0x8a: {  	_ =	swait.ge [sflag:s14], $0x100  }
0x8b: {  	[sflag:s14] =	ssyncset.done $0x0  }
0x8c: {  	[sflag:s14] =	ssyncadd.s32 $0xFFFFFF00  }
0x8d: {  	_ =	swait.ge [sflag:s5], $0x100  }
0x8e: {  	[sflag:s5] =	ssyncset.done $0x0  }
0x8f: {  	s13 =	stileid.u32;
	[sflag:s5] =	ssyncadd.s32 $0xFFFFFF00  }
0x90: {  	s13 =	sshll.u32 s13, $0x6;
	[bflag:$0x0] =	sbarrier.arrive $0xFFFF  }
0x91: {  	s16 =	sshrl.u32 s7, $0x3;
	s13 =	sor.u32 $0x1C03, s13;
	s18 =	rddreg [dreg:$0x7]  }
0x92: {  	[hbm:s18], [sflag:s13] =	dma.local [spmem:s16], $0x700  }
0x93: {  	_ =	swait.ge [sflag:s28], $0x700  }
0x94: {  	[sflag:s28] =	ssyncset.done $0x0  }
0x95: {  	s18 =	sshrl.u32 s8, $0x3;
	s24 =	rddreg [dreg:$0x8];
	[sflag:s28] =	ssyncadd.s32 $0xFFFFF900  }
0x96: {  	[hbm:s24], [sflag:s13] =	dma.local [spmem:s18], $0x700  }
0x97: {  	_ =	swait.ge [sflag:s28], $0x700  }
0x98: {  	[sflag:s28] =	ssyncset.done $0x0  }
0x99: {  	s18 =	sshrl.u32 s9, $0x3;
	s24 =	rddreg [dreg:$0x9];
	[sflag:s28] =	ssyncadd.s32 $0xFFFFF900  }
0x9a: {  	[hbm:s24], [sflag:s13] =	dma.local [spmem:s18], $0x700  }
0x9b: {  	_ =	swait.ge [sflag:s28], $0x700  }
0x9c: {  	[sflag:s28] =	ssyncset.done $0x0  }
0x9d: {  	s18 =	sshrl.u32 s10, $0x3;
	s24 =	rddreg [dreg:$0xa];
	[sflag:s28] =	ssyncadd.s32 $0xFFFFF900  }
0x9e: {  	[hbm:s24], [sflag:s13] =	dma.local [spmem:s18], $0x700  }
0x9f: {  	_ =	swait.ge [sflag:s28], $0x700  }
0xa0: {  	[sflag:s28] =	ssyncset.done $0x0  }
0xa1: {  	s18 =	sshrl.u32 s11, $0x3;
	s24 =	rddreg [dreg:$0xb];
	[sflag:s28] =	ssyncadd.s32 $0xFFFFF900  }
0xa2: {  	[hbm:s24], [sflag:s13] =	dma.local [spmem:s18], $0x700  }
0xa3: {  	_ =	swait.ge [sflag:s28], $0x700  }
0xa4: {  	s15 =	sadd.s32 $0x1, s15;
	[sflag:s28] =	ssyncset.done $0x0  }
0xa5: {  	p1 =	sne.s32 s15, s21;
	s16 =	sshrl.u32 @!p0 s12, $0x3;
	[sflag:s28] =	ssyncadd.s32 $0xFFFFF900  }
0xa6: {  	[hbm:s20], [sflag:s13] =	dma.local @!p0 [spmem:s16], $0x700  }
.Ltmp1:
0xa7: {  	_ = 	snop;
	(pc) =	sbr.rel @p1 .LBB2_1-.Ltmp1, $4  }
0xa8: {  	s13 =	simm.s32 @!p0 $0x3  }
0xa9: {  	_ =	swait.ge @!p0 [sflag:s13], $0x700  }
0xaa: {  	[sflag:s13] =	ssyncset.done @!p0 $0x0  }
0xab: {  	[sflag:s13] =	ssyncadd.s32 @!p0 $0xFFFFF900  }
0xac: {  	_ =	sfence.sel $0x180000  }
0xad: {  	[bflag:$0x0] =	sbarrier.arrive $0xFFFF  }
0xae: {  	_ =	strace $0x90000047  }
0xaf: {  	s0 =	stileid.u32;
	[bflag:$0x2] =	sbarrier.arrive $0xFFFF  }
0xb0: {  	p0 =	sne.s32 s0, $0x0;
	s0 =	rddreg [dreg:$0x3]  }
0xb1: {  	s0 =	sadd.s32 @!p0 $0x100000, s0  }
0xb2: {  	[sflag:s0] =	ssyncadd.tile.s32 @!p0 $0x1;
	_ =	shalt  }
.Lfunc_end2:
_tile_overlayer_lowered:
.L_overlay_start_2:
0xb3: {  	(tag) =	ssettag $0x2  }
0xb4: {  	s0 =	rddreg [dreg:$0x0];
	s2 =	stileid.u32  }
0xb5: {  	s1 =	rddreg [dreg:$0x1];
	p0 =	sne.s32 s2, $0x0  }
0xb6: {  	s3 =	rddreg [dreg:$0x2];
	[bflag:$0x3] =	sbarrier.arrive $0xFFFF;
	s2 =	simm.s32 @!p0 $0x1C03  }
0xb7: {  	[timem:s3], [sflag:s2] =	dma.local @!p0 [hbm:s0], s1  }
0xb8: {  	s0 =	simm.s32 @!p0 $0x3  }
0xb9: {  	_ =	swait.ge @!p0 [sflag:s0], s1  }
0xba: {  	s1 =	ssub.s32 @!p0 $0x0, s1;
	[sflag:s0] =	ssyncset.done @!p0 $0x0  }
0xbb: {  	[sflag:s0] =	ssyncadd.s32 @!p0 s1  }
0xbc: {  	[bflag:$0x3] =	sbarrier.arrive $0xFFFF  }
0xbd: {  	_ =	shalt  }

</sc_bundles>
